<compile_context>
chip_gen: v7x
topology: tpu7x:2x2x1
jax: 0.10.2.dev20260603
libtpu: 0.0.44.dev20260713+nightly
codegen_flags: <defaults>
</compile_context>

<pallas_src>
import functools

import jax
import jax.numpy as jnp
from jax import lax
from jax.experimental import pallas as pl
from jax.experimental.pallas import tpu as pltpu
from jax.experimental.pallas import tpu_sc as plsc

BATCH = 16384
FIELDS = 26
D = 64
NC, NS = 2, 16
NW = NC * NS
CHUNK = 128
NUNITS = FIELDS * (BATCH // CHUNK)
UPW = NUNITS // NW
NFG = D // 16
OUT_ELEMS = BATCH * FIELDS * D

_mesh = plsc.VectorSubcoreMesh(core_axis_name="c", subcore_axis_name="s")

_scratch = (
    [pltpu.VMEM((UPW, CHUNK), jnp.int32)]
    + [pltpu.VMEM((CHUNK, D), jnp.float32)] * 2
    + [pltpu.VMEM((16, CHUNK + 1), jnp.float32)] * (2 * NFG)
    + [pltpu.SemaphoreType.DMA] * 2
    + [pltpu.SemaphoreType.DMA] * 2
)


@functools.partial(
    pl.kernel,
    mesh=_mesh,
    out_type=jax.ShapeDtypeStruct((OUT_ELEMS // CHUNK, CHUNK), jnp.float32),
    scratch_types=_scratch,
    compiler_params=pltpu.CompilerParams(
        needs_layout_passes=False, use_tc_tiling_on_sc=False),
)
def _gather_k(table_hbm, x_hbm, out_hbm, idx_v, *rest):
    gbufs = rest[0:2]
    tbufs = (rest[2:2 + NFG], rest[2 + NFG:2 + 2 * NFG])
    gsems = rest[2 + 2 * NFG:4 + 2 * NFG]
    wsems = rest[4 + 2 * NFG:6 + 2 * NFG]

    w = lax.axis_index("s") * NC + lax.axis_index("c")
    ubase = w * UPW
    pltpu.sync_copy(x_hbm.at[pl.ds(ubase, UPW)], idx_v)

    rows16 = lax.iota(jnp.int32, 16)
    zeros16 = rows16 * 0

    def wait_gather(s):
        pltpu.make_async_copy(
            table_hbm.at[idx_v.at[0]], gbufs[s], gsems[s]).wait()

    def wait_writes(s):
        for fg in range(NFG):
            for _ in range(2):
                pltpu.make_async_copy(
                    tbufs[s][fg].at[pl.ds(0, 8), pl.ds(0, CHUNK)],
                    out_hbm.at[pl.ds(0, 8)], wsems[s]).wait()

    def transpose_unit(s):
        @plsc.parallel_loop(0, CHUNK, unroll=8)
        def b_body(b):
            cols = zeros16 + b
            for fg in range(NFG):
                vals = gbufs[s][b, pl.ds(fg * 16, 16)]
                plsc.store_scatter(tbufs[s][fg], [rows16, cols], vals)

    def write_unit(s, u):
        j = u // (BATCH // CHUNK)
        c = u % (BATCH // CHUNK)
        rbase = j * (64 * 128) + c * 8
        for r in range(8):
            pltpu.async_copy(
                tbufs[s][r // 2].at[pl.ds(8 * r % 16, 8), pl.ds(0, CHUNK)],
                out_hbm.at[pl.ds(rbase + r * (128 * 8), 8)],
                wsems[s])

    def issue_gather(s, u):
        pltpu.async_copy(table_hbm.at[idx_v.at[u]], gbufs[s], gsems[s])

    issue_gather(0, 0)
    issue_gather(1, 1)
    for s in range(2):
        wait_gather(s)
        transpose_unit(s)
        write_unit(s, ubase + s)
        issue_gather(s, s + 2)

    def lap(L, carry):
        for s in range(2):
            u = 2 * L + s
            wait_writes(s)
            wait_gather(s)
            transpose_unit(s)
            write_unit(s, ubase + u)
            issue_gather(s, u + 2)
        return carry

    lax.fori_loop(1, UPW // 2 - 1, lap, 0)

    for s in range(2):
        u = UPW - 2 + s
        wait_writes(s)
        wait_gather(s)
        transpose_unit(s)
        write_unit(s, ubase + u)

    for s in range(2):
        wait_writes(s)


def kernel(x, table):
    idx = x.astype(jnp.int32).T.reshape(NUNITS, CHUNK)
    out = _gather_k(table, idx)
    o = out.reshape(FIELDS, 8, 128, 8, 128)
    o = o.transpose(2, 4, 0, 1, 3)
    return o.reshape(BATCH, FIELDS, D)

# --- scband reference (transcript-rebuilt; emitter-appended) ---
"""Pipeline reference for scband-discrete-decision-engine-89644557402517 (READ-ONLY COPY).

The authoritative reference and input builder live on the scoring server;
editing this copy changes nothing except your own understanding.
"""

import jax, jax.numpy as jnp
import numpy as np

ACTION_DIM = 1000000
LATENT_DIM = 64
BATCH = 16384
FIELDS = 26

def setup_inputs(seed: int = 0) -> dict:
    key = jax.random.key(seed)
    k_idx, k_tab = jax.random.split(key)
    x = jax.random.randint(k_idx, (BATCH, FIELDS), 0, ACTION_DIM, dtype=jnp.int64 if jax.config.jax_enable_x64 else jnp.int32)
    table = jax.random.normal(k_tab, (ACTION_DIM, LATENT_DIM), dtype=jnp.float32)
    return {"x": x, "table": table}

def reference(x, table):
    # Faithful translation of nn.Embedding(action_dim, latent_dim)(x)
    return jnp.take(table, x, axis=0)

if __name__ == "__main__":
    import jax
    _d = setup_inputs()
    print(jax.jit(kernel)(*tuple(_d.values())))

</pallas_src>

<mosaic_0001>
#map = affine_map<(d0, d1) -> (0, 0)>
module attributes {stable_mosaic.version = 14 : i64} {
  func.func @_gather_k(%arg0: i32, %arg1: i32, %arg2: memref<1000000x64xf32, #tpu.memory_space<hbm>>, %arg3: memref<3328x128xi32, #tpu.memory_space<hbm>>, %arg4: memref<212992x128xf32, #tpu.memory_space<hbm>>, %arg5: memref<104x128xi32, #tpu.memory_space<vmem>>, %arg6: memref<128x64xf32, #tpu.memory_space<vmem>>, %arg7: memref<128x64xf32, #tpu.memory_space<vmem>>, %arg8: memref<16x129xf32, #tpu.memory_space<vmem>>, %arg9: memref<16x129xf32, #tpu.memory_space<vmem>>, %arg10: memref<16x129xf32, #tpu.memory_space<vmem>>, %arg11: memref<16x129xf32, #tpu.memory_space<vmem>>, %arg12: memref<16x129xf32, #tpu.memory_space<vmem>>, %arg13: memref<16x129xf32, #tpu.memory_space<vmem>>, %arg14: memref<16x129xf32, #tpu.memory_space<vmem>>, %arg15: memref<16x129xf32, #tpu.memory_space<vmem>>, %arg16: memref<!tpu.dma_semaphore, #tpu.memory_space<semaphore_mem>>, %arg17: memref<!tpu.dma_semaphore, #tpu.memory_space<semaphore_mem>>, %arg18: memref<!tpu.dma_semaphore, #tpu.memory_space<semaphore_mem>>, %arg19: memref<!tpu.dma_semaphore, #tpu.memory_space<semaphore_mem>>) attributes {dimension_semantics = [#tpu.dimension_semantics<core_parallel>, #tpu.dimension_semantics<subcore_parallel>], iteration_bounds = array<i64: 2, 16>, scalar_prefetch = 0 : i64, scratch_operands = 15 : i64, tpu.core_type = #tpu.core_type<sc_vector_subcore>, window_params = [{transform_indices = #map}, {transform_indices = #map}, {transform_indices = #map}]} {
    %mul3A = arith.constant 2 : i32
    %mul3A_0 = arith.muli %arg1, %mul3A : i32
    %add3A = arith.addi %mul3A_0, %arg0 : i32
    %mul3A_1 = arith.constant 104 : i32
    %mul3A_2 = arith.muli %add3A, %mul3A_1 : i32
    "tpu.region"() ({
      %run_scoped3A = tpu.sem_alloc : memref<!tpu.dma_semaphore, #tpu.memory_space<semaphore_mem>>
      %dma_start3A_1022 = arith.constant 0 : i32
      %dma_start3A_1023 = tpu.memref_slice %arg3[%mul3A_2, %dma_start3A_1022] : memref<3328x128xi32, #tpu.memory_space<hbm>> -> memref<104x128xi32, #tpu.memory_space<hbm>>
      %dma_start3A_1024 = arith.constant 0 : i32
      %dma_start3A_1025 = tpu.memref_slice %arg3[%mul3A_2, %dma_start3A_1024] : memref<3328x128xi32, #tpu.memory_space<hbm>> -> memref<104x128xi32, #tpu.memory_space<hbm>>
      tpu.enqueue_dma source(%dma_start3A_1025 : memref<104x128xi32, #tpu.memory_space<hbm>>) target(%arg5 : memref<104x128xi32, #tpu.memory_space<vmem>>) target_semaphore(%run_scoped3A : memref<!tpu.dma_semaphore, #tpu.memory_space<semaphore_mem>>)
      %dma_wait3A_1026 = arith.constant 0 : i32
      %dma_wait3A_1027 = tpu.memref_slice %arg3[%mul3A_2, %dma_wait3A_1026] : memref<3328x128xi32, #tpu.memory_space<hbm>> -> memref<104x128xi32, #tpu.memory_space<hbm>>
      %dma_wait3A_1028 = arith.constant 0 : i32
      %dma_wait3A_1029 = tpu.memref_slice %arg3[%mul3A_2, %dma_wait3A_1028] : memref<3328x128xi32, #tpu.memory_space<hbm>> -> memref<104x128xi32, #tpu.memory_space<hbm>>
      tpu.wait_dma2 semaphore(%run_scoped3A : memref<!tpu.dma_semaphore, #tpu.memory_space<semaphore_mem>>) src(%dma_wait3A_1029 : memref<104x128xi32, #tpu.memory_space<hbm>>) dst(%arg5 : memref<104x128xi32, #tpu.memory_space<vmem>>)
      tpu.yield
    }) : () -> ()
    %iota3A = tpu.iota {dimensions = array<i32: 0>} : vector<16xi32>
    %mul3A_3 = arith.constant 0 : i32
    %mul3A_4 = vector.broadcast %mul3A_3 : i32 to vector<16xi32>
    %mul3A_5 = arith.muli %iota3A, %mul3A_4 : vector<16xi32>
    %dma_start3A = arith.constant 0 : i32
    %dma_start3A_6 = arith.constant 0 : i32
    %dma_start3A_7 = tpu.memref_slice %arg5[%dma_start3A, %dma_start3A_6] : memref<104x128xi32, #tpu.memory_space<vmem>> -> memref<1x128xi32, #tpu.memory_space<vmem>>
    %dma_start3A_8 = tpu.memref_squeeze %dma_start3A_7 : memref<1x128xi32, #tpu.memory_space<vmem>> -> memref<128xi32, #tpu.memory_space<vmem>>
    %dma_start3A_9 = arith.constant 0 : i32
    %dma_start3A_10 = arith.constant 0 : i32
    %dma_start3A_11 = tpu.memref_slice %arg2[%dma_start3A_9, %dma_start3A_10] : memref<1000000x64xf32, #tpu.memory_space<hbm>> -> memref<1000000x64xf32, #tpu.memory_space<hbm>>
    tpu.enqueue_indirect_dma source(%dma_start3A_11 : memref<1000000x64xf32, #tpu.memory_space<hbm>>) target(%arg6 : memref<128x64xf32, #tpu.memory_space<vmem>>) offsets(%dma_start3A_8 : memref<128xi32, #tpu.memory_space<vmem>>) semaphore(%arg16 : memref<!tpu.dma_semaphore, #tpu.memory_space<semaphore_mem>>)
    %dma_start3A_12 = arith.constant 1 : i32
    %dma_start3A_13 = arith.constant 0 : i32
    %dma_start3A_14 = tpu.memref_slice %arg5[%dma_start3A_12, %dma_start3A_13] : memref<104x128xi32, #tpu.memory_space<vmem>> -> memref<1x128xi32, #tpu.memory_space<vmem>>
    %dma_start3A_15 = tpu.memref_squeeze %dma_start3A_14 : memref<1x128xi32, #tpu.memory_space<vmem>> -> memref<128xi32, #tpu.memory_space<vmem>>
    %dma_start3A_16 = arith.constant 0 : i32
    %dma_start3A_17 = arith.constant 0 : i32
    %dma_start3A_18 = tpu.memref_slice %arg2[%dma_start3A_16, %dma_start3A_17] : memref<1000000x64xf32, #tpu.memory_space<hbm>> -> memref<1000000x64xf32, #tpu.memory_space<hbm>>
    tpu.enqueue_indirect_dma source(%dma_start3A_18 : memref<1000000x64xf32, #tpu.memory_space<hbm>>) target(%arg7 : memref<128x64xf32, #tpu.memory_space<vmem>>) offsets(%dma_start3A_15 : memref<128xi32, #tpu.memory_space<vmem>>) semaphore(%arg17 : memref<!tpu.dma_semaphore, #tpu.memory_space<semaphore_mem>>)
    %dma_wait3A = arith.constant 0 : i32
    %dma_wait3A_19 = arith.constant 0 : i32
    %dma_wait3A_20 = tpu.memref_slice %arg5[%dma_wait3A, %dma_wait3A_19] : memref<104x128xi32, #tpu.memory_space<vmem>> -> memref<1x128xi32, #tpu.memory_space<vmem>>
    %dma_wait3A_21 = tpu.memref_squeeze %dma_wait3A_20 : memref<1x128xi32, #tpu.memory_space<vmem>> -> memref<128xi32, #tpu.memory_space<vmem>>
    %dma_wait3A_22 = arith.constant 0 : i32
    %dma_wait3A_23 = arith.constant 0 : i32
    %dma_wait3A_24 = tpu.memref_slice %arg2[%dma_wait3A_22, %dma_wait3A_23] : memref<1000000x64xf32, #tpu.memory_space<hbm>> -> memref<1000000x64xf32, #tpu.memory_space<hbm>>
    tpu.wait_indirect_dma semaphore(%arg16 : memref<!tpu.dma_semaphore, #tpu.memory_space<semaphore_mem>>) src(%dma_wait3A_24 : memref<1000000x64xf32, #tpu.memory_space<hbm>>) dst(%arg6 : memref<128x64xf32, #tpu.memory_space<vmem>>)
    %parallel_loop3A = arith.constant 0 : i32
    %parallel_loop3A_25 = arith.constant 128 : i32
    %parallel_loop3A_26 = arith.constant 1 : i32
    scf.for %parallel_loop3A_1022 = %parallel_loop3A to %parallel_loop3A_25 step %parallel_loop3A_26  : i32 {
      %parallel_loop3A_1023 = vector.broadcast %parallel_loop3A_1022 : i32 to vector<16xi32>
      %parallel_loop3A_1024 = arith.addi %mul3A_5, %parallel_loop3A_1023 : vector<16xi32>
      %parallel_loop3A_1025 = arith.index_cast %parallel_loop3A_1022 : i32 to index
      %parallel_loop3A_1026 = arith.constant 0 : index
      %parallel_loop3A_1027 = tpu.vector_load %arg6[%parallel_loop3A_1025, %parallel_loop3A_1026] {strides = array<i32>} : memref<128x64xf32, #tpu.memory_space<vmem>>, vector<16xf32>,
      tpu.vector_store_idx %arg8[%iota3A, %parallel_loop3A_1024], %parallel_loop3A_1027 : memref<16x129xf32, #tpu.memory_space<vmem>>[vector<16xi32>, vector<16xi32>], vector<16xf32>,
      %parallel_loop3A_1028 = arith.index_cast %parallel_loop3A_1022 : i32 to index
      %parallel_loop3A_1029 = arith.constant 16 : index
      %parallel_loop3A_1030 = tpu.vector_load %arg6[%parallel_loop3A_1028, %parallel_loop3A_1029] {strides = array<i32>} : memref<128x64xf32, #tpu.memory_space<vmem>>, vector<16xf32>,
      tpu.vector_store_idx %arg9[%iota3A, %parallel_loop3A_1024], %parallel_loop3A_1030 : memref<16x129xf32, #tpu.memory_space<vmem>>[vector<16xi32>, vector<16xi32>], vector<16xf32>,
      %parallel_loop3A_1031 = arith.index_cast %parallel_loop3A_1022 : i32 to index
      %parallel_loop3A_1032 = arith.constant 32 : index
      %parallel_loop3A_1033 = tpu.vector_load %arg6[%parallel_loop3A_1031, %parallel_loop3A_1032] {strides = array<i32>} : memref<128x64xf32, #tpu.memory_space<vmem>>, vector<16xf32>,
      tpu.vector_store_idx %arg10[%iota3A, %parallel_loop3A_1024], %parallel_loop3A_1033 : memref<16x129xf32, #tpu.memory_space<vmem>>[vector<16xi32>, vector<16xi32>], vector<16xf32>,
      %parallel_loop3A_1034 = arith.index_cast %parallel_loop3A_1022 : i32 to index
      %parallel_loop3A_1035 = arith.constant 48 : index
      %parallel_loop3A_1036 = tpu.vector_load %arg6[%parallel_loop3A_1034, %parallel_loop3A_1035] {strides = array<i32>} : memref<128x64xf32, #tpu.memory_space<vmem>>, vector<16xf32>,
      tpu.vector_store_idx %arg11[%iota3A, %parallel_loop3A_1024], %parallel_loop3A_1036 : memref<16x129xf32, #tpu.memory_space<vmem>>[vector<16xi32>, vector<16xi32>], vector<16xf32>,
    } {sc.loop_unroll_factor = 8 : i64, sc.parallel_access}
    %add3A_27 = arith.constant 0 : i32
    %add3A_28 = arith.addi %mul3A_2, %add3A_27 : i32
    %jit3A = arith.constant 128 : i32
    %div3A = arith.divsi %add3A_28, %jit3A : i32
    %sign3A = arith.constant 0 : i32
    %sign3A_29 = arith.cmpi sgt, %add3A_28, %sign3A : i32
    %sign3A_30 = arith.extui %sign3A_29 : i1 to i32
    %sign3A_31 = arith.constant 0 : i32
    %sign3A_32 = arith.cmpi slt, %add3A_28, %sign3A_31 : i32
    %sign3A_33 = arith.extui %sign3A_32 : i1 to i32
    %sign3A_34 = arith.subi %sign3A_30, %sign3A_33 : i32
    %sign3A_35 = arith.constant 0 : i32
    %sign3A_36 = arith.cmpi sgt, %jit3A, %sign3A_35 : i32
    %sign3A_37 = arith.extui %sign3A_36 : i1 to i32
    %sign3A_38 = arith.constant 0 : i32
    %sign3A_39 = arith.cmpi slt, %jit3A, %sign3A_38 : i32
    %sign3A_40 = arith.extui %sign3A_39 : i1 to i32
    %sign3A_41 = arith.subi %sign3A_37, %sign3A_40 : i32
    %ne3A = arith.cmpi ne, %sign3A_34, %sign3A_41 : i32
    %rem3A = arith.remsi %add3A_28, %jit3A : i32
    %ne3A_42 = arith.constant 0 : i32
    %ne3A_43 = arith.cmpi ne, %rem3A, %ne3A_42 : i32
    %and3A = arith.andi %ne3A, %ne3A_43 : i1
    %sub3A = arith.constant 1 : i32
    %sub3A_44 = arith.subi %div3A, %sub3A : i32
    %select_n3A = arith.select %and3A, %sub3A_44, %div3A : i32
    %jit3A_45 = arith.constant 128 : i32
    %eq3A = arith.constant 0 : i32
    %eq3A_46 = arith.cmpi eq, %jit3A_45, %eq3A : i32
    %jit3A_47 = arith.constant 1 : i32
    %select_n3A_48 = arith.select %eq3A_46, %jit3A_47, %jit3A_45 : i32
    %rem3A_49 = arith.remsi %add3A_28, %select_n3A_48 : i32
    %ne3A_50 = arith.constant 0 : i32
    %ne3A_51 = arith.cmpi ne, %rem3A_49, %ne3A_50 : i32
    %lt3A = arith.constant 0 : i32
    %lt3A_52 = arith.cmpi slt, %rem3A_49, %lt3A : i32
    %lt3A_53 = arith.constant 0 : i32
    %lt3A_54 = arith.cmpi slt, %select_n3A_48, %lt3A_53 : i32
    %ne3A_55 = arith.xori %lt3A_52, %lt3A_54 : i1
    %and3A_56 = arith.andi %ne3A_55, %ne3A_51 : i1
    %add3A_57 = arith.addi %rem3A_49, %select_n3A_48 : i32
    %select_n3A_58 = arith.select %and3A_56, %add3A_57, %rem3A_49 : i32
    %mul3A_59 = arith.constant 8192 : i32
    %mul3A_60 = arith.muli %select_n3A, %mul3A_59 : i32
    %mul3A_61 = arith.constant 8 : i32
    %mul3A_62 = arith.muli %select_n3A_58, %mul3A_61 : i32
    %add3A_63 = arith.addi %mul3A_60, %mul3A_62 : i32
    %add3A_64 = arith.constant 0 : i32
    %add3A_65 = arith.addi %add3A_63, %add3A_64 : i32
    %dma_start3A_66 = arith.constant 0 : i32
    %dma_start3A_67 = arith.constant 0 : i32
    %dma_start3A_68 = tpu.memref_slice %arg8[%dma_start3A_66, %dma_start3A_67] : memref<16x129xf32, #tpu.memory_space<vmem>> -> memref<8x128xf32, #tpu.memory_space<vmem>>
    %dma_start3A_69 = arith.constant 0 : i32
    %dma_start3A_70 = tpu.memref_slice %arg4[%add3A_65, %dma_start3A_69] : memref<212992x128xf32, #tpu.memory_space<hbm>> -> memref<8x128xf32, #tpu.memory_space<hbm>>
    %dma_start3A_71 = arith.constant 0 : i32
    %dma_start3A_72 = tpu.memref_slice %arg4[%add3A_65, %dma_start3A_71] : memref<212992x128xf32, #tpu.memory_space<hbm>> -> memref<8x128xf32, #tpu.memory_space<hbm>>
    %dma_start3A_73 = arith.constant 0 : i32
    %dma_start3A_74 = arith.constant 0 : i32
    %dma_start3A_75 = tpu.memref_slice %arg8[%dma_start3A_73, %dma_start3A_74] : memref<16x129xf32, #tpu.memory_space<vmem>> -> memref<8x128xf32, #tpu.memory_space<vmem>>
    tpu.enqueue_dma source(%dma_start3A_75 : memref<8x128xf32, #tpu.memory_space<vmem>>) target(%dma_start3A_72 : memref<8x128xf32, #tpu.memory_space<hbm>>) target_semaphore(%arg18 : memref<!tpu.dma_semaphore, #tpu.memory_space<semaphore_mem>>)
    %add3A_76 = arith.constant 1024 : i32
    %add3A_77 = arith.addi %add3A_63, %add3A_76 : i32
    %dma_start3A_78 = arith.constant 8 : i32
    %dma_start3A_79 = arith.constant 0 : i32
    %dma_start3A_80 = tpu.memref_slice %arg8[%dma_start3A_78, %dma_start3A_79] : memref<16x129xf32, #tpu.memory_space<vmem>> -> memref<8x128xf32, #tpu.memory_space<vmem>>
    %dma_start3A_81 = arith.constant 0 : i32
    %dma_start3A_82 = tpu.memref_slice %arg4[%add3A_77, %dma_start3A_81] : memref<212992x128xf32, #tpu.memory_space<hbm>> -> memref<8x128xf32, #tpu.memory_space<hbm>>
    %dma_start3A_83 = arith.constant 0 : i32
    %dma_start3A_84 = tpu.memref_slice %arg4[%add3A_77, %dma_start3A_83] : memref<212992x128xf32, #tpu.memory_space<hbm>> -> memref<8x128xf32, #tpu.memory_space<hbm>>
    %dma_start3A_85 = arith.constant 8 : i32
    %dma_start3A_86 = arith.constant 0 : i32
    %dma_start3A_87 = tpu.memref_slice %arg8[%dma_start3A_85, %dma_start3A_86] : memref<16x129xf32, #tpu.memory_space<vmem>> -> memref<8x128xf32, #tpu.memory_space<vmem>>
    tpu.enqueue_dma source(%dma_start3A_87 : memref<8x128xf32, #tpu.memory_space<vmem>>) target(%dma_start3A_84 : memref<8x128xf32, #tpu.memory_space<hbm>>) target_semaphore(%arg18 : memref<!tpu.dma_semaphore, #tpu.memory_space<semaphore_mem>>)
    %add3A_88 = arith.constant 2048 : i32
    %add3A_89 = arith.addi %add3A_63, %add3A_88 : i32
    %dma_start3A_90 = arith.constant 0 : i32
    %dma_start3A_91 = arith.constant 0 : i32
    %dma_start3A_92 = tpu.memref_slice %arg9[%dma_start3A_90, %dma_start3A_91] : memref<16x129xf32, #tpu.memory_space<vmem>> -> memref<8x128xf32, #tpu.memory_space<vmem>>
    %dma_start3A_93 = arith.constant 0 : i32
    %dma_start3A_94 = tpu.memref_slice %arg4[%add3A_89, %dma_start3A_93] : memref<212992x128xf32, #tpu.memory_space<hbm>> -> memref<8x128xf32, #tpu.memory_space<hbm>>
    %dma_start3A_95 = arith.constant 0 : i32
    %dma_start3A_96 = tpu.memref_slice %arg4[%add3A_89, %dma_start3A_95] : memref<212992x128xf32, #tpu.memory_space<hbm>> -> memref<8x128xf32, #tpu.memory_space<hbm>>
    %dma_start3A_97 = arith.constant 0 : i32
    %dma_start3A_98 = arith.constant 0 : i32
    %dma_start3A_99 = tpu.memref_slice %arg9[%dma_start3A_97, %dma_start3A_98] : memref<16x129xf32, #tpu.memory_space<vmem>> -> memref<8x128xf32, #tpu.memory_space<vmem>>
    tpu.enqueue_dma source(%dma_start3A_99 : memref<8x128xf32, #tpu.memory_space<vmem>>) target(%dma_start3A_96 : memref<8x128xf32, #tpu.memory_space<hbm>>) target_semaphore(%arg18 : memref<!tpu.dma_semaphore, #tpu.memory_space<semaphore_mem>>)
    %add3A_100 = arith.constant 3072 : i32
    %add3A_101 = arith.addi %add3A_63, %add3A_100 : i32
    %dma_start3A_102 = arith.constant 8 : i32
    %dma_start3A_103 = arith.constant 0 : i32
    %dma_start3A_104 = tpu.memref_slice %arg9[%dma_start3A_102, %dma_start3A_103] : memref<16x129xf32, #tpu.memory_space<vmem>> -> memref<8x128xf32, #tpu.memory_space<vmem>>
    %dma_start3A_105 = arith.constant 0 : i32
    %dma_start3A_106 = tpu.memref_slice %arg4[%add3A_101, %dma_start3A_105] : memref<212992x128xf32, #tpu.memory_space<hbm>> -> memref<8x128xf32, #tpu.memory_space<hbm>>
    %dma_start3A_107 = arith.constant 0 : i32
    %dma_start3A_108 = tpu.memref_slice %arg4[%add3A_101, %dma_start3A_107] : memref<212992x128xf32, #tpu.memory_space<hbm>> -> memref<8x128xf32, #tpu.memory_space<hbm>>
    %dma_start3A_109 = arith.constant 8 : i32
    %dma_start3A_110 = arith.constant 0 : i32
    %dma_start3A_111 = tpu.memref_slice %arg9[%dma_start3A_109, %dma_start3A_110] : memref<16x129xf32, #tpu.memory_space<vmem>> -> memref<8x128xf32, #tpu.memory_space<vmem>>
    tpu.enqueue_dma source(%dma_start3A_111 : memref<8x128xf32, #tpu.memory_space<vmem>>) target(%dma_start3A_108 : memref<8x128xf32, #tpu.memory_space<hbm>>) target_semaphore(%arg18 : memref<!tpu.dma_semaphore, #tpu.memory_space<semaphore_mem>>)
    %add3A_112 = arith.constant 4096 : i32
    %add3A_113 = arith.addi %add3A_63, %add3A_112 : i32
    %dma_start3A_114 = arith.constant 0 : i32
    %dma_start3A_115 = arith.constant 0 : i32
    %dma_start3A_116 = tpu.memref_slice %arg10[%dma_start3A_114, %dma_start3A_115] : memref<16x129xf32, #tpu.memory_space<vmem>> -> memref<8x128xf32, #tpu.memory_space<vmem>>
    %dma_start3A_117 = arith.constant 0 : i32
    %dma_start3A_118 = tpu.memref_slice %arg4[%add3A_113, %dma_start3A_117] : memref<212992x128xf32, #tpu.memory_space<hbm>> -> memref<8x128xf32, #tpu.memory_space<hbm>>
    %dma_start3A_119 = arith.constant 0 : i32
    %dma_start3A_120 = tpu.memref_slice %arg4[%add3A_113, %dma_start3A_119] : memref<212992x128xf32, #tpu.memory_space<hbm>> -> memref<8x128xf32, #tpu.memory_space<hbm>>
    %dma_start3A_121 = arith.constant 0 : i32
    %dma_start3A_122 = arith.constant 0 : i32
    %dma_start3A_123 = tpu.memref_slice %arg10[%dma_start3A_121, %dma_start3A_122] : memref<16x129xf32, #tpu.memory_space<vmem>> -> memref<8x128xf32, #tpu.memory_space<vmem>>
    tpu.enqueue_dma source(%dma_start3A_123 : memref<8x128xf32, #tpu.memory_space<vmem>>) target(%dma_start3A_120 : memref<8x128xf32, #tpu.memory_space<hbm>>) target_semaphore(%arg18 : memref<!tpu.dma_semaphore, #tpu.memory_space<semaphore_mem>>)
    %add3A_124 = arith.constant 5120 : i32
    %add3A_125 = arith.addi %add3A_63, %add3A_124 : i32
    %dma_start3A_126 = arith.constant 8 : i32
    %dma_start3A_127 = arith.constant 0 : i32
    %dma_start3A_128 = tpu.memref_slice %arg10[%dma_start3A_126, %dma_start3A_127] : memref<16x129xf32, #tpu.memory_space<vmem>> -> memref<8x128xf32, #tpu.memory_space<vmem>>
    %dma_start3A_129 = arith.constant 0 : i32
    %dma_start3A_130 = tpu.memref_slice %arg4[%add3A_125, %dma_start3A_129] : memref<212992x128xf32, #tpu.memory_space<hbm>> -> memref<8x128xf32, #tpu.memory_space<hbm>>
    %dma_start3A_131 = arith.constant 0 : i32
    %dma_start3A_132 = tpu.memref_slice %arg4[%add3A_125, %dma_start3A_131] : memref<212992x128xf32, #tpu.memory_space<hbm>> -> memref<8x128xf32, #tpu.memory_space<hbm>>
    %dma_start3A_133 = arith.constant 8 : i32
    %dma_start3A_134 = arith.constant 0 : i32
    %dma_start3A_135 = tpu.memref_slice %arg10[%dma_start3A_133, %dma_start3A_134] : memref<16x129xf32, #tpu.memory_space<vmem>> -> memref<8x128xf32, #tpu.memory_space<vmem>>
    tpu.enqueue_dma source(%dma_start3A_135 : memref<8x128xf32, #tpu.memory_space<vmem>>) target(%dma_start3A_132 : memref<8x128xf32, #tpu.memory_space<hbm>>) target_semaphore(%arg18 : memref<!tpu.dma_semaphore, #tpu.memory_space<semaphore_mem>>)
    %add3A_136 = arith.constant 6144 : i32
    %add3A_137 = arith.addi %add3A_63, %add3A_136 : i32
    %dma_start3A_138 = arith.constant 0 : i32
    %dma_start3A_139 = arith.constant 0 : i32
    %dma_start3A_140 = tpu.memref_slice %arg11[%dma_start3A_138, %dma_start3A_139] : memref<16x129xf32, #tpu.memory_space<vmem>> -> memref<8x128xf32, #tpu.memory_space<vmem>>
    %dma_start3A_141 = arith.constant 0 : i32
    %dma_start3A_142 = tpu.memref_slice %arg4[%add3A_137, %dma_start3A_141] : memref<212992x128xf32, #tpu.memory_space<hbm>> -> memref<8x128xf32, #tpu.memory_space<hbm>>
    %dma_start3A_143 = arith.constant 0 : i32
    %dma_start3A_144 = tpu.memref_slice %arg4[%add3A_137, %dma_start3A_143] : memref<212992x128xf32, #tpu.memory_space<hbm>> -> memref<8x128xf32, #tpu.memory_space<hbm>>
    %dma_start3A_145 = arith.constant 0 : i32
    %dma_start3A_146 = arith.constant 0 : i32
    %dma_start3A_147 = tpu.memref_slice %arg11[%dma_start3A_145, %dma_start3A_146] : memref<16x129xf32, #tpu.memory_space<vmem>> -> memref<8x128xf32, #tpu.memory_space<vmem>>
    tpu.enqueue_dma source(%dma_start3A_147 : memref<8x128xf32, #tpu.memory_space<vmem>>) target(%dma_start3A_144 : memref<8x128xf32, #tpu.memory_space<hbm>>) target_semaphore(%arg18 : memref<!tpu.dma_semaphore, #tpu.memory_space<semaphore_mem>>)
    %add3A_148 = arith.constant 7168 : i32
    %add3A_149 = arith.addi %add3A_63, %add3A_148 : i32
    %dma_start3A_150 = arith.constant 8 : i32
    %dma_start3A_151 = arith.constant 0 : i32
    %dma_start3A_152 = tpu.memref_slice %arg11[%dma_start3A_150, %dma_start3A_151] : memref<16x129xf32, #tpu.memory_space<vmem>> -> memref<8x128xf32, #tpu.memory_space<vmem>>
    %dma_start3A_153 = arith.constant 0 : i32
    %dma_start3A_154 = tpu.memref_slice %arg4[%add3A_149, %dma_start3A_153] : memref<212992x128xf32, #tpu.memory_space<hbm>> -> memref<8x128xf32, #tpu.memory_space<hbm>>
    %dma_start3A_155 = arith.constant 0 : i32
    %dma_start3A_156 = tpu.memref_slice %arg4[%add3A_149, %dma_start3A_155] : memref<212992x128xf32, #tpu.memory_space<hbm>> -> memref<8x128xf32, #tpu.memory_space<hbm>>
    %dma_start3A_157 = arith.constant 8 : i32
    %dma_start3A_158 = arith.constant 0 : i32
    %dma_start3A_159 = tpu.memref_slice %arg11[%dma_start3A_157, %dma_start3A_158] : memref<16x129xf32, #tpu.memory_space<vmem>> -> memref<8x128xf32, #tpu.memory_space<vmem>>
    tpu.enqueue_dma source(%dma_start3A_159 : memref<8x128xf32, #tpu.memory_space<vmem>>) target(%dma_start3A_156 : memref<8x128xf32, #tpu.memory_space<hbm>>) target_semaphore(%arg18 : memref<!tpu.dma_semaphore, #tpu.memory_space<semaphore_mem>>)
    %dma_start3A_160 = arith.constant 2 : i32
    %dma_start3A_161 = arith.constant 0 : i32
    %dma_start3A_162 = tpu.memref_slice %arg5[%dma_start3A_160, %dma_start3A_161] : memref<104x128xi32, #tpu.memory_space<vmem>> -> memref<1x128xi32, #tpu.memory_space<vmem>>
    %dma_start3A_163 = tpu.memref_squeeze %dma_start3A_162 : memref<1x128xi32, #tpu.memory_space<vmem>> -> memref<128xi32, #tpu.memory_space<vmem>>
    %dma_start3A_164 = arith.constant 0 : i32
    %dma_start3A_165 = arith.constant 0 : i32
    %dma_start3A_166 = tpu.memref_slice %arg2[%dma_start3A_164, %dma_start3A_165] : memref<1000000x64xf32, #tpu.memory_space<hbm>> -> memref<1000000x64xf32, #tpu.memory_space<hbm>>
    tpu.enqueue_indirect_dma source(%dma_start3A_166 : memref<1000000x64xf32, #tpu.memory_space<hbm>>) target(%arg6 : memref<128x64xf32, #tpu.memory_space<vmem>>) offsets(%dma_start3A_163 : memref<128xi32, #tpu.memory_space<vmem>>) semaphore(%arg16 : memref<!tpu.dma_semaphore, #tpu.memory_space<semaphore_mem>>)
    %dma_wait3A_167 = arith.constant 0 : i32
    %dma_wait3A_168 = arith.constant 0 : i32
    %dma_wait3A_169 = tpu.memref_slice %arg5[%dma_wait3A_167, %dma_wait3A_168] : memref<104x128xi32, #tpu.memory_space<vmem>> -> memref<1x128xi32, #tpu.memory_space<vmem>>
    %dma_wait3A_170 = tpu.memref_squeeze %dma_wait3A_169 : memref<1x128xi32, #tpu.memory_space<vmem>> -> memref<128xi32, #tpu.memory_space<vmem>>
    %dma_wait3A_171 = arith.constant 0 : i32
    %dma_wait3A_172 = arith.constant 0 : i32
    %dma_wait3A_173 = tpu.memref_slice %arg2[%dma_wait3A_171, %dma_wait3A_172] : memref<1000000x64xf32, #tpu.memory_space<hbm>> -> memref<1000000x64xf32, #tpu.memory_space<hbm>>
    tpu.wait_indirect_dma semaphore(%arg17 : memref<!tpu.dma_semaphore, #tpu.memory_space<semaphore_mem>>) src(%dma_wait3A_173 : memref<1000000x64xf32, #tpu.memory_space<hbm>>) dst(%arg7 : memref<128x64xf32, #tpu.memory_space<vmem>>)
    %parallel_loop3A_174 = arith.constant 0 : i32
    %parallel_loop3A_175 = arith.constant 128 : i32
    %parallel_loop3A_176 = arith.constant 1 : i32
    scf.for %parallel_loop3A_1022 = %parallel_loop3A_174 to %parallel_loop3A_175 step %parallel_loop3A_176  : i32 {
      %parallel_loop3A_1023 = vector.broadcast %parallel_loop3A_1022 : i32 to vector<16xi32>
      %parallel_loop3A_1024 = arith.addi %mul3A_5, %parallel_loop3A_1023 : vector<16xi32>
      %parallel_loop3A_1025 = arith.index_cast %parallel_loop3A_1022 : i32 to index
      %parallel_loop3A_1026 = arith.constant 0 : index
      %parallel_loop3A_1027 = tpu.vector_load %arg7[%parallel_loop3A_1025, %parallel_loop3A_1026] {strides = array<i32>} : memref<128x64xf32, #tpu.memory_space<vmem>>, vector<16xf32>,
      tpu.vector_store_idx %arg12[%iota3A, %parallel_loop3A_1024], %parallel_loop3A_1027 : memref<16x129xf32, #tpu.memory_space<vmem>>[vector<16xi32>, vector<16xi32>], vector<16xf32>,
      %parallel_loop3A_1028 = arith.index_cast %parallel_loop3A_1022 : i32 to index
      %parallel_loop3A_1029 = arith.constant 16 : index
      %parallel_loop3A_1030 = tpu.vector_load %arg7[%parallel_loop3A_1028, %parallel_loop3A_1029] {strides = array<i32>} : memref<128x64xf32, #tpu.memory_space<vmem>>, vector<16xf32>,
      tpu.vector_store_idx %arg13[%iota3A, %parallel_loop3A_1024], %parallel_loop3A_1030 : memref<16x129xf32, #tpu.memory_space<vmem>>[vector<16xi32>, vector<16xi32>], vector<16xf32>,
      %parallel_loop3A_1031 = arith.index_cast %parallel_loop3A_1022 : i32 to index
      %parallel_loop3A_1032 = arith.constant 32 : index
      %parallel_loop3A_1033 = tpu.vector_load %arg7[%parallel_loop3A_1031, %parallel_loop3A_1032] {strides = array<i32>} : memref<128x64xf32, #tpu.memory_space<vmem>>, vector<16xf32>,
      tpu.vector_store_idx %arg14[%iota3A, %parallel_loop3A_1024], %parallel_loop3A_1033 : memref<16x129xf32, #tpu.memory_space<vmem>>[vector<16xi32>, vector<16xi32>], vector<16xf32>,
      %parallel_loop3A_1034 = arith.index_cast %parallel_loop3A_1022 : i32 to index
      %parallel_loop3A_1035 = arith.constant 48 : index
      %parallel_loop3A_1036 = tpu.vector_load %arg7[%parallel_loop3A_1034, %parallel_loop3A_1035] {strides = array<i32>} : memref<128x64xf32, #tpu.memory_space<vmem>>, vector<16xf32>,
      tpu.vector_store_idx %arg15[%iota3A, %parallel_loop3A_1024], %parallel_loop3A_1036 : memref<16x129xf32, #tpu.memory_space<vmem>>[vector<16xi32>, vector<16xi32>], vector<16xf32>,
    } {sc.loop_unroll_factor = 8 : i64, sc.parallel_access}
    %add3A_177 = arith.constant 1 : i32
    %add3A_178 = arith.addi %mul3A_2, %add3A_177 : i32
    %jit3A_179 = arith.constant 128 : i32
    %div3A_180 = arith.divsi %add3A_178, %jit3A_179 : i32
    %sign3A_181 = arith.constant 0 : i32
    %sign3A_182 = arith.cmpi sgt, %add3A_178, %sign3A_181 : i32
    %sign3A_183 = arith.extui %sign3A_182 : i1 to i32
    %sign3A_184 = arith.constant 0 : i32
    %sign3A_185 = arith.cmpi slt, %add3A_178, %sign3A_184 : i32
    %sign3A_186 = arith.extui %sign3A_185 : i1 to i32
    %sign3A_187 = arith.subi %sign3A_183, %sign3A_186 : i32
    %sign3A_188 = arith.constant 0 : i32
    %sign3A_189 = arith.cmpi sgt, %jit3A_179, %sign3A_188 : i32
    %sign3A_190 = arith.extui %sign3A_189 : i1 to i32
    %sign3A_191 = arith.constant 0 : i32
    %sign3A_192 = arith.cmpi slt, %jit3A_179, %sign3A_191 : i32
    %sign3A_193 = arith.extui %sign3A_192 : i1 to i32
    %sign3A_194 = arith.subi %sign3A_190, %sign3A_193 : i32
    %ne3A_195 = arith.cmpi ne, %sign3A_187, %sign3A_194 : i32
    %rem3A_196 = arith.remsi %add3A_178, %jit3A_179 : i32
    %ne3A_197 = arith.constant 0 : i32
    %ne3A_198 = arith.cmpi ne, %rem3A_196, %ne3A_197 : i32
    %and3A_199 = arith.andi %ne3A_195, %ne3A_198 : i1
    %sub3A_200 = arith.constant 1 : i32
    %sub3A_201 = arith.subi %div3A_180, %sub3A_200 : i32
    %select_n3A_202 = arith.select %and3A_199, %sub3A_201, %div3A_180 : i32
    %jit3A_203 = arith.constant 128 : i32
    %eq3A_204 = arith.constant 0 : i32
    %eq3A_205 = arith.cmpi eq, %jit3A_203, %eq3A_204 : i32
    %jit3A_206 = arith.constant 1 : i32
    %select_n3A_207 = arith.select %eq3A_205, %jit3A_206, %jit3A_203 : i32
    %rem3A_208 = arith.remsi %add3A_178, %select_n3A_207 : i32
    %ne3A_209 = arith.constant 0 : i32
    %ne3A_210 = arith.cmpi ne, %rem3A_208, %ne3A_209 : i32
    %lt3A_211 = arith.constant 0 : i32
    %lt3A_212 = arith.cmpi slt, %rem3A_208, %lt3A_211 : i32
    %lt3A_213 = arith.constant 0 : i32
    %lt3A_214 = arith.cmpi slt, %select_n3A_207, %lt3A_213 : i32
    %ne3A_215 = arith.xori %lt3A_212, %lt3A_214 : i1
    %and3A_216 = arith.andi %ne3A_215, %ne3A_210 : i1
    %add3A_217 = arith.addi %rem3A_208, %select_n3A_207 : i32
    %select_n3A_218 = arith.select %and3A_216, %add3A_217, %rem3A_208 : i32
    %mul3A_219 = arith.constant 8192 : i32
    %mul3A_220 = arith.muli %select_n3A_202, %mul3A_219 : i32
    %mul3A_221 = arith.constant 8 : i32
    %mul3A_222 = arith.muli %select_n3A_218, %mul3A_221 : i32
    %add3A_223 = arith.addi %mul3A_220, %mul3A_222 : i32
    %add3A_224 = arith.constant 0 : i32
    %add3A_225 = arith.addi %add3A_223, %add3A_224 : i32
    %dma_start3A_226 = arith.constant 0 : i32
    %dma_start3A_227 = arith.constant 0 : i32
    %dma_start3A_228 = tpu.memref_slice %arg12[%dma_start3A_226, %dma_start3A_227] : memref<16x129xf32, #tpu.memory_space<vmem>> -> memref<8x128xf32, #tpu.memory_space<vmem>>
    %dma_start3A_229 = arith.constant 0 : i32
    %dma_start3A_230 = tpu.memref_slice %arg4[%add3A_225, %dma_start3A_229] : memref<212992x128xf32, #tpu.memory_space<hbm>> -> memref<8x128xf32, #tpu.memory_space<hbm>>
    %dma_start3A_231 = arith.constant 0 : i32
    %dma_start3A_232 = tpu.memref_slice %arg4[%add3A_225, %dma_start3A_231] : memref<212992x128xf32, #tpu.memory_space<hbm>> -> memref<8x128xf32, #tpu.memory_space<hbm>>
    %dma_start3A_233 = arith.constant 0 : i32
    %dma_start3A_234 = arith.constant 0 : i32
    %dma_start3A_235 = tpu.memref_slice %arg12[%dma_start3A_233, %dma_start3A_234] : memref<16x129xf32, #tpu.memory_space<vmem>> -> memref<8x128xf32, #tpu.memory_space<vmem>>
    tpu.enqueue_dma source(%dma_start3A_235 : memref<8x128xf32, #tpu.memory_space<vmem>>) target(%dma_start3A_232 : memref<8x128xf32, #tpu.memory_space<hbm>>) target_semaphore(%arg19 : memref<!tpu.dma_semaphore, #tpu.memory_space<semaphore_mem>>)
    %add3A_236 = arith.constant 1024 : i32
    %add3A_237 = arith.addi %add3A_223, %add3A_236 : i32
    %dma_start3A_238 = arith.constant 8 : i32
    %dma_start3A_239 = arith.constant 0 : i32
    %dma_start3A_240 = tpu.memref_slice %arg12[%dma_start3A_238, %dma_start3A_239] : memref<16x129xf32, #tpu.memory_space<vmem>> -> memref<8x128xf32, #tpu.memory_space<vmem>>
    %dma_start3A_241 = arith.constant 0 : i32
    %dma_start3A_242 = tpu.memref_slice %arg4[%add3A_237, %dma_start3A_241] : memref<212992x128xf32, #tpu.memory_space<hbm>> -> memref<8x128xf32, #tpu.memory_space<hbm>>
    %dma_start3A_243 = arith.constant 0 : i32
    %dma_start3A_244 = tpu.memref_slice %arg4[%add3A_237, %dma_start3A_243] : memref<212992x128xf32, #tpu.memory_space<hbm>> -> memref<8x128xf32, #tpu.memory_space<hbm>>
    %dma_start3A_245 = arith.constant 8 : i32
    %dma_start3A_246 = arith.constant 0 : i32
    %dma_start3A_247 = tpu.memref_slice %arg12[%dma_start3A_245, %dma_start3A_246] : memref<16x129xf32, #tpu.memory_space<vmem>> -> memref<8x128xf32, #tpu.memory_space<vmem>>
    tpu.enqueue_dma source(%dma_start3A_247 : memref<8x128xf32, #tpu.memory_space<vmem>>) target(%dma_start3A_244 : memref<8x128xf32, #tpu.memory_space<hbm>>) target_semaphore(%arg19 : memref<!tpu.dma_semaphore, #tpu.memory_space<semaphore_mem>>)
    %add3A_248 = arith.constant 2048 : i32
    %add3A_249 = arith.addi %add3A_223, %add3A_248 : i32
    %dma_start3A_250 = arith.constant 0 : i32
    %dma_start3A_251 = arith.constant 0 : i32
    %dma_start3A_252 = tpu.memref_slice %arg13[%dma_start3A_250, %dma_start3A_251] : memref<16x129xf32, #tpu.memory_space<vmem>> -> memref<8x128xf32, #tpu.memory_space<vmem>>
    %dma_start3A_253 = arith.constant 0 : i32
    %dma_start3A_254 = tpu.memref_slice %arg4[%add3A_249, %dma_start3A_253] : memref<212992x128xf32, #tpu.memory_space<hbm>> -> memref<8x128xf32, #tpu.memory_space<hbm>>
    %dma_start3A_255 = arith.constant 0 : i32
    %dma_start3A_256 = tpu.memref_slice %arg4[%add3A_249, %dma_start3A_255] : memref<212992x128xf32, #tpu.memory_space<hbm>> -> memref<8x128xf32, #tpu.memory_space<hbm>>
    %dma_start3A_257 = arith.constant 0 : i32
    %dma_start3A_258 = arith.constant 0 : i32
    %dma_start3A_259 = tpu.memref_slice %arg13[%dma_start3A_257, %dma_start3A_258] : memref<16x129xf32, #tpu.memory_space<vmem>> -> memref<8x128xf32, #tpu.memory_space<vmem>>
    tpu.enqueue_dma source(%dma_start3A_259 : memref<8x128xf32, #tpu.memory_space<vmem>>) target(%dma_start3A_256 : memref<8x128xf32, #tpu.memory_space<hbm>>) target_semaphore(%arg19 : memref<!tpu.dma_semaphore, #tpu.memory_space<semaphore_mem>>)
    %add3A_260 = arith.constant 3072 : i32
    %add3A_261 = arith.addi %add3A_223, %add3A_260 : i32
    %dma_start3A_262 = arith.constant 8 : i32
    %dma_start3A_263 = arith.constant 0 : i32
    %dma_start3A_264 = tpu.memref_slice %arg13[%dma_start3A_262, %dma_start3A_263] : memref<16x129xf32, #tpu.memory_space<vmem>> -> memref<8x128xf32, #tpu.memory_space<vmem>>
    %dma_start3A_265 = arith.constant 0 : i32
    %dma_start3A_266 = tpu.memref_slice %arg4[%add3A_261, %dma_start3A_265] : memref<212992x128xf32, #tpu.memory_space<hbm>> -> memref<8x128xf32, #tpu.memory_space<hbm>>
    %dma_start3A_267 = arith.constant 0 : i32
    %dma_start3A_268 = tpu.memref_slice %arg4[%add3A_261, %dma_start3A_267] : memref<212992x128xf32, #tpu.memory_space<hbm>> -> memref<8x128xf32, #tpu.memory_space<hbm>>
    %dma_start3A_269 = arith.constant 8 : i32
    %dma_start3A_270 = arith.constant 0 : i32
    %dma_start3A_271 = tpu.memref_slice %arg13[%dma_start3A_269, %dma_start3A_270] : memref<16x129xf32, #tpu.memory_space<vmem>> -> memref<8x128xf32, #tpu.memory_space<vmem>>
    tpu.enqueue_dma source(%dma_start3A_271 : memref<8x128xf32, #tpu.memory_space<vmem>>) target(%dma_start3A_268 : memref<8x128xf32, #tpu.memory_space<hbm>>) target_semaphore(%arg19 : memref<!tpu.dma_semaphore, #tpu.memory_space<semaphore_mem>>)
    %add3A_272 = arith.constant 4096 : i32
    %add3A_273 = arith.addi %add3A_223, %add3A_272 : i32
    %dma_start3A_274 = arith.constant 0 : i32
    %dma_start3A_275 = arith.constant 0 : i32
    %dma_start3A_276 = tpu.memref_slice %arg14[%dma_start3A_274, %dma_start3A_275] : memref<16x129xf32, #tpu.memory_space<vmem>> -> memref<8x128xf32, #tpu.memory_space<vmem>>
    %dma_start3A_277 = arith.constant 0 : i32
    %dma_start3A_278 = tpu.memref_slice %arg4[%add3A_273, %dma_start3A_277] : memref<212992x128xf32, #tpu.memory_space<hbm>> -> memref<8x128xf32, #tpu.memory_space<hbm>>
    %dma_start3A_279 = arith.constant 0 : i32
    %dma_start3A_280 = tpu.memref_slice %arg4[%add3A_273, %dma_start3A_279] : memref<212992x128xf32, #tpu.memory_space<hbm>> -> memref<8x128xf32, #tpu.memory_space<hbm>>
    %dma_start3A_281 = arith.constant 0 : i32
    %dma_start3A_282 = arith.constant 0 : i32
    %dma_start3A_283 = tpu.memref_slice %arg14[%dma_start3A_281, %dma_start3A_282] : memref<16x129xf32, #tpu.memory_space<vmem>> -> memref<8x128xf32, #tpu.memory_space<vmem>>
    tpu.enqueue_dma source(%dma_start3A_283 : memref<8x128xf32, #tpu.memory_space<vmem>>) target(%dma_start3A_280 : memref<8x128xf32, #tpu.memory_space<hbm>>) target_semaphore(%arg19 : memref<!tpu.dma_semaphore, #tpu.memory_space<semaphore_mem>>)
    %add3A_284 = arith.constant 5120 : i32
    %add3A_285 = arith.addi %add3A_223, %add3A_284 : i32
    %dma_start3A_286 = arith.constant 8 : i32
    %dma_start3A_287 = arith.constant 0 : i32
    %dma_start3A_288 = tpu.memref_slice %arg14[%dma_start3A_286, %dma_start3A_287] : memref<16x129xf32, #tpu.memory_space<vmem>> -> memref<8x128xf32, #tpu.memory_space<vmem>>
    %dma_start3A_289 = arith.constant 0 : i32
    %dma_start3A_290 = tpu.memref_slice %arg4[%add3A_285, %dma_start3A_289] : memref<212992x128xf32, #tpu.memory_space<hbm>> -> memref<8x128xf32, #tpu.memory_space<hbm>>
    %dma_start3A_291 = arith.constant 0 : i32
    %dma_start3A_292 = tpu.memref_slice %arg4[%add3A_285, %dma_start3A_291] : memref<212992x128xf32, #tpu.memory_space<hbm>> -> memref<8x128xf32, #tpu.memory_space<hbm>>
    %dma_start3A_293 = arith.constant 8 : i32
    %dma_start3A_294 = arith.constant 0 : i32
    %dma_start3A_295 = tpu.memref_slice %arg14[%dma_start3A_293, %dma_start3A_294] : memref<16x129xf32, #tpu.memory_space<vmem>> -> memref<8x128xf32, #tpu.memory_space<vmem>>
    tpu.enqueue_dma source(%dma_start3A_295 : memref<8x128xf32, #tpu.memory_space<vmem>>) target(%dma_start3A_292 : memref<8x128xf32, #tpu.memory_space<hbm>>) target_semaphore(%arg19 : memref<!tpu.dma_semaphore, #tpu.memory_space<semaphore_mem>>)
    %add3A_296 = arith.constant 6144 : i32
    %add3A_297 = arith.addi %add3A_223, %add3A_296 : i32
    %dma_start3A_298 = arith.constant 0 : i32
    %dma_start3A_299 = arith.constant 0 : i32
    %dma_start3A_300 = tpu.memref_slice %arg15[%dma_start3A_298, %dma_start3A_299] : memref<16x129xf32, #tpu.memory_space<vmem>> -> memref<8x128xf32, #tpu.memory_space<vmem>>
    %dma_start3A_301 = arith.constant 0 : i32
    %dma_start3A_302 = tpu.memref_slice %arg4[%add3A_297, %dma_start3A_301] : memref<212992x128xf32, #tpu.memory_space<hbm>> -> memref<8x128xf32, #tpu.memory_space<hbm>>
    %dma_start3A_303 = arith.constant 0 : i32
    %dma_start3A_304 = tpu.memref_slice %arg4[%add3A_297, %dma_start3A_303] : memref<212992x128xf32, #tpu.memory_space<hbm>> -> memref<8x128xf32, #tpu.memory_space<hbm>>
    %dma_start3A_305 = arith.constant 0 : i32
    %dma_start3A_306 = arith.constant 0 : i32
    %dma_start3A_307 = tpu.memref_slice %arg15[%dma_start3A_305, %dma_start3A_306] : memref<16x129xf32, #tpu.memory_space<vmem>> -> memref<8x128xf32, #tpu.memory_space<vmem>>
    tpu.enqueue_dma source(%dma_start3A_307 : memref<8x128xf32, #tpu.memory_space<vmem>>) target(%dma_start3A_304 : memref<8x128xf32, #tpu.memory_space<hbm>>) target_semaphore(%arg19 : memref<!tpu.dma_semaphore, #tpu.memory_space<semaphore_mem>>)
    %add3A_308 = arith.constant 7168 : i32
    %add3A_309 = arith.addi %add3A_223, %add3A_308 : i32
    %dma_start3A_310 = arith.constant 8 : i32
    %dma_start3A_311 = arith.constant 0 : i32
    %dma_start3A_312 = tpu.memref_slice %arg15[%dma_start3A_310, %dma_start3A_311] : memref<16x129xf32, #tpu.memory_space<vmem>> -> memref<8x128xf32, #tpu.memory_space<vmem>>
    %dma_start3A_313 = arith.constant 0 : i32
    %dma_start3A_314 = tpu.memref_slice %arg4[%add3A_309, %dma_start3A_313] : memref<212992x128xf32, #tpu.memory_space<hbm>> -> memref<8x128xf32, #tpu.memory_space<hbm>>
    %dma_start3A_315 = arith.constant 0 : i32
    %dma_start3A_316 = tpu.memref_slice %arg4[%add3A_309, %dma_start3A_315] : memref<212992x128xf32, #tpu.memory_space<hbm>> -> memref<8x128xf32, #tpu.memory_space<hbm>>
    %dma_start3A_317 = arith.constant 8 : i32
    %dma_start3A_318 = arith.constant 0 : i32
    %dma_start3A_319 = tpu.memref_slice %arg15[%dma_start3A_317, %dma_start3A_318] : memref<16x129xf32, #tpu.memory_space<vmem>> -> memref<8x128xf32, #tpu.memory_space<vmem>>
    tpu.enqueue_dma source(%dma_start3A_319 : memref<8x128xf32, #tpu.memory_space<vmem>>) target(%dma_start3A_316 : memref<8x128xf32, #tpu.memory_space<hbm>>) target_semaphore(%arg19 : memref<!tpu.dma_semaphore, #tpu.memory_space<semaphore_mem>>)
    %dma_start3A_320 = arith.constant 3 : i32
    %dma_start3A_321 = arith.constant 0 : i32
    %dma_start3A_322 = tpu.memref_slice %arg5[%dma_start3A_320, %dma_start3A_321] : memref<104x128xi32, #tpu.memory_space<vmem>> -> memref<1x128xi32, #tpu.memory_space<vmem>>
    %dma_start3A_323 = tpu.memref_squeeze %dma_start3A_322 : memref<1x128xi32, #tpu.memory_space<vmem>> -> memref<128xi32, #tpu.memory_space<vmem>>
    %dma_start3A_324 = arith.constant 0 : i32
    %dma_start3A_325 = arith.constant 0 : i32
    %dma_start3A_326 = tpu.memref_slice %arg2[%dma_start3A_324, %dma_start3A_325] : memref<1000000x64xf32, #tpu.memory_space<hbm>> -> memref<1000000x64xf32, #tpu.memory_space<hbm>>
    tpu.enqueue_indirect_dma source(%dma_start3A_326 : memref<1000000x64xf32, #tpu.memory_space<hbm>>) target(%arg7 : memref<128x64xf32, #tpu.memory_space<vmem>>) offsets(%dma_start3A_323 : memref<128xi32, #tpu.memory_space<vmem>>) semaphore(%arg17 : memref<!tpu.dma_semaphore, #tpu.memory_space<semaphore_mem>>)
    %scan3A = arith.constant 0 : i32
    %scan3A_327 = arith.constant 1 : i32
    %scan3A_328 = arith.constant 50 : i32
    %scan3A_329 = arith.addi %scan3A_327, %scan3A_328 : i32
    %scan3A_330 = arith.constant 1 : i32
    scf.for %scan3A_1022 = %scan3A_327 to %scan3A_329 step %scan3A_330  : i32 {
      %mul3A_1023 = arith.constant 2 : i32
      %mul3A_1024 = arith.muli %mul3A_1023, %scan3A_1022 : i32
      %add3A_1025 = arith.constant 0 : i32
      %add3A_1026 = arith.addi %mul3A_1024, %add3A_1025 : i32
      %dma_wait3A_1027 = arith.constant 0 : i32
      %dma_wait3A_1028 = arith.constant 0 : i32
      %dma_wait3A_1029 = tpu.memref_slice %arg8[%dma_wait3A_1027, %dma_wait3A_1028] : memref<16x129xf32, #tpu.memory_space<vmem>> -> memref<8x128xf32, #tpu.memory_space<vmem>>
      %dma_wait3A_1030 = arith.constant 0 : i32
      %dma_wait3A_1031 = arith.constant 0 : i32
      %dma_wait3A_1032 = tpu.memref_slice %arg4[%dma_wait3A_1030, %dma_wait3A_1031] : memref<212992x128xf32, #tpu.memory_space<hbm>> -> memref<8x128xf32, #tpu.memory_space<hbm>>
      %dma_wait3A_1033 = arith.constant 0 : i32
      %dma_wait3A_1034 = arith.constant 0 : i32
      %dma_wait3A_1035 = tpu.memref_slice %arg4[%dma_wait3A_1033, %dma_wait3A_1034] : memref<212992x128xf32, #tpu.memory_space<hbm>> -> memref<8x128xf32, #tpu.memory_space<hbm>>
      %dma_wait3A_1036 = arith.constant 0 : i32
      %dma_wait3A_1037 = arith.constant 0 : i32
      %dma_wait3A_1038 = tpu.memref_slice %arg8[%dma_wait3A_1036, %dma_wait3A_1037] : memref<16x129xf32, #tpu.memory_space<vmem>> -> memref<8x128xf32, #tpu.memory_space<vmem>>
      tpu.wait_dma2 semaphore(%arg18 : memref<!tpu.dma_semaphore, #tpu.memory_space<semaphore_mem>>) src(%dma_wait3A_1038 : memref<8x128xf32, #tpu.memory_space<vmem>>) dst(%dma_wait3A_1035 : memref<8x128xf32, #tpu.memory_space<hbm>>)
      %dma_wait3A_1039 = arith.constant 0 : i32
      %dma_wait3A_1040 = arith.constant 0 : i32
      %dma_wait3A_1041 = tpu.memref_slice %arg8[%dma_wait3A_1039, %dma_wait3A_1040] : memref<16x129xf32, #tpu.memory_space<vmem>> -> memref<8x128xf32, #tpu.memory_space<vmem>>
      %dma_wait3A_1042 = arith.constant 0 : i32
      %dma_wait3A_1043 = arith.constant 0 : i32
      %dma_wait3A_1044 = tpu.memref_slice %arg4[%dma_wait3A_1042, %dma_wait3A_1043] : memref<212992x128xf32, #tpu.memory_space<hbm>> -> memref<8x128xf32, #tpu.memory_space<hbm>>
      %dma_wait3A_1045 = arith.constant 0 : i32
      %dma_wait3A_1046 = arith.constant 0 : i32
      %dma_wait3A_1047 = tpu.memref_slice %arg4[%dma_wait3A_1045, %dma_wait3A_1046] : memref<212992x128xf32, #tpu.memory_space<hbm>> -> memref<8x128xf32, #tpu.memory_space<hbm>>
      %dma_wait3A_1048 = arith.constant 0 : i32
      %dma_wait3A_1049 = arith.constant 0 : i32
      %dma_wait3A_1050 = tpu.memref_slice %arg8[%dma_wait3A_1048, %dma_wait3A_1049] : memref<16x129xf32, #tpu.memory_space<vmem>> -> memref<8x128xf32, #tpu.memory_space<vmem>>
      tpu.wait_dma2 semaphore(%arg18 : memref<!tpu.dma_semaphore, #tpu.memory_space<semaphore_mem>>) src(%dma_wait3A_1050 : memref<8x128xf32, #tpu.memory_space<vmem>>) dst(%dma_wait3A_1047 : memref<8x128xf32, #tpu.memory_space<hbm>>)
      %dma_wait3A_1051 = arith.constant 0 : i32
      %dma_wait3A_1052 = arith.constant 0 : i32
      %dma_wait3A_1053 = tpu.memref_slice %arg9[%dma_wait3A_1051, %dma_wait3A_1052] : memref<16x129xf32, #tpu.memory_space<vmem>> -> memref<8x128xf32, #tpu.memory_space<vmem>>
      %dma_wait3A_1054 = arith.constant 0 : i32
      %dma_wait3A_1055 = arith.constant 0 : i32
      %dma_wait3A_1056 = tpu.memref_slice %arg4[%dma_wait3A_1054, %dma_wait3A_1055] : memref<212992x128xf32, #tpu.memory_space<hbm>> -> memref<8x128xf32, #tpu.memory_space<hbm>>
      %dma_wait3A_1057 = arith.constant 0 : i32
      %dma_wait3A_1058 = arith.constant 0 : i32
      %dma_wait3A_1059 = tpu.memref_slice %arg4[%dma_wait3A_1057, %dma_wait3A_1058] : memref<212992x128xf32, #tpu.memory_space<hbm>> -> memref<8x128xf32, #tpu.memory_space<hbm>>
      %dma_wait3A_1060 = arith.constant 0 : i32
      %dma_wait3A_1061 = arith.constant 0 : i32
      %dma_wait3A_1062 = tpu.memref_slice %arg9[%dma_wait3A_1060, %dma_wait3A_1061] : memref<16x129xf32, #tpu.memory_space<vmem>> -> memref<8x128xf32, #tpu.memory_space<vmem>>
      tpu.wait_dma2 semaphore(%arg18 : memref<!tpu.dma_semaphore, #tpu.memory_space<semaphore_mem>>) src(%dma_wait3A_1062 : memref<8x128xf32, #tpu.memory_space<vmem>>) dst(%dma_wait3A_1059 : memref<8x128xf32, #tpu.memory_space<hbm>>)
      %dma_wait3A_1063 = arith.constant 0 : i32
      %dma_wait3A_1064 = arith.constant 0 : i32
      %dma_wait3A_1065 = tpu.memref_slice %arg9[%dma_wait3A_1063, %dma_wait3A_1064] : memref<16x129xf32, #tpu.memory_space<vmem>> -> memref<8x128xf32, #tpu.memory_space<vmem>>
      %dma_wait3A_1066 = arith.constant 0 : i32
      %dma_wait3A_1067 = arith.constant 0 : i32
      %dma_wait3A_1068 = tpu.memref_slice %arg4[%dma_wait3A_1066, %dma_wait3A_1067] : memref<212992x128xf32, #tpu.memory_space<hbm>> -> memref<8x128xf32, #tpu.memory_space<hbm>>
      %dma_wait3A_1069 = arith.constant 0 : i32
      %dma_wait3A_1070 = arith.constant 0 : i32
      %dma_wait3A_1071 = tpu.memref_slice %arg4[%dma_wait3A_1069, %dma_wait3A_1070] : memref<212992x128xf32, #tpu.memory_space<hbm>> -> memref<8x128xf32, #tpu.memory_space<hbm>>
      %dma_wait3A_1072 = arith.constant 0 : i32
      %dma_wait3A_1073 = arith.constant 0 : i32
      %dma_wait3A_1074 = tpu.memref_slice %arg9[%dma_wait3A_1072, %dma_wait3A_1073] : memref<16x129xf32, #tpu.memory_space<vmem>> -> memref<8x128xf32, #tpu.memory_space<vmem>>
      tpu.wait_dma2 semaphore(%arg18 : memref<!tpu.dma_semaphore, #tpu.memory_space<semaphore_mem>>) src(%dma_wait3A_1074 : memref<8x128xf32, #tpu.memory_space<vmem>>) dst(%dma_wait3A_1071 : memref<8x128xf32, #tpu.memory_space<hbm>>)
      %dma_wait3A_1075 = arith.constant 0 : i32
      %dma_wait3A_1076 = arith.constant 0 : i32
      %dma_wait3A_1077 = tpu.memref_slice %arg10[%dma_wait3A_1075, %dma_wait3A_1076] : memref<16x129xf32, #tpu.memory_space<vmem>> -> memref<8x128xf32, #tpu.memory_space<vmem>>
      %dma_wait3A_1078 = arith.constant 0 : i32
      %dma_wait3A_1079 = arith.constant 0 : i32
      %dma_wait3A_1080 = tpu.memref_slice %arg4[%dma_wait3A_1078, %dma_wait3A_1079] : memref<212992x128xf32, #tpu.memory_space<hbm>> -> memref<8x128xf32, #tpu.memory_space<hbm>>
      %dma_wait3A_1081 = arith.constant 0 : i32
      %dma_wait3A_1082 = arith.constant 0 : i32
      %dma_wait3A_1083 = tpu.memref_slice %arg4[%dma_wait3A_1081, %dma_wait3A_1082] : memref<212992x128xf32, #tpu.memory_space<hbm>> -> memref<8x128xf32, #tpu.memory_space<hbm>>
      %dma_wait3A_1084 = arith.constant 0 : i32
      %dma_wait3A_1085 = arith.constant 0 : i32
      %dma_wait3A_1086 = tpu.memref_slice %arg10[%dma_wait3A_1084, %dma_wait3A_1085] : memref<16x129xf32, #tpu.memory_space<vmem>> -> memref<8x128xf32, #tpu.memory_space<vmem>>
      tpu.wait_dma2 semaphore(%arg18 : memref<!tpu.dma_semaphore, #tpu.memory_space<semaphore_mem>>) src(%dma_wait3A_1086 : memref<8x128xf32, #tpu.memory_space<vmem>>) dst(%dma_wait3A_1083 : memref<8x128xf32, #tpu.memory_space<hbm>>)
      %dma_wait3A_1087 = arith.constant 0 : i32
      %dma_wait3A_1088 = arith.constant 0 : i32
      %dma_wait3A_1089 = tpu.memref_slice %arg10[%dma_wait3A_1087, %dma_wait3A_1088] : memref<16x129xf32, #tpu.memory_space<vmem>> -> memref<8x128xf32, #tpu.memory_space<vmem>>
      %dma_wait3A_1090 = arith.constant 0 : i32
      %dma_wait3A_1091 = arith.constant 0 : i32
      %dma_wait3A_1092 = tpu.memref_slice %arg4[%dma_wait3A_1090, %dma_wait3A_1091] : memref<212992x128xf32, #tpu.memory_space<hbm>> -> memref<8x128xf32, #tpu.memory_space<hbm>>
      %dma_wait3A_1093 = arith.constant 0 : i32
      %dma_wait3A_1094 = arith.constant 0 : i32
      %dma_wait3A_1095 = tpu.memref_slice %arg4[%dma_wait3A_1093, %dma_wait3A_1094] : memref<212992x128xf32, #tpu.memory_space<hbm>> -> memref<8x128xf32, #tpu.memory_space<hbm>>
      %dma_wait3A_1096 = arith.constant 0 : i32
      %dma_wait3A_1097 = arith.constant 0 : i32
      %dma_wait3A_1098 = tpu.memref_slice %arg10[%dma_wait3A_1096, %dma_wait3A_1097] : memref<16x129xf32, #tpu.memory_space<vmem>> -> memref<8x128xf32, #tpu.memory_space<vmem>>
      tpu.wait_dma2 semaphore(%arg18 : memref<!tpu.dma_semaphore, #tpu.memory_space<semaphore_mem>>) src(%dma_wait3A_1098 : memref<8x128xf32, #tpu.memory_space<vmem>>) dst(%dma_wait3A_1095 : memref<8x128xf32, #tpu.memory_space<hbm>>)
      %dma_wait3A_1099 = arith.constant 0 : i32
      %dma_wait3A_1100 = arith.constant 0 : i32
      %dma_wait3A_1101 = tpu.memref_slice %arg11[%dma_wait3A_1099, %dma_wait3A_1100] : memref<16x129xf32, #tpu.memory_space<vmem>> -> memref<8x128xf32, #tpu.memory_space<vmem>>
      %dma_wait3A_1102 = arith.constant 0 : i32
      %dma_wait3A_1103 = arith.constant 0 : i32
      %dma_wait3A_1104 = tpu.memref_slice %arg4[%dma_wait3A_1102, %dma_wait3A_1103] : memref<212992x128xf32, #tpu.memory_space<hbm>> -> memref<8x128xf32, #tpu.memory_space<hbm>>
      %dma_wait3A_1105 = arith.constant 0 : i32
      %dma_wait3A_1106 = arith.constant 0 : i32
      %dma_wait3A_1107 = tpu.memref_slice %arg4[%dma_wait3A_1105, %dma_wait3A_1106] : memref<212992x128xf32, #tpu.memory_space<hbm>> -> memref<8x128xf32, #tpu.memory_space<hbm>>
      %dma_wait3A_1108 = arith.constant 0 : i32
      %dma_wait3A_1109 = arith.constant 0 : i32
      %dma_wait3A_1110 = tpu.memref_slice %arg11[%dma_wait3A_1108, %dma_wait3A_1109] : memref<16x129xf32, #tpu.memory_space<vmem>> -> memref<8x128xf32, #tpu.memory_space<vmem>>
      tpu.wait_dma2 semaphore(%arg18 : memref<!tpu.dma_semaphore, #tpu.memory_space<semaphore_mem>>) src(%dma_wait3A_1110 : memref<8x128xf32, #tpu.memory_space<vmem>>) dst(%dma_wait3A_1107 : memref<8x128xf32, #tpu.memory_space<hbm>>)
      %dma_wait3A_1111 = arith.constant 0 : i32
      %dma_wait3A_1112 = arith.constant 0 : i32
      %dma_wait3A_1113 = tpu.memref_slice %arg11[%dma_wait3A_1111, %dma_wait3A_1112] : memref<16x129xf32, #tpu.memory_space<vmem>> -> memref<8x128xf32, #tpu.memory_space<vmem>>
      %dma_wait3A_1114 = arith.constant 0 : i32
      %dma_wait3A_1115 = arith.constant 0 : i32
      %dma_wait3A_1116 = tpu.memref_slice %arg4[%dma_wait3A_1114, %dma_wait3A_1115] : memref<212992x128xf32, #tpu.memory_space<hbm>> -> memref<8x128xf32, #tpu.memory_space<hbm>>
      %dma_wait3A_1117 = arith.constant 0 : i32
      %dma_wait3A_1118 = arith.constant 0 : i32
      %dma_wait3A_1119 = tpu.memref_slice %arg4[%dma_wait3A_1117, %dma_wait3A_1118] : memref<212992x128xf32, #tpu.memory_space<hbm>> -> memref<8x128xf32, #tpu.memory_space<hbm>>
      %dma_wait3A_1120 = arith.constant 0 : i32
      %dma_wait3A_1121 = arith.constant 0 : i32
      %dma_wait3A_1122 = tpu.memref_slice %arg11[%dma_wait3A_1120, %dma_wait3A_1121] : memref<16x129xf32, #tpu.memory_space<vmem>> -> memref<8x128xf32, #tpu.memory_space<vmem>>
      tpu.wait_dma2 semaphore(%arg18 : memref<!tpu.dma_semaphore, #tpu.memory_space<semaphore_mem>>) src(%dma_wait3A_1122 : memref<8x128xf32, #tpu.memory_space<vmem>>) dst(%dma_wait3A_1119 : memref<8x128xf32, #tpu.memory_space<hbm>>)
      %dma_wait3A_1123 = arith.constant 0 : i32
      %dma_wait3A_1124 = arith.constant 0 : i32
      %dma_wait3A_1125 = tpu.memref_slice %arg5[%dma_wait3A_1123, %dma_wait3A_1124] : memref<104x128xi32, #tpu.memory_space<vmem>> -> memref<1x128xi32, #tpu.memory_space<vmem>>
      %dma_wait3A_1126 = tpu.memref_squeeze %dma_wait3A_1125 : memref<1x128xi32, #tpu.memory_space<vmem>> -> memref<128xi32, #tpu.memory_space<vmem>>
      %dma_wait3A_1127 = arith.constant 0 : i32
      %dma_wait3A_1128 = arith.constant 0 : i32
      %dma_wait3A_1129 = tpu.memref_slice %arg2[%dma_wait3A_1127, %dma_wait3A_1128] : memref<1000000x64xf32, #tpu.memory_space<hbm>> -> memref<1000000x64xf32, #tpu.memory_space<hbm>>
      tpu.wait_indirect_dma semaphore(%arg16 : memref<!tpu.dma_semaphore, #tpu.memory_space<semaphore_mem>>) src(%dma_wait3A_1129 : memref<1000000x64xf32, #tpu.memory_space<hbm>>) dst(%arg6 : memref<128x64xf32, #tpu.memory_space<vmem>>)
      %parallel_loop3A_1130 = arith.constant 0 : i32
      %parallel_loop3A_1131 = arith.constant 128 : i32
      %parallel_loop3A_1132 = arith.constant 1 : i32
      scf.for %parallel_loop3A_1543 = %parallel_loop3A_1130 to %parallel_loop3A_1131 step %parallel_loop3A_1132  : i32 {
        %parallel_loop3A_1544 = vector.broadcast %parallel_loop3A_1543 : i32 to vector<16xi32>
        %parallel_loop3A_1545 = arith.addi %mul3A_5, %parallel_loop3A_1544 : vector<16xi32>
        %parallel_loop3A_1546 = arith.index_cast %parallel_loop3A_1543 : i32 to index
        %parallel_loop3A_1547 = arith.constant 0 : index
        %parallel_loop3A_1548 = tpu.vector_load %arg6[%parallel_loop3A_1546, %parallel_loop3A_1547] {strides = array<i32>} : memref<128x64xf32, #tpu.memory_space<vmem>>, vector<16xf32>,
        tpu.vector_store_idx %arg8[%iota3A, %parallel_loop3A_1545], %parallel_loop3A_1548 : memref<16x129xf32, #tpu.memory_space<vmem>>[vector<16xi32>, vector<16xi32>], vector<16xf32>,
        %parallel_loop3A_1549 = arith.index_cast %parallel_loop3A_1543 : i32 to index
        %parallel_loop3A_1550 = arith.constant 16 : index
        %parallel_loop3A_1551 = tpu.vector_load %arg6[%parallel_loop3A_1549, %parallel_loop3A_1550] {strides = array<i32>} : memref<128x64xf32, #tpu.memory_space<vmem>>, vector<16xf32>,
        tpu.vector_store_idx %arg9[%iota3A, %parallel_loop3A_1545], %parallel_loop3A_1551 : memref<16x129xf32, #tpu.memory_space<vmem>>[vector<16xi32>, vector<16xi32>], vector<16xf32>,
        %parallel_loop3A_1552 = arith.index_cast %parallel_loop3A_1543 : i32 to index
        %parallel_loop3A_1553 = arith.constant 32 : index
        %parallel_loop3A_1554 = tpu.vector_load %arg6[%parallel_loop3A_1552, %parallel_loop3A_1553] {strides = array<i32>} : memref<128x64xf32, #tpu.memory_space<vmem>>, vector<16xf32>,
        tpu.vector_store_idx %arg10[%iota3A, %parallel_loop3A_1545], %parallel_loop3A_1554 : memref<16x129xf32, #tpu.memory_space<vmem>>[vector<16xi32>, vector<16xi32>], vector<16xf32>,
        %parallel_loop3A_1555 = arith.index_cast %parallel_loop3A_1543 : i32 to index
        %parallel_loop3A_1556 = arith.constant 48 : index
        %parallel_loop3A_1557 = tpu.vector_load %arg6[%parallel_loop3A_1555, %parallel_loop3A_1556] {strides = array<i32>} : memref<128x64xf32, #tpu.memory_space<vmem>>, vector<16xf32>,
        tpu.vector_store_idx %arg11[%iota3A, %parallel_loop3A_1545], %parallel_loop3A_1557 : memref<16x129xf32, #tpu.memory_space<vmem>>[vector<16xi32>, vector<16xi32>], vector<16xf32>,
      } {sc.loop_unroll_factor = 8 : i64, sc.parallel_access}
      %add3A_1133 = arith.addi %mul3A_2, %add3A_1026 : i32
      %jit3A_1134 = arith.constant 128 : i32
      %div3A_1135 = arith.divsi %add3A_1133, %jit3A_1134 : i32
      %sign3A_1136 = arith.constant 0 : i32
      %sign3A_1137 = arith.cmpi sgt, %add3A_1133, %sign3A_1136 : i32
      %sign3A_1138 = arith.extui %sign3A_1137 : i1 to i32
      %sign3A_1139 = arith.constant 0 : i32
      %sign3A_1140 = arith.cmpi slt, %add3A_1133, %sign3A_1139 : i32
      %sign3A_1141 = arith.extui %sign3A_1140 : i1 to i32
      %sign3A_1142 = arith.subi %sign3A_1138, %sign3A_1141 : i32
      %sign3A_1143 = arith.constant 0 : i32
      %sign3A_1144 = arith.cmpi sgt, %jit3A_1134, %sign3A_1143 : i32
      %sign3A_1145 = arith.extui %sign3A_1144 : i1 to i32
      %sign3A_1146 = arith.constant 0 : i32
      %sign3A_1147 = arith.cmpi slt, %jit3A_1134, %sign3A_1146 : i32
      %sign3A_1148 = arith.extui %sign3A_1147 : i1 to i32
      %sign3A_1149 = arith.subi %sign3A_1145, %sign3A_1148 : i32
      %ne3A_1150 = arith.cmpi ne, %sign3A_1142, %sign3A_1149 : i32
      %rem3A_1151 = arith.remsi %add3A_1133, %jit3A_1134 : i32
      %ne3A_1152 = arith.constant 0 : i32
      %ne3A_1153 = arith.cmpi ne, %rem3A_1151, %ne3A_1152 : i32
      %and3A_1154 = arith.andi %ne3A_1150, %ne3A_1153 : i1
      %sub3A_1155 = arith.constant 1 : i32
      %sub3A_1156 = arith.subi %div3A_1135, %sub3A_1155 : i32
      %select_n3A_1157 = arith.select %and3A_1154, %sub3A_1156, %div3A_1135 : i32
      %jit3A_1158 = arith.constant 128 : i32
      %eq3A_1159 = arith.constant 0 : i32
      %eq3A_1160 = arith.cmpi eq, %jit3A_1158, %eq3A_1159 : i32
      %jit3A_1161 = arith.constant 1 : i32
      %select_n3A_1162 = arith.select %eq3A_1160, %jit3A_1161, %jit3A_1158 : i32
      %rem3A_1163 = arith.remsi %add3A_1133, %select_n3A_1162 : i32
      %ne3A_1164 = arith.constant 0 : i32
      %ne3A_1165 = arith.cmpi ne, %rem3A_1163, %ne3A_1164 : i32
      %lt3A_1166 = arith.constant 0 : i32
      %lt3A_1167 = arith.cmpi slt, %rem3A_1163, %lt3A_1166 : i32
      %lt3A_1168 = arith.constant 0 : i32
      %lt3A_1169 = arith.cmpi slt, %select_n3A_1162, %lt3A_1168 : i32
      %ne3A_1170 = arith.xori %lt3A_1167, %lt3A_1169 : i1
      %and3A_1171 = arith.andi %ne3A_1170, %ne3A_1165 : i1
      %add3A_1172 = arith.addi %rem3A_1163, %select_n3A_1162 : i32
      %select_n3A_1173 = arith.select %and3A_1171, %add3A_1172, %rem3A_1163 : i32
      %mul3A_1174 = arith.constant 8192 : i32
      %mul3A_1175 = arith.muli %select_n3A_1157, %mul3A_1174 : i32
      %mul3A_1176 = arith.constant 8 : i32
      %mul3A_1177 = arith.muli %select_n3A_1173, %mul3A_1176 : i32
      %add3A_1178 = arith.addi %mul3A_1175, %mul3A_1177 : i32
      %add3A_1179 = arith.constant 0 : i32
      %add3A_1180 = arith.addi %add3A_1178, %add3A_1179 : i32
      %dma_start3A_1181 = arith.constant 0 : i32
      %dma_start3A_1182 = arith.constant 0 : i32
      %dma_start3A_1183 = tpu.memref_slice %arg8[%dma_start3A_1181, %dma_start3A_1182] : memref<16x129xf32, #tpu.memory_space<vmem>> -> memref<8x128xf32, #tpu.memory_space<vmem>>
      %dma_start3A_1184 = arith.constant 0 : i32
      %dma_start3A_1185 = tpu.memref_slice %arg4[%add3A_1180, %dma_start3A_1184] : memref<212992x128xf32, #tpu.memory_space<hbm>> -> memref<8x128xf32, #tpu.memory_space<hbm>>
      %dma_start3A_1186 = arith.constant 0 : i32
      %dma_start3A_1187 = tpu.memref_slice %arg4[%add3A_1180, %dma_start3A_1186] : memref<212992x128xf32, #tpu.memory_space<hbm>> -> memref<8x128xf32, #tpu.memory_space<hbm>>
      %dma_start3A_1188 = arith.constant 0 : i32
      %dma_start3A_1189 = arith.constant 0 : i32
      %dma_start3A_1190 = tpu.memref_slice %arg8[%dma_start3A_1188, %dma_start3A_1189] : memref<16x129xf32, #tpu.memory_space<vmem>> -> memref<8x128xf32, #tpu.memory_space<vmem>>
      tpu.enqueue_dma source(%dma_start3A_1190 : memref<8x128xf32, #tpu.memory_space<vmem>>) target(%dma_start3A_1187 : memref<8x128xf32, #tpu.memory_space<hbm>>) target_semaphore(%arg18 : memref<!tpu.dma_semaphore, #tpu.memory_space<semaphore_mem>>)
      %add3A_1191 = arith.constant 1024 : i32
      %add3A_1192 = arith.addi %add3A_1178, %add3A_1191 : i32
      %dma_start3A_1193 = arith.constant 8 : i32
      %dma_start3A_1194 = arith.constant 0 : i32
      %dma_start3A_1195 = tpu.memref_slice %arg8[%dma_start3A_1193, %dma_start3A_1194] : memref<16x129xf32, #tpu.memory_space<vmem>> -> memref<8x128xf32, #tpu.memory_space<vmem>>
      %dma_start3A_1196 = arith.constant 0 : i32
      %dma_start3A_1197 = tpu.memref_slice %arg4[%add3A_1192, %dma_start3A_1196] : memref<212992x128xf32, #tpu.memory_space<hbm>> -> memref<8x128xf32, #tpu.memory_space<hbm>>
      %dma_start3A_1198 = arith.constant 0 : i32
      %dma_start3A_1199 = tpu.memref_slice %arg4[%add3A_1192, %dma_start3A_1198] : memref<212992x128xf32, #tpu.memory_space<hbm>> -> memref<8x128xf32, #tpu.memory_space<hbm>>
      %dma_start3A_1200 = arith.constant 8 : i32
      %dma_start3A_1201 = arith.constant 0 : i32
      %dma_start3A_1202 = tpu.memref_slice %arg8[%dma_start3A_1200, %dma_start3A_1201] : memref<16x129xf32, #tpu.memory_space<vmem>> -> memref<8x128xf32, #tpu.memory_space<vmem>>
      tpu.enqueue_dma source(%dma_start3A_1202 : memref<8x128xf32, #tpu.memory_space<vmem>>) target(%dma_start3A_1199 : memref<8x128xf32, #tpu.memory_space<hbm>>) target_semaphore(%arg18 : memref<!tpu.dma_semaphore, #tpu.memory_space<semaphore_mem>>)
      %add3A_1203 = arith.constant 2048 : i32
      %add3A_1204 = arith.addi %add3A_1178, %add3A_1203 : i32
      %dma_start3A_1205 = arith.constant 0 : i32
      %dma_start3A_1206 = arith.constant 0 : i32
      %dma_start3A_1207 = tpu.memref_slice %arg9[%dma_start3A_1205, %dma_start3A_1206] : memref<16x129xf32, #tpu.memory_space<vmem>> -> memref<8x128xf32, #tpu.memory_space<vmem>>
      %dma_start3A_1208 = arith.constant 0 : i32
      %dma_start3A_1209 = tpu.memref_slice %arg4[%add3A_1204, %dma_start3A_1208] : memref<212992x128xf32, #tpu.memory_space<hbm>> -> memref<8x128xf32, #tpu.memory_space<hbm>>
      %dma_start3A_1210 = arith.constant 0 : i32
      %dma_start3A_1211 = tpu.memref_slice %arg4[%add3A_1204, %dma_start3A_1210] : memref<212992x128xf32, #tpu.memory_space<hbm>> -> memref<8x128xf32, #tpu.memory_space<hbm>>
      %dma_start3A_1212 = arith.constant 0 : i32
      %dma_start3A_1213 = arith.constant 0 : i32
      %dma_start3A_1214 = tpu.memref_slice %arg9[%dma_start3A_1212, %dma_start3A_1213] : memref<16x129xf32, #tpu.memory_space<vmem>> -> memref<8x128xf32, #tpu.memory_space<vmem>>
      tpu.enqueue_dma source(%dma_start3A_1214 : memref<8x128xf32, #tpu.memory_space<vmem>>) target(%dma_start3A_1211 : memref<8x128xf32, #tpu.memory_space<hbm>>) target_semaphore(%arg18 : memref<!tpu.dma_semaphore, #tpu.memory_space<semaphore_mem>>)
      %add3A_1215 = arith.constant 3072 : i32
      %add3A_1216 = arith.addi %add3A_1178, %add3A_1215 : i32
      %dma_start3A_1217 = arith.constant 8 : i32
      %dma_start3A_1218 = arith.constant 0 : i32
      %dma_start3A_1219 = tpu.memref_slice %arg9[%dma_start3A_1217, %dma_start3A_1218] : memref<16x129xf32, #tpu.memory_space<vmem>> -> memref<8x128xf32, #tpu.memory_space<vmem>>
      %dma_start3A_1220 = arith.constant 0 : i32
      %dma_start3A_1221 = tpu.memref_slice %arg4[%add3A_1216, %dma_start3A_1220] : memref<212992x128xf32, #tpu.memory_space<hbm>> -> memref<8x128xf32, #tpu.memory_space<hbm>>
      %dma_start3A_1222 = arith.constant 0 : i32
      %dma_start3A_1223 = tpu.memref_slice %arg4[%add3A_1216, %dma_start3A_1222] : memref<212992x128xf32, #tpu.memory_space<hbm>> -> memref<8x128xf32, #tpu.memory_space<hbm>>
      %dma_start3A_1224 = arith.constant 8 : i32
      %dma_start3A_1225 = arith.constant 0 : i32
      %dma_start3A_1226 = tpu.memref_slice %arg9[%dma_start3A_1224, %dma_start3A_1225] : memref<16x129xf32, #tpu.memory_space<vmem>> -> memref<8x128xf32, #tpu.memory_space<vmem>>
      tpu.enqueue_dma source(%dma_start3A_1226 : memref<8x128xf32, #tpu.memory_space<vmem>>) target(%dma_start3A_1223 : memref<8x128xf32, #tpu.memory_space<hbm>>) target_semaphore(%arg18 : memref<!tpu.dma_semaphore, #tpu.memory_space<semaphore_mem>>)
      %add3A_1227 = arith.constant 4096 : i32
      %add3A_1228 = arith.addi %add3A_1178, %add3A_1227 : i32
      %dma_start3A_1229 = arith.constant 0 : i32
      %dma_start3A_1230 = arith.constant 0 : i32
      %dma_start3A_1231 = tpu.memref_slice %arg10[%dma_start3A_1229, %dma_start3A_1230] : memref<16x129xf32, #tpu.memory_space<vmem>> -> memref<8x128xf32, #tpu.memory_space<vmem>>
      %dma_start3A_1232 = arith.constant 0 : i32
      %dma_start3A_1233 = tpu.memref_slice %arg4[%add3A_1228, %dma_start3A_1232] : memref<212992x128xf32, #tpu.memory_space<hbm>> -> memref<8x128xf32, #tpu.memory_space<hbm>>
      %dma_start3A_1234 = arith.constant 0 : i32
      %dma_start3A_1235 = tpu.memref_slice %arg4[%add3A_1228, %dma_start3A_1234] : memref<212992x128xf32, #tpu.memory_space<hbm>> -> memref<8x128xf32, #tpu.memory_space<hbm>>
      %dma_start3A_1236 = arith.constant 0 : i32
      %dma_start3A_1237 = arith.constant 0 : i32
      %dma_start3A_1238 = tpu.memref_slice %arg10[%dma_start3A_1236, %dma_start3A_1237] : memref<16x129xf32, #tpu.memory_space<vmem>> -> memref<8x128xf32, #tpu.memory_space<vmem>>
      tpu.enqueue_dma source(%dma_start3A_1238 : memref<8x128xf32, #tpu.memory_space<vmem>>) target(%dma_start3A_1235 : memref<8x128xf32, #tpu.memory_space<hbm>>) target_semaphore(%arg18 : memref<!tpu.dma_semaphore, #tpu.memory_space<semaphore_mem>>)
      %add3A_1239 = arith.constant 5120 : i32
      %add3A_1240 = arith.addi %add3A_1178, %add3A_1239 : i32
      %dma_start3A_1241 = arith.constant 8 : i32
      %dma_start3A_1242 = arith.constant 0 : i32
      %dma_start3A_1243 = tpu.memref_slice %arg10[%dma_start3A_1241, %dma_start3A_1242] : memref<16x129xf32, #tpu.memory_space<vmem>> -> memref<8x128xf32, #tpu.memory_space<vmem>>
      %dma_start3A_1244 = arith.constant 0 : i32
      %dma_start3A_1245 = tpu.memref_slice %arg4[%add3A_1240, %dma_start3A_1244] : memref<212992x128xf32, #tpu.memory_space<hbm>> -> memref<8x128xf32, #tpu.memory_space<hbm>>
      %dma_start3A_1246 = arith.constant 0 : i32
      %dma_start3A_1247 = tpu.memref_slice %arg4[%add3A_1240, %dma_start3A_1246] : memref<212992x128xf32, #tpu.memory_space<hbm>> -> memref<8x128xf32, #tpu.memory_space<hbm>>
      %dma_start3A_1248 = arith.constant 8 : i32
      %dma_start3A_1249 = arith.constant 0 : i32
      %dma_start3A_1250 = tpu.memref_slice %arg10[%dma_start3A_1248, %dma_start3A_1249] : memref<16x129xf32, #tpu.memory_space<vmem>> -> memref<8x128xf32, #tpu.memory_space<vmem>>
      tpu.enqueue_dma source(%dma_start3A_1250 : memref<8x128xf32, #tpu.memory_space<vmem>>) target(%dma_start3A_1247 : memref<8x128xf32, #tpu.memory_space<hbm>>) target_semaphore(%arg18 : memref<!tpu.dma_semaphore, #tpu.memory_space<semaphore_mem>>)
      %add3A_1251 = arith.constant 6144 : i32
      %add3A_1252 = arith.addi %add3A_1178, %add3A_1251 : i32
      %dma_start3A_1253 = arith.constant 0 : i32
      %dma_start3A_1254 = arith.constant 0 : i32
      %dma_start3A_1255 = tpu.memref_slice %arg11[%dma_start3A_1253, %dma_start3A_1254] : memref<16x129xf32, #tpu.memory_space<vmem>> -> memref<8x128xf32, #tpu.memory_space<vmem>>
      %dma_start3A_1256 = arith.constant 0 : i32
      %dma_start3A_1257 = tpu.memref_slice %arg4[%add3A_1252, %dma_start3A_1256] : memref<212992x128xf32, #tpu.memory_space<hbm>> -> memref<8x128xf32, #tpu.memory_space<hbm>>
      %dma_start3A_1258 = arith.constant 0 : i32
      %dma_start3A_1259 = tpu.memref_slice %arg4[%add3A_1252, %dma_start3A_1258] : memref<212992x128xf32, #tpu.memory_space<hbm>> -> memref<8x128xf32, #tpu.memory_space<hbm>>
      %dma_start3A_1260 = arith.constant 0 : i32
      %dma_start3A_1261 = arith.constant 0 : i32
      %dma_start3A_1262 = tpu.memref_slice %arg11[%dma_start3A_1260, %dma_start3A_1261] : memref<16x129xf32, #tpu.memory_space<vmem>> -> memref<8x128xf32, #tpu.memory_space<vmem>>
      tpu.enqueue_dma source(%dma_start3A_1262 : memref<8x128xf32, #tpu.memory_space<vmem>>) target(%dma_start3A_1259 : memref<8x128xf32, #tpu.memory_space<hbm>>) target_semaphore(%arg18 : memref<!tpu.dma_semaphore, #tpu.memory_space<semaphore_mem>>)
      %add3A_1263 = arith.constant 7168 : i32
      %add3A_1264 = arith.addi %add3A_1178, %add3A_1263 : i32
      %dma_start3A_1265 = arith.constant 8 : i32
      %dma_start3A_1266 = arith.constant 0 : i32
      %dma_start3A_1267 = tpu.memref_slice %arg11[%dma_start3A_1265, %dma_start3A_1266] : memref<16x129xf32, #tpu.memory_space<vmem>> -> memref<8x128xf32, #tpu.memory_space<vmem>>
      %dma_start3A_1268 = arith.constant 0 : i32
      %dma_start3A_1269 = tpu.memref_slice %arg4[%add3A_1264, %dma_start3A_1268] : memref<212992x128xf32, #tpu.memory_space<hbm>> -> memref<8x128xf32, #tpu.memory_space<hbm>>
      %dma_start3A_1270 = arith.constant 0 : i32
      %dma_start3A_1271 = tpu.memref_slice %arg4[%add3A_1264, %dma_start3A_1270] : memref<212992x128xf32, #tpu.memory_space<hbm>> -> memref<8x128xf32, #tpu.memory_space<hbm>>
      %dma_start3A_1272 = arith.constant 8 : i32
      %dma_start3A_1273 = arith.constant 0 : i32
      %dma_start3A_1274 = tpu.memref_slice %arg11[%dma_start3A_1272, %dma_start3A_1273] : memref<16x129xf32, #tpu.memory_space<vmem>> -> memref<8x128xf32, #tpu.memory_space<vmem>>
      tpu.enqueue_dma source(%dma_start3A_1274 : memref<8x128xf32, #tpu.memory_space<vmem>>) target(%dma_start3A_1271 : memref<8x128xf32, #tpu.memory_space<hbm>>) target_semaphore(%arg18 : memref<!tpu.dma_semaphore, #tpu.memory_space<semaphore_mem>>)
      %add3A_1275 = arith.constant 2 : i32
      %add3A_1276 = arith.addi %add3A_1026, %add3A_1275 : i32
      %dma_start3A_1277 = arith.constant 0 : i32
      %dma_start3A_1278 = tpu.memref_slice %arg5[%add3A_1276, %dma_start3A_1277] : memref<104x128xi32, #tpu.memory_space<vmem>> -> memref<1x128xi32, #tpu.memory_space<vmem>>
      %dma_start3A_1279 = tpu.memref_squeeze %dma_start3A_1278 : memref<1x128xi32, #tpu.memory_space<vmem>> -> memref<128xi32, #tpu.memory_space<vmem>>
      %dma_start3A_1280 = arith.constant 0 : i32
      %dma_start3A_1281 = arith.constant 0 : i32
      %dma_start3A_1282 = tpu.memref_slice %arg2[%dma_start3A_1280, %dma_start3A_1281] : memref<1000000x64xf32, #tpu.memory_space<hbm>> -> memref<1000000x64xf32, #tpu.memory_space<hbm>>
      tpu.enqueue_indirect_dma source(%dma_start3A_1282 : memref<1000000x64xf32, #tpu.memory_space<hbm>>) target(%arg6 : memref<128x64xf32, #tpu.memory_space<vmem>>) offsets(%dma_start3A_1279 : memref<128xi32, #tpu.memory_space<vmem>>) semaphore(%arg16 : memref<!tpu.dma_semaphore, #tpu.memory_space<semaphore_mem>>)
      %mul3A_1283 = arith.constant 2 : i32
      %mul3A_1284 = arith.muli %mul3A_1283, %scan3A_1022 : i32
      %add3A_1285 = arith.constant 1 : i32
      %add3A_1286 = arith.addi %mul3A_1284, %add3A_1285 : i32
      %dma_wait3A_1287 = arith.constant 0 : i32
      %dma_wait3A_1288 = arith.constant 0 : i32
      %dma_wait3A_1289 = tpu.memref_slice %arg12[%dma_wait3A_1287, %dma_wait3A_1288] : memref<16x129xf32, #tpu.memory_space<vmem>> -> memref<8x128xf32, #tpu.memory_space<vmem>>
      %dma_wait3A_1290 = arith.constant 0 : i32
      %dma_wait3A_1291 = arith.constant 0 : i32
      %dma_wait3A_1292 = tpu.memref_slice %arg4[%dma_wait3A_1290, %dma_wait3A_1291] : memref<212992x128xf32, #tpu.memory_space<hbm>> -> memref<8x128xf32, #tpu.memory_space<hbm>>
      %dma_wait3A_1293 = arith.constant 0 : i32
      %dma_wait3A_1294 = arith.constant 0 : i32
      %dma_wait3A_1295 = tpu.memref_slice %arg4[%dma_wait3A_1293, %dma_wait3A_1294] : memref<212992x128xf32, #tpu.memory_space<hbm>> -> memref<8x128xf32, #tpu.memory_space<hbm>>
      %dma_wait3A_1296 = arith.constant 0 : i32
      %dma_wait3A_1297 = arith.constant 0 : i32
      %dma_wait3A_1298 = tpu.memref_slice %arg12[%dma_wait3A_1296, %dma_wait3A_1297] : memref<16x129xf32, #tpu.memory_space<vmem>> -> memref<8x128xf32, #tpu.memory_space<vmem>>
      tpu.wait_dma2 semaphore(%arg19 : memref<!tpu.dma_semaphore, #tpu.memory_space<semaphore_mem>>) src(%dma_wait3A_1298 : memref<8x128xf32, #tpu.memory_space<vmem>>) dst(%dma_wait3A_1295 : memref<8x128xf32, #tpu.memory_space<hbm>>)
      %dma_wait3A_1299 = arith.constant 0 : i32
      %dma_wait3A_1300 = arith.constant 0 : i32
      %dma_wait3A_1301 = tpu.memref_slice %arg12[%dma_wait3A_1299, %dma_wait3A_1300] : memref<16x129xf32, #tpu.memory_space<vmem>> -> memref<8x128xf32, #tpu.memory_space<vmem>>
      %dma_wait3A_1302 = arith.constant 0 : i32
      %dma_wait3A_1303 = arith.constant 0 : i32
      %dma_wait3A_1304 = tpu.memref_slice %arg4[%dma_wait3A_1302, %dma_wait3A_1303] : memref<212992x128xf32, #tpu.memory_space<hbm>> -> memref<8x128xf32, #tpu.memory_space<hbm>>
      %dma_wait3A_1305 = arith.constant 0 : i32
      %dma_wait3A_1306 = arith.constant 0 : i32
      %dma_wait3A_1307 = tpu.memref_slice %arg4[%dma_wait3A_1305, %dma_wait3A_1306] : memref<212992x128xf32, #tpu.memory_space<hbm>> -> memref<8x128xf32, #tpu.memory_space<hbm>>
      %dma_wait3A_1308 = arith.constant 0 : i32
      %dma_wait3A_1309 = arith.constant 0 : i32
      %dma_wait3A_1310 = tpu.memref_slice %arg12[%dma_wait3A_1308, %dma_wait3A_1309] : memref<16x129xf32, #tpu.memory_space<vmem>> -> memref<8x128xf32, #tpu.memory_space<vmem>>
      tpu.wait_dma2 semaphore(%arg19 : memref<!tpu.dma_semaphore, #tpu.memory_space<semaphore_mem>>) src(%dma_wait3A_1310 : memref<8x128xf32, #tpu.memory_space<vmem>>) dst(%dma_wait3A_1307 : memref<8x128xf32, #tpu.memory_space<hbm>>)
      %dma_wait3A_1311 = arith.constant 0 : i32
      %dma_wait3A_1312 = arith.constant 0 : i32
      %dma_wait3A_1313 = tpu.memref_slice %arg13[%dma_wait3A_1311, %dma_wait3A_1312] : memref<16x129xf32, #tpu.memory_space<vmem>> -> memref<8x128xf32, #tpu.memory_space<vmem>>
      %dma_wait3A_1314 = arith.constant 0 : i32
      %dma_wait3A_1315 = arith.constant 0 : i32
      %dma_wait3A_1316 = tpu.memref_slice %arg4[%dma_wait3A_1314, %dma_wait3A_1315] : memref<212992x128xf32, #tpu.memory_space<hbm>> -> memref<8x128xf32, #tpu.memory_space<hbm>>
      %dma_wait3A_1317 = arith.constant 0 : i32
      %dma_wait3A_1318 = arith.constant 0 : i32
      %dma_wait3A_1319 = tpu.memref_slice %arg4[%dma_wait3A_1317, %dma_wait3A_1318] : memref<212992x128xf32, #tpu.memory_space<hbm>> -> memref<8x128xf32, #tpu.memory_space<hbm>>
      %dma_wait3A_1320 = arith.constant 0 : i32
      %dma_wait3A_1321 = arith.constant 0 : i32
      %dma_wait3A_1322 = tpu.memref_slice %arg13[%dma_wait3A_1320, %dma_wait3A_1321] : memref<16x129xf32, #tpu.memory_space<vmem>> -> memref<8x128xf32, #tpu.memory_space<vmem>>
      tpu.wait_dma2 semaphore(%arg19 : memref<!tpu.dma_semaphore, #tpu.memory_space<semaphore_mem>>) src(%dma_wait3A_1322 : memref<8x128xf32, #tpu.memory_space<vmem>>) dst(%dma_wait3A_1319 : memref<8x128xf32, #tpu.memory_space<hbm>>)
      %dma_wait3A_1323 = arith.constant 0 : i32
      %dma_wait3A_1324 = arith.constant 0 : i32
      %dma_wait3A_1325 = tpu.memref_slice %arg13[%dma_wait3A_1323, %dma_wait3A_1324] : memref<16x129xf32, #tpu.memory_space<vmem>> -> memref<8x128xf32, #tpu.memory_space<vmem>>
      %dma_wait3A_1326 = arith.constant 0 : i32
      %dma_wait3A_1327 = arith.constant 0 : i32
      %dma_wait3A_1328 = tpu.memref_slice %arg4[%dma_wait3A_1326, %dma_wait3A_1327] : memref<212992x128xf32, #tpu.memory_space<hbm>> -> memref<8x128xf32, #tpu.memory_space<hbm>>
      %dma_wait3A_1329 = arith.constant 0 : i32
      %dma_wait3A_1330 = arith.constant 0 : i32
      %dma_wait3A_1331 = tpu.memref_slice %arg4[%dma_wait3A_1329, %dma_wait3A_1330] : memref<212992x128xf32, #tpu.memory_space<hbm>> -> memref<8x128xf32, #tpu.memory_space<hbm>>
      %dma_wait3A_1332 = arith.constant 0 : i32
      %dma_wait3A_1333 = arith.constant 0 : i32
      %dma_wait3A_1334 = tpu.memref_slice %arg13[%dma_wait3A_1332, %dma_wait3A_1333] : memref<16x129xf32, #tpu.memory_space<vmem>> -> memref<8x128xf32, #tpu.memory_space<vmem>>
      tpu.wait_dma2 semaphore(%arg19 : memref<!tpu.dma_semaphore, #tpu.memory_space<semaphore_mem>>) src(%dma_wait3A_1334 : memref<8x128xf32, #tpu.memory_space<vmem>>) dst(%dma_wait3A_1331 : memref<8x128xf32, #tpu.memory_space<hbm>>)
      %dma_wait3A_1335 = arith.constant 0 : i32
      %dma_wait3A_1336 = arith.constant 0 : i32
      %dma_wait3A_1337 = tpu.memref_slice %arg14[%dma_wait3A_1335, %dma_wait3A_1336] : memref<16x129xf32, #tpu.memory_space<vmem>> -> memref<8x128xf32, #tpu.memory_space<vmem>>
      %dma_wait3A_1338 = arith.constant 0 : i32
      %dma_wait3A_1339 = arith.constant 0 : i32
      %dma_wait3A_1340 = tpu.memref_slice %arg4[%dma_wait3A_1338, %dma_wait3A_1339] : memref<212992x128xf32, #tpu.memory_space<hbm>> -> memref<8x128xf32, #tpu.memory_space<hbm>>
      %dma_wait3A_1341 = arith.constant 0 : i32
      %dma_wait3A_1342 = arith.constant 0 : i32
      %dma_wait3A_1343 = tpu.memref_slice %arg4[%dma_wait3A_1341, %dma_wait3A_1342] : memref<212992x128xf32, #tpu.memory_space<hbm>> -> memref<8x128xf32, #tpu.memory_space<hbm>>
      %dma_wait3A_1344 = arith.constant 0 : i32
      %dma_wait3A_1345 = arith.constant 0 : i32
      %dma_wait3A_1346 = tpu.memref_slice %arg14[%dma_wait3A_1344, %dma_wait3A_1345] : memref<16x129xf32, #tpu.memory_space<vmem>> -> memref<8x128xf32, #tpu.memory_space<vmem>>
      tpu.wait_dma2 semaphore(%arg19 : memref<!tpu.dma_semaphore, #tpu.memory_space<semaphore_mem>>) src(%dma_wait3A_1346 : memref<8x128xf32, #tpu.memory_space<vmem>>) dst(%dma_wait3A_1343 : memref<8x128xf32, #tpu.memory_space<hbm>>)
      %dma_wait3A_1347 = arith.constant 0 : i32
      %dma_wait3A_1348 = arith.constant 0 : i32
      %dma_wait3A_1349 = tpu.memref_slice %arg14[%dma_wait3A_1347, %dma_wait3A_1348] : memref<16x129xf32, #tpu.memory_space<vmem>> -> memref<8x128xf32, #tpu.memory_space<vmem>>
      %dma_wait3A_1350 = arith.constant 0 : i32
      %dma_wait3A_1351 = arith.constant 0 : i32
      %dma_wait3A_1352 = tpu.memref_slice %arg4[%dma_wait3A_1350, %dma_wait3A_1351] : memref<212992x128xf32, #tpu.memory_space<hbm>> -> memref<8x128xf32, #tpu.memory_space<hbm>>
      %dma_wait3A_1353 = arith.constant 0 : i32
      %dma_wait3A_1354 = arith.constant 0 : i32
      %dma_wait3A_1355 = tpu.memref_slice %arg4[%dma_wait3A_1353, %dma_wait3A_1354] : memref<212992x128xf32, #tpu.memory_space<hbm>> -> memref<8x128xf32, #tpu.memory_space<hbm>>
      %dma_wait3A_1356 = arith.constant 0 : i32
      %dma_wait3A_1357 = arith.constant 0 : i32
      %dma_wait3A_1358 = tpu.memref_slice %arg14[%dma_wait3A_1356, %dma_wait3A_1357] : memref<16x129xf32, #tpu.memory_space<vmem>> -> memref<8x128xf32, #tpu.memory_space<vmem>>
      tpu.wait_dma2 semaphore(%arg19 : memref<!tpu.dma_semaphore, #tpu.memory_space<semaphore_mem>>) src(%dma_wait3A_1358 : memref<8x128xf32, #tpu.memory_space<vmem>>) dst(%dma_wait3A_1355 : memref<8x128xf32, #tpu.memory_space<hbm>>)
      %dma_wait3A_1359 = arith.constant 0 : i32
      %dma_wait3A_1360 = arith.constant 0 : i32
      %dma_wait3A_1361 = tpu.memref_slice %arg15[%dma_wait3A_1359, %dma_wait3A_1360] : memref<16x129xf32, #tpu.memory_space<vmem>> -> memref<8x128xf32, #tpu.memory_space<vmem>>
      %dma_wait3A_1362 = arith.constant 0 : i32
      %dma_wait3A_1363 = arith.constant 0 : i32
      %dma_wait3A_1364 = tpu.memref_slice %arg4[%dma_wait3A_1362, %dma_wait3A_1363] : memref<212992x128xf32, #tpu.memory_space<hbm>> -> memref<8x128xf32, #tpu.memory_space<hbm>>
      %dma_wait3A_1365 = arith.constant 0 : i32
      %dma_wait3A_1366 = arith.constant 0 : i32
      %dma_wait3A_1367 = tpu.memref_slice %arg4[%dma_wait3A_1365, %dma_wait3A_1366] : memref<212992x128xf32, #tpu.memory_space<hbm>> -> memref<8x128xf32, #tpu.memory_space<hbm>>
      %dma_wait3A_1368 = arith.constant 0 : i32
      %dma_wait3A_1369 = arith.constant 0 : i32
      %dma_wait3A_1370 = tpu.memref_slice %arg15[%dma_wait3A_1368, %dma_wait3A_1369] : memref<16x129xf32, #tpu.memory_space<vmem>> -> memref<8x128xf32, #tpu.memory_space<vmem>>
      tpu.wait_dma2 semaphore(%arg19 : memref<!tpu.dma_semaphore, #tpu.memory_space<semaphore_mem>>) src(%dma_wait3A_1370 : memref<8x128xf32, #tpu.memory_space<vmem>>) dst(%dma_wait3A_1367 : memref<8x128xf32, #tpu.memory_space<hbm>>)
      %dma_wait3A_1371 = arith.constant 0 : i32
      %dma_wait3A_1372 = arith.constant 0 : i32
      %dma_wait3A_1373 = tpu.memref_slice %arg15[%dma_wait3A_1371, %dma_wait3A_1372] : memref<16x129xf32, #tpu.memory_space<vmem>> -> memref<8x128xf32, #tpu.memory_space<vmem>>
      %dma_wait3A_1374 = arith.constant 0 : i32
      %dma_wait3A_1375 = arith.constant 0 : i32
      %dma_wait3A_1376 = tpu.memref_slice %arg4[%dma_wait3A_1374, %dma_wait3A_1375] : memref<212992x128xf32, #tpu.memory_space<hbm>> -> memref<8x128xf32, #tpu.memory_space<hbm>>
      %dma_wait3A_1377 = arith.constant 0 : i32
      %dma_wait3A_1378 = arith.constant 0 : i32
      %dma_wait3A_1379 = tpu.memref_slice %arg4[%dma_wait3A_1377, %dma_wait3A_1378] : memref<212992x128xf32, #tpu.memory_space<hbm>> -> memref<8x128xf32, #tpu.memory_space<hbm>>
      %dma_wait3A_1380 = arith.constant 0 : i32
      %dma_wait3A_1381 = arith.constant 0 : i32
      %dma_wait3A_1382 = tpu.memref_slice %arg15[%dma_wait3A_1380, %dma_wait3A_1381] : memref<16x129xf32, #tpu.memory_space<vmem>> -> memref<8x128xf32, #tpu.memory_space<vmem>>
      tpu.wait_dma2 semaphore(%arg19 : memref<!tpu.dma_semaphore, #tpu.memory_space<semaphore_mem>>) src(%dma_wait3A_1382 : memref<8x128xf32, #tpu.memory_space<vmem>>) dst(%dma_wait3A_1379 : memref<8x128xf32, #tpu.memory_space<hbm>>)
      %dma_wait3A_1383 = arith.constant 0 : i32
      %dma_wait3A_1384 = arith.constant 0 : i32
      %dma_wait3A_1385 = tpu.memref_slice %arg5[%dma_wait3A_1383, %dma_wait3A_1384] : memref<104x128xi32, #tpu.memory_space<vmem>> -> memref<1x128xi32, #tpu.memory_space<vmem>>
      %dma_wait3A_1386 = tpu.memref_squeeze %dma_wait3A_1385 : memref<1x128xi32, #tpu.memory_space<vmem>> -> memref<128xi32, #tpu.memory_space<vmem>>
      %dma_wait3A_1387 = arith.constant 0 : i32
      %dma_wait3A_1388 = arith.constant 0 : i32
      %dma_wait3A_1389 = tpu.memref_slice %arg2[%dma_wait3A_1387, %dma_wait3A_1388] : memref<1000000x64xf32, #tpu.memory_space<hbm>> -> memref<1000000x64xf32, #tpu.memory_space<hbm>>
      tpu.wait_indirect_dma semaphore(%arg17 : memref<!tpu.dma_semaphore, #tpu.memory_space<semaphore_mem>>) src(%dma_wait3A_1389 : memref<1000000x64xf32, #tpu.memory_space<hbm>>) dst(%arg7 : memref<128x64xf32, #tpu.memory_space<vmem>>)
      %parallel_loop3A_1390 = arith.constant 0 : i32
      %parallel_loop3A_1391 = arith.constant 128 : i32
      %parallel_loop3A_1392 = arith.constant 1 : i32
      scf.for %parallel_loop3A_1543 = %parallel_loop3A_1390 to %parallel_loop3A_1391 step %parallel_loop3A_1392  : i32 {
        %parallel_loop3A_1544 = vector.broadcast %parallel_loop3A_1543 : i32 to vector<16xi32>
        %parallel_loop3A_1545 = arith.addi %mul3A_5, %parallel_loop3A_1544 : vector<16xi32>
        %parallel_loop3A_1546 = arith.index_cast %parallel_loop3A_1543 : i32 to index
        %parallel_loop3A_1547 = arith.constant 0 : index
        %parallel_loop3A_1548 = tpu.vector_load %arg7[%parallel_loop3A_1546, %parallel_loop3A_1547] {strides = array<i32>} : memref<128x64xf32, #tpu.memory_space<vmem>>, vector<16xf32>,
        tpu.vector_store_idx %arg12[%iota3A, %parallel_loop3A_1545], %parallel_loop3A_1548 : memref<16x129xf32, #tpu.memory_space<vmem>>[vector<16xi32>, vector<16xi32>], vector<16xf32>,
        %parallel_loop3A_1549 = arith.index_cast %parallel_loop3A_1543 : i32 to index
        %parallel_loop3A_1550 = arith.constant 16 : index
        %parallel_loop3A_1551 = tpu.vector_load %arg7[%parallel_loop3A_1549, %parallel_loop3A_1550] {strides = array<i32>} : memref<128x64xf32, #tpu.memory_space<vmem>>, vector<16xf32>,
        tpu.vector_store_idx %arg13[%iota3A, %parallel_loop3A_1545], %parallel_loop3A_1551 : memref<16x129xf32, #tpu.memory_space<vmem>>[vector<16xi32>, vector<16xi32>], vector<16xf32>,
        %parallel_loop3A_1552 = arith.index_cast %parallel_loop3A_1543 : i32 to index
        %parallel_loop3A_1553 = arith.constant 32 : index
        %parallel_loop3A_1554 = tpu.vector_load %arg7[%parallel_loop3A_1552, %parallel_loop3A_1553] {strides = array<i32>} : memref<128x64xf32, #tpu.memory_space<vmem>>, vector<16xf32>,
        tpu.vector_store_idx %arg14[%iota3A, %parallel_loop3A_1545], %parallel_loop3A_1554 : memref<16x129xf32, #tpu.memory_space<vmem>>[vector<16xi32>, vector<16xi32>], vector<16xf32>,
        %parallel_loop3A_1555 = arith.index_cast %parallel_loop3A_1543 : i32 to index
        %parallel_loop3A_1556 = arith.constant 48 : index
        %parallel_loop3A_1557 = tpu.vector_load %arg7[%parallel_loop3A_1555, %parallel_loop3A_1556] {strides = array<i32>} : memref<128x64xf32, #tpu.memory_space<vmem>>, vector<16xf32>,
        tpu.vector_store_idx %arg15[%iota3A, %parallel_loop3A_1545], %parallel_loop3A_1557 : memref<16x129xf32, #tpu.memory_space<vmem>>[vector<16xi32>, vector<16xi32>], vector<16xf32>,
      } {sc.loop_unroll_factor = 8 : i64, sc.parallel_access}
      %add3A_1393 = arith.addi %mul3A_2, %add3A_1286 : i32
      %jit3A_1394 = arith.constant 128 : i32
      %div3A_1395 = arith.divsi %add3A_1393, %jit3A_1394 : i32
      %sign3A_1396 = arith.constant 0 : i32
      %sign3A_1397 = arith.cmpi sgt, %add3A_1393, %sign3A_1396 : i32
      %sign3A_1398 = arith.extui %sign3A_1397 : i1 to i32
      %sign3A_1399 = arith.constant 0 : i32
      %sign3A_1400 = arith.cmpi slt, %add3A_1393, %sign3A_1399 : i32
      %sign3A_1401 = arith.extui %sign3A_1400 : i1 to i32
      %sign3A_1402 = arith.subi %sign3A_1398, %sign3A_1401 : i32
      %sign3A_1403 = arith.constant 0 : i32
      %sign3A_1404 = arith.cmpi sgt, %jit3A_1394, %sign3A_1403 : i32
      %sign3A_1405 = arith.extui %sign3A_1404 : i1 to i32
      %sign3A_1406 = arith.constant 0 : i32
      %sign3A_1407 = arith.cmpi slt, %jit3A_1394, %sign3A_1406 : i32
      %sign3A_1408 = arith.extui %sign3A_1407 : i1 to i32
      %sign3A_1409 = arith.subi %sign3A_1405, %sign3A_1408 : i32
      %ne3A_1410 = arith.cmpi ne, %sign3A_1402, %sign3A_1409 : i32
      %rem3A_1411 = arith.remsi %add3A_1393, %jit3A_1394 : i32
      %ne3A_1412 = arith.constant 0 : i32
      %ne3A_1413 = arith.cmpi ne, %rem3A_1411, %ne3A_1412 : i32
      %and3A_1414 = arith.andi %ne3A_1410, %ne3A_1413 : i1
      %sub3A_1415 = arith.constant 1 : i32
      %sub3A_1416 = arith.subi %div3A_1395, %sub3A_1415 : i32
      %select_n3A_1417 = arith.select %and3A_1414, %sub3A_1416, %div3A_1395 : i32
      %jit3A_1418 = arith.constant 128 : i32
      %eq3A_1419 = arith.constant 0 : i32
      %eq3A_1420 = arith.cmpi eq, %jit3A_1418, %eq3A_1419 : i32
      %jit3A_1421 = arith.constant 1 : i32
      %select_n3A_1422 = arith.select %eq3A_1420, %jit3A_1421, %jit3A_1418 : i32
      %rem3A_1423 = arith.remsi %add3A_1393, %select_n3A_1422 : i32
      %ne3A_1424 = arith.constant 0 : i32
      %ne3A_1425 = arith.cmpi ne, %rem3A_1423, %ne3A_1424 : i32
      %lt3A_1426 = arith.constant 0 : i32
      %lt3A_1427 = arith.cmpi slt, %rem3A_1423, %lt3A_1426 : i32
      %lt3A_1428 = arith.constant 0 : i32
      %lt3A_1429 = arith.cmpi slt, %select_n3A_1422, %lt3A_1428 : i32
      %ne3A_1430 = arith.xori %lt3A_1427, %lt3A_1429 : i1
      %and3A_1431 = arith.andi %ne3A_1430, %ne3A_1425 : i1
      %add3A_1432 = arith.addi %rem3A_1423, %select_n3A_1422 : i32
      %select_n3A_1433 = arith.select %and3A_1431, %add3A_1432, %rem3A_1423 : i32
      %mul3A_1434 = arith.constant 8192 : i32
      %mul3A_1435 = arith.muli %select_n3A_1417, %mul3A_1434 : i32
      %mul3A_1436 = arith.constant 8 : i32
      %mul3A_1437 = arith.muli %select_n3A_1433, %mul3A_1436 : i32
      %add3A_1438 = arith.addi %mul3A_1435, %mul3A_1437 : i32
      %add3A_1439 = arith.constant 0 : i32
      %add3A_1440 = arith.addi %add3A_1438, %add3A_1439 : i32
      %dma_start3A_1441 = arith.constant 0 : i32
      %dma_start3A_1442 = arith.constant 0 : i32
      %dma_start3A_1443 = tpu.memref_slice %arg12[%dma_start3A_1441, %dma_start3A_1442] : memref<16x129xf32, #tpu.memory_space<vmem>> -> memref<8x128xf32, #tpu.memory_space<vmem>>
      %dma_start3A_1444 = arith.constant 0 : i32
      %dma_start3A_1445 = tpu.memref_slice %arg4[%add3A_1440, %dma_start3A_1444] : memref<212992x128xf32, #tpu.memory_space<hbm>> -> memref<8x128xf32, #tpu.memory_space<hbm>>
      %dma_start3A_1446 = arith.constant 0 : i32
      %dma_start3A_1447 = tpu.memref_slice %arg4[%add3A_1440, %dma_start3A_1446] : memref<212992x128xf32, #tpu.memory_space<hbm>> -> memref<8x128xf32, #tpu.memory_space<hbm>>
      %dma_start3A_1448 = arith.constant 0 : i32
      %dma_start3A_1449 = arith.constant 0 : i32
      %dma_start3A_1450 = tpu.memref_slice %arg12[%dma_start3A_1448, %dma_start3A_1449] : memref<16x129xf32, #tpu.memory_space<vmem>> -> memref<8x128xf32, #tpu.memory_space<vmem>>
      tpu.enqueue_dma source(%dma_start3A_1450 : memref<8x128xf32, #tpu.memory_space<vmem>>) target(%dma_start3A_1447 : memref<8x128xf32, #tpu.memory_space<hbm>>) target_semaphore(%arg19 : memref<!tpu.dma_semaphore, #tpu.memory_space<semaphore_mem>>)
      %add3A_1451 = arith.constant 1024 : i32
      %add3A_1452 = arith.addi %add3A_1438, %add3A_1451 : i32
      %dma_start3A_1453 = arith.constant 8 : i32
      %dma_start3A_1454 = arith.constant 0 : i32
      %dma_start3A_1455 = tpu.memref_slice %arg12[%dma_start3A_1453, %dma_start3A_1454] : memref<16x129xf32, #tpu.memory_space<vmem>> -> memref<8x128xf32, #tpu.memory_space<vmem>>
      %dma_start3A_1456 = arith.constant 0 : i32
      %dma_start3A_1457 = tpu.memref_slice %arg4[%add3A_1452, %dma_start3A_1456] : memref<212992x128xf32, #tpu.memory_space<hbm>> -> memref<8x128xf32, #tpu.memory_space<hbm>>
      %dma_start3A_1458 = arith.constant 0 : i32
      %dma_start3A_1459 = tpu.memref_slice %arg4[%add3A_1452, %dma_start3A_1458] : memref<212992x128xf32, #tpu.memory_space<hbm>> -> memref<8x128xf32, #tpu.memory_space<hbm>>
      %dma_start3A_1460 = arith.constant 8 : i32
      %dma_start3A_1461 = arith.constant 0 : i32
      %dma_start3A_1462 = tpu.memref_slice %arg12[%dma_start3A_1460, %dma_start3A_1461] : memref<16x129xf32, #tpu.memory_space<vmem>> -> memref<8x128xf32, #tpu.memory_space<vmem>>
      tpu.enqueue_dma source(%dma_start3A_1462 : memref<8x128xf32, #tpu.memory_space<vmem>>) target(%dma_start3A_1459 : memref<8x128xf32, #tpu.memory_space<hbm>>) target_semaphore(%arg19 : memref<!tpu.dma_semaphore, #tpu.memory_space<semaphore_mem>>)
      %add3A_1463 = arith.constant 2048 : i32
      %add3A_1464 = arith.addi %add3A_1438, %add3A_1463 : i32
      %dma_start3A_1465 = arith.constant 0 : i32
      %dma_start3A_1466 = arith.constant 0 : i32
      %dma_start3A_1467 = tpu.memref_slice %arg13[%dma_start3A_1465, %dma_start3A_1466] : memref<16x129xf32, #tpu.memory_space<vmem>> -> memref<8x128xf32, #tpu.memory_space<vmem>>
      %dma_start3A_1468 = arith.constant 0 : i32
      %dma_start3A_1469 = tpu.memref_slice %arg4[%add3A_1464, %dma_start3A_1468] : memref<212992x128xf32, #tpu.memory_space<hbm>> -> memref<8x128xf32, #tpu.memory_space<hbm>>
      %dma_start3A_1470 = arith.constant 0 : i32
      %dma_start3A_1471 = tpu.memref_slice %arg4[%add3A_1464, %dma_start3A_1470] : memref<212992x128xf32, #tpu.memory_space<hbm>> -> memref<8x128xf32, #tpu.memory_space<hbm>>
      %dma_start3A_1472 = arith.constant 0 : i32
      %dma_start3A_1473 = arith.constant 0 : i32
      %dma_start3A_1474 = tpu.memref_slice %arg13[%dma_start3A_1472, %dma_start3A_1473] : memref<16x129xf32, #tpu.memory_space<vmem>> -> memref<8x128xf32, #tpu.memory_space<vmem>>
      tpu.enqueue_dma source(%dma_start3A_1474 : memref<8x128xf32, #tpu.memory_space<vmem>>) target(%dma_start3A_1471 : memref<8x128xf32, #tpu.memory_space<hbm>>) target_semaphore(%arg19 : memref<!tpu.dma_semaphore, #tpu.memory_space<semaphore_mem>>)
      %add3A_1475 = arith.constant 3072 : i32
      %add3A_1476 = arith.addi %add3A_1438, %add3A_1475 : i32
      %dma_start3A_1477 = arith.constant 8 : i32
      %dma_start3A_1478 = arith.constant 0 : i32
      %dma_start3A_1479 = tpu.memref_slice %arg13[%dma_start3A_1477, %dma_start3A_1478] : memref<16x129xf32, #tpu.memory_space<vmem>> -> memref<8x128xf32, #tpu.memory_space<vmem>>
      %dma_start3A_1480 = arith.constant 0 : i32
      %dma_start3A_1481 = tpu.memref_slice %arg4[%add3A_1476, %dma_start3A_1480] : memref<212992x128xf32, #tpu.memory_space<hbm>> -> memref<8x128xf32, #tpu.memory_space<hbm>>
      %dma_start3A_1482 = arith.constant 0 : i32
      %dma_start3A_1483 = tpu.memref_slice %arg4[%add3A_1476, %dma_start3A_1482] : memref<212992x128xf32, #tpu.memory_space<hbm>> -> memref<8x128xf32, #tpu.memory_space<hbm>>
      %dma_start3A_1484 = arith.constant 8 : i32
      %dma_start3A_1485 = arith.constant 0 : i32
      %dma_start3A_1486 = tpu.memref_slice %arg13[%dma_start3A_1484, %dma_start3A_1485] : memref<16x129xf32, #tpu.memory_space<vmem>> -> memref<8x128xf32, #tpu.memory_space<vmem>>
      tpu.enqueue_dma source(%dma_start3A_1486 : memref<8x128xf32, #tpu.memory_space<vmem>>) target(%dma_start3A_1483 : memref<8x128xf32, #tpu.memory_space<hbm>>) target_semaphore(%arg19 : memref<!tpu.dma_semaphore, #tpu.memory_space<semaphore_mem>>)
      %add3A_1487 = arith.constant 4096 : i32
      %add3A_1488 = arith.addi %add3A_1438, %add3A_1487 : i32
      %dma_start3A_1489 = arith.constant 0 : i32
      %dma_start3A_1490 = arith.constant 0 : i32
      %dma_start3A_1491 = tpu.memref_slice %arg14[%dma_start3A_1489, %dma_start3A_1490] : memref<16x129xf32, #tpu.memory_space<vmem>> -> memref<8x128xf32, #tpu.memory_space<vmem>>
      %dma_start3A_1492 = arith.constant 0 : i32
      %dma_start3A_1493 = tpu.memref_slice %arg4[%add3A_1488, %dma_start3A_1492] : memref<212992x128xf32, #tpu.memory_space<hbm>> -> memref<8x128xf32, #tpu.memory_space<hbm>>
      %dma_start3A_1494 = arith.constant 0 : i32
      %dma_start3A_1495 = tpu.memref_slice %arg4[%add3A_1488, %dma_start3A_1494] : memref<212992x128xf32, #tpu.memory_space<hbm>> -> memref<8x128xf32, #tpu.memory_space<hbm>>
      %dma_start3A_1496 = arith.constant 0 : i32
      %dma_start3A_1497 = arith.constant 0 : i32
      %dma_start3A_1498 = tpu.memref_slice %arg14[%dma_start3A_1496, %dma_start3A_1497] : memref<16x129xf32, #tpu.memory_space<vmem>> -> memref<8x128xf32, #tpu.memory_space<vmem>>
      tpu.enqueue_dma source(%dma_start3A_1498 : memref<8x128xf32, #tpu.memory_space<vmem>>) target(%dma_start3A_1495 : memref<8x128xf32, #tpu.memory_space<hbm>>) target_semaphore(%arg19 : memref<!tpu.dma_semaphore, #tpu.memory_space<semaphore_mem>>)
      %add3A_1499 = arith.constant 5120 : i32
      %add3A_1500 = arith.addi %add3A_1438, %add3A_1499 : i32
      %dma_start3A_1501 = arith.constant 8 : i32
      %dma_start3A_1502 = arith.constant 0 : i32
      %dma_start3A_1503 = tpu.memref_slice %arg14[%dma_start3A_1501, %dma_start3A_1502] : memref<16x129xf32, #tpu.memory_space<vmem>> -> memref<8x128xf32, #tpu.memory_space<vmem>>
      %dma_start3A_1504 = arith.constant 0 : i32
      %dma_start3A_1505 = tpu.memref_slice %arg4[%add3A_1500, %dma_start3A_1504] : memref<212992x128xf32, #tpu.memory_space<hbm>> -> memref<8x128xf32, #tpu.memory_space<hbm>>
      %dma_start3A_1506 = arith.constant 0 : i32
      %dma_start3A_1507 = tpu.memref_slice %arg4[%add3A_1500, %dma_start3A_1506] : memref<212992x128xf32, #tpu.memory_space<hbm>> -> memref<8x128xf32, #tpu.memory_space<hbm>>
      %dma_start3A_1508 = arith.constant 8 : i32
      %dma_start3A_1509 = arith.constant 0 : i32
      %dma_start3A_1510 = tpu.memref_slice %arg14[%dma_start3A_1508, %dma_start3A_1509] : memref<16x129xf32, #tpu.memory_space<vmem>> -> memref<8x128xf32, #tpu.memory_space<vmem>>
      tpu.enqueue_dma source(%dma_start3A_1510 : memref<8x128xf32, #tpu.memory_space<vmem>>) target(%dma_start3A_1507 : memref<8x128xf32, #tpu.memory_space<hbm>>) target_semaphore(%arg19 : memref<!tpu.dma_semaphore, #tpu.memory_space<semaphore_mem>>)
      %add3A_1511 = arith.constant 6144 : i32
      %add3A_1512 = arith.addi %add3A_1438, %add3A_1511 : i32
      %dma_start3A_1513 = arith.constant 0 : i32
      %dma_start3A_1514 = arith.constant 0 : i32
      %dma_start3A_1515 = tpu.memref_slice %arg15[%dma_start3A_1513, %dma_start3A_1514] : memref<16x129xf32, #tpu.memory_space<vmem>> -> memref<8x128xf32, #tpu.memory_space<vmem>>
      %dma_start3A_1516 = arith.constant 0 : i32
      %dma_start3A_1517 = tpu.memref_slice %arg4[%add3A_1512, %dma_start3A_1516] : memref<212992x128xf32, #tpu.memory_space<hbm>> -> memref<8x128xf32, #tpu.memory_space<hbm>>
      %dma_start3A_1518 = arith.constant 0 : i32
      %dma_start3A_1519 = tpu.memref_slice %arg4[%add3A_1512, %dma_start3A_1518] : memref<212992x128xf32, #tpu.memory_space<hbm>> -> memref<8x128xf32, #tpu.memory_space<hbm>>
      %dma_start3A_1520 = arith.constant 0 : i32
      %dma_start3A_1521 = arith.constant 0 : i32
      %dma_start3A_1522 = tpu.memref_slice %arg15[%dma_start3A_1520, %dma_start3A_1521] : memref<16x129xf32, #tpu.memory_space<vmem>> -> memref<8x128xf32, #tpu.memory_space<vmem>>
      tpu.enqueue_dma source(%dma_start3A_1522 : memref<8x128xf32, #tpu.memory_space<vmem>>) target(%dma_start3A_1519 : memref<8x128xf32, #tpu.memory_space<hbm>>) target_semaphore(%arg19 : memref<!tpu.dma_semaphore, #tpu.memory_space<semaphore_mem>>)
      %add3A_1523 = arith.constant 7168 : i32
      %add3A_1524 = arith.addi %add3A_1438, %add3A_1523 : i32
      %dma_start3A_1525 = arith.constant 8 : i32
      %dma_start3A_1526 = arith.constant 0 : i32
      %dma_start3A_1527 = tpu.memref_slice %arg15[%dma_start3A_1525, %dma_start3A_1526] : memref<16x129xf32, #tpu.memory_space<vmem>> -> memref<8x128xf32, #tpu.memory_space<vmem>>
      %dma_start3A_1528 = arith.constant 0 : i32
      %dma_start3A_1529 = tpu.memref_slice %arg4[%add3A_1524, %dma_start3A_1528] : memref<212992x128xf32, #tpu.memory_space<hbm>> -> memref<8x128xf32, #tpu.memory_space<hbm>>
      %dma_start3A_1530 = arith.constant 0 : i32
      %dma_start3A_1531 = tpu.memref_slice %arg4[%add3A_1524, %dma_start3A_1530] : memref<212992x128xf32, #tpu.memory_space<hbm>> -> memref<8x128xf32, #tpu.memory_space<hbm>>
      %dma_start3A_1532 = arith.constant 8 : i32
      %dma_start3A_1533 = arith.constant 0 : i32
      %dma_start3A_1534 = tpu.memref_slice %arg15[%dma_start3A_1532, %dma_start3A_1533] : memref<16x129xf32, #tpu.memory_space<vmem>> -> memref<8x128xf32, #tpu.memory_space<vmem>>
      tpu.enqueue_dma source(%dma_start3A_1534 : memref<8x128xf32, #tpu.memory_space<vmem>>) target(%dma_start3A_1531 : memref<8x128xf32, #tpu.memory_space<hbm>>) target_semaphore(%arg19 : memref<!tpu.dma_semaphore, #tpu.memory_space<semaphore_mem>>)
      %add3A_1535 = arith.constant 2 : i32
      %add3A_1536 = arith.addi %add3A_1286, %add3A_1535 : i32
      %dma_start3A_1537 = arith.constant 0 : i32
      %dma_start3A_1538 = tpu.memref_slice %arg5[%add3A_1536, %dma_start3A_1537] : memref<104x128xi32, #tpu.memory_space<vmem>> -> memref<1x128xi32, #tpu.memory_space<vmem>>
      %dma_start3A_1539 = tpu.memref_squeeze %dma_start3A_1538 : memref<1x128xi32, #tpu.memory_space<vmem>> -> memref<128xi32, #tpu.memory_space<vmem>>
      %dma_start3A_1540 = arith.constant 0 : i32
      %dma_start3A_1541 = arith.constant 0 : i32
      %dma_start3A_1542 = tpu.memref_slice %arg2[%dma_start3A_1540, %dma_start3A_1541] : memref<1000000x64xf32, #tpu.memory_space<hbm>> -> memref<1000000x64xf32, #tpu.memory_space<hbm>>
      tpu.enqueue_indirect_dma source(%dma_start3A_1542 : memref<1000000x64xf32, #tpu.memory_space<hbm>>) target(%arg7 : memref<128x64xf32, #tpu.memory_space<vmem>>) offsets(%dma_start3A_1539 : memref<128xi32, #tpu.memory_space<vmem>>) semaphore(%arg17 : memref<!tpu.dma_semaphore, #tpu.memory_space<semaphore_mem>>)
    }
    %scan3A_331 = arith.constant 50 : i32
    %dma_wait3A_332 = arith.constant 0 : i32
    %dma_wait3A_333 = arith.constant 0 : i32
    %dma_wait3A_334 = tpu.memref_slice %arg8[%dma_wait3A_332, %dma_wait3A_333] : memref<16x129xf32, #tpu.memory_space<vmem>> -> memref<8x128xf32, #tpu.memory_space<vmem>>
    %dma_wait3A_335 = arith.constant 0 : i32
    %dma_wait3A_336 = arith.constant 0 : i32
    %dma_wait3A_337 = tpu.memref_slice %arg4[%dma_wait3A_335, %dma_wait3A_336] : memref<212992x128xf32, #tpu.memory_space<hbm>> -> memref<8x128xf32, #tpu.memory_space<hbm>>
    %dma_wait3A_338 = arith.constant 0 : i32
    %dma_wait3A_339 = arith.constant 0 : i32
    %dma_wait3A_340 = tpu.memref_slice %arg4[%dma_wait3A_338, %dma_wait3A_339] : memref<212992x128xf32, #tpu.memory_space<hbm>> -> memref<8x128xf32, #tpu.memory_space<hbm>>
    %dma_wait3A_341 = arith.constant 0 : i32
    %dma_wait3A_342 = arith.constant 0 : i32
    %dma_wait3A_343 = tpu.memref_slice %arg8[%dma_wait3A_341, %dma_wait3A_342] : memref<16x129xf32, #tpu.memory_space<vmem>> -> memref<8x128xf32, #tpu.memory_space<vmem>>
    tpu.wait_dma2 semaphore(%arg18 : memref<!tpu.dma_semaphore, #tpu.memory_space<semaphore_mem>>) src(%dma_wait3A_343 : memref<8x128xf32, #tpu.memory_space<vmem>>) dst(%dma_wait3A_340 : memref<8x128xf32, #tpu.memory_space<hbm>>)
    %dma_wait3A_344 = arith.constant 0 : i32
    %dma_wait3A_345 = arith.constant 0 : i32
    %dma_wait3A_346 = tpu.memref_slice %arg8[%dma_wait3A_344, %dma_wait3A_345] : memref<16x129xf32, #tpu.memory_space<vmem>> -> memref<8x128xf32, #tpu.memory_space<vmem>>
    %dma_wait3A_347 = arith.constant 0 : i32
    %dma_wait3A_348 = arith.constant 0 : i32
    %dma_wait3A_349 = tpu.memref_slice %arg4[%dma_wait3A_347, %dma_wait3A_348] : memref<212992x128xf32, #tpu.memory_space<hbm>> -> memref<8x128xf32, #tpu.memory_space<hbm>>
    %dma_wait3A_350 = arith.constant 0 : i32
    %dma_wait3A_351 = arith.constant 0 : i32
    %dma_wait3A_352 = tpu.memref_slice %arg4[%dma_wait3A_350, %dma_wait3A_351] : memref<212992x128xf32, #tpu.memory_space<hbm>> -> memref<8x128xf32, #tpu.memory_space<hbm>>
    %dma_wait3A_353 = arith.constant 0 : i32
    %dma_wait3A_354 = arith.constant 0 : i32
    %dma_wait3A_355 = tpu.memref_slice %arg8[%dma_wait3A_353, %dma_wait3A_354] : memref<16x129xf32, #tpu.memory_space<vmem>> -> memref<8x128xf32, #tpu.memory_space<vmem>>
    tpu.wait_dma2 semaphore(%arg18 : memref<!tpu.dma_semaphore, #tpu.memory_space<semaphore_mem>>) src(%dma_wait3A_355 : memref<8x128xf32, #tpu.memory_space<vmem>>) dst(%dma_wait3A_352 : memref<8x128xf32, #tpu.memory_space<hbm>>)
    %dma_wait3A_356 = arith.constant 0 : i32
    %dma_wait3A_357 = arith.constant 0 : i32
    %dma_wait3A_358 = tpu.memref_slice %arg9[%dma_wait3A_356, %dma_wait3A_357] : memref<16x129xf32, #tpu.memory_space<vmem>> -> memref<8x128xf32, #tpu.memory_space<vmem>>
    %dma_wait3A_359 = arith.constant 0 : i32
    %dma_wait3A_360 = arith.constant 0 : i32
    %dma_wait3A_361 = tpu.memref_slice %arg4[%dma_wait3A_359, %dma_wait3A_360] : memref<212992x128xf32, #tpu.memory_space<hbm>> -> memref<8x128xf32, #tpu.memory_space<hbm>>
    %dma_wait3A_362 = arith.constant 0 : i32
    %dma_wait3A_363 = arith.constant 0 : i32
    %dma_wait3A_364 = tpu.memref_slice %arg4[%dma_wait3A_362, %dma_wait3A_363] : memref<212992x128xf32, #tpu.memory_space<hbm>> -> memref<8x128xf32, #tpu.memory_space<hbm>>
    %dma_wait3A_365 = arith.constant 0 : i32
    %dma_wait3A_366 = arith.constant 0 : i32
    %dma_wait3A_367 = tpu.memref_slice %arg9[%dma_wait3A_365, %dma_wait3A_366] : memref<16x129xf32, #tpu.memory_space<vmem>> -> memref<8x128xf32, #tpu.memory_space<vmem>>
    tpu.wait_dma2 semaphore(%arg18 : memref<!tpu.dma_semaphore, #tpu.memory_space<semaphore_mem>>) src(%dma_wait3A_367 : memref<8x128xf32, #tpu.memory_space<vmem>>) dst(%dma_wait3A_364 : memref<8x128xf32, #tpu.memory_space<hbm>>)
    %dma_wait3A_368 = arith.constant 0 : i32
    %dma_wait3A_369 = arith.constant 0 : i32
    %dma_wait3A_370 = tpu.memref_slice %arg9[%dma_wait3A_368, %dma_wait3A_369] : memref<16x129xf32, #tpu.memory_space<vmem>> -> memref<8x128xf32, #tpu.memory_space<vmem>>
    %dma_wait3A_371 = arith.constant 0 : i32
    %dma_wait3A_372 = arith.constant 0 : i32
    %dma_wait3A_373 = tpu.memref_slice %arg4[%dma_wait3A_371, %dma_wait3A_372] : memref<212992x128xf32, #tpu.memory_space<hbm>> -> memref<8x128xf32, #tpu.memory_space<hbm>>
    %dma_wait3A_374 = arith.constant 0 : i32
    %dma_wait3A_375 = arith.constant 0 : i32
    %dma_wait3A_376 = tpu.memref_slice %arg4[%dma_wait3A_374, %dma_wait3A_375] : memref<212992x128xf32, #tpu.memory_space<hbm>> -> memref<8x128xf32, #tpu.memory_space<hbm>>
    %dma_wait3A_377 = arith.constant 0 : i32
    %dma_wait3A_378 = arith.constant 0 : i32
    %dma_wait3A_379 = tpu.memref_slice %arg9[%dma_wait3A_377, %dma_wait3A_378] : memref<16x129xf32, #tpu.memory_space<vmem>> -> memref<8x128xf32, #tpu.memory_space<vmem>>
    tpu.wait_dma2 semaphore(%arg18 : memref<!tpu.dma_semaphore, #tpu.memory_space<semaphore_mem>>) src(%dma_wait3A_379 : memref<8x128xf32, #tpu.memory_space<vmem>>) dst(%dma_wait3A_376 : memref<8x128xf32, #tpu.memory_space<hbm>>)
    %dma_wait3A_380 = arith.constant 0 : i32
    %dma_wait3A_381 = arith.constant 0 : i32
    %dma_wait3A_382 = tpu.memref_slice %arg10[%dma_wait3A_380, %dma_wait3A_381] : memref<16x129xf32, #tpu.memory_space<vmem>> -> memref<8x128xf32, #tpu.memory_space<vmem>>
    %dma_wait3A_383 = arith.constant 0 : i32
    %dma_wait3A_384 = arith.constant 0 : i32
    %dma_wait3A_385 = tpu.memref_slice %arg4[%dma_wait3A_383, %dma_wait3A_384] : memref<212992x128xf32, #tpu.memory_space<hbm>> -> memref<8x128xf32, #tpu.memory_space<hbm>>
    %dma_wait3A_386 = arith.constant 0 : i32
    %dma_wait3A_387 = arith.constant 0 : i32
    %dma_wait3A_388 = tpu.memref_slice %arg4[%dma_wait3A_386, %dma_wait3A_387] : memref<212992x128xf32, #tpu.memory_space<hbm>> -> memref<8x128xf32, #tpu.memory_space<hbm>>
    %dma_wait3A_389 = arith.constant 0 : i32
    %dma_wait3A_390 = arith.constant 0 : i32
    %dma_wait3A_391 = tpu.memref_slice %arg10[%dma_wait3A_389, %dma_wait3A_390] : memref<16x129xf32, #tpu.memory_space<vmem>> -> memref<8x128xf32, #tpu.memory_space<vmem>>
    tpu.wait_dma2 semaphore(%arg18 : memref<!tpu.dma_semaphore, #tpu.memory_space<semaphore_mem>>) src(%dma_wait3A_391 : memref<8x128xf32, #tpu.memory_space<vmem>>) dst(%dma_wait3A_388 : memref<8x128xf32, #tpu.memory_space<hbm>>)
    %dma_wait3A_392 = arith.constant 0 : i32
    %dma_wait3A_393 = arith.constant 0 : i32
    %dma_wait3A_394 = tpu.memref_slice %arg10[%dma_wait3A_392, %dma_wait3A_393] : memref<16x129xf32, #tpu.memory_space<vmem>> -> memref<8x128xf32, #tpu.memory_space<vmem>>
    %dma_wait3A_395 = arith.constant 0 : i32
    %dma_wait3A_396 = arith.constant 0 : i32
    %dma_wait3A_397 = tpu.memref_slice %arg4[%dma_wait3A_395, %dma_wait3A_396] : memref<212992x128xf32, #tpu.memory_space<hbm>> -> memref<8x128xf32, #tpu.memory_space<hbm>>
    %dma_wait3A_398 = arith.constant 0 : i32
    %dma_wait3A_399 = arith.constant 0 : i32
    %dma_wait3A_400 = tpu.memref_slice %arg4[%dma_wait3A_398, %dma_wait3A_399] : memref<212992x128xf32, #tpu.memory_space<hbm>> -> memref<8x128xf32, #tpu.memory_space<hbm>>
    %dma_wait3A_401 = arith.constant 0 : i32
    %dma_wait3A_402 = arith.constant 0 : i32
    %dma_wait3A_403 = tpu.memref_slice %arg10[%dma_wait3A_401, %dma_wait3A_402] : memref<16x129xf32, #tpu.memory_space<vmem>> -> memref<8x128xf32, #tpu.memory_space<vmem>>
    tpu.wait_dma2 semaphore(%arg18 : memref<!tpu.dma_semaphore, #tpu.memory_space<semaphore_mem>>) src(%dma_wait3A_403 : memref<8x128xf32, #tpu.memory_space<vmem>>) dst(%dma_wait3A_400 : memref<8x128xf32, #tpu.memory_space<hbm>>)
    %dma_wait3A_404 = arith.constant 0 : i32
    %dma_wait3A_405 = arith.constant 0 : i32
    %dma_wait3A_406 = tpu.memref_slice %arg11[%dma_wait3A_404, %dma_wait3A_405] : memref<16x129xf32, #tpu.memory_space<vmem>> -> memref<8x128xf32, #tpu.memory_space<vmem>>
    %dma_wait3A_407 = arith.constant 0 : i32
    %dma_wait3A_408 = arith.constant 0 : i32
    %dma_wait3A_409 = tpu.memref_slice %arg4[%dma_wait3A_407, %dma_wait3A_408] : memref<212992x128xf32, #tpu.memory_space<hbm>> -> memref<8x128xf32, #tpu.memory_space<hbm>>
    %dma_wait3A_410 = arith.constant 0 : i32
    %dma_wait3A_411 = arith.constant 0 : i32
    %dma_wait3A_412 = tpu.memref_slice %arg4[%dma_wait3A_410, %dma_wait3A_411] : memref<212992x128xf32, #tpu.memory_space<hbm>> -> memref<8x128xf32, #tpu.memory_space<hbm>>
    %dma_wait3A_413 = arith.constant 0 : i32
    %dma_wait3A_414 = arith.constant 0 : i32
    %dma_wait3A_415 = tpu.memref_slice %arg11[%dma_wait3A_413, %dma_wait3A_414] : memref<16x129xf32, #tpu.memory_space<vmem>> -> memref<8x128xf32, #tpu.memory_space<vmem>>
    tpu.wait_dma2 semaphore(%arg18 : memref<!tpu.dma_semaphore, #tpu.memory_space<semaphore_mem>>) src(%dma_wait3A_415 : memref<8x128xf32, #tpu.memory_space<vmem>>) dst(%dma_wait3A_412 : memref<8x128xf32, #tpu.memory_space<hbm>>)
    %dma_wait3A_416 = arith.constant 0 : i32
    %dma_wait3A_417 = arith.constant 0 : i32
    %dma_wait3A_418 = tpu.memref_slice %arg11[%dma_wait3A_416, %dma_wait3A_417] : memref<16x129xf32, #tpu.memory_space<vmem>> -> memref<8x128xf32, #tpu.memory_space<vmem>>
    %dma_wait3A_419 = arith.constant 0 : i32
    %dma_wait3A_420 = arith.constant 0 : i32
    %dma_wait3A_421 = tpu.memref_slice %arg4[%dma_wait3A_419, %dma_wait3A_420] : memref<212992x128xf32, #tpu.memory_space<hbm>> -> memref<8x128xf32, #tpu.memory_space<hbm>>
    %dma_wait3A_422 = arith.constant 0 : i32
    %dma_wait3A_423 = arith.constant 0 : i32
    %dma_wait3A_424 = tpu.memref_slice %arg4[%dma_wait3A_422, %dma_wait3A_423] : memref<212992x128xf32, #tpu.memory_space<hbm>> -> memref<8x128xf32, #tpu.memory_space<hbm>>
    %dma_wait3A_425 = arith.constant 0 : i32
    %dma_wait3A_426 = arith.constant 0 : i32
    %dma_wait3A_427 = tpu.memref_slice %arg11[%dma_wait3A_425, %dma_wait3A_426] : memref<16x129xf32, #tpu.memory_space<vmem>> -> memref<8x128xf32, #tpu.memory_space<vmem>>
    tpu.wait_dma2 semaphore(%arg18 : memref<!tpu.dma_semaphore, #tpu.memory_space<semaphore_mem>>) src(%dma_wait3A_427 : memref<8x128xf32, #tpu.memory_space<vmem>>) dst(%dma_wait3A_424 : memref<8x128xf32, #tpu.memory_space<hbm>>)
    %dma_wait3A_428 = arith.constant 0 : i32
    %dma_wait3A_429 = arith.constant 0 : i32
    %dma_wait3A_430 = tpu.memref_slice %arg5[%dma_wait3A_428, %dma_wait3A_429] : memref<104x128xi32, #tpu.memory_space<vmem>> -> memref<1x128xi32, #tpu.memory_space<vmem>>
    %dma_wait3A_431 = tpu.memref_squeeze %dma_wait3A_430 : memref<1x128xi32, #tpu.memory_space<vmem>> -> memref<128xi32, #tpu.memory_space<vmem>>
    %dma_wait3A_432 = arith.constant 0 : i32
    %dma_wait3A_433 = arith.constant 0 : i32
    %dma_wait3A_434 = tpu.memref_slice %arg2[%dma_wait3A_432, %dma_wait3A_433] : memref<1000000x64xf32, #tpu.memory_space<hbm>> -> memref<1000000x64xf32, #tpu.memory_space<hbm>>
    tpu.wait_indirect_dma semaphore(%arg16 : memref<!tpu.dma_semaphore, #tpu.memory_space<semaphore_mem>>) src(%dma_wait3A_434 : memref<1000000x64xf32, #tpu.memory_space<hbm>>) dst(%arg6 : memref<128x64xf32, #tpu.memory_space<vmem>>)
    %parallel_loop3A_435 = arith.constant 0 : i32
    %parallel_loop3A_436 = arith.constant 128 : i32
    %parallel_loop3A_437 = arith.constant 1 : i32
    scf.for %parallel_loop3A_1022 = %parallel_loop3A_435 to %parallel_loop3A_436 step %parallel_loop3A_437  : i32 {
      %parallel_loop3A_1023 = vector.broadcast %parallel_loop3A_1022 : i32 to vector<16xi32>
      %parallel_loop3A_1024 = arith.addi %mul3A_5, %parallel_loop3A_1023 : vector<16xi32>
      %parallel_loop3A_1025 = arith.index_cast %parallel_loop3A_1022 : i32 to index
      %parallel_loop3A_1026 = arith.constant 0 : index
      %parallel_loop3A_1027 = tpu.vector_load %arg6[%parallel_loop3A_1025, %parallel_loop3A_1026] {strides = array<i32>} : memref<128x64xf32, #tpu.memory_space<vmem>>, vector<16xf32>,
      tpu.vector_store_idx %arg8[%iota3A, %parallel_loop3A_1024], %parallel_loop3A_1027 : memref<16x129xf32, #tpu.memory_space<vmem>>[vector<16xi32>, vector<16xi32>], vector<16xf32>,
      %parallel_loop3A_1028 = arith.index_cast %parallel_loop3A_1022 : i32 to index
      %parallel_loop3A_1029 = arith.constant 16 : index
      %parallel_loop3A_1030 = tpu.vector_load %arg6[%parallel_loop3A_1028, %parallel_loop3A_1029] {strides = array<i32>} : memref<128x64xf32, #tpu.memory_space<vmem>>, vector<16xf32>,
      tpu.vector_store_idx %arg9[%iota3A, %parallel_loop3A_1024], %parallel_loop3A_1030 : memref<16x129xf32, #tpu.memory_space<vmem>>[vector<16xi32>, vector<16xi32>], vector<16xf32>,
      %parallel_loop3A_1031 = arith.index_cast %parallel_loop3A_1022 : i32 to index
      %parallel_loop3A_1032 = arith.constant 32 : index
      %parallel_loop3A_1033 = tpu.vector_load %arg6[%parallel_loop3A_1031, %parallel_loop3A_1032] {strides = array<i32>} : memref<128x64xf32, #tpu.memory_space<vmem>>, vector<16xf32>,
      tpu.vector_store_idx %arg10[%iota3A, %parallel_loop3A_1024], %parallel_loop3A_1033 : memref<16x129xf32, #tpu.memory_space<vmem>>[vector<16xi32>, vector<16xi32>], vector<16xf32>,
      %parallel_loop3A_1034 = arith.index_cast %parallel_loop3A_1022 : i32 to index
      %parallel_loop3A_1035 = arith.constant 48 : index
      %parallel_loop3A_1036 = tpu.vector_load %arg6[%parallel_loop3A_1034, %parallel_loop3A_1035] {strides = array<i32>} : memref<128x64xf32, #tpu.memory_space<vmem>>, vector<16xf32>,
      tpu.vector_store_idx %arg11[%iota3A, %parallel_loop3A_1024], %parallel_loop3A_1036 : memref<16x129xf32, #tpu.memory_space<vmem>>[vector<16xi32>, vector<16xi32>], vector<16xf32>,
    } {sc.loop_unroll_factor = 8 : i64, sc.parallel_access}
    %add3A_438 = arith.constant 102 : i32
    %add3A_439 = arith.addi %mul3A_2, %add3A_438 : i32
    %jit3A_440 = arith.constant 128 : i32
    %div3A_441 = arith.divsi %add3A_439, %jit3A_440 : i32
    %sign3A_442 = arith.constant 0 : i32
    %sign3A_443 = arith.cmpi sgt, %add3A_439, %sign3A_442 : i32
    %sign3A_444 = arith.extui %sign3A_443 : i1 to i32
    %sign3A_445 = arith.constant 0 : i32
    %sign3A_446 = arith.cmpi slt, %add3A_439, %sign3A_445 : i32
    %sign3A_447 = arith.extui %sign3A_446 : i1 to i32
    %sign3A_448 = arith.subi %sign3A_444, %sign3A_447 : i32
    %sign3A_449 = arith.constant 0 : i32
    %sign3A_450 = arith.cmpi sgt, %jit3A_440, %sign3A_449 : i32
    %sign3A_451 = arith.extui %sign3A_450 : i1 to i32
    %sign3A_452 = arith.constant 0 : i32
    %sign3A_453 = arith.cmpi slt, %jit3A_440, %sign3A_452 : i32
    %sign3A_454 = arith.extui %sign3A_453 : i1 to i32
    %sign3A_455 = arith.subi %sign3A_451, %sign3A_454 : i32
    %ne3A_456 = arith.cmpi ne, %sign3A_448, %sign3A_455 : i32
    %rem3A_457 = arith.remsi %add3A_439, %jit3A_440 : i32
    %ne3A_458 = arith.constant 0 : i32
    %ne3A_459 = arith.cmpi ne, %rem3A_457, %ne3A_458 : i32
    %and3A_460 = arith.andi %ne3A_456, %ne3A_459 : i1
    %sub3A_461 = arith.constant 1 : i32
    %sub3A_462 = arith.subi %div3A_441, %sub3A_461 : i32
    %select_n3A_463 = arith.select %and3A_460, %sub3A_462, %div3A_441 : i32
    %jit3A_464 = arith.constant 128 : i32
    %eq3A_465 = arith.constant 0 : i32
    %eq3A_466 = arith.cmpi eq, %jit3A_464, %eq3A_465 : i32
    %jit3A_467 = arith.constant 1 : i32
    %select_n3A_468 = arith.select %eq3A_466, %jit3A_467, %jit3A_464 : i32
    %rem3A_469 = arith.remsi %add3A_439, %select_n3A_468 : i32
    %ne3A_470 = arith.constant 0 : i32
    %ne3A_471 = arith.cmpi ne, %rem3A_469, %ne3A_470 : i32
    %lt3A_472 = arith.constant 0 : i32
    %lt3A_473 = arith.cmpi slt, %rem3A_469, %lt3A_472 : i32
    %lt3A_474 = arith.constant 0 : i32
    %lt3A_475 = arith.cmpi slt, %select_n3A_468, %lt3A_474 : i32
    %ne3A_476 = arith.xori %lt3A_473, %lt3A_475 : i1
    %and3A_477 = arith.andi %ne3A_476, %ne3A_471 : i1
    %add3A_478 = arith.addi %rem3A_469, %select_n3A_468 : i32
    %select_n3A_479 = arith.select %and3A_477, %add3A_478, %rem3A_469 : i32
    %mul3A_480 = arith.constant 8192 : i32
    %mul3A_481 = arith.muli %select_n3A_463, %mul3A_480 : i32
    %mul3A_482 = arith.constant 8 : i32
    %mul3A_483 = arith.muli %select_n3A_479, %mul3A_482 : i32
    %add3A_484 = arith.addi %mul3A_481, %mul3A_483 : i32
    %add3A_485 = arith.constant 0 : i32
    %add3A_486 = arith.addi %add3A_484, %add3A_485 : i32
    %dma_start3A_487 = arith.constant 0 : i32
    %dma_start3A_488 = arith.constant 0 : i32
    %dma_start3A_489 = tpu.memref_slice %arg8[%dma_start3A_487, %dma_start3A_488] : memref<16x129xf32, #tpu.memory_space<vmem>> -> memref<8x128xf32, #tpu.memory_space<vmem>>
    %dma_start3A_490 = arith.constant 0 : i32
    %dma_start3A_491 = tpu.memref_slice %arg4[%add3A_486, %dma_start3A_490] : memref<212992x128xf32, #tpu.memory_space<hbm>> -> memref<8x128xf32, #tpu.memory_space<hbm>>
    %dma_start3A_492 = arith.constant 0 : i32
    %dma_start3A_493 = tpu.memref_slice %arg4[%add3A_486, %dma_start3A_492] : memref<212992x128xf32, #tpu.memory_space<hbm>> -> memref<8x128xf32, #tpu.memory_space<hbm>>
    %dma_start3A_494 = arith.constant 0 : i32
    %dma_start3A_495 = arith.constant 0 : i32
    %dma_start3A_496 = tpu.memref_slice %arg8[%dma_start3A_494, %dma_start3A_495] : memref<16x129xf32, #tpu.memory_space<vmem>> -> memref<8x128xf32, #tpu.memory_space<vmem>>
    tpu.enqueue_dma source(%dma_start3A_496 : memref<8x128xf32, #tpu.memory_space<vmem>>) target(%dma_start3A_493 : memref<8x128xf32, #tpu.memory_space<hbm>>) target_semaphore(%arg18 : memref<!tpu.dma_semaphore, #tpu.memory_space<semaphore_mem>>)
    %add3A_497 = arith.constant 1024 : i32
    %add3A_498 = arith.addi %add3A_484, %add3A_497 : i32
    %dma_start3A_499 = arith.constant 8 : i32
    %dma_start3A_500 = arith.constant 0 : i32
    %dma_start3A_501 = tpu.memref_slice %arg8[%dma_start3A_499, %dma_start3A_500] : memref<16x129xf32, #tpu.memory_space<vmem>> -> memref<8x128xf32, #tpu.memory_space<vmem>>
    %dma_start3A_502 = arith.constant 0 : i32
    %dma_start3A_503 = tpu.memref_slice %arg4[%add3A_498, %dma_start3A_502] : memref<212992x128xf32, #tpu.memory_space<hbm>> -> memref<8x128xf32, #tpu.memory_space<hbm>>
    %dma_start3A_504 = arith.constant 0 : i32
    %dma_start3A_505 = tpu.memref_slice %arg4[%add3A_498, %dma_start3A_504] : memref<212992x128xf32, #tpu.memory_space<hbm>> -> memref<8x128xf32, #tpu.memory_space<hbm>>
    %dma_start3A_506 = arith.constant 8 : i32
    %dma_start3A_507 = arith.constant 0 : i32
    %dma_start3A_508 = tpu.memref_slice %arg8[%dma_start3A_506, %dma_start3A_507] : memref<16x129xf32, #tpu.memory_space<vmem>> -> memref<8x128xf32, #tpu.memory_space<vmem>>
    tpu.enqueue_dma source(%dma_start3A_508 : memref<8x128xf32, #tpu.memory_space<vmem>>) target(%dma_start3A_505 : memref<8x128xf32, #tpu.memory_space<hbm>>) target_semaphore(%arg18 : memref<!tpu.dma_semaphore, #tpu.memory_space<semaphore_mem>>)
    %add3A_509 = arith.constant 2048 : i32
    %add3A_510 = arith.addi %add3A_484, %add3A_509 : i32
    %dma_start3A_511 = arith.constant 0 : i32
    %dma_start3A_512 = arith.constant 0 : i32
    %dma_start3A_513 = tpu.memref_slice %arg9[%dma_start3A_511, %dma_start3A_512] : memref<16x129xf32, #tpu.memory_space<vmem>> -> memref<8x128xf32, #tpu.memory_space<vmem>>
    %dma_start3A_514 = arith.constant 0 : i32
    %dma_start3A_515 = tpu.memref_slice %arg4[%add3A_510, %dma_start3A_514] : memref<212992x128xf32, #tpu.memory_space<hbm>> -> memref<8x128xf32, #tpu.memory_space<hbm>>
    %dma_start3A_516 = arith.constant 0 : i32
    %dma_start3A_517 = tpu.memref_slice %arg4[%add3A_510, %dma_start3A_516] : memref<212992x128xf32, #tpu.memory_space<hbm>> -> memref<8x128xf32, #tpu.memory_space<hbm>>
    %dma_start3A_518 = arith.constant 0 : i32
    %dma_start3A_519 = arith.constant 0 : i32
    %dma_start3A_520 = tpu.memref_slice %arg9[%dma_start3A_518, %dma_start3A_519] : memref<16x129xf32, #tpu.memory_space<vmem>> -> memref<8x128xf32, #tpu.memory_space<vmem>>
    tpu.enqueue_dma source(%dma_start3A_520 : memref<8x128xf32, #tpu.memory_space<vmem>>) target(%dma_start3A_517 : memref<8x128xf32, #tpu.memory_space<hbm>>) target_semaphore(%arg18 : memref<!tpu.dma_semaphore, #tpu.memory_space<semaphore_mem>>)
    %add3A_521 = arith.constant 3072 : i32
    %add3A_522 = arith.addi %add3A_484, %add3A_521 : i32
    %dma_start3A_523 = arith.constant 8 : i32
    %dma_start3A_524 = arith.constant 0 : i32
    %dma_start3A_525 = tpu.memref_slice %arg9[%dma_start3A_523, %dma_start3A_524] : memref<16x129xf32, #tpu.memory_space<vmem>> -> memref<8x128xf32, #tpu.memory_space<vmem>>
    %dma_start3A_526 = arith.constant 0 : i32
    %dma_start3A_527 = tpu.memref_slice %arg4[%add3A_522, %dma_start3A_526] : memref<212992x128xf32, #tpu.memory_space<hbm>> -> memref<8x128xf32, #tpu.memory_space<hbm>>
    %dma_start3A_528 = arith.constant 0 : i32
    %dma_start3A_529 = tpu.memref_slice %arg4[%add3A_522, %dma_start3A_528] : memref<212992x128xf32, #tpu.memory_space<hbm>> -> memref<8x128xf32, #tpu.memory_space<hbm>>
    %dma_start3A_530 = arith.constant 8 : i32
    %dma_start3A_531 = arith.constant 0 : i32
    %dma_start3A_532 = tpu.memref_slice %arg9[%dma_start3A_530, %dma_start3A_531] : memref<16x129xf32, #tpu.memory_space<vmem>> -> memref<8x128xf32, #tpu.memory_space<vmem>>
    tpu.enqueue_dma source(%dma_start3A_532 : memref<8x128xf32, #tpu.memory_space<vmem>>) target(%dma_start3A_529 : memref<8x128xf32, #tpu.memory_space<hbm>>) target_semaphore(%arg18 : memref<!tpu.dma_semaphore, #tpu.memory_space<semaphore_mem>>)
    %add3A_533 = arith.constant 4096 : i32
    %add3A_534 = arith.addi %add3A_484, %add3A_533 : i32
    %dma_start3A_535 = arith.constant 0 : i32
    %dma_start3A_536 = arith.constant 0 : i32
    %dma_start3A_537 = tpu.memref_slice %arg10[%dma_start3A_535, %dma_start3A_536] : memref<16x129xf32, #tpu.memory_space<vmem>> -> memref<8x128xf32, #tpu.memory_space<vmem>>
    %dma_start3A_538 = arith.constant 0 : i32
    %dma_start3A_539 = tpu.memref_slice %arg4[%add3A_534, %dma_start3A_538] : memref<212992x128xf32, #tpu.memory_space<hbm>> -> memref<8x128xf32, #tpu.memory_space<hbm>>
    %dma_start3A_540 = arith.constant 0 : i32
    %dma_start3A_541 = tpu.memref_slice %arg4[%add3A_534, %dma_start3A_540] : memref<212992x128xf32, #tpu.memory_space<hbm>> -> memref<8x128xf32, #tpu.memory_space<hbm>>
    %dma_start3A_542 = arith.constant 0 : i32
    %dma_start3A_543 = arith.constant 0 : i32
    %dma_start3A_544 = tpu.memref_slice %arg10[%dma_start3A_542, %dma_start3A_543] : memref<16x129xf32, #tpu.memory_space<vmem>> -> memref<8x128xf32, #tpu.memory_space<vmem>>
    tpu.enqueue_dma source(%dma_start3A_544 : memref<8x128xf32, #tpu.memory_space<vmem>>) target(%dma_start3A_541 : memref<8x128xf32, #tpu.memory_space<hbm>>) target_semaphore(%arg18 : memref<!tpu.dma_semaphore, #tpu.memory_space<semaphore_mem>>)
    %add3A_545 = arith.constant 5120 : i32
    %add3A_546 = arith.addi %add3A_484, %add3A_545 : i32
    %dma_start3A_547 = arith.constant 8 : i32
    %dma_start3A_548 = arith.constant 0 : i32
    %dma_start3A_549 = tpu.memref_slice %arg10[%dma_start3A_547, %dma_start3A_548] : memref<16x129xf32, #tpu.memory_space<vmem>> -> memref<8x128xf32, #tpu.memory_space<vmem>>
    %dma_start3A_550 = arith.constant 0 : i32
    %dma_start3A_551 = tpu.memref_slice %arg4[%add3A_546, %dma_start3A_550] : memref<212992x128xf32, #tpu.memory_space<hbm>> -> memref<8x128xf32, #tpu.memory_space<hbm>>
    %dma_start3A_552 = arith.constant 0 : i32
    %dma_start3A_553 = tpu.memref_slice %arg4[%add3A_546, %dma_start3A_552] : memref<212992x128xf32, #tpu.memory_space<hbm>> -> memref<8x128xf32, #tpu.memory_space<hbm>>
    %dma_start3A_554 = arith.constant 8 : i32
    %dma_start3A_555 = arith.constant 0 : i32
    %dma_start3A_556 = tpu.memref_slice %arg10[%dma_start3A_554, %dma_start3A_555] : memref<16x129xf32, #tpu.memory_space<vmem>> -> memref<8x128xf32, #tpu.memory_space<vmem>>
    tpu.enqueue_dma source(%dma_start3A_556 : memref<8x128xf32, #tpu.memory_space<vmem>>) target(%dma_start3A_553 : memref<8x128xf32, #tpu.memory_space<hbm>>) target_semaphore(%arg18 : memref<!tpu.dma_semaphore, #tpu.memory_space<semaphore_mem>>)
    %add3A_557 = arith.constant 6144 : i32
    %add3A_558 = arith.addi %add3A_484, %add3A_557 : i32
    %dma_start3A_559 = arith.constant 0 : i32
    %dma_start3A_560 = arith.constant 0 : i32
    %dma_start3A_561 = tpu.memref_slice %arg11[%dma_start3A_559, %dma_start3A_560] : memref<16x129xf32, #tpu.memory_space<vmem>> -> memref<8x128xf32, #tpu.memory_space<vmem>>
    %dma_start3A_562 = arith.constant 0 : i32
    %dma_start3A_563 = tpu.memref_slice %arg4[%add3A_558, %dma_start3A_562] : memref<212992x128xf32, #tpu.memory_space<hbm>> -> memref<8x128xf32, #tpu.memory_space<hbm>>
    %dma_start3A_564 = arith.constant 0 : i32
    %dma_start3A_565 = tpu.memref_slice %arg4[%add3A_558, %dma_start3A_564] : memref<212992x128xf32, #tpu.memory_space<hbm>> -> memref<8x128xf32, #tpu.memory_space<hbm>>
    %dma_start3A_566 = arith.constant 0 : i32
    %dma_start3A_567 = arith.constant 0 : i32
    %dma_start3A_568 = tpu.memref_slice %arg11[%dma_start3A_566, %dma_start3A_567] : memref<16x129xf32, #tpu.memory_space<vmem>> -> memref<8x128xf32, #tpu.memory_space<vmem>>
    tpu.enqueue_dma source(%dma_start3A_568 : memref<8x128xf32, #tpu.memory_space<vmem>>) target(%dma_start3A_565 : memref<8x128xf32, #tpu.memory_space<hbm>>) target_semaphore(%arg18 : memref<!tpu.dma_semaphore, #tpu.memory_space<semaphore_mem>>)
    %add3A_569 = arith.constant 7168 : i32
    %add3A_570 = arith.addi %add3A_484, %add3A_569 : i32
    %dma_start3A_571 = arith.constant 8 : i32
    %dma_start3A_572 = arith.constant 0 : i32
    %dma_start3A_573 = tpu.memref_slice %arg11[%dma_start3A_571, %dma_start3A_572] : memref<16x129xf32, #tpu.memory_space<vmem>> -> memref<8x128xf32, #tpu.memory_space<vmem>>
    %dma_start3A_574 = arith.constant 0 : i32
    %dma_start3A_575 = tpu.memref_slice %arg4[%add3A_570, %dma_start3A_574] : memref<212992x128xf32, #tpu.memory_space<hbm>> -> memref<8x128xf32, #tpu.memory_space<hbm>>
    %dma_start3A_576 = arith.constant 0 : i32
    %dma_start3A_577 = tpu.memref_slice %arg4[%add3A_570, %dma_start3A_576] : memref<212992x128xf32, #tpu.memory_space<hbm>> -> memref<8x128xf32, #tpu.memory_space<hbm>>
    %dma_start3A_578 = arith.constant 8 : i32
    %dma_start3A_579 = arith.constant 0 : i32
    %dma_start3A_580 = tpu.memref_slice %arg11[%dma_start3A_578, %dma_start3A_579] : memref<16x129xf32, #tpu.memory_space<vmem>> -> memref<8x128xf32, #tpu.memory_space<vmem>>
    tpu.enqueue_dma source(%dma_start3A_580 : memref<8x128xf32, #tpu.memory_space<vmem>>) target(%dma_start3A_577 : memref<8x128xf32, #tpu.memory_space<hbm>>) target_semaphore(%arg18 : memref<!tpu.dma_semaphore, #tpu.memory_space<semaphore_mem>>)
    %dma_wait3A_581 = arith.constant 0 : i32
    %dma_wait3A_582 = arith.constant 0 : i32
    %dma_wait3A_583 = tpu.memref_slice %arg12[%dma_wait3A_581, %dma_wait3A_582] : memref<16x129xf32, #tpu.memory_space<vmem>> -> memref<8x128xf32, #tpu.memory_space<vmem>>
    %dma_wait3A_584 = arith.constant 0 : i32
    %dma_wait3A_585 = arith.constant 0 : i32
    %dma_wait3A_586 = tpu.memref_slice %arg4[%dma_wait3A_584, %dma_wait3A_585] : memref<212992x128xf32, #tpu.memory_space<hbm>> -> memref<8x128xf32, #tpu.memory_space<hbm>>
    %dma_wait3A_587 = arith.constant 0 : i32
    %dma_wait3A_588 = arith.constant 0 : i32
    %dma_wait3A_589 = tpu.memref_slice %arg4[%dma_wait3A_587, %dma_wait3A_588] : memref<212992x128xf32, #tpu.memory_space<hbm>> -> memref<8x128xf32, #tpu.memory_space<hbm>>
    %dma_wait3A_590 = arith.constant 0 : i32
    %dma_wait3A_591 = arith.constant 0 : i32
    %dma_wait3A_592 = tpu.memref_slice %arg12[%dma_wait3A_590, %dma_wait3A_591] : memref<16x129xf32, #tpu.memory_space<vmem>> -> memref<8x128xf32, #tpu.memory_space<vmem>>
    tpu.wait_dma2 semaphore(%arg19 : memref<!tpu.dma_semaphore, #tpu.memory_space<semaphore_mem>>) src(%dma_wait3A_592 : memref<8x128xf32, #tpu.memory_space<vmem>>) dst(%dma_wait3A_589 : memref<8x128xf32, #tpu.memory_space<hbm>>)
    %dma_wait3A_593 = arith.constant 0 : i32
    %dma_wait3A_594 = arith.constant 0 : i32
    %dma_wait3A_595 = tpu.memref_slice %arg12[%dma_wait3A_593, %dma_wait3A_594] : memref<16x129xf32, #tpu.memory_space<vmem>> -> memref<8x128xf32, #tpu.memory_space<vmem>>
    %dma_wait3A_596 = arith.constant 0 : i32
    %dma_wait3A_597 = arith.constant 0 : i32
    %dma_wait3A_598 = tpu.memref_slice %arg4[%dma_wait3A_596, %dma_wait3A_597] : memref<212992x128xf32, #tpu.memory_space<hbm>> -> memref<8x128xf32, #tpu.memory_space<hbm>>
    %dma_wait3A_599 = arith.constant 0 : i32
    %dma_wait3A_600 = arith.constant 0 : i32
    %dma_wait3A_601 = tpu.memref_slice %arg4[%dma_wait3A_599, %dma_wait3A_600] : memref<212992x128xf32, #tpu.memory_space<hbm>> -> memref<8x128xf32, #tpu.memory_space<hbm>>
    %dma_wait3A_602 = arith.constant 0 : i32
    %dma_wait3A_603 = arith.constant 0 : i32
    %dma_wait3A_604 = tpu.memref_slice %arg12[%dma_wait3A_602, %dma_wait3A_603] : memref<16x129xf32, #tpu.memory_space<vmem>> -> memref<8x128xf32, #tpu.memory_space<vmem>>
    tpu.wait_dma2 semaphore(%arg19 : memref<!tpu.dma_semaphore, #tpu.memory_space<semaphore_mem>>) src(%dma_wait3A_604 : memref<8x128xf32, #tpu.memory_space<vmem>>) dst(%dma_wait3A_601 : memref<8x128xf32, #tpu.memory_space<hbm>>)
    %dma_wait3A_605 = arith.constant 0 : i32
    %dma_wait3A_606 = arith.constant 0 : i32
    %dma_wait3A_607 = tpu.memref_slice %arg13[%dma_wait3A_605, %dma_wait3A_606] : memref<16x129xf32, #tpu.memory_space<vmem>> -> memref<8x128xf32, #tpu.memory_space<vmem>>
    %dma_wait3A_608 = arith.constant 0 : i32
    %dma_wait3A_609 = arith.constant 0 : i32
    %dma_wait3A_610 = tpu.memref_slice %arg4[%dma_wait3A_608, %dma_wait3A_609] : memref<212992x128xf32, #tpu.memory_space<hbm>> -> memref<8x128xf32, #tpu.memory_space<hbm>>
    %dma_wait3A_611 = arith.constant 0 : i32
    %dma_wait3A_612 = arith.constant 0 : i32
    %dma_wait3A_613 = tpu.memref_slice %arg4[%dma_wait3A_611, %dma_wait3A_612] : memref<212992x128xf32, #tpu.memory_space<hbm>> -> memref<8x128xf32, #tpu.memory_space<hbm>>
    %dma_wait3A_614 = arith.constant 0 : i32
    %dma_wait3A_615 = arith.constant 0 : i32
    %dma_wait3A_616 = tpu.memref_slice %arg13[%dma_wait3A_614, %dma_wait3A_615] : memref<16x129xf32, #tpu.memory_space<vmem>> -> memref<8x128xf32, #tpu.memory_space<vmem>>
    tpu.wait_dma2 semaphore(%arg19 : memref<!tpu.dma_semaphore, #tpu.memory_space<semaphore_mem>>) src(%dma_wait3A_616 : memref<8x128xf32, #tpu.memory_space<vmem>>) dst(%dma_wait3A_613 : memref<8x128xf32, #tpu.memory_space<hbm>>)
    %dma_wait3A_617 = arith.constant 0 : i32
    %dma_wait3A_618 = arith.constant 0 : i32
    %dma_wait3A_619 = tpu.memref_slice %arg13[%dma_wait3A_617, %dma_wait3A_618] : memref<16x129xf32, #tpu.memory_space<vmem>> -> memref<8x128xf32, #tpu.memory_space<vmem>>
    %dma_wait3A_620 = arith.constant 0 : i32
    %dma_wait3A_621 = arith.constant 0 : i32
    %dma_wait3A_622 = tpu.memref_slice %arg4[%dma_wait3A_620, %dma_wait3A_621] : memref<212992x128xf32, #tpu.memory_space<hbm>> -> memref<8x128xf32, #tpu.memory_space<hbm>>
    %dma_wait3A_623 = arith.constant 0 : i32
    %dma_wait3A_624 = arith.constant 0 : i32
    %dma_wait3A_625 = tpu.memref_slice %arg4[%dma_wait3A_623, %dma_wait3A_624] : memref<212992x128xf32, #tpu.memory_space<hbm>> -> memref<8x128xf32, #tpu.memory_space<hbm>>
    %dma_wait3A_626 = arith.constant 0 : i32
    %dma_wait3A_627 = arith.constant 0 : i32
    %dma_wait3A_628 = tpu.memref_slice %arg13[%dma_wait3A_626, %dma_wait3A_627] : memref<16x129xf32, #tpu.memory_space<vmem>> -> memref<8x128xf32, #tpu.memory_space<vmem>>
    tpu.wait_dma2 semaphore(%arg19 : memref<!tpu.dma_semaphore, #tpu.memory_space<semaphore_mem>>) src(%dma_wait3A_628 : memref<8x128xf32, #tpu.memory_space<vmem>>) dst(%dma_wait3A_625 : memref<8x128xf32, #tpu.memory_space<hbm>>)
    %dma_wait3A_629 = arith.constant 0 : i32
    %dma_wait3A_630 = arith.constant 0 : i32
    %dma_wait3A_631 = tpu.memref_slice %arg14[%dma_wait3A_629, %dma_wait3A_630] : memref<16x129xf32, #tpu.memory_space<vmem>> -> memref<8x128xf32, #tpu.memory_space<vmem>>
    %dma_wait3A_632 = arith.constant 0 : i32
    %dma_wait3A_633 = arith.constant 0 : i32
    %dma_wait3A_634 = tpu.memref_slice %arg4[%dma_wait3A_632, %dma_wait3A_633] : memref<212992x128xf32, #tpu.memory_space<hbm>> -> memref<8x128xf32, #tpu.memory_space<hbm>>
    %dma_wait3A_635 = arith.constant 0 : i32
    %dma_wait3A_636 = arith.constant 0 : i32
    %dma_wait3A_637 = tpu.memref_slice %arg4[%dma_wait3A_635, %dma_wait3A_636] : memref<212992x128xf32, #tpu.memory_space<hbm>> -> memref<8x128xf32, #tpu.memory_space<hbm>>
    %dma_wait3A_638 = arith.constant 0 : i32
    %dma_wait3A_639 = arith.constant 0 : i32
    %dma_wait3A_640 = tpu.memref_slice %arg14[%dma_wait3A_638, %dma_wait3A_639] : memref<16x129xf32, #tpu.memory_space<vmem>> -> memref<8x128xf32, #tpu.memory_space<vmem>>
    tpu.wait_dma2 semaphore(%arg19 : memref<!tpu.dma_semaphore, #tpu.memory_space<semaphore_mem>>) src(%dma_wait3A_640 : memref<8x128xf32, #tpu.memory_space<vmem>>) dst(%dma_wait3A_637 : memref<8x128xf32, #tpu.memory_space<hbm>>)
    %dma_wait3A_641 = arith.constant 0 : i32
    %dma_wait3A_642 = arith.constant 0 : i32
    %dma_wait3A_643 = tpu.memref_slice %arg14[%dma_wait3A_641, %dma_wait3A_642] : memref<16x129xf32, #tpu.memory_space<vmem>> -> memref<8x128xf32, #tpu.memory_space<vmem>>
    %dma_wait3A_644 = arith.constant 0 : i32
    %dma_wait3A_645 = arith.constant 0 : i32
    %dma_wait3A_646 = tpu.memref_slice %arg4[%dma_wait3A_644, %dma_wait3A_645] : memref<212992x128xf32, #tpu.memory_space<hbm>> -> memref<8x128xf32, #tpu.memory_space<hbm>>
    %dma_wait3A_647 = arith.constant 0 : i32
    %dma_wait3A_648 = arith.constant 0 : i32
    %dma_wait3A_649 = tpu.memref_slice %arg4[%dma_wait3A_647, %dma_wait3A_648] : memref<212992x128xf32, #tpu.memory_space<hbm>> -> memref<8x128xf32, #tpu.memory_space<hbm>>
    %dma_wait3A_650 = arith.constant 0 : i32
    %dma_wait3A_651 = arith.constant 0 : i32
    %dma_wait3A_652 = tpu.memref_slice %arg14[%dma_wait3A_650, %dma_wait3A_651] : memref<16x129xf32, #tpu.memory_space<vmem>> -> memref<8x128xf32, #tpu.memory_space<vmem>>
    tpu.wait_dma2 semaphore(%arg19 : memref<!tpu.dma_semaphore, #tpu.memory_space<semaphore_mem>>) src(%dma_wait3A_652 : memref<8x128xf32, #tpu.memory_space<vmem>>) dst(%dma_wait3A_649 : memref<8x128xf32, #tpu.memory_space<hbm>>)
    %dma_wait3A_653 = arith.constant 0 : i32
    %dma_wait3A_654 = arith.constant 0 : i32
    %dma_wait3A_655 = tpu.memref_slice %arg15[%dma_wait3A_653, %dma_wait3A_654] : memref<16x129xf32, #tpu.memory_space<vmem>> -> memref<8x128xf32, #tpu.memory_space<vmem>>
    %dma_wait3A_656 = arith.constant 0 : i32
    %dma_wait3A_657 = arith.constant 0 : i32
    %dma_wait3A_658 = tpu.memref_slice %arg4[%dma_wait3A_656, %dma_wait3A_657] : memref<212992x128xf32, #tpu.memory_space<hbm>> -> memref<8x128xf32, #tpu.memory_space<hbm>>
    %dma_wait3A_659 = arith.constant 0 : i32
    %dma_wait3A_660 = arith.constant 0 : i32
    %dma_wait3A_661 = tpu.memref_slice %arg4[%dma_wait3A_659, %dma_wait3A_660] : memref<212992x128xf32, #tpu.memory_space<hbm>> -> memref<8x128xf32, #tpu.memory_space<hbm>>
    %dma_wait3A_662 = arith.constant 0 : i32
    %dma_wait3A_663 = arith.constant 0 : i32
    %dma_wait3A_664 = tpu.memref_slice %arg15[%dma_wait3A_662, %dma_wait3A_663] : memref<16x129xf32, #tpu.memory_space<vmem>> -> memref<8x128xf32, #tpu.memory_space<vmem>>
    tpu.wait_dma2 semaphore(%arg19 : memref<!tpu.dma_semaphore, #tpu.memory_space<semaphore_mem>>) src(%dma_wait3A_664 : memref<8x128xf32, #tpu.memory_space<vmem>>) dst(%dma_wait3A_661 : memref<8x128xf32, #tpu.memory_space<hbm>>)
    %dma_wait3A_665 = arith.constant 0 : i32
    %dma_wait3A_666 = arith.constant 0 : i32
    %dma_wait3A_667 = tpu.memref_slice %arg15[%dma_wait3A_665, %dma_wait3A_666] : memref<16x129xf32, #tpu.memory_space<vmem>> -> memref<8x128xf32, #tpu.memory_space<vmem>>
    %dma_wait3A_668 = arith.constant 0 : i32
    %dma_wait3A_669 = arith.constant 0 : i32
    %dma_wait3A_670 = tpu.memref_slice %arg4[%dma_wait3A_668, %dma_wait3A_669] : memref<212992x128xf32, #tpu.memory_space<hbm>> -> memref<8x128xf32, #tpu.memory_space<hbm>>
    %dma_wait3A_671 = arith.constant 0 : i32
    %dma_wait3A_672 = arith.constant 0 : i32
    %dma_wait3A_673 = tpu.memref_slice %arg4[%dma_wait3A_671, %dma_wait3A_672] : memref<212992x128xf32, #tpu.memory_space<hbm>> -> memref<8x128xf32, #tpu.memory_space<hbm>>
    %dma_wait3A_674 = arith.constant 0 : i32
    %dma_wait3A_675 = arith.constant 0 : i32
    %dma_wait3A_676 = tpu.memref_slice %arg15[%dma_wait3A_674, %dma_wait3A_675] : memref<16x129xf32, #tpu.memory_space<vmem>> -> memref<8x128xf32, #tpu.memory_space<vmem>>
    tpu.wait_dma2 semaphore(%arg19 : memref<!tpu.dma_semaphore, #tpu.memory_space<semaphore_mem>>) src(%dma_wait3A_676 : memref<8x128xf32, #tpu.memory_space<vmem>>) dst(%dma_wait3A_673 : memref<8x128xf32, #tpu.memory_space<hbm>>)
    %dma_wait3A_677 = arith.constant 0 : i32
    %dma_wait3A_678 = arith.constant 0 : i32
    %dma_wait3A_679 = tpu.memref_slice %arg5[%dma_wait3A_677, %dma_wait3A_678] : memref<104x128xi32, #tpu.memory_space<vmem>> -> memref<1x128xi32, #tpu.memory_space<vmem>>
    %dma_wait3A_680 = tpu.memref_squeeze %dma_wait3A_679 : memref<1x128xi32, #tpu.memory_space<vmem>> -> memref<128xi32, #tpu.memory_space<vmem>>
    %dma_wait3A_681 = arith.constant 0 : i32
    %dma_wait3A_682 = arith.constant 0 : i32
    %dma_wait3A_683 = tpu.memref_slice %arg2[%dma_wait3A_681, %dma_wait3A_682] : memref<1000000x64xf32, #tpu.memory_space<hbm>> -> memref<1000000x64xf32, #tpu.memory_space<hbm>>
    tpu.wait_indirect_dma semaphore(%arg17 : memref<!tpu.dma_semaphore, #tpu.memory_space<semaphore_mem>>) src(%dma_wait3A_683 : memref<1000000x64xf32, #tpu.memory_space<hbm>>) dst(%arg7 : memref<128x64xf32, #tpu.memory_space<vmem>>)
    %parallel_loop3A_684 = arith.constant 0 : i32
    %parallel_loop3A_685 = arith.constant 128 : i32
    %parallel_loop3A_686 = arith.constant 1 : i32
    scf.for %parallel_loop3A_1022 = %parallel_loop3A_684 to %parallel_loop3A_685 step %parallel_loop3A_686  : i32 {
      %parallel_loop3A_1023 = vector.broadcast %parallel_loop3A_1022 : i32 to vector<16xi32>
      %parallel_loop3A_1024 = arith.addi %mul3A_5, %parallel_loop3A_1023 : vector<16xi32>
      %parallel_loop3A_1025 = arith.index_cast %parallel_loop3A_1022 : i32 to index
      %parallel_loop3A_1026 = arith.constant 0 : index
      %parallel_loop3A_1027 = tpu.vector_load %arg7[%parallel_loop3A_1025, %parallel_loop3A_1026] {strides = array<i32>} : memref<128x64xf32, #tpu.memory_space<vmem>>, vector<16xf32>,
      tpu.vector_store_idx %arg12[%iota3A, %parallel_loop3A_1024], %parallel_loop3A_1027 : memref<16x129xf32, #tpu.memory_space<vmem>>[vector<16xi32>, vector<16xi32>], vector<16xf32>,
      %parallel_loop3A_1028 = arith.index_cast %parallel_loop3A_1022 : i32 to index
      %parallel_loop3A_1029 = arith.constant 16 : index
      %parallel_loop3A_1030 = tpu.vector_load %arg7[%parallel_loop3A_1028, %parallel_loop3A_1029] {strides = array<i32>} : memref<128x64xf32, #tpu.memory_space<vmem>>, vector<16xf32>,
      tpu.vector_store_idx %arg13[%iota3A, %parallel_loop3A_1024], %parallel_loop3A_1030 : memref<16x129xf32, #tpu.memory_space<vmem>>[vector<16xi32>, vector<16xi32>], vector<16xf32>,
      %parallel_loop3A_1031 = arith.index_cast %parallel_loop3A_1022 : i32 to index
      %parallel_loop3A_1032 = arith.constant 32 : index
      %parallel_loop3A_1033 = tpu.vector_load %arg7[%parallel_loop3A_1031, %parallel_loop3A_1032] {strides = array<i32>} : memref<128x64xf32, #tpu.memory_space<vmem>>, vector<16xf32>,
      tpu.vector_store_idx %arg14[%iota3A, %parallel_loop3A_1024], %parallel_loop3A_1033 : memref<16x129xf32, #tpu.memory_space<vmem>>[vector<16xi32>, vector<16xi32>], vector<16xf32>,
      %parallel_loop3A_1034 = arith.index_cast %parallel_loop3A_1022 : i32 to index
      %parallel_loop3A_1035 = arith.constant 48 : index
      %parallel_loop3A_1036 = tpu.vector_load %arg7[%parallel_loop3A_1034, %parallel_loop3A_1035] {strides = array<i32>} : memref<128x64xf32, #tpu.memory_space<vmem>>, vector<16xf32>,
      tpu.vector_store_idx %arg15[%iota3A, %parallel_loop3A_1024], %parallel_loop3A_1036 : memref<16x129xf32, #tpu.memory_space<vmem>>[vector<16xi32>, vector<16xi32>], vector<16xf32>,
    } {sc.loop_unroll_factor = 8 : i64, sc.parallel_access}
    %add3A_687 = arith.constant 103 : i32
    %add3A_688 = arith.addi %mul3A_2, %add3A_687 : i32
    %jit3A_689 = arith.constant 128 : i32
    %div3A_690 = arith.divsi %add3A_688, %jit3A_689 : i32
    %sign3A_691 = arith.constant 0 : i32
    %sign3A_692 = arith.cmpi sgt, %add3A_688, %sign3A_691 : i32
    %sign3A_693 = arith.extui %sign3A_692 : i1 to i32
    %sign3A_694 = arith.constant 0 : i32
    %sign3A_695 = arith.cmpi slt, %add3A_688, %sign3A_694 : i32
    %sign3A_696 = arith.extui %sign3A_695 : i1 to i32
    %sign3A_697 = arith.subi %sign3A_693, %sign3A_696 : i32
    %sign3A_698 = arith.constant 0 : i32
    %sign3A_699 = arith.cmpi sgt, %jit3A_689, %sign3A_698 : i32
    %sign3A_700 = arith.extui %sign3A_699 : i1 to i32
    %sign3A_701 = arith.constant 0 : i32
    %sign3A_702 = arith.cmpi slt, %jit3A_689, %sign3A_701 : i32
    %sign3A_703 = arith.extui %sign3A_702 : i1 to i32
    %sign3A_704 = arith.subi %sign3A_700, %sign3A_703 : i32
    %ne3A_705 = arith.cmpi ne, %sign3A_697, %sign3A_704 : i32
    %rem3A_706 = arith.remsi %add3A_688, %jit3A_689 : i32
    %ne3A_707 = arith.constant 0 : i32
    %ne3A_708 = arith.cmpi ne, %rem3A_706, %ne3A_707 : i32
    %and3A_709 = arith.andi %ne3A_705, %ne3A_708 : i1
    %sub3A_710 = arith.constant 1 : i32
    %sub3A_711 = arith.subi %div3A_690, %sub3A_710 : i32
    %select_n3A_712 = arith.select %and3A_709, %sub3A_711, %div3A_690 : i32
    %jit3A_713 = arith.constant 128 : i32
    %eq3A_714 = arith.constant 0 : i32
    %eq3A_715 = arith.cmpi eq, %jit3A_713, %eq3A_714 : i32
    %jit3A_716 = arith.constant 1 : i32
    %select_n3A_717 = arith.select %eq3A_715, %jit3A_716, %jit3A_713 : i32
    %rem3A_718 = arith.remsi %add3A_688, %select_n3A_717 : i32
    %ne3A_719 = arith.constant 0 : i32
    %ne3A_720 = arith.cmpi ne, %rem3A_718, %ne3A_719 : i32
    %lt3A_721 = arith.constant 0 : i32
    %lt3A_722 = arith.cmpi slt, %rem3A_718, %lt3A_721 : i32
    %lt3A_723 = arith.constant 0 : i32
    %lt3A_724 = arith.cmpi slt, %select_n3A_717, %lt3A_723 : i32
    %ne3A_725 = arith.xori %lt3A_722, %lt3A_724 : i1
    %and3A_726 = arith.andi %ne3A_725, %ne3A_720 : i1
    %add3A_727 = arith.addi %rem3A_718, %select_n3A_717 : i32
    %select_n3A_728 = arith.select %and3A_726, %add3A_727, %rem3A_718 : i32
    %mul3A_729 = arith.constant 8192 : i32
    %mul3A_730 = arith.muli %select_n3A_712, %mul3A_729 : i32
    %mul3A_731 = arith.constant 8 : i32
    %mul3A_732 = arith.muli %select_n3A_728, %mul3A_731 : i32
    %add3A_733 = arith.addi %mul3A_730, %mul3A_732 : i32
    %add3A_734 = arith.constant 0 : i32
    %add3A_735 = arith.addi %add3A_733, %add3A_734 : i32
    %dma_start3A_736 = arith.constant 0 : i32
    %dma_start3A_737 = arith.constant 0 : i32
    %dma_start3A_738 = tpu.memref_slice %arg12[%dma_start3A_736, %dma_start3A_737] : memref<16x129xf32, #tpu.memory_space<vmem>> -> memref<8x128xf32, #tpu.memory_space<vmem>>
    %dma_start3A_739 = arith.constant 0 : i32
    %dma_start3A_740 = tpu.memref_slice %arg4[%add3A_735, %dma_start3A_739] : memref<212992x128xf32, #tpu.memory_space<hbm>> -> memref<8x128xf32, #tpu.memory_space<hbm>>
    %dma_start3A_741 = arith.constant 0 : i32
    %dma_start3A_742 = tpu.memref_slice %arg4[%add3A_735, %dma_start3A_741] : memref<212992x128xf32, #tpu.memory_space<hbm>> -> memref<8x128xf32, #tpu.memory_space<hbm>>
    %dma_start3A_743 = arith.constant 0 : i32
    %dma_start3A_744 = arith.constant 0 : i32
    %dma_start3A_745 = tpu.memref_slice %arg12[%dma_start3A_743, %dma_start3A_744] : memref<16x129xf32, #tpu.memory_space<vmem>> -> memref<8x128xf32, #tpu.memory_space<vmem>>
    tpu.enqueue_dma source(%dma_start3A_745 : memref<8x128xf32, #tpu.memory_space<vmem>>) target(%dma_start3A_742 : memref<8x128xf32, #tpu.memory_space<hbm>>) target_semaphore(%arg19 : memref<!tpu.dma_semaphore, #tpu.memory_space<semaphore_mem>>)
    %add3A_746 = arith.constant 1024 : i32
    %add3A_747 = arith.addi %add3A_733, %add3A_746 : i32
    %dma_start3A_748 = arith.constant 8 : i32
    %dma_start3A_749 = arith.constant 0 : i32
    %dma_start3A_750 = tpu.memref_slice %arg12[%dma_start3A_748, %dma_start3A_749] : memref<16x129xf32, #tpu.memory_space<vmem>> -> memref<8x128xf32, #tpu.memory_space<vmem>>
    %dma_start3A_751 = arith.constant 0 : i32
    %dma_start3A_752 = tpu.memref_slice %arg4[%add3A_747, %dma_start3A_751] : memref<212992x128xf32, #tpu.memory_space<hbm>> -> memref<8x128xf32, #tpu.memory_space<hbm>>
    %dma_start3A_753 = arith.constant 0 : i32
    %dma_start3A_754 = tpu.memref_slice %arg4[%add3A_747, %dma_start3A_753] : memref<212992x128xf32, #tpu.memory_space<hbm>> -> memref<8x128xf32, #tpu.memory_space<hbm>>
    %dma_start3A_755 = arith.constant 8 : i32
    %dma_start3A_756 = arith.constant 0 : i32
    %dma_start3A_757 = tpu.memref_slice %arg12[%dma_start3A_755, %dma_start3A_756] : memref<16x129xf32, #tpu.memory_space<vmem>> -> memref<8x128xf32, #tpu.memory_space<vmem>>
    tpu.enqueue_dma source(%dma_start3A_757 : memref<8x128xf32, #tpu.memory_space<vmem>>) target(%dma_start3A_754 : memref<8x128xf32, #tpu.memory_space<hbm>>) target_semaphore(%arg19 : memref<!tpu.dma_semaphore, #tpu.memory_space<semaphore_mem>>)
    %add3A_758 = arith.constant 2048 : i32
    %add3A_759 = arith.addi %add3A_733, %add3A_758 : i32
    %dma_start3A_760 = arith.constant 0 : i32
    %dma_start3A_761 = arith.constant 0 : i32
    %dma_start3A_762 = tpu.memref_slice %arg13[%dma_start3A_760, %dma_start3A_761] : memref<16x129xf32, #tpu.memory_space<vmem>> -> memref<8x128xf32, #tpu.memory_space<vmem>>
    %dma_start3A_763 = arith.constant 0 : i32
    %dma_start3A_764 = tpu.memref_slice %arg4[%add3A_759, %dma_start3A_763] : memref<212992x128xf32, #tpu.memory_space<hbm>> -> memref<8x128xf32, #tpu.memory_space<hbm>>
    %dma_start3A_765 = arith.constant 0 : i32
    %dma_start3A_766 = tpu.memref_slice %arg4[%add3A_759, %dma_start3A_765] : memref<212992x128xf32, #tpu.memory_space<hbm>> -> memref<8x128xf32, #tpu.memory_space<hbm>>
    %dma_start3A_767 = arith.constant 0 : i32
    %dma_start3A_768 = arith.constant 0 : i32
    %dma_start3A_769 = tpu.memref_slice %arg13[%dma_start3A_767, %dma_start3A_768] : memref<16x129xf32, #tpu.memory_space<vmem>> -> memref<8x128xf32, #tpu.memory_space<vmem>>
    tpu.enqueue_dma source(%dma_start3A_769 : memref<8x128xf32, #tpu.memory_space<vmem>>) target(%dma_start3A_766 : memref<8x128xf32, #tpu.memory_space<hbm>>) target_semaphore(%arg19 : memref<!tpu.dma_semaphore, #tpu.memory_space<semaphore_mem>>)
    %add3A_770 = arith.constant 3072 : i32
    %add3A_771 = arith.addi %add3A_733, %add3A_770 : i32
    %dma_start3A_772 = arith.constant 8 : i32
    %dma_start3A_773 = arith.constant 0 : i32
    %dma_start3A_774 = tpu.memref_slice %arg13[%dma_start3A_772, %dma_start3A_773] : memref<16x129xf32, #tpu.memory_space<vmem>> -> memref<8x128xf32, #tpu.memory_space<vmem>>
    %dma_start3A_775 = arith.constant 0 : i32
    %dma_start3A_776 = tpu.memref_slice %arg4[%add3A_771, %dma_start3A_775] : memref<212992x128xf32, #tpu.memory_space<hbm>> -> memref<8x128xf32, #tpu.memory_space<hbm>>
    %dma_start3A_777 = arith.constant 0 : i32
    %dma_start3A_778 = tpu.memref_slice %arg4[%add3A_771, %dma_start3A_777] : memref<212992x128xf32, #tpu.memory_space<hbm>> -> memref<8x128xf32, #tpu.memory_space<hbm>>
    %dma_start3A_779 = arith.constant 8 : i32
    %dma_start3A_780 = arith.constant 0 : i32
    %dma_start3A_781 = tpu.memref_slice %arg13[%dma_start3A_779, %dma_start3A_780] : memref<16x129xf32, #tpu.memory_space<vmem>> -> memref<8x128xf32, #tpu.memory_space<vmem>>
    tpu.enqueue_dma source(%dma_start3A_781 : memref<8x128xf32, #tpu.memory_space<vmem>>) target(%dma_start3A_778 : memref<8x128xf32, #tpu.memory_space<hbm>>) target_semaphore(%arg19 : memref<!tpu.dma_semaphore, #tpu.memory_space<semaphore_mem>>)
    %add3A_782 = arith.constant 4096 : i32
    %add3A_783 = arith.addi %add3A_733, %add3A_782 : i32
    %dma_start3A_784 = arith.constant 0 : i32
    %dma_start3A_785 = arith.constant 0 : i32
    %dma_start3A_786 = tpu.memref_slice %arg14[%dma_start3A_784, %dma_start3A_785] : memref<16x129xf32, #tpu.memory_space<vmem>> -> memref<8x128xf32, #tpu.memory_space<vmem>>
    %dma_start3A_787 = arith.constant 0 : i32
    %dma_start3A_788 = tpu.memref_slice %arg4[%add3A_783, %dma_start3A_787] : memref<212992x128xf32, #tpu.memory_space<hbm>> -> memref<8x128xf32, #tpu.memory_space<hbm>>
    %dma_start3A_789 = arith.constant 0 : i32
    %dma_start3A_790 = tpu.memref_slice %arg4[%add3A_783, %dma_start3A_789] : memref<212992x128xf32, #tpu.memory_space<hbm>> -> memref<8x128xf32, #tpu.memory_space<hbm>>
    %dma_start3A_791 = arith.constant 0 : i32
    %dma_start3A_792 = arith.constant 0 : i32
    %dma_start3A_793 = tpu.memref_slice %arg14[%dma_start3A_791, %dma_start3A_792] : memref<16x129xf32, #tpu.memory_space<vmem>> -> memref<8x128xf32, #tpu.memory_space<vmem>>
    tpu.enqueue_dma source(%dma_start3A_793 : memref<8x128xf32, #tpu.memory_space<vmem>>) target(%dma_start3A_790 : memref<8x128xf32, #tpu.memory_space<hbm>>) target_semaphore(%arg19 : memref<!tpu.dma_semaphore, #tpu.memory_space<semaphore_mem>>)
    %add3A_794 = arith.constant 5120 : i32
    %add3A_795 = arith.addi %add3A_733, %add3A_794 : i32
    %dma_start3A_796 = arith.constant 8 : i32
    %dma_start3A_797 = arith.constant 0 : i32
    %dma_start3A_798 = tpu.memref_slice %arg14[%dma_start3A_796, %dma_start3A_797] : memref<16x129xf32, #tpu.memory_space<vmem>> -> memref<8x128xf32, #tpu.memory_space<vmem>>
    %dma_start3A_799 = arith.constant 0 : i32
    %dma_start3A_800 = tpu.memref_slice %arg4[%add3A_795, %dma_start3A_799] : memref<212992x128xf32, #tpu.memory_space<hbm>> -> memref<8x128xf32, #tpu.memory_space<hbm>>
    %dma_start3A_801 = arith.constant 0 : i32
    %dma_start3A_802 = tpu.memref_slice %arg4[%add3A_795, %dma_start3A_801] : memref<212992x128xf32, #tpu.memory_space<hbm>> -> memref<8x128xf32, #tpu.memory_space<hbm>>
    %dma_start3A_803 = arith.constant 8 : i32
    %dma_start3A_804 = arith.constant 0 : i32
    %dma_start3A_805 = tpu.memref_slice %arg14[%dma_start3A_803, %dma_start3A_804] : memref<16x129xf32, #tpu.memory_space<vmem>> -> memref<8x128xf32, #tpu.memory_space<vmem>>
    tpu.enqueue_dma source(%dma_start3A_805 : memref<8x128xf32, #tpu.memory_space<vmem>>) target(%dma_start3A_802 : memref<8x128xf32, #tpu.memory_space<hbm>>) target_semaphore(%arg19 : memref<!tpu.dma_semaphore, #tpu.memory_space<semaphore_mem>>)
    %add3A_806 = arith.constant 6144 : i32
    %add3A_807 = arith.addi %add3A_733, %add3A_806 : i32
    %dma_start3A_808 = arith.constant 0 : i32
    %dma_start3A_809 = arith.constant 0 : i32
    %dma_start3A_810 = tpu.memref_slice %arg15[%dma_start3A_808, %dma_start3A_809] : memref<16x129xf32, #tpu.memory_space<vmem>> -> memref<8x128xf32, #tpu.memory_space<vmem>>
    %dma_start3A_811 = arith.constant 0 : i32
    %dma_start3A_812 = tpu.memref_slice %arg4[%add3A_807, %dma_start3A_811] : memref<212992x128xf32, #tpu.memory_space<hbm>> -> memref<8x128xf32, #tpu.memory_space<hbm>>
    %dma_start3A_813 = arith.constant 0 : i32
    %dma_start3A_814 = tpu.memref_slice %arg4[%add3A_807, %dma_start3A_813] : memref<212992x128xf32, #tpu.memory_space<hbm>> -> memref<8x128xf32, #tpu.memory_space<hbm>>
    %dma_start3A_815 = arith.constant 0 : i32
    %dma_start3A_816 = arith.constant 0 : i32
    %dma_start3A_817 = tpu.memref_slice %arg15[%dma_start3A_815, %dma_start3A_816] : memref<16x129xf32, #tpu.memory_space<vmem>> -> memref<8x128xf32, #tpu.memory_space<vmem>>
    tpu.enqueue_dma source(%dma_start3A_817 : memref<8x128xf32, #tpu.memory_space<vmem>>) target(%dma_start3A_814 : memref<8x128xf32, #tpu.memory_space<hbm>>) target_semaphore(%arg19 : memref<!tpu.dma_semaphore, #tpu.memory_space<semaphore_mem>>)
    %add3A_818 = arith.constant 7168 : i32
    %add3A_819 = arith.addi %add3A_733, %add3A_818 : i32
    %dma_start3A_820 = arith.constant 8 : i32
    %dma_start3A_821 = arith.constant 0 : i32
    %dma_start3A_822 = tpu.memref_slice %arg15[%dma_start3A_820, %dma_start3A_821] : memref<16x129xf32, #tpu.memory_space<vmem>> -> memref<8x128xf32, #tpu.memory_space<vmem>>
    %dma_start3A_823 = arith.constant 0 : i32
    %dma_start3A_824 = tpu.memref_slice %arg4[%add3A_819, %dma_start3A_823] : memref<212992x128xf32, #tpu.memory_space<hbm>> -> memref<8x128xf32, #tpu.memory_space<hbm>>
    %dma_start3A_825 = arith.constant 0 : i32
    %dma_start3A_826 = tpu.memref_slice %arg4[%add3A_819, %dma_start3A_825] : memref<212992x128xf32, #tpu.memory_space<hbm>> -> memref<8x128xf32, #tpu.memory_space<hbm>>
    %dma_start3A_827 = arith.constant 8 : i32
    %dma_start3A_828 = arith.constant 0 : i32
    %dma_start3A_829 = tpu.memref_slice %arg15[%dma_start3A_827, %dma_start3A_828] : memref<16x129xf32, #tpu.memory_space<vmem>> -> memref<8x128xf32, #tpu.memory_space<vmem>>
    tpu.enqueue_dma source(%dma_start3A_829 : memref<8x128xf32, #tpu.memory_space<vmem>>) target(%dma_start3A_826 : memref<8x128xf32, #tpu.memory_space<hbm>>) target_semaphore(%arg19 : memref<!tpu.dma_semaphore, #tpu.memory_space<semaphore_mem>>)
    %dma_wait3A_830 = arith.constant 0 : i32
    %dma_wait3A_831 = arith.constant 0 : i32
    %dma_wait3A_832 = tpu.memref_slice %arg8[%dma_wait3A_830, %dma_wait3A_831] : memref<16x129xf32, #tpu.memory_space<vmem>> -> memref<8x128xf32, #tpu.memory_space<vmem>>
    %dma_wait3A_833 = arith.constant 0 : i32
    %dma_wait3A_834 = arith.constant 0 : i32
    %dma_wait3A_835 = tpu.memref_slice %arg4[%dma_wait3A_833, %dma_wait3A_834] : memref<212992x128xf32, #tpu.memory_space<hbm>> -> memref<8x128xf32, #tpu.memory_space<hbm>>
    %dma_wait3A_836 = arith.constant 0 : i32
    %dma_wait3A_837 = arith.constant 0 : i32
    %dma_wait3A_838 = tpu.memref_slice %arg4[%dma_wait3A_836, %dma_wait3A_837] : memref<212992x128xf32, #tpu.memory_space<hbm>> -> memref<8x128xf32, #tpu.memory_space<hbm>>
    %dma_wait3A_839 = arith.constant 0 : i32
    %dma_wait3A_840 = arith.constant 0 : i32
    %dma_wait3A_841 = tpu.memref_slice %arg8[%dma_wait3A_839, %dma_wait3A_840] : memref<16x129xf32, #tpu.memory_space<vmem>> -> memref<8x128xf32, #tpu.memory_space<vmem>>
    tpu.wait_dma2 semaphore(%arg18 : memref<!tpu.dma_semaphore, #tpu.memory_space<semaphore_mem>>) src(%dma_wait3A_841 : memref<8x128xf32, #tpu.memory_space<vmem>>) dst(%dma_wait3A_838 : memref<8x128xf32, #tpu.memory_space<hbm>>)
    %dma_wait3A_842 = arith.constant 0 : i32
    %dma_wait3A_843 = arith.constant 0 : i32
    %dma_wait3A_844 = tpu.memref_slice %arg8[%dma_wait3A_842, %dma_wait3A_843] : memref<16x129xf32, #tpu.memory_space<vmem>> -> memref<8x128xf32, #tpu.memory_space<vmem>>
    %dma_wait3A_845 = arith.constant 0 : i32
    %dma_wait3A_846 = arith.constant 0 : i32
    %dma_wait3A_847 = tpu.memref_slice %arg4[%dma_wait3A_845, %dma_wait3A_846] : memref<212992x128xf32, #tpu.memory_space<hbm>> -> memref<8x128xf32, #tpu.memory_space<hbm>>
    %dma_wait3A_848 = arith.constant 0 : i32
    %dma_wait3A_849 = arith.constant 0 : i32
    %dma_wait3A_850 = tpu.memref_slice %arg4[%dma_wait3A_848, %dma_wait3A_849] : memref<212992x128xf32, #tpu.memory_space<hbm>> -> memref<8x128xf32, #tpu.memory_space<hbm>>
    %dma_wait3A_851 = arith.constant 0 : i32
    %dma_wait3A_852 = arith.constant 0 : i32
    %dma_wait3A_853 = tpu.memref_slice %arg8[%dma_wait3A_851, %dma_wait3A_852] : memref<16x129xf32, #tpu.memory_space<vmem>> -> memref<8x128xf32, #tpu.memory_space<vmem>>
    tpu.wait_dma2 semaphore(%arg18 : memref<!tpu.dma_semaphore, #tpu.memory_space<semaphore_mem>>) src(%dma_wait3A_853 : memref<8x128xf32, #tpu.memory_space<vmem>>) dst(%dma_wait3A_850 : memref<8x128xf32, #tpu.memory_space<hbm>>)
    %dma_wait3A_854 = arith.constant 0 : i32
    %dma_wait3A_855 = arith.constant 0 : i32
    %dma_wait3A_856 = tpu.memref_slice %arg9[%dma_wait3A_854, %dma_wait3A_855] : memref<16x129xf32, #tpu.memory_space<vmem>> -> memref<8x128xf32, #tpu.memory_space<vmem>>
    %dma_wait3A_857 = arith.constant 0 : i32
    %dma_wait3A_858 = arith.constant 0 : i32
    %dma_wait3A_859 = tpu.memref_slice %arg4[%dma_wait3A_857, %dma_wait3A_858] : memref<212992x128xf32, #tpu.memory_space<hbm>> -> memref<8x128xf32, #tpu.memory_space<hbm>>
    %dma_wait3A_860 = arith.constant 0 : i32
    %dma_wait3A_861 = arith.constant 0 : i32
    %dma_wait3A_862 = tpu.memref_slice %arg4[%dma_wait3A_860, %dma_wait3A_861] : memref<212992x128xf32, #tpu.memory_space<hbm>> -> memref<8x128xf32, #tpu.memory_space<hbm>>
    %dma_wait3A_863 = arith.constant 0 : i32
    %dma_wait3A_864 = arith.constant 0 : i32
    %dma_wait3A_865 = tpu.memref_slice %arg9[%dma_wait3A_863, %dma_wait3A_864] : memref<16x129xf32, #tpu.memory_space<vmem>> -> memref<8x128xf32, #tpu.memory_space<vmem>>
    tpu.wait_dma2 semaphore(%arg18 : memref<!tpu.dma_semaphore, #tpu.memory_space<semaphore_mem>>) src(%dma_wait3A_865 : memref<8x128xf32, #tpu.memory_space<vmem>>) dst(%dma_wait3A_862 : memref<8x128xf32, #tpu.memory_space<hbm>>)
    %dma_wait3A_866 = arith.constant 0 : i32
    %dma_wait3A_867 = arith.constant 0 : i32
    %dma_wait3A_868 = tpu.memref_slice %arg9[%dma_wait3A_866, %dma_wait3A_867] : memref<16x129xf32, #tpu.memory_space<vmem>> -> memref<8x128xf32, #tpu.memory_space<vmem>>
    %dma_wait3A_869 = arith.constant 0 : i32
    %dma_wait3A_870 = arith.constant 0 : i32
    %dma_wait3A_871 = tpu.memref_slice %arg4[%dma_wait3A_869, %dma_wait3A_870] : memref<212992x128xf32, #tpu.memory_space<hbm>> -> memref<8x128xf32, #tpu.memory_space<hbm>>
    %dma_wait3A_872 = arith.constant 0 : i32
    %dma_wait3A_873 = arith.constant 0 : i32
    %dma_wait3A_874 = tpu.memref_slice %arg4[%dma_wait3A_872, %dma_wait3A_873] : memref<212992x128xf32, #tpu.memory_space<hbm>> -> memref<8x128xf32, #tpu.memory_space<hbm>>
    %dma_wait3A_875 = arith.constant 0 : i32
    %dma_wait3A_876 = arith.constant 0 : i32
    %dma_wait3A_877 = tpu.memref_slice %arg9[%dma_wait3A_875, %dma_wait3A_876] : memref<16x129xf32, #tpu.memory_space<vmem>> -> memref<8x128xf32, #tpu.memory_space<vmem>>
    tpu.wait_dma2 semaphore(%arg18 : memref<!tpu.dma_semaphore, #tpu.memory_space<semaphore_mem>>) src(%dma_wait3A_877 : memref<8x128xf32, #tpu.memory_space<vmem>>) dst(%dma_wait3A_874 : memref<8x128xf32, #tpu.memory_space<hbm>>)
    %dma_wait3A_878 = arith.constant 0 : i32
    %dma_wait3A_879 = arith.constant 0 : i32
    %dma_wait3A_880 = tpu.memref_slice %arg10[%dma_wait3A_878, %dma_wait3A_879] : memref<16x129xf32, #tpu.memory_space<vmem>> -> memref<8x128xf32, #tpu.memory_space<vmem>>
    %dma_wait3A_881 = arith.constant 0 : i32
    %dma_wait3A_882 = arith.constant 0 : i32
    %dma_wait3A_883 = tpu.memref_slice %arg4[%dma_wait3A_881, %dma_wait3A_882] : memref<212992x128xf32, #tpu.memory_space<hbm>> -> memref<8x128xf32, #tpu.memory_space<hbm>>
    %dma_wait3A_884 = arith.constant 0 : i32
    %dma_wait3A_885 = arith.constant 0 : i32
    %dma_wait3A_886 = tpu.memref_slice %arg4[%dma_wait3A_884, %dma_wait3A_885] : memref<212992x128xf32, #tpu.memory_space<hbm>> -> memref<8x128xf32, #tpu.memory_space<hbm>>
    %dma_wait3A_887 = arith.constant 0 : i32
    %dma_wait3A_888 = arith.constant 0 : i32
    %dma_wait3A_889 = tpu.memref_slice %arg10[%dma_wait3A_887, %dma_wait3A_888] : memref<16x129xf32, #tpu.memory_space<vmem>> -> memref<8x128xf32, #tpu.memory_space<vmem>>
    tpu.wait_dma2 semaphore(%arg18 : memref<!tpu.dma_semaphore, #tpu.memory_space<semaphore_mem>>) src(%dma_wait3A_889 : memref<8x128xf32, #tpu.memory_space<vmem>>) dst(%dma_wait3A_886 : memref<8x128xf32, #tpu.memory_space<hbm>>)
    %dma_wait3A_890 = arith.constant 0 : i32
    %dma_wait3A_891 = arith.constant 0 : i32
    %dma_wait3A_892 = tpu.memref_slice %arg10[%dma_wait3A_890, %dma_wait3A_891] : memref<16x129xf32, #tpu.memory_space<vmem>> -> memref<8x128xf32, #tpu.memory_space<vmem>>
    %dma_wait3A_893 = arith.constant 0 : i32
    %dma_wait3A_894 = arith.constant 0 : i32
    %dma_wait3A_895 = tpu.memref_slice %arg4[%dma_wait3A_893, %dma_wait3A_894] : memref<212992x128xf32, #tpu.memory_space<hbm>> -> memref<8x128xf32, #tpu.memory_space<hbm>>
    %dma_wait3A_896 = arith.constant 0 : i32
    %dma_wait3A_897 = arith.constant 0 : i32
    %dma_wait3A_898 = tpu.memref_slice %arg4[%dma_wait3A_896, %dma_wait3A_897] : memref<212992x128xf32, #tpu.memory_space<hbm>> -> memref<8x128xf32, #tpu.memory_space<hbm>>
    %dma_wait3A_899 = arith.constant 0 : i32
    %dma_wait3A_900 = arith.constant 0 : i32
    %dma_wait3A_901 = tpu.memref_slice %arg10[%dma_wait3A_899, %dma_wait3A_900] : memref<16x129xf32, #tpu.memory_space<vmem>> -> memref<8x128xf32, #tpu.memory_space<vmem>>
    tpu.wait_dma2 semaphore(%arg18 : memref<!tpu.dma_semaphore, #tpu.memory_space<semaphore_mem>>) src(%dma_wait3A_901 : memref<8x128xf32, #tpu.memory_space<vmem>>) dst(%dma_wait3A_898 : memref<8x128xf32, #tpu.memory_space<hbm>>)
    %dma_wait3A_902 = arith.constant 0 : i32
    %dma_wait3A_903 = arith.constant 0 : i32
    %dma_wait3A_904 = tpu.memref_slice %arg11[%dma_wait3A_902, %dma_wait3A_903] : memref<16x129xf32, #tpu.memory_space<vmem>> -> memref<8x128xf32, #tpu.memory_space<vmem>>
    %dma_wait3A_905 = arith.constant 0 : i32
    %dma_wait3A_906 = arith.constant 0 : i32
    %dma_wait3A_907 = tpu.memref_slice %arg4[%dma_wait3A_905, %dma_wait3A_906] : memref<212992x128xf32, #tpu.memory_space<hbm>> -> memref<8x128xf32, #tpu.memory_space<hbm>>
    %dma_wait3A_908 = arith.constant 0 : i32
    %dma_wait3A_909 = arith.constant 0 : i32
    %dma_wait3A_910 = tpu.memref_slice %arg4[%dma_wait3A_908, %dma_wait3A_909] : memref<212992x128xf32, #tpu.memory_space<hbm>> -> memref<8x128xf32, #tpu.memory_space<hbm>>
    %dma_wait3A_911 = arith.constant 0 : i32
    %dma_wait3A_912 = arith.constant 0 : i32
    %dma_wait3A_913 = tpu.memref_slice %arg11[%dma_wait3A_911, %dma_wait3A_912] : memref<16x129xf32, #tpu.memory_space<vmem>> -> memref<8x128xf32, #tpu.memory_space<vmem>>
    tpu.wait_dma2 semaphore(%arg18 : memref<!tpu.dma_semaphore, #tpu.memory_space<semaphore_mem>>) src(%dma_wait3A_913 : memref<8x128xf32, #tpu.memory_space<vmem>>) dst(%dma_wait3A_910 : memref<8x128xf32, #tpu.memory_space<hbm>>)
    %dma_wait3A_914 = arith.constant 0 : i32
    %dma_wait3A_915 = arith.constant 0 : i32
    %dma_wait3A_916 = tpu.memref_slice %arg11[%dma_wait3A_914, %dma_wait3A_915] : memref<16x129xf32, #tpu.memory_space<vmem>> -> memref<8x128xf32, #tpu.memory_space<vmem>>
    %dma_wait3A_917 = arith.constant 0 : i32
    %dma_wait3A_918 = arith.constant 0 : i32
    %dma_wait3A_919 = tpu.memref_slice %arg4[%dma_wait3A_917, %dma_wait3A_918] : memref<212992x128xf32, #tpu.memory_space<hbm>> -> memref<8x128xf32, #tpu.memory_space<hbm>>
    %dma_wait3A_920 = arith.constant 0 : i32
    %dma_wait3A_921 = arith.constant 0 : i32
    %dma_wait3A_922 = tpu.memref_slice %arg4[%dma_wait3A_920, %dma_wait3A_921] : memref<212992x128xf32, #tpu.memory_space<hbm>> -> memref<8x128xf32, #tpu.memory_space<hbm>>
    %dma_wait3A_923 = arith.constant 0 : i32
    %dma_wait3A_924 = arith.constant 0 : i32
    %dma_wait3A_925 = tpu.memref_slice %arg11[%dma_wait3A_923, %dma_wait3A_924] : memref<16x129xf32, #tpu.memory_space<vmem>> -> memref<8x128xf32, #tpu.memory_space<vmem>>
    tpu.wait_dma2 semaphore(%arg18 : memref<!tpu.dma_semaphore, #tpu.memory_space<semaphore_mem>>) src(%dma_wait3A_925 : memref<8x128xf32, #tpu.memory_space<vmem>>) dst(%dma_wait3A_922 : memref<8x128xf32, #tpu.memory_space<hbm>>)
    %dma_wait3A_926 = arith.constant 0 : i32
    %dma_wait3A_927 = arith.constant 0 : i32
    %dma_wait3A_928 = tpu.memref_slice %arg12[%dma_wait3A_926, %dma_wait3A_927] : memref<16x129xf32, #tpu.memory_space<vmem>> -> memref<8x128xf32, #tpu.memory_space<vmem>>
    %dma_wait3A_929 = arith.constant 0 : i32
    %dma_wait3A_930 = arith.constant 0 : i32
    %dma_wait3A_931 = tpu.memref_slice %arg4[%dma_wait3A_929, %dma_wait3A_930] : memref<212992x128xf32, #tpu.memory_space<hbm>> -> memref<8x128xf32, #tpu.memory_space<hbm>>
    %dma_wait3A_932 = arith.constant 0 : i32
    %dma_wait3A_933 = arith.constant 0 : i32
    %dma_wait3A_934 = tpu.memref_slice %arg4[%dma_wait3A_932, %dma_wait3A_933] : memref<212992x128xf32, #tpu.memory_space<hbm>> -> memref<8x128xf32, #tpu.memory_space<hbm>>
    %dma_wait3A_935 = arith.constant 0 : i32
    %dma_wait3A_936 = arith.constant 0 : i32
    %dma_wait3A_937 = tpu.memref_slice %arg12[%dma_wait3A_935, %dma_wait3A_936] : memref<16x129xf32, #tpu.memory_space<vmem>> -> memref<8x128xf32, #tpu.memory_space<vmem>>
    tpu.wait_dma2 semaphore(%arg19 : memref<!tpu.dma_semaphore, #tpu.memory_space<semaphore_mem>>) src(%dma_wait3A_937 : memref<8x128xf32, #tpu.memory_space<vmem>>) dst(%dma_wait3A_934 : memref<8x128xf32, #tpu.memory_space<hbm>>)
    %dma_wait3A_938 = arith.constant 0 : i32
    %dma_wait3A_939 = arith.constant 0 : i32
    %dma_wait3A_940 = tpu.memref_slice %arg12[%dma_wait3A_938, %dma_wait3A_939] : memref<16x129xf32, #tpu.memory_space<vmem>> -> memref<8x128xf32, #tpu.memory_space<vmem>>
    %dma_wait3A_941 = arith.constant 0 : i32
    %dma_wait3A_942 = arith.constant 0 : i32
    %dma_wait3A_943 = tpu.memref_slice %arg4[%dma_wait3A_941, %dma_wait3A_942] : memref<212992x128xf32, #tpu.memory_space<hbm>> -> memref<8x128xf32, #tpu.memory_space<hbm>>
    %dma_wait3A_944 = arith.constant 0 : i32
    %dma_wait3A_945 = arith.constant 0 : i32
    %dma_wait3A_946 = tpu.memref_slice %arg4[%dma_wait3A_944, %dma_wait3A_945] : memref<212992x128xf32, #tpu.memory_space<hbm>> -> memref<8x128xf32, #tpu.memory_space<hbm>>
    %dma_wait3A_947 = arith.constant 0 : i32
    %dma_wait3A_948 = arith.constant 0 : i32
    %dma_wait3A_949 = tpu.memref_slice %arg12[%dma_wait3A_947, %dma_wait3A_948] : memref<16x129xf32, #tpu.memory_space<vmem>> -> memref<8x128xf32, #tpu.memory_space<vmem>>
    tpu.wait_dma2 semaphore(%arg19 : memref<!tpu.dma_semaphore, #tpu.memory_space<semaphore_mem>>) src(%dma_wait3A_949 : memref<8x128xf32, #tpu.memory_space<vmem>>) dst(%dma_wait3A_946 : memref<8x128xf32, #tpu.memory_space<hbm>>)
    %dma_wait3A_950 = arith.constant 0 : i32
    %dma_wait3A_951 = arith.constant 0 : i32
    %dma_wait3A_952 = tpu.memref_slice %arg13[%dma_wait3A_950, %dma_wait3A_951] : memref<16x129xf32, #tpu.memory_space<vmem>> -> memref<8x128xf32, #tpu.memory_space<vmem>>
    %dma_wait3A_953 = arith.constant 0 : i32
    %dma_wait3A_954 = arith.constant 0 : i32
    %dma_wait3A_955 = tpu.memref_slice %arg4[%dma_wait3A_953, %dma_wait3A_954] : memref<212992x128xf32, #tpu.memory_space<hbm>> -> memref<8x128xf32, #tpu.memory_space<hbm>>
    %dma_wait3A_956 = arith.constant 0 : i32
    %dma_wait3A_957 = arith.constant 0 : i32
    %dma_wait3A_958 = tpu.memref_slice %arg4[%dma_wait3A_956, %dma_wait3A_957] : memref<212992x128xf32, #tpu.memory_space<hbm>> -> memref<8x128xf32, #tpu.memory_space<hbm>>
    %dma_wait3A_959 = arith.constant 0 : i32
    %dma_wait3A_960 = arith.constant 0 : i32
    %dma_wait3A_961 = tpu.memref_slice %arg13[%dma_wait3A_959, %dma_wait3A_960] : memref<16x129xf32, #tpu.memory_space<vmem>> -> memref<8x128xf32, #tpu.memory_space<vmem>>
    tpu.wait_dma2 semaphore(%arg19 : memref<!tpu.dma_semaphore, #tpu.memory_space<semaphore_mem>>) src(%dma_wait3A_961 : memref<8x128xf32, #tpu.memory_space<vmem>>) dst(%dma_wait3A_958 : memref<8x128xf32, #tpu.memory_space<hbm>>)
    %dma_wait3A_962 = arith.constant 0 : i32
    %dma_wait3A_963 = arith.constant 0 : i32
    %dma_wait3A_964 = tpu.memref_slice %arg13[%dma_wait3A_962, %dma_wait3A_963] : memref<16x129xf32, #tpu.memory_space<vmem>> -> memref<8x128xf32, #tpu.memory_space<vmem>>
    %dma_wait3A_965 = arith.constant 0 : i32
    %dma_wait3A_966 = arith.constant 0 : i32
    %dma_wait3A_967 = tpu.memref_slice %arg4[%dma_wait3A_965, %dma_wait3A_966] : memref<212992x128xf32, #tpu.memory_space<hbm>> -> memref<8x128xf32, #tpu.memory_space<hbm>>
    %dma_wait3A_968 = arith.constant 0 : i32
    %dma_wait3A_969 = arith.constant 0 : i32
    %dma_wait3A_970 = tpu.memref_slice %arg4[%dma_wait3A_968, %dma_wait3A_969] : memref<212992x128xf32, #tpu.memory_space<hbm>> -> memref<8x128xf32, #tpu.memory_space<hbm>>
    %dma_wait3A_971 = arith.constant 0 : i32
    %dma_wait3A_972 = arith.constant 0 : i32
    %dma_wait3A_973 = tpu.memref_slice %arg13[%dma_wait3A_971, %dma_wait3A_972] : memref<16x129xf32, #tpu.memory_space<vmem>> -> memref<8x128xf32, #tpu.memory_space<vmem>>
    tpu.wait_dma2 semaphore(%arg19 : memref<!tpu.dma_semaphore, #tpu.memory_space<semaphore_mem>>) src(%dma_wait3A_973 : memref<8x128xf32, #tpu.memory_space<vmem>>) dst(%dma_wait3A_970 : memref<8x128xf32, #tpu.memory_space<hbm>>)
    %dma_wait3A_974 = arith.constant 0 : i32
    %dma_wait3A_975 = arith.constant 0 : i32
    %dma_wait3A_976 = tpu.memref_slice %arg14[%dma_wait3A_974, %dma_wait3A_975] : memref<16x129xf32, #tpu.memory_space<vmem>> -> memref<8x128xf32, #tpu.memory_space<vmem>>
    %dma_wait3A_977 = arith.constant 0 : i32
    %dma_wait3A_978 = arith.constant 0 : i32
    %dma_wait3A_979 = tpu.memref_slice %arg4[%dma_wait3A_977, %dma_wait3A_978] : memref<212992x128xf32, #tpu.memory_space<hbm>> -> memref<8x128xf32, #tpu.memory_space<hbm>>
    %dma_wait3A_980 = arith.constant 0 : i32
    %dma_wait3A_981 = arith.constant 0 : i32
    %dma_wait3A_982 = tpu.memref_slice %arg4[%dma_wait3A_980, %dma_wait3A_981] : memref<212992x128xf32, #tpu.memory_space<hbm>> -> memref<8x128xf32, #tpu.memory_space<hbm>>
    %dma_wait3A_983 = arith.constant 0 : i32
    %dma_wait3A_984 = arith.constant 0 : i32
    %dma_wait3A_985 = tpu.memref_slice %arg14[%dma_wait3A_983, %dma_wait3A_984] : memref<16x129xf32, #tpu.memory_space<vmem>> -> memref<8x128xf32, #tpu.memory_space<vmem>>
    tpu.wait_dma2 semaphore(%arg19 : memref<!tpu.dma_semaphore, #tpu.memory_space<semaphore_mem>>) src(%dma_wait3A_985 : memref<8x128xf32, #tpu.memory_space<vmem>>) dst(%dma_wait3A_982 : memref<8x128xf32, #tpu.memory_space<hbm>>)
    %dma_wait3A_986 = arith.constant 0 : i32
    %dma_wait3A_987 = arith.constant 0 : i32
    %dma_wait3A_988 = tpu.memref_slice %arg14[%dma_wait3A_986, %dma_wait3A_987] : memref<16x129xf32, #tpu.memory_space<vmem>> -> memref<8x128xf32, #tpu.memory_space<vmem>>
    %dma_wait3A_989 = arith.constant 0 : i32
    %dma_wait3A_990 = arith.constant 0 : i32
    %dma_wait3A_991 = tpu.memref_slice %arg4[%dma_wait3A_989, %dma_wait3A_990] : memref<212992x128xf32, #tpu.memory_space<hbm>> -> memref<8x128xf32, #tpu.memory_space<hbm>>
    %dma_wait3A_992 = arith.constant 0 : i32
    %dma_wait3A_993 = arith.constant 0 : i32
    %dma_wait3A_994 = tpu.memref_slice %arg4[%dma_wait3A_992, %dma_wait3A_993] : memref<212992x128xf32, #tpu.memory_space<hbm>> -> memref<8x128xf32, #tpu.memory_space<hbm>>
    %dma_wait3A_995 = arith.constant 0 : i32
    %dma_wait3A_996 = arith.constant 0 : i32
    %dma_wait3A_997 = tpu.memref_slice %arg14[%dma_wait3A_995, %dma_wait3A_996] : memref<16x129xf32, #tpu.memory_space<vmem>> -> memref<8x128xf32, #tpu.memory_space<vmem>>
    tpu.wait_dma2 semaphore(%arg19 : memref<!tpu.dma_semaphore, #tpu.memory_space<semaphore_mem>>) src(%dma_wait3A_997 : memref<8x128xf32, #tpu.memory_space<vmem>>) dst(%dma_wait3A_994 : memref<8x128xf32, #tpu.memory_space<hbm>>)
    %dma_wait3A_998 = arith.constant 0 : i32
    %dma_wait3A_999 = arith.constant 0 : i32
    %dma_wait3A_1000 = tpu.memref_slice %arg15[%dma_wait3A_998, %dma_wait3A_999] : memref<16x129xf32, #tpu.memory_space<vmem>> -> memref<8x128xf32, #tpu.memory_space<vmem>>
    %dma_wait3A_1001 = arith.constant 0 : i32
    %dma_wait3A_1002 = arith.constant 0 : i32
    %dma_wait3A_1003 = tpu.memref_slice %arg4[%dma_wait3A_1001, %dma_wait3A_1002] : memref<212992x128xf32, #tpu.memory_space<hbm>> -> memref<8x128xf32, #tpu.memory_space<hbm>>
    %dma_wait3A_1004 = arith.constant 0 : i32
    %dma_wait3A_1005 = arith.constant 0 : i32
    %dma_wait3A_1006 = tpu.memref_slice %arg4[%dma_wait3A_1004, %dma_wait3A_1005] : memref<212992x128xf32, #tpu.memory_space<hbm>> -> memref<8x128xf32, #tpu.memory_space<hbm>>
    %dma_wait3A_1007 = arith.constant 0 : i32
    %dma_wait3A_1008 = arith.constant 0 : i32
    %dma_wait3A_1009 = tpu.memref_slice %arg15[%dma_wait3A_1007, %dma_wait3A_1008] : memref<16x129xf32, #tpu.memory_space<vmem>> -> memref<8x128xf32, #tpu.memory_space<vmem>>
    tpu.wait_dma2 semaphore(%arg19 : memref<!tpu.dma_semaphore, #tpu.memory_space<semaphore_mem>>) src(%dma_wait3A_1009 : memref<8x128xf32, #tpu.memory_space<vmem>>) dst(%dma_wait3A_1006 : memref<8x128xf32, #tpu.memory_space<hbm>>)
    %dma_wait3A_1010 = arith.constant 0 : i32
    %dma_wait3A_1011 = arith.constant 0 : i32
    %dma_wait3A_1012 = tpu.memref_slice %arg15[%dma_wait3A_1010, %dma_wait3A_1011] : memref<16x129xf32, #tpu.memory_space<vmem>> -> memref<8x128xf32, #tpu.memory_space<vmem>>
    %dma_wait3A_1013 = arith.constant 0 : i32
    %dma_wait3A_1014 = arith.constant 0 : i32
    %dma_wait3A_1015 = tpu.memref_slice %arg4[%dma_wait3A_1013, %dma_wait3A_1014] : memref<212992x128xf32, #tpu.memory_space<hbm>> -> memref<8x128xf32, #tpu.memory_space<hbm>>
    %dma_wait3A_1016 = arith.constant 0 : i32
    %dma_wait3A_1017 = arith.constant 0 : i32
    %dma_wait3A_1018 = tpu.memref_slice %arg4[%dma_wait3A_1016, %dma_wait3A_1017] : memref<212992x128xf32, #tpu.memory_space<hbm>> -> memref<8x128xf32, #tpu.memory_space<hbm>>
    %dma_wait3A_1019 = arith.constant 0 : i32
    %dma_wait3A_1020 = arith.constant 0 : i32
    %dma_wait3A_1021 = tpu.memref_slice %arg15[%dma_wait3A_1019, %dma_wait3A_1020] : memref<16x129xf32, #tpu.memory_space<vmem>> -> memref<8x128xf32, #tpu.memory_space<vmem>>
    tpu.wait_dma2 semaphore(%arg19 : memref<!tpu.dma_semaphore, #tpu.memory_space<semaphore_mem>>) src(%dma_wait3A_1021 : memref<8x128xf32, #tpu.memory_space<vmem>>) dst(%dma_wait3A_1018 : memref<8x128xf32, #tpu.memory_space<hbm>>)
    return
  }
}

</mosaic_0001>

<sc_bundles>
// kernel: kernel.3.cloned.1.call-start
scs
__scs_entry_jumppad:
0x0: {  	(pc) =	sbr.rel $0x88, $3  }
0x1: {  	(tag) =	ssettag $0x0;
	lr =	simm.s32 $0x1  }
0x2: {  	[smem:$0x3F9F] =	sst lr;
	_ =	strace $0xD0000000  }
0x3: {  	_ = 	snop  }
0x4: {  	_ = 	snop  }
0x5: {  	_ = 	snop  }
0x6: {  	_ = 	snop  }
0x7: {  	_ = 	snop  }
__scs_overlays_trampoline_lowered:
0x8: {  	[smem:$0x3FAE] =	sst s0  }
0x9: {  	[smem:$0x3FAF] =	sst s1  }
0xa: {  	[smem:$0x3FB0] =	sst s2  }
0xb: {  	[smem:$0x3FB1] =	sst s3  }
0xc: {  	[smem:$0x3FB2] =	sst s4  }
0xd: {  	[smem:$0x3FB3] =	sst s5  }
0xe: {  	[smem:$0x3FB4] =	sst s6  }
0xf: {  	[smem:$0x3FB5] =	sst s7  }
0x10: {  	[smem:$0x3FB6] =	sst s8  }
0x11: {  	[smem:$0x3FB7] =	sst s9;
	s0 =	simm.s32 @!p0 $0x0  }
0x12: {  	s1 =	sld [smem:$0x3F9D];
	s0 =	simm.s32 @p0 $0x1  }
0x13: {  	[smem:$0x3FB8] =	sst s0;
	s0 =	simm.s32 @!p1 $0x0  }
0x14: {  	s2 =	sld [smem:$0x3F9C];
	s0 =	simm.s32 @p1 $0x1  }
0x15: {  	[smem:$0x3FB9] =	sst s0;
	s0 =	simm.s32 @!p2 $0x0  }
0x16: {  	s3 =	sld [smem:$0x3FDB];
	s0 =	simm.s32 @p2 $0x1  }
0x17: {  	s4 =	simm.s32 $0x1BF5;
	[smem:$0x3FBB] =	sst s0  }
0x18: {  	s0 =	sld [smem:$0x3F9E];
	_ =	swait.ge [sflag:s4], $0x0  }
0x19: {  	s7 =	sld [smem:$0x3F9F]  }
0x1a: {  	s8 =	sadd.s32 $0xFFFFE003, lr  }
0x1b: {  	s9 =	sadd.s32 $0xFFFFFEF7, lr;
	s5 =	simm.s32 $0xFFFFFFFF;
	p2 =	slt.u32 s8, $0xFFFFF086  }
0x1c: {  	p1 =	slt.u32 s9, $0xF7A;
	s5 =	simm.s32 @!p2 $0x0  }
0x1d: {  	s5 =	simm.s32 @p1 $0x1;
	p0 =	seq.s32 s7, s2  }
0x1e: {  	s7 =	smul.u32 @!p0 $0xF7A, s2;
	p2 =	seq.s32 @!p0 s5, $0x0  }
0x1f: {  	s9 =	smul.u32 $0xF7A, s1;
	s8 =	simm.s32 @!p0 $0x1BF5;
	p2 =	por !p2, p0  }
0x20: {  	[sflag:s8] =	ssyncset.s32 @!p0 $0xFFFFF086;
	s6 =	sadd.s32 @!p0 s3, s7;
	s7 =	simm.s32 @!p0 $0x108  }
0x21: {  	s3 =	sadd.s32 s3, s9;
	s6 =	sadd.s32 @!p0 $0x88, s6;
	s7 =	simm.s32 @p2 $0x1082  }
0x22: {  	[simem:s7], [sflag:s8] =	dma.local @!p0 [hbm:s6], $0xF7A  }
0x23: {  	s9 =	sor.u32 $0xD0000000, s2;
	s6 =	simm.s32 $0x108;
	_ =	swait.ge @!p0 [sflag:s8], $0x0  }
0x24: {  	s3 =	sadd.s32 $0x88, s3;
	s6 =	simm.s32 @!p1 $0x1082;
	[sflag:s4] =	ssyncset.s32 $0xFFFFF086  }
0x25: {  	[simem:s6], [sflag:s4] =	dma.local [hbm:s3], $0xF7A  }
0x26: {  	[smem:$0x3F9F] =	sst s1;
	(tag) =	ssettag s2;
	_ =	strace s9  }
0x27: {  	s1 =	sld [smem:$0x3FAF]  }
0x28: {  	s2 =	sld [smem:$0x3FB0]  }
0x29: {  	s4 =	sld [smem:$0x3FB2]  }
0x2a: {  	p0 =	seq.s32 s5, $0x0;
	s5 =	sld [smem:$0x3FB3]  }
0x2b: {  	s6 =	sld [smem:$0x3FB4]  }
0x2c: {  	s7 =	sld [smem:$0x3FB5]  }
0x2d: {  	s3 =	simm.s32 $0x108;
	s8 =	sld [smem:$0x3FB6]  }
0x2e: {  	s3 =	simm.s32 @!p0 $0x1082;
	s9 =	sld [smem:$0x3FB7]  }
0x2f: {  	lr =	sadd.s32 s0, s3;
	s0 =	sld [smem:$0x3FAE]  }
0x30: {  	s3 =	sld [smem:$0x3FB1]  }
0x31: {  	[smem:$0x3FBA] =	sst s10  }
0x32: {  	s10 =	sld [smem:$0x3FB8];
	_ =	sdelay $0x3  }
0x33: {  	p0 =	seq.s32 s10, $0x1;
	s10 =	sld [smem:$0x3FBA];
	_ =	sdelay $0x3  }
0x34: {  	[smem:$0x3FBA] =	sst s10  }
0x35: {  	s10 =	sld [smem:$0x3FB9];
	_ =	sdelay $0x3  }
0x36: {  	p1 =	seq.s32 s10, $0x1;
	s10 =	sld [smem:$0x3FBA];
	_ =	sdelay $0x3  }
0x37: {  	[smem:$0x3FBA] =	sst s10  }
0x38: {  	s10 =	sld [smem:$0x3FBB]  }
0x39: {  	_ = 	snop;
	(pc) =	sbr.ind lr, $3  }
0x3a: {  	_ = 	snop  }
0x3b: {  	_ = 	snop  }
0x3c: {  	p2 =	seq.s32 s10, $0x1;
	s10 =	sld [smem:$0x3FBA]  }
0x3d: {  	_ =	shalt  }
0x3e: {  	_ =	shalt  }
0x3f: {  	_ =	shalt  }
0x40: {  	_ =	shalt  }
0x41: {  	_ =	shalt  }
0x42: {  	_ =	shalt  }
0x43: {  	_ =	shalt  }
0x44: {  	_ =	shalt  }
0x45: {  	_ =	shalt  }
0x46: {  	_ =	shalt  }
0x47: {  	_ =	shalt  }
0x48: {  	_ =	shalt  }
0x49: {  	_ =	shalt  }
0x4a: {  	_ =	shalt  }
0x4b: {  	_ =	shalt  }
0x4c: {  	_ =	shalt  }
0x4d: {  	_ =	shalt  }
0x4e: {  	_ =	shalt  }
0x4f: {  	_ =	shalt  }
0x50: {  	_ =	shalt  }
0x51: {  	_ =	shalt  }
0x52: {  	_ =	shalt  }
0x53: {  	_ =	shalt  }
0x54: {  	_ =	shalt  }
0x55: {  	_ =	shalt  }
0x56: {  	_ =	shalt  }
0x57: {  	_ =	shalt  }
0x58: {  	_ =	shalt  }
0x59: {  	_ =	shalt  }
0x5a: {  	_ =	shalt  }
0x5b: {  	_ =	shalt  }
0x5c: {  	_ =	shalt  }
0x5d: {  	_ =	shalt  }
0x5e: {  	_ =	shalt  }
0x5f: {  	_ =	shalt  }
0x60: {  	_ =	shalt  }
0x61: {  	_ =	shalt  }
0x62: {  	_ =	shalt  }
0x63: {  	_ =	shalt  }
0x64: {  	_ =	shalt  }
0x65: {  	_ =	shalt  }
0x66: {  	_ =	shalt  }
0x67: {  	_ =	shalt  }
0x68: {  	_ =	shalt  }
0x69: {  	_ =	shalt  }
0x6a: {  	_ =	shalt  }
0x6b: {  	_ =	shalt  }
0x6c: {  	_ =	shalt  }
0x6d: {  	_ =	shalt  }
0x6e: {  	_ =	shalt  }
0x6f: {  	_ =	shalt  }
0x70: {  	_ =	shalt  }
0x71: {  	_ =	shalt  }
0x72: {  	_ =	shalt  }
0x73: {  	_ =	shalt  }
0x74: {  	_ =	shalt  }
0x75: {  	_ =	shalt  }
0x76: {  	_ =	shalt  }
0x77: {  	_ =	shalt  }
0x78: {  	_ =	shalt  }
0x79: {  	_ =	shalt  }
0x7a: {  	_ =	shalt  }
0x7b: {  	_ =	shalt  }
0x7c: {  	_ =	shalt  }
0x7d: {  	_ =	shalt  }
0x7e: {  	_ =	shalt  }
0x7f: {  	_ =	shalt  }
0x80: {  	_ =	shalt  }
0x81: {  	_ =	shalt  }
0x82: {  	_ =	shalt  }
0x83: {  	_ =	shalt  }
0x84: {  	_ =	shalt  }
0x85: {  	_ =	shalt  }
0x86: {  	_ =	shalt  }
0x87: {  	_ =	shalt  }
.Lfunc_end0:
.L_simem_size_0:
called_computation_lowered:
.L_overlay_start_0:
0x88: {  	s2 =	sld [smem:$0x3FD9]  }
0x89: {  	s3 =	sld [smem:$0x3FFE];
	_ =	sdelay $0x1  }
0x8a: {  	s1 =	srdreg.scid  }
0x8b: {  	s0 =	sand.u32 $0x1, s1  }
0x8c: {  	s17 =	sshll.u32 s0, $0xA;
	s2 =	sadd.s32 s3, s2  }
0x8d: {  	s2 =	sadd.s32 s2, s17  }
0x8e: {  	[smem:$0x3FC6] =	sst s2  }
0x8f: {  	_ = 	snop  }
0x90: {  	s2 =	sld [smem:$0x3FD0];
	(tm) =	ssettm $0x1  }
0x91: {  	s18 =	sld [smem:$0x3FFB];
	_ =	sdelay $0x3  }
0x92: {  	_ =	strace s18  }
0x93: {  	s3 =	sld [smem:$0x3FFC];
	_ =	sdelay $0x3  }
0x94: {  	_ =	strace s3  }
0x95: {  	s3 =	sld [smem:$0x3FFD];
	_ =	sdelay $0x3  }
0x96: {  	_ =	strace s3  }
0x97: {  	_ =	strace $0x8FFFFFFF  }
0x98: {  	s19 =	sld [smem:$0x3FDB];
	_ =	sdelay $0x1  }
0x99: {  	s4 =	simm.s32 $_scs_section_size  }
0x9a: {  	s5 =	simm.s32 $_size__tile_overlayer_lowered;
	s6 =	simm.s32 $_tile_overlayer_lowered  }
0x9b: {  	s22 =	simm.s32 $0x1BFF;
	s21 =	sshll.u32 s6, $0x1;
	s3 =	sadd.s32 s4, s19  }
0x9c: {  	s7 =	simm.s32 $0x0;
	s20 =	sshll.u32 s5, $0x1;
	s5 =	sadd.s32 s21, s3  }
0x9d: {  	[timem:s7], [sflag:s22] =	dma.local [hbm:s5], s20  }
0x9e: {  	_ =	swait.ge [sflag:s22], s20  }
0x9f: {  	s4 =	ssub.s32 $0x0, s20;
	[sflag:s22] =	ssyncset.done $0x0  }
0xa0: {  	[sflag:s22] =	ssyncadd.s32 s4;
	_ =	sdelay $0x1  }
0xa1: {  	s23 =	simm.s32 $0x1B8B  }
0xa2: {  	_ =	swait.ge [sflag:s23], $0x1  }
0xa3: {  	[sflag:s23] =	ssyncset.done $0x0  }
0xa4: {  	s25 =	simm.s32 $0x1B8E;
	s24 =	sld [smem:$0x3FFE];
	[sflag:s23] =	ssyncadd.s32 $0xFFFFFFFF  }
0xa5: {  	s26 =	simm.s32 $execute0_lowered;
	[smem:$0x3FD2] =	sst s25  }
0xa6: {  	s5 =	sshll.u32 s26, $0x1;
	_ =	strace $0x80000046;
	[dreg:$0x1] =	wrdreg $0xFFFFFFFF  }
0xa7: {  	s28 =	simm.s32 $_size_execute0_lowered;
	s3 =	sadd.s32 s3, s5;
	[dreg:$0x0] =	wrdreg $0x0  }
0xa8: {  	s5 =	sshll.u32 s28, $0x1;
	[dreg:$0x2] =	wrdreg s3  }
0xa9: {  	[dreg:$0x3] =	wrdreg s5  }
0xaa: {  	[dreg:$0x4] =	wrdreg $0xC0  }
0xab: {  	_ =	task [dreg:s7], $0x5FFFF  }
0xac: {  	[dreg:$0x1] =	wrdreg $0xFFFFFFFF  }
0xad: {  	[dreg:$0x0] =	wrdreg $0x60  }
0xae: {  	[dreg:$0x2] =	wrdreg s24  }
0xaf: {  	[dreg:$0x3] =	wrdreg s2  }
0xb0: {  	[dreg:$0x4] =	wrdreg $0x9  }
0xb1: {  	_ =	task.clear_ibuf [dreg:s7], $0x5FFFF;
	_ =	strace $0x90000046  }
0xb2: {  	s29 =	simm.s32 $0x9;
	_ =	strace $0x80000048  }
0xb3: {  	_ =	swait.ge [sflag:s29], $0x1  }
0xb4: {  	[sflag:s29] =	ssyncadd.s32 $0xFFFFFFFF  }
0xb5: {  	_ =	strace $0x90000048  }
0xb6: {  	_ =	sfence  }
0xb7: {  	s30 =	sld [smem:$0x0];
	_ =	sdelay $0x2  }
0xb8: {  	s31 =	sshll.u32 s1, $0xD;
	s1 =	sshrl.u32 s1, $0x2  }
0xb9: {  	s3 =	sand.u32 $0x4000, s31;
	s1 =	sadd.s32 s1, s30  }
0xba: {  	s0 =	sor.u32 s3, s0;
	s1 =	sshll.u32 s1, $0x11  }
0xbb: {  	s0 =	sor.u32 s1, s0  }
0xbc: {  	s0 =	sadd.s32 $0x8F2B, s0  }
0xbd: {  	[sflag:s0] =	ssyncadd.remote.s32 $0x1  }
0xbe: {  	_ =	sfence.sel $0xFFFF  }
0xbf: {  	[dreg:$0x0] =	wrdreg $0xFFFFFFFF;
	(pc) =	sbr.abs _section_cstart, $3  }
0xc0: {  	[dreg:$0x1] =	wrdreg $0xFFFFFFFF  }
0xc1: {  	_ =	task.clear_ibuf [dreg:s7], $0x2FFFF;
	_ =	strace $0x9FFFFFFF  }
0xc2: {  	(tm) =	ssettm $0x7FFFFFFF  }
0xc3: {  	_ =	shalt  }
tec
execute0_lowered:
.L_overlay_start_1:
0x0: {  	(tag) =	ssettag $0x1  }
0x1: {  	s1 =	srdreg.scid;
	s2 =	stileid.u32  }
0x2: {  	s0 =	rddreg [dreg:$0x0];
	s1 =	sand.u32 $0x1, s1;
	s2 =	sshll.u32 s2, $0x1  }
0x3: {  	s29 =	rddreg [dreg:$0x1];
	s3 =	simm.s32 $0x0;
	s2 =	sor.u32 s1, s2  }
0x4: {  	[smem:$0x7FF] =	sst s3;
	s5 =	smul.u32 $0x1A00, s2  }
0x5: {  	s4 =	sadd.s32 $0xF42A00, s0;
	s10 =	sadd.s32 $0x8000, s29;
	s6 =	smul.u32 $0x340, s2  }
0x6: {  	s11 =	sadd.s32 $0xC000, s29;
	s12 =	sadd.s32 $0x10000, s29;
	s7 =	smul.u32 $0x680, s2  }
0x7: {  	s16 =	sadd.s32 $0x14000, s29;
	s5 =	sand.u32 $0x3E000, s5;
	s6 =	sand.u32 $0x3C0, s6  }
0x8: {  	s17 =	sadd.s32 $0x18000, s29;
	s0 =	sadd.s32 s7, s0;
	s6 =	sor.u32 s6, s5  }
0x9: {  	_ =	strace $0x80000047;
	s0 =	sadd.s32 $0x600, s0;
	s15 =	sshll.u32 s6, $0x4  }
0xa: {  	s6 =	sadd.s32 $0x4000, s29;
	[dreg:$0x3] =	wrdreg s0;
	s18 =	sadd.s32 s29, s15  }
0xb: {  	s1 =	ssub.s32 $0x2, s1;
	s19 =	sadd.s32 s15, s6;
	[dreg:$0x4] =	wrdreg s18  }
0xc: {  	s8 =	sshrl.u32 s1, $0x1;
	s20 =	sadd.s32 s15, s10;
	[dreg:$0x5] =	wrdreg s19  }
0xd: {  	s5 =	smul.u32 $0x68, s2;
	s21 =	sadd.s32 s15, s11;
	[dreg:$0x6] =	wrdreg s20  }
0xe: {  	s1 =	ssub.s32 s1, s8;
	s22 =	sadd.s32 s15, s12;
	[dreg:$0x7] =	wrdreg s21  }
0xf: {  	s23 =	sadd.s32 $0x66, s5;
	s24 =	sadd.s32 s15, s16;
	[dreg:$0x8] =	wrdreg s22  }
0x10: {  	s25 =	sadd.s32 s15, s17;
	s14 =	sor.u32 $0x80, s15;
	[dreg:$0x9] =	wrdreg s24  }
0x11: {  	s28 =	sadd.s32 $0x67, s5;
	[dreg:$0xa] =	wrdreg s25;
	s18 =	sadd.s32 s14, s6  }
0x12: {  	s26 =	sshll.u32 s23, $0xA;
	s19 =	sadd.s32 s14, s10;
	[dreg:$0xd] =	wrdreg s18  }
0x13: {  	s0 =	sshll.u32 s23, $0x7;
	s21 =	sadd.s32 s14, s11;
	[dreg:$0xe] =	wrdreg s19  }
0x14: {  	s9 =	sshll.u32 s28, $0xA;
	s22 =	sadd.s32 s14, s12;
	[dreg:$0xf] =	wrdreg s21  }
0x15: {  	s8 =	sshll.u32 s28, $0x7;
	s23 =	sadd.s32 s14, s16;
	[dreg:$0x10] =	wrdreg s22  }
0x16: {  	s20 =	sadd.s32 $0x1C000, s29;
	s24 =	sadd.s32 s14, s17;
	[dreg:$0x11] =	wrdreg s23  }
0x17: {  	s7 =	sand.u32 $0x7E0000, s26;
	s2 =	sadd.s32 s15, s20;
	[dreg:$0x12] =	wrdreg s24  }
0x18: {  	s0 =	sand.u32 $0x3F00, s0;
	s15 =	sadd.s32 s29, s14;
	[dreg:$0xb] =	wrdreg s2  }
0x19: {  	s25 =	sadd.s32 s14, s20;
	s0 =	sor.u32 s0, s7;
	[dreg:$0xc] =	wrdreg s15  }
0x1a: {  	s13 =	sand.u32 $0x7E0000, s9;
	[dreg:$0x13] =	wrdreg s25;
	s26 =	sadd.s32 s29, s0  }
0x1b: {  	s8 =	sand.u32 $0x3F80, s8;
	s28 =	sadd.s32 s0, s6;
	[dreg:$0x14] =	wrdreg s26  }
0x1c: {  	s7 =	sor.u32 s8, s13;
	s8 =	sadd.s32 s0, s10;
	[dreg:$0x15] =	wrdreg s28  }
0x1d: {  	s9 =	sadd.s32 s0, s11;
	[dreg:$0x16] =	wrdreg s8  }
0x1e: {  	s13 =	sadd.s32 s0, s12;
	[dreg:$0x17] =	wrdreg s9  }
0x1f: {  	s14 =	sadd.s32 s0, s16;
	[dreg:$0x18] =	wrdreg s13  }
0x20: {  	s15 =	sadd.s32 s0, s17;
	[dreg:$0x19] =	wrdreg s14  }
0x21: {  	s0 =	sadd.s32 s0, s20;
	[dreg:$0x1a] =	wrdreg s15  }
0x22: {  	s18 =	sadd.s32 s29, s7;
	[dreg:$0x1b] =	wrdreg s0  }
0x23: {  	s19 =	sadd.s32 s7, s6;
	[dreg:$0x1c] =	wrdreg s18  }
0x24: {  	s21 =	sadd.s32 s7, s10;
	[dreg:$0x1d] =	wrdreg s19  }
0x25: {  	s22 =	sadd.s32 s7, s11;
	[dreg:$0x1e] =	wrdreg s21  }
0x26: {  	s23 =	sadd.s32 s7, s12;
	[dreg:$0x1f] =	wrdreg s22  }
0x27: {  	s24 =	sadd.s32 s7, s16;
	[smem:$0x7F9] =	sst s23  }
0x28: {  	s25 =	sadd.s32 s7, s17;
	[smem:$0x7FA] =	sst s24  }
0x29: {  	s31 =	simm.s32 $0x7400;
	v0 =	vlaneseq.u32;
	s30 =	simm.s32 $0x80;
	[smem:$0x7FB] =	sst s25  }
0x2a: {  	v0 =	vmul.u32 $0x88, v0;
	s26 =	sadd.s32 s7, s20;
	s28 =	smax.u32 s1, $0x1;
	s1 =	simm.s32 $0x7C80  }
0x2b: {  	v1 =	vimm.s32 $0x0;
	vm0 =	vcmask $0x300;
	s0 =	simm.s32 $0x8500;
	s7 =	simm.s32 $0x8D80;
	s15 =	simm.s32 $0x2  }
0x2c: {  	v1 =	vsel vm0, $0x3, v1;
	v2 =	vor.u32 $0x1, v0;
	s18 =	simm.s32 $0x9600;
	s19 =	simm.s32 $0x9E80;
	s21 =	simm.s32 $0xA700  }
0x2d: {  	v3 =	vor.u32 $0x2, v0;
	v4 =	vor.u32 $0x3, v0;
	v5 =	vor.u32 $0x4, v0;
	s22 =	simm.s32 $0xAF80;
	s9 =	simm.s32 $0x3;
	[smem:$0x7FC] =	sst s26  }
0x2e: {  	v6 =	vor.u32 $0x5, v0;
	v7 =	vor.u32 $0x6, v0;
	v8 =	vor.u32 $0x7, v0;
	s13 =	simm.s32 $0x4;
	s8 =	simm.s32 $0x0;
	[smem:$0x7FD] =	sst s28  }
.LBB2_1:
0x2f: {  	[smem:$0x7F8] =	sst s8  }
0x30: {  	s2 =	rddreg [dreg:$0x3]  }
0x31: {  	s24 =	simm.s32 $0x5;
	s23 =	simm.s32 $0x80;
	s25 =	simm.s32 $0x3400  }
0x32: {  	[tilespmem:s3], [sflag:$0x5] =	stream.linear.gather [hbm4b:s2+s3], $0x3400, $0x38;
	[tilespmem:$0xB800] =	vst v63  }
0x33: {  	s26 =	simm.s32 $0x1;
	s14 =	simm.s32 $0x3;
	_ =	swait.ge [sflag:s24], $0x3400  }
0x34: {  	s28 =	simm.s32 $0x2;
	v12 =	vmov s14;
	s14 =	simm.s32 $0x4;
	[sflag:s24] =	ssyncset.done $0x0  }
0x35: {  	v9 =	vmov s3;
	v10 =	vmov s26;
	s26 =	simm.s32 $0x6;
	[sflag:s24] =	ssyncadd.s32 $0xFFFFCC00;
	s24 =	simm.s32 $0x7  }
0x36: {  	v11 =	vmov s28;
	v9 =	vshrl.u32 v9, $0x3;
	v13 =	vmov s14;
	[tilespmem:s25], [sflag:$0x1] =	stream.indirect.gather [hbm4b:s4+s23], $0x40, s3, s23, $0xb8;
	[tilespmem:$0xB800] =	vst v63  }
0x37: {  	s28 =	simm.s32 $0x5400;
	v16 =	vmov s26;
	v9 =	vshll.u32 v9, v1;
	v14 =	vmov s24;
	s24 =	simm.s32 $0x1  }
0x38: {  	v10 =	vshrl.u32 v10, $0x3;
	v11 =	vshrl.u32 v11, $0x3;
	v14 =	vshrl.u32 v14, $0x3;
	[tilespmem:s28], [sflag:$0x2] =	stream.indirect.gather [hbm4b:s4+s23], $0x40, s23, s23, $0xb8;
	[tilespmem:$0xB800] =	vst v63  }
0x39: {  	v12 =	vshrl.u32 v12, $0x3;
	v9 =	vbroadcast v9, $0x0;
	v14 =	vshll.u32 v14, v1;
	_ =	swait.ge [sflag:s24], $0x2000  }
0x3a: {  	v10 =	vshll.u32 v10, v1;
	v13 =	vshrl.u32 v13, $0x3;
	v14 =	vbroadcast v14, $0x0;
	[sflag:s24] =	ssyncset.done $0x0  }
0x3b: {  	s14 =	simm.s32 $0x3500;
	v11 =	vshll.u32 v11, v1;
	v12 =	vshll.u32 v12, v1;
	v10 =	vbroadcast v10, $0x0;
	[sflag:s24] =	ssyncadd.s32 $0xFFFFE000  }
0x3c: {  	v11 =	vbroadcast v11, $0x0;
	v13 =	vshll.u32 v13, v1;
	s25 =	simm.s32 $0x5;
	v18 =	vadd.s32 v8, v14;
	v17 =	vld [tilespmem:s14+$0xC0]  }
0x3d: {  	v9 =	vadd.s32 v0, v9;
	v13 =	vbroadcast v13, $0x0;
	v15 =	vmov s25;
	v19 =	vld [tilespmem:s14+$0xFFFFFF00]  }
0x3e: {  	v15 =	vshrl.u32 v15, $0x3;
	v14 =	vadd.s32 v2, v10;
	v10 =	vbroadcast v12, $0x0;
	v20 =	vld [tilespmem:s14+$0xFFFFFF40]  }
0x3f: {  	v16 =	vshrl.u32 v16, $0x3;
	v15 =	vshll.u32 v15, v1;
	v12 =	vadd.s32 v3, v11;
	v21 =	vld [tilespmem:s14+$0xFFFFFF80]  }
0x40: {  	v22 =	vld [tilespmem:s14+$0xFFFFFFC0];
	v11 =	vadd.s32 v4, v10;
	v10 =	vadd.s32 v5, v13;
	v13 =	vbroadcast v15, $0x0  }
0x41: {  	v23 =	vld [tilespmem:s14+$0x0];
	v15 =	vshll.u32 v16, v1;
	[tilespmem:v18+s31+$0x0] =	vst.idx.msk $0xffff, v17  }
0x42: {  	v16 =	vbroadcast v15, $0x0;
	v15 =	vadd.s32 v6, v13;
	[tilespmem:v9+s31+$0x0] =	vst.idx.msk $0xffff, v19;
	v19 =	vld [tilespmem:s14+$0x40]  }
0x43: {  	[tilespmem:v14+s31+$0x0] =	vst.idx.msk $0xffff, v20;
	v17 =	vld [tilespmem:s14+$0xD0]  }
0x44: {  	v13 =	vadd.s32 v7, v16;
	[tilespmem:v12+s31+$0x0] =	vst.idx.msk $0xffff, v21;
	v16 =	vld [tilespmem:s14+$0xFFFFFF50]  }
0x45: {  	v20 =	vld [tilespmem:s14+$0x80];
	[tilespmem:v11+s31+$0x0] =	vst.idx.msk $0xffff, v22  }
0x46: {  	v21 =	vld [tilespmem:s14+$0xFFFFFF90];
	[tilespmem:v10+s31+$0x0] =	vst.idx.msk $0xffff, v23  }
0x47: {  	v22 =	vld [tilespmem:s14+$0xFFFFFFD0];
	[tilespmem:v15+s31+$0x0] =	vst.idx.msk $0xffff, v19  }
0x48: {  	v19 =	vld [tilespmem:s14+$0x10];
	[tilespmem:v18+s1+$0x0] =	vst.idx.msk $0xffff, v17  }
0x49: {  	[tilespmem:v14+s1+$0x0] =	vst.idx.msk $0xffff, v16;
	v16 =	vld [tilespmem:s14+$0x50]  }
0x4a: {  	[tilespmem:v13+s31+$0x0] =	vst.idx.msk $0xffff, v20;
	v17 =	vld [tilespmem:s14+$0xE0]  }
0x4b: {  	[tilespmem:v12+s1+$0x0] =	vst.idx.msk $0xffff, v21;
	v20 =	vld [tilespmem:s14+$0x90]  }
0x4c: {  	v21 =	vld [tilespmem:s14+$0xFFFFFF10];
	[tilespmem:v11+s1+$0x0] =	vst.idx.msk $0xffff, v22  }
0x4d: {  	v22 =	vld [tilespmem:s14+$0xFFFFFF60];
	[tilespmem:v10+s1+$0x0] =	vst.idx.msk $0xffff, v19  }
0x4e: {  	v23 =	vld [tilespmem:s14+$0xFFFFFFA0];
	[tilespmem:v15+s1+$0x0] =	vst.idx.msk $0xffff, v16  }
0x4f: {  	v25 =	vld [tilespmem:s14+$0xFFFFFFE0];
	[tilespmem:v18+s0+$0x0] =	vst.idx.msk $0xffff, v17  }
0x50: {  	[tilespmem:v13+s1+$0x0] =	vst.idx.msk $0xffff, v20;
	v19 =	vld [tilespmem:s14+$0xF0]  }
0x51: {  	[tilespmem:v9+s1+$0x0] =	vst.idx.msk $0xffff, v21;
	v26 =	vld [tilespmem:s14+$0x20]  }
0x52: {  	[tilespmem:v14+s0+$0x0] =	vst.idx.msk $0xffff, v22;
	v20 =	vld [tilespmem:s14+$0x60]  }
0x53: {  	v17 =	vld [tilespmem:s14+$0xA0];
	[tilespmem:v12+s0+$0x0] =	vst.idx.msk $0xffff, v23  }
0x54: {  	s25 =	simm.s32 $0x9;
	s23 =	simm.s32 $0x8;
	v16 =	vld [tilespmem:s14+$0xFFFFFF20];
	[tilespmem:v11+s0+$0x0] =	vst.idx.msk $0xffff, v25  }
0x55: {  	s26 =	simm.s32 $0xA;
	s28 =	simm.s32 $0xB;
	v24 =	vmov s23;
	v21 =	vmov s25;
	[tilespmem:v18+s7+$0x0] =	vst.idx.msk $0xffff, v19;
	v18 =	vld [tilespmem:s14+$0xFFFFFF70]  }
0x56: {  	s8 =	simm.s32 $0xC;
	s24 =	simm.s32 $0x10;
	s25 =	simm.s32 $0xF;
	v22 =	vmov s26;
	v23 =	vmov s28;
	[tilespmem:v10+s0+$0x0] =	vst.idx.msk $0xffff, v26;
	v19 =	vld [tilespmem:s14+$0xFFFFFFB0]  }
.LBB2_2:
0x57: {  	p0 =	slt.u32 s24, $0x78;
	v24 =	vshrl.u32 v24, $0x3;
	v25 =	vmov s8;
	s2 =	sadd.s32 $0x5, s23;
	s8 =	sadd.s32 $0x6, s23;
	v26 =	vmov s25;
	v27 =	vld [tilespmem:s14+$0xFFFFFFF0];
	[tilespmem:v15+s0+$0x0] =	vst.idx.msk $0xffff, v20  }
0x58: {  	s23 =	smov.u32 s24;
	v20 =	vmov s2;
	v28 =	vmov s8;
	v26 =	vshrl.u32 v26, $0x3;
	v29 =	vld [tilespmem:s14+$0x30];
	[tilespmem:v13+s0+$0x0] =	vst.idx.msk $0xffff, v17  }
0x59: {  	v21 =	vshrl.u32 v21, $0x3;
	v17 =	vshll.u32 v24, v1;
	v24 =	vshll.u32 v26, v1;
	[tilespmem:v9+s0+$0x0] =	vst.idx.msk $0xffff, v16;
	v16 =	vld [tilespmem:s14+$0x70]  }
0x5a: {  	v22 =	vshrl.u32 v22, $0x3;
	v23 =	vshrl.u32 v23, $0x3;
	v24 =	vbroadcast v24, $0x0;
	[tilespmem:v14+s7+$0x0] =	vst.idx.msk $0xffff, v18;
	v18 =	vld [tilespmem:s14+$0xB0]  }
0x5b: {  	v14 =	vbroadcast v17, $0x0;
	v17 =	vshll.u32 v21, v1;
	v21 =	vshrl.u32 v25, $0x3;
	v25 =	vld [tilespmem:s14+$0xFFFFFF30];
	[tilespmem:v12+s7+$0x0] =	vst.idx.msk $0xffff, v19;
	s14 =	sadd.s32 $0x200, s14  }
0x5c: {  	v12 =	vbroadcast v17, $0x0;
	v17 =	vshll.u32 v22, v1;
	v19 =	vld [tilespmem:s14+$0xC0];
	v22 =	vadd.s32 v8, v24;
	[tilespmem:v11+s7+$0x0] =	vst.idx.msk $0xffff, v27  }
0x5d: {  	v26 =	vadd.s32 v0, v14;
	v11 =	vbroadcast v17, $0x0;
	v17 =	vshll.u32 v23, v1;
	v24 =	vld [tilespmem:s14+$0xFFFFFF00];
	[tilespmem:v10+s7+$0x0] =	vst.idx.msk $0xffff, v29  }
0x5e: {  	v14 =	vadd.s32 v2, v12;
	v10 =	vbroadcast v17, $0x0;
	v17 =	vshll.u32 v21, v1;
	v23 =	vld [tilespmem:s14+$0xFFFFFF40];
	[tilespmem:v15+s7+$0x0] =	vst.idx.msk $0xffff, v16  }
0x5f: {  	v12 =	vadd.s32 v3, v11;
	v15 =	vbroadcast v17, $0x0;
	v17 =	vshrl.u32 v20, $0x3;
	v16 =	vld [tilespmem:s14+$0xFFFFFF80];
	[tilespmem:v13+s7+$0x0] =	vst.idx.msk $0xffff, v18  }
0x60: {  	v11 =	vadd.s32 v4, v10;
	v13 =	vshll.u32 v17, v1;
	v17 =	vshrl.u32 v28, $0x3;
	v18 =	vld [tilespmem:s14+$0xFFFFFFC0];
	[tilespmem:v9+s7+$0x0] =	vst.idx.msk $0xffff, v25  }
0x61: {  	v10 =	vadd.s32 v5, v15;
	v13 =	vbroadcast v13, $0x0;
	v15 =	vshll.u32 v17, v1;
	v20 =	vld [tilespmem:s14+$0x0];
	[tilespmem:v22+s31+$0x0] =	vst.idx.msk $0xffff, v19  }
0x62: {  	v9 =	vmov v26;
	v17 =	vbroadcast v15, $0x0;
	[tilespmem:v26+s31+$0x0] =	vst.idx.msk $0xffff, v24;
	v19 =	vld [tilespmem:s14+$0xD0]  }
0x63: {  	v15 =	vadd.s32 v6, v13;
	[tilespmem:v14+s31+$0x0] =	vst.idx.msk $0xffff, v23;
	v21 =	vld [tilespmem:s14+$0x40]  }
0x64: {  	v13 =	vadd.s32 v7, v17;
	[tilespmem:v12+s31+$0x0] =	vst.idx.msk $0xffff, v16;
	v16 =	vld [tilespmem:s14+$0x80]  }
0x65: {  	v17 =	vld [tilespmem:s14+$0xFFFFFF50];
	[tilespmem:v11+s31+$0x0] =	vst.idx.msk $0xffff, v18  }
0x66: {  	v18 =	vld [tilespmem:s14+$0xFFFFFF90];
	[tilespmem:v10+s31+$0x0] =	vst.idx.msk $0xffff, v20  }
0x67: {  	v20 =	vld [tilespmem:s14+$0xFFFFFFD0];
	[tilespmem:v22+s1+$0x0] =	vst.idx.msk $0xffff, v19  }
0x68: {  	[tilespmem:v15+s31+$0x0] =	vst.idx.msk $0xffff, v21;
	v19 =	vld [tilespmem:s14+$0xE0]  }
0x69: {  	v21 =	vld [tilespmem:s14+$0x10];
	[tilespmem:v13+s31+$0x0] =	vst.idx.msk $0xffff, v16  }
0x6a: {  	[tilespmem:v14+s1+$0x0] =	vst.idx.msk $0xffff, v17;
	v16 =	vld [tilespmem:s14+$0x50]  }
0x6b: {  	[tilespmem:v12+s1+$0x0] =	vst.idx.msk $0xffff, v18;
	v17 =	vld [tilespmem:s14+$0x90]  }
0x6c: {  	v18 =	vld [tilespmem:s14+$0xFFFFFF10];
	[tilespmem:v11+s1+$0x0] =	vst.idx.msk $0xffff, v20  }
0x6d: {  	v20 =	vld [tilespmem:s14+$0xFFFFFF60];
	[tilespmem:v22+s0+$0x0] =	vst.idx.msk $0xffff, v19  }
0x6e: {  	[tilespmem:v10+s1+$0x0] =	vst.idx.msk $0xffff, v21;
	v19 =	vld [tilespmem:s14+$0xF0]  }
0x6f: {  	v21 =	vld [tilespmem:s14+$0xFFFFFFA0];
	[tilespmem:v15+s1+$0x0] =	vst.idx.msk $0xffff, v16  }
0x70: {  	v23 =	vld [tilespmem:s14+$0xFFFFFFE0];
	[tilespmem:v13+s1+$0x0] =	vst.idx.msk $0xffff, v17  }
0x71: {  	[tilespmem:v26+s1+$0x0] =	vst.idx.msk $0xffff, v18;
	v25 =	vld [tilespmem:s14+$0x20]  }
.Ltmp0:
0x72: {  	[tilespmem:v14+s0+$0x0] =	vst.idx.msk $0xffff, v20;
	v20 =	vld [tilespmem:s14+$0x60];
	(pc) =	sbr.rel @p0 .LBB2_2-.Ltmp0, $4  }
0x73: {  	v17 =	vld [tilespmem:s14+$0xA0];
	[tilespmem:v22+s7+$0x0] =	vst.idx.msk $0xffff, v19  }
0x74: {  	s2 =	sadd.s32 $0x1, s24;
	v16 =	vld [tilespmem:s14+$0xFFFFFF20];
	[tilespmem:v12+s0+$0x0] =	vst.idx.msk $0xffff, v21  }
0x75: {  	s8 =	sadd.s32 $0x3, s24;
	v24 =	vmov s24;
	v21 =	vmov s2;
	s2 =	sadd.s32 $0x2, s24;
	v18 =	vld [tilespmem:s14+$0xFFFFFF70];
	[tilespmem:v11+s0+$0x0] =	vst.idx.msk $0xffff, v23  }
0x76: {  	s25 =	sadd.s32 $0x7, s23;
	s24 =	sadd.s32 $0x8, s24;
	v22 =	vmov s2;
	v23 =	vmov s8;
	s8 =	sadd.s32 $0x4, s23;
	v19 =	vld [tilespmem:s14+$0xFFFFFFB0];
	[tilespmem:v10+s0+$0x0] =	vst.idx.msk $0xffff, v25  }
0x77: {  	_ =	sdelay $0x3  }
0x78: {  	v24 =	vshrl.u32 v24, $0x3;
	v25 =	vmov s8;
	v26 =	vmov s25;
	v27 =	vld [tilespmem:s14+$0xFFFFFFF0];
	[tilespmem:v15+s0+$0x0] =	vst.idx.msk $0xffff, v20  }
0x79: {  	v29 =	vld [tilespmem:s14+$0x30];
	v21 =	vshrl.u32 v21, $0x3;
	v22 =	vshrl.u32 v22, $0x3;
	v26 =	vshrl.u32 v26, $0x3;
	[tilespmem:v13+s0+$0x0] =	vst.idx.msk $0xffff, v17  }
0x7a: {  	s2 =	sadd.s32 $0x5, s23;
	s24 =	sadd.s32 $0x6, s23;
	v23 =	vshrl.u32 v23, $0x3;
	v17 =	vshll.u32 v24, v1;
	v24 =	vshll.u32 v26, v1;
	[tilespmem:v9+s0+$0x0] =	vst.idx.msk $0xffff, v16;
	v16 =	vld [tilespmem:s14+$0x70]  }
0x7b: {  	v20 =	vmov s2;
	v28 =	vmov s24;
	v24 =	vbroadcast v24, $0x0;
	[tilespmem:v14+s7+$0x0] =	vst.idx.msk $0xffff, v18;
	v14 =	vld [tilespmem:s14+$0xB0]  }
0x7c: {  	s25 =	sadd.s32 $0x200, s14;
	v17 =	vbroadcast v17, $0x0;
	v18 =	vshll.u32 v21, v1;
	v21 =	vshrl.u32 v25, $0x3;
	v25 =	vld [tilespmem:s14+$0xFFFFFF30];
	[tilespmem:v12+s7+$0x0] =	vst.idx.msk $0xffff, v19  }
0x7d: {  	v12 =	vbroadcast v18, $0x0;
	v18 =	vshll.u32 v22, v1;
	v19 =	vld [tilespmem:s25+$0xC0];
	v22 =	vadd.s32 v8, v24;
	[tilespmem:v11+s7+$0x0] =	vst.idx.msk $0xffff, v27  }
0x7e: {  	v23 =	vshll.u32 v23, v1;
	v17 =	vadd.s32 v0, v17;
	v11 =	vld [tilespmem:s25+$0xFFFFFF00];
	v18 =	vbroadcast v18, $0x0;
	[tilespmem:v10+s7+$0x0] =	vst.idx.msk $0xffff, v29  }
0x7f: {  	v23 =	vbroadcast v23, $0x0;
	v21 =	vshll.u32 v21, v1;
	v10 =	vld [tilespmem:s25+$0xFFFFFF40];
	v12 =	vadd.s32 v2, v12;
	[tilespmem:v15+s7+$0x0] =	vst.idx.msk $0xffff, v16  }
0x80: {  	v20 =	vshrl.u32 v20, $0x3;
	v15 =	vld [tilespmem:s25+$0xFFFFFF80];
	v16 =	vadd.s32 v3, v18;
	v18 =	vbroadcast v21, $0x0;
	[tilespmem:v13+s7+$0x0] =	vst.idx.msk $0xffff, v14  }
0x81: {  	v20 =	vshll.u32 v20, v1;
	v21 =	vshrl.u32 v28, $0x3;
	v13 =	vld [tilespmem:s25+$0xFFFFFFC0];
	v14 =	vadd.s32 v4, v23;
	[tilespmem:v9+s7+$0x0] =	vst.idx.msk $0xffff, v25  }
0x82: {  	v20 =	vbroadcast v20, $0x0;
	v9 =	vld [tilespmem:s25+$0x0];
	v21 =	vshll.u32 v21, v1;
	v18 =	vadd.s32 v5, v18;
	[tilespmem:v22+s31+$0x0] =	vst.idx.msk $0xffff, v19  }
0x83: {  	[tilespmem:v17+s31+$0x0] =	vst.idx.msk $0xffff, v11;
	v11 =	vbroadcast v21, $0x0;
	v19 =	vld [tilespmem:s25+$0xD0]  }
0x84: {  	v20 =	vadd.s32 v6, v20;
	[tilespmem:v12+s31+$0x0] =	vst.idx.msk $0xffff, v10;
	v10 =	vld [tilespmem:s25+$0x40]  }
0x85: {  	[tilespmem:v16+s31+$0x0] =	vst.idx.msk $0xffff, v15;
	v15 =	vld [tilespmem:s25+$0x80];
	v11 =	vadd.s32 v7, v11  }
0x86: {  	v21 =	vld [tilespmem:s25+$0xFFFFFF50];
	[tilespmem:v14+s31+$0x0] =	vst.idx.msk $0xffff, v13  }
0x87: {  	v13 =	vld [tilespmem:s25+$0xFFFFFF90];
	[tilespmem:v18+s31+$0x0] =	vst.idx.msk $0xffff, v9  }
0x88: {  	v9 =	vld [tilespmem:s25+$0xFFFFFFD0];
	[tilespmem:v22+s1+$0x0] =	vst.idx.msk $0xffff, v19  }
0x89: {  	[tilespmem:v20+s31+$0x0] =	vst.idx.msk $0xffff, v10;
	v19 =	vld [tilespmem:s25+$0x10]  }
0x8a: {  	v10 =	vld [tilespmem:s25+$0xE0];
	[tilespmem:v11+s31+$0x0] =	vst.idx.msk $0xffff, v15  }
0x8b: {  	[tilespmem:v12+s1+$0x0] =	vst.idx.msk $0xffff, v21;
	v15 =	vld [tilespmem:s25+$0x50]  }
0x8c: {  	v21 =	vld [tilespmem:s25+$0xFFFFFF10];
	[tilespmem:v16+s1+$0x0] =	vst.idx.msk $0xffff, v13  }
0x8d: {  	v13 =	vld [tilespmem:s25+$0x90];
	[tilespmem:v14+s1+$0x0] =	vst.idx.msk $0xffff, v9  }
0x8e: {  	v9 =	vld [tilespmem:s25+$0xFFFFFF60];
	[tilespmem:v18+s1+$0x0] =	vst.idx.msk $0xffff, v19  }
0x8f: {  	v19 =	vld [tilespmem:s25+$0xFFFFFFA0];
	[tilespmem:v22+s0+$0x0] =	vst.idx.msk $0xffff, v10  }
0x90: {  	[tilespmem:v20+s1+$0x0] =	vst.idx.msk $0xffff, v15;
	v15 =	vld [tilespmem:s25+$0xFFFFFFE0]  }
0x91: {  	[tilespmem:v17+s1+$0x0] =	vst.idx.msk $0xffff, v21;
	v10 =	vld [tilespmem:s25+$0xF0]  }
0x92: {  	[tilespmem:v11+s1+$0x0] =	vst.idx.msk $0xffff, v13;
	v13 =	vld [tilespmem:s25+$0x20]  }
0x93: {  	[tilespmem:v12+s0+$0x0] =	vst.idx.msk $0xffff, v9;
	v9 =	vld [tilespmem:s25+$0x60]  }
0x94: {  	v21 =	vld [tilespmem:s25+$0xA0];
	[tilespmem:v16+s0+$0x0] =	vst.idx.msk $0xffff, v19  }
0x95: {  	v19 =	vld [tilespmem:s25+$0xFFFFFF70];
	[tilespmem:v14+s0+$0x0] =	vst.idx.msk $0xffff, v15  }
0x96: {  	[tilespmem:v22+s7+$0x0] =	vst.idx.msk $0xffff, v10;
	v10 =	vld [tilespmem:s25+$0xFFFFFF20]  }
0x97: {  	v15 =	vld [tilespmem:s25+$0xFFFFFFB0];
	[tilespmem:v18+s0+$0x0] =	vst.idx.msk $0xffff, v13  }
0x98: {  	v13 =	vld [tilespmem:s25+$0xFFFFFFF0];
	[tilespmem:v20+s0+$0x0] =	vst.idx.msk $0xffff, v9  }
0x99: {  	v9 =	vld [tilespmem:s25+$0x30];
	[tilespmem:v11+s0+$0x0] =	vst.idx.msk $0xffff, v21  }
0x9a: {  	[tilespmem:v12+s7+$0x0] =	vst.idx.msk $0xffff, v19;
	v12 =	vld [tilespmem:s25+$0xB0]  }
0x9b: {  	[tilespmem:v17+s0+$0x0] =	vst.idx.msk $0xffff, v10;
	v10 =	vld [tilespmem:s25+$0x70]  }
0x9c: {  	[tilespmem:v16+s7+$0x0] =	vst.idx.msk $0xffff, v15;
	v19 =	vld [tilespmem:s25+$0xFFFFFF30]  }
0x9d: {  	[tilespmem:v14+s7+$0x0] =	vst.idx.msk $0xffff, v13  }
0x9e: {  	[tilespmem:v18+s7+$0x0] =	vst.idx.msk $0xffff, v9  }
0x9f: {  	[tilespmem:v11+s7+$0x0] =	vst.idx.msk $0xffff, v12  }
0xa0: {  	[tilespmem:v20+s7+$0x0] =	vst.idx.msk $0xffff, v10  }
0xa1: {  	[tilespmem:v17+s7+$0x0] =	vst.idx.msk $0xffff, v19  }
0xa2: {  	s14 =	simm.s32 $0x0;
	s8 =	rddreg [dreg:$0x4]  }
0xa3: {  	[hbm4b:s8+s14] =	stream.linear.scatter [tilespmem:s31], [sflag:$0x3], $0x80, $0x38;
	[tilespmem:$0xB800] =	vst v63  }
0xa4: {  	s28 =	simm.s32 $0x7488;
	s26 =	sadd.s32 $0x10, s8  }
0xa5: {  	[hbm4b:s26+s14] =	stream.linear.scatter [tilespmem:s28], [sflag:$0x3], $0x80, $0x38;
	[tilespmem:$0xB800] =	vst v63  }
0xa6: {  	s25 =	simm.s32 $0x7510;
	s24 =	sadd.s32 $0x20, s8  }
0xa7: {  	[hbm4b:s24+s14] =	stream.linear.scatter [tilespmem:s25], [sflag:$0x3], $0x80, $0x38;
	[tilespmem:$0xB800] =	vst v63  }
0xa8: {  	s26 =	sadd.s32 $0x30, s8;
	s28 =	simm.s32 $0x7598  }
0xa9: {  	[hbm4b:s26+s14] =	stream.linear.scatter [tilespmem:s28], [sflag:$0x3], $0x80, $0x38;
	[tilespmem:$0xB800] =	vst v63  }
0xaa: {  	s24 =	sadd.s32 $0x40, s8;
	s25 =	simm.s32 $0x7620  }
0xab: {  	[hbm4b:s24+s14] =	stream.linear.scatter [tilespmem:s25], [sflag:$0x3], $0x80, $0x38;
	[tilespmem:$0xB800] =	vst v63  }
0xac: {  	s26 =	sadd.s32 $0x50, s8;
	s28 =	simm.s32 $0x76A8  }
0xad: {  	[hbm4b:s26+s14] =	stream.linear.scatter [tilespmem:s28], [sflag:$0x3], $0x80, $0x38;
	[tilespmem:$0xB800] =	vst v63  }
0xae: {  	s24 =	sadd.s32 $0x60, s8;
	s25 =	simm.s32 $0x7730  }
0xaf: {  	[hbm4b:s24+s14] =	stream.linear.scatter [tilespmem:s25], [sflag:$0x3], $0x80, $0x38;
	[tilespmem:$0xB800] =	vst v63  }
0xb0: {  	s26 =	sadd.s32 $0x70, s8;
	s28 =	simm.s32 $0x77B8  }
0xb1: {  	[hbm4b:s26+s14] =	stream.linear.scatter [tilespmem:s28], [sflag:$0x3], $0x80, $0x38;
	[tilespmem:$0xB800] =	vst v63  }
0xb2: {  	s23 =	simm.s32 $0x7840;
	s8 =	rddreg [dreg:$0x5]  }
0xb3: {  	[hbm4b:s8+s14] =	stream.linear.scatter [tilespmem:s23], [sflag:$0x3], $0x80, $0x38;
	[tilespmem:$0xB800] =	vst v63  }
0xb4: {  	s24 =	sadd.s32 $0x10, s8;
	s25 =	simm.s32 $0x78C8  }
0xb5: {  	[hbm4b:s24+s14] =	stream.linear.scatter [tilespmem:s25], [sflag:$0x3], $0x80, $0x38;
	[tilespmem:$0xB800] =	vst v63  }
0xb6: {  	s26 =	sadd.s32 $0x20, s8;
	s28 =	simm.s32 $0x7950  }
0xb7: {  	[hbm4b:s26+s14] =	stream.linear.scatter [tilespmem:s28], [sflag:$0x3], $0x80, $0x38;
	[tilespmem:$0xB800] =	vst v63  }
0xb8: {  	s24 =	sadd.s32 $0x30, s8;
	s25 =	simm.s32 $0x79D8  }
0xb9: {  	[hbm4b:s24+s14] =	stream.linear.scatter [tilespmem:s25], [sflag:$0x3], $0x80, $0x38;
	[tilespmem:$0xB800] =	vst v63  }
0xba: {  	s26 =	sadd.s32 $0x40, s8;
	s28 =	simm.s32 $0x7A60  }
0xbb: {  	[hbm4b:s26+s14] =	stream.linear.scatter [tilespmem:s28], [sflag:$0x3], $0x80, $0x38;
	[tilespmem:$0xB800] =	vst v63  }
0xbc: {  	s24 =	sadd.s32 $0x50, s8;
	s25 =	simm.s32 $0x7AE8  }
0xbd: {  	[hbm4b:s24+s14] =	stream.linear.scatter [tilespmem:s25], [sflag:$0x3], $0x80, $0x38;
	[tilespmem:$0xB800] =	vst v63  }
0xbe: {  	s26 =	sadd.s32 $0x60, s8;
	s28 =	simm.s32 $0x7B70  }
0xbf: {  	[hbm4b:s26+s14] =	stream.linear.scatter [tilespmem:s28], [sflag:$0x3], $0x80, $0x38;
	[tilespmem:$0xB800] =	vst v63  }
0xc0: {  	s24 =	sadd.s32 $0x70, s8;
	s25 =	simm.s32 $0x7BF8  }
0xc1: {  	[hbm4b:s24+s14] =	stream.linear.scatter [tilespmem:s25], [sflag:$0x3], $0x80, $0x38;
	[tilespmem:$0xB800] =	vst v63  }
0xc2: {  	s8 =	rddreg [dreg:$0x6]  }
0xc3: {  	[hbm4b:s8+s14] =	stream.linear.scatter [tilespmem:s1], [sflag:$0x3], $0x80, $0x38;
	[tilespmem:$0xB800] =	vst v63  }
0xc4: {  	s26 =	sadd.s32 $0x10, s8;
	s28 =	simm.s32 $0x7D08  }
0xc5: {  	[hbm4b:s26+s14] =	stream.linear.scatter [tilespmem:s28], [sflag:$0x3], $0x80, $0x38;
	[tilespmem:$0xB800] =	vst v63  }
0xc6: {  	s24 =	sadd.s32 $0x20, s8;
	s25 =	simm.s32 $0x7D90  }
0xc7: {  	[hbm4b:s24+s14] =	stream.linear.scatter [tilespmem:s25], [sflag:$0x3], $0x80, $0x38;
	[tilespmem:$0xB800] =	vst v63  }
0xc8: {  	s26 =	sadd.s32 $0x30, s8;
	s28 =	simm.s32 $0x7E18  }
0xc9: {  	[hbm4b:s26+s14] =	stream.linear.scatter [tilespmem:s28], [sflag:$0x3], $0x80, $0x38;
	[tilespmem:$0xB800] =	vst v63  }
0xca: {  	s24 =	sadd.s32 $0x40, s8;
	s25 =	simm.s32 $0x7EA0  }
0xcb: {  	[hbm4b:s24+s14] =	stream.linear.scatter [tilespmem:s25], [sflag:$0x3], $0x80, $0x38;
	[tilespmem:$0xB800] =	vst v63  }
0xcc: {  	s26 =	sadd.s32 $0x50, s8;
	s28 =	simm.s32 $0x7F28  }
0xcd: {  	[hbm4b:s26+s14] =	stream.linear.scatter [tilespmem:s28], [sflag:$0x3], $0x80, $0x38;
	[tilespmem:$0xB800] =	vst v63  }
0xce: {  	s24 =	sadd.s32 $0x60, s8;
	s25 =	simm.s32 $0x7FB0  }
0xcf: {  	[hbm4b:s24+s14] =	stream.linear.scatter [tilespmem:s25], [sflag:$0x3], $0x80, $0x38;
	[tilespmem:$0xB800] =	vst v63  }
0xd0: {  	s26 =	sadd.s32 $0x70, s8;
	s28 =	simm.s32 $0x8038  }
0xd1: {  	[hbm4b:s26+s14] =	stream.linear.scatter [tilespmem:s28], [sflag:$0x3], $0x80, $0x38;
	[tilespmem:$0xB800] =	vst v63  }
0xd2: {  	s23 =	simm.s32 $0x80C0;
	s8 =	rddreg [dreg:$0x7]  }
0xd3: {  	[hbm4b:s8+s14] =	stream.linear.scatter [tilespmem:s23], [sflag:$0x3], $0x80, $0x38;
	[tilespmem:$0xB800] =	vst v63  }
0xd4: {  	s24 =	sadd.s32 $0x10, s8;
	s25 =	simm.s32 $0x8148  }
0xd5: {  	[hbm4b:s24+s14] =	stream.linear.scatter [tilespmem:s25], [sflag:$0x3], $0x80, $0x38;
	[tilespmem:$0xB800] =	vst v63  }
0xd6: {  	s26 =	sadd.s32 $0x20, s8;
	s28 =	simm.s32 $0x81D0  }
0xd7: {  	[hbm4b:s26+s14] =	stream.linear.scatter [tilespmem:s28], [sflag:$0x3], $0x80, $0x38;
	[tilespmem:$0xB800] =	vst v63  }
0xd8: {  	s24 =	sadd.s32 $0x30, s8;
	s25 =	simm.s32 $0x8258  }
0xd9: {  	[hbm4b:s24+s14] =	stream.linear.scatter [tilespmem:s25], [sflag:$0x3], $0x80, $0x38;
	[tilespmem:$0xB800] =	vst v63  }
0xda: {  	s26 =	sadd.s32 $0x40, s8;
	s28 =	simm.s32 $0x82E0  }
0xdb: {  	[hbm4b:s26+s14] =	stream.linear.scatter [tilespmem:s28], [sflag:$0x3], $0x80, $0x38;
	[tilespmem:$0xB800] =	vst v63  }
0xdc: {  	s24 =	sadd.s32 $0x50, s8;
	s25 =	simm.s32 $0x8368  }
0xdd: {  	[hbm4b:s24+s14] =	stream.linear.scatter [tilespmem:s25], [sflag:$0x3], $0x80, $0x38;
	[tilespmem:$0xB800] =	vst v63  }
0xde: {  	s26 =	sadd.s32 $0x60, s8;
	s28 =	simm.s32 $0x83F0  }
0xdf: {  	[hbm4b:s26+s14] =	stream.linear.scatter [tilespmem:s28], [sflag:$0x3], $0x80, $0x38;
	[tilespmem:$0xB800] =	vst v63  }
0xe0: {  	s24 =	sadd.s32 $0x70, s8;
	s25 =	simm.s32 $0x8478  }
0xe1: {  	[hbm4b:s24+s14] =	stream.linear.scatter [tilespmem:s25], [sflag:$0x3], $0x80, $0x38;
	[tilespmem:$0xB800] =	vst v63  }
0xe2: {  	s8 =	rddreg [dreg:$0x8]  }
0xe3: {  	[hbm4b:s8+s14] =	stream.linear.scatter [tilespmem:s0], [sflag:$0x3], $0x80, $0x38;
	[tilespmem:$0xB800] =	vst v63  }
0xe4: {  	s26 =	sadd.s32 $0x10, s8;
	s28 =	simm.s32 $0x8588  }
0xe5: {  	[hbm4b:s26+s14] =	stream.linear.scatter [tilespmem:s28], [sflag:$0x3], $0x80, $0x38;
	[tilespmem:$0xB800] =	vst v63  }
0xe6: {  	s24 =	sadd.s32 $0x20, s8;
	s25 =	simm.s32 $0x8610  }
0xe7: {  	[hbm4b:s24+s14] =	stream.linear.scatter [tilespmem:s25], [sflag:$0x3], $0x80, $0x38;
	[tilespmem:$0xB800] =	vst v63  }
0xe8: {  	s26 =	sadd.s32 $0x30, s8;
	s28 =	simm.s32 $0x8698  }
0xe9: {  	[hbm4b:s26+s14] =	stream.linear.scatter [tilespmem:s28], [sflag:$0x3], $0x80, $0x38;
	[tilespmem:$0xB800] =	vst v63  }
0xea: {  	s24 =	sadd.s32 $0x40, s8;
	s25 =	simm.s32 $0x8720  }
0xeb: {  	[hbm4b:s24+s14] =	stream.linear.scatter [tilespmem:s25], [sflag:$0x3], $0x80, $0x38;
	[tilespmem:$0xB800] =	vst v63  }
0xec: {  	s26 =	sadd.s32 $0x50, s8;
	s28 =	simm.s32 $0x87A8  }
0xed: {  	[hbm4b:s26+s14] =	stream.linear.scatter [tilespmem:s28], [sflag:$0x3], $0x80, $0x38;
	[tilespmem:$0xB800] =	vst v63  }
0xee: {  	s24 =	sadd.s32 $0x60, s8;
	s25 =	simm.s32 $0x8830  }
0xef: {  	[hbm4b:s24+s14] =	stream.linear.scatter [tilespmem:s25], [sflag:$0x3], $0x80, $0x38;
	[tilespmem:$0xB800] =	vst v63  }
0xf0: {  	s26 =	sadd.s32 $0x70, s8;
	s28 =	simm.s32 $0x88B8  }
0xf1: {  	[hbm4b:s26+s14] =	stream.linear.scatter [tilespmem:s28], [sflag:$0x3], $0x80, $0x38;
	[tilespmem:$0xB800] =	vst v63  }
0xf2: {  	s23 =	simm.s32 $0x8940;
	s8 =	rddreg [dreg:$0x9]  }
0xf3: {  	[hbm4b:s8+s14] =	stream.linear.scatter [tilespmem:s23], [sflag:$0x3], $0x80, $0x38;
	[tilespmem:$0xB800] =	vst v63  }
0xf4: {  	s24 =	sadd.s32 $0x10, s8;
	s25 =	simm.s32 $0x89C8  }
0xf5: {  	[hbm4b:s24+s14] =	stream.linear.scatter [tilespmem:s25], [sflag:$0x3], $0x80, $0x38;
	[tilespmem:$0xB800] =	vst v63  }
0xf6: {  	s26 =	sadd.s32 $0x20, s8;
	s28 =	simm.s32 $0x8A50  }
0xf7: {  	[hbm4b:s26+s14] =	stream.linear.scatter [tilespmem:s28], [sflag:$0x3], $0x80, $0x38;
	[tilespmem:$0xB800] =	vst v63  }
0xf8: {  	s24 =	sadd.s32 $0x30, s8;
	s25 =	simm.s32 $0x8AD8  }
0xf9: {  	[hbm4b:s24+s14] =	stream.linear.scatter [tilespmem:s25], [sflag:$0x3], $0x80, $0x38;
	[tilespmem:$0xB800] =	vst v63  }
0xfa: {  	s26 =	sadd.s32 $0x40, s8;
	s28 =	simm.s32 $0x8B60  }
0xfb: {  	[hbm4b:s26+s14] =	stream.linear.scatter [tilespmem:s28], [sflag:$0x3], $0x80, $0x38;
	[tilespmem:$0xB800] =	vst v63  }
0xfc: {  	s24 =	sadd.s32 $0x50, s8;
	s25 =	simm.s32 $0x8BE8  }
0xfd: {  	[hbm4b:s24+s14] =	stream.linear.scatter [tilespmem:s25], [sflag:$0x3], $0x80, $0x38;
	[tilespmem:$0xB800] =	vst v63  }
0xfe: {  	s26 =	sadd.s32 $0x60, s8;
	s28 =	simm.s32 $0x8C70  }
0xff: {  	[hbm4b:s26+s14] =	stream.linear.scatter [tilespmem:s28], [sflag:$0x3], $0x80, $0x38;
	[tilespmem:$0xB800] =	vst v63  }
0x100: {  	s23 =	simm.s32 $0x8CF8;
	s8 =	sadd.s32 $0x70, s8  }
0x101: {  	[hbm4b:s8+s14] =	stream.linear.scatter [tilespmem:s23], [sflag:$0x3], $0x80, $0x38;
	[tilespmem:$0xB800] =	vst v63  }
0x102: {  	s8 =	rddreg [dreg:$0xa]  }
0x103: {  	[hbm4b:s8+s14] =	stream.linear.scatter [tilespmem:s7], [sflag:$0x3], $0x80, $0x38;
	[tilespmem:$0xB800] =	vst v63  }
0x104: {  	s25 =	simm.s32 $0x8E08;
	s24 =	sadd.s32 $0x10, s8  }
0x105: {  	[hbm4b:s24+s14] =	stream.linear.scatter [tilespmem:s25], [sflag:$0x3], $0x80, $0x38;
	[tilespmem:$0xB800] =	vst v63  }
0x106: {  	s28 =	simm.s32 $0x8E90;
	s26 =	sadd.s32 $0x20, s8  }
0x107: {  	[hbm4b:s26+s14] =	stream.linear.scatter [tilespmem:s28], [sflag:$0x3], $0x80, $0x38;
	[tilespmem:$0xB800] =	vst v63  }
0x108: {  	s24 =	sadd.s32 $0x30, s8;
	s25 =	simm.s32 $0x8F18  }
0x109: {  	[hbm4b:s24+s14] =	stream.linear.scatter [tilespmem:s25], [sflag:$0x3], $0x80, $0x38;
	[tilespmem:$0xB800] =	vst v63  }
0x10a: {  	s26 =	sadd.s32 $0x40, s8;
	s28 =	simm.s32 $0x8FA0  }
0x10b: {  	[hbm4b:s26+s14] =	stream.linear.scatter [tilespmem:s28], [sflag:$0x3], $0x80, $0x38;
	[tilespmem:$0xB800] =	vst v63  }
0x10c: {  	s24 =	sadd.s32 $0x50, s8;
	s25 =	simm.s32 $0x9028  }
0x10d: {  	[hbm4b:s24+s14] =	stream.linear.scatter [tilespmem:s25], [sflag:$0x3], $0x80, $0x38;
	[tilespmem:$0xB800] =	vst v63  }
0x10e: {  	s26 =	sadd.s32 $0x60, s8;
	s28 =	simm.s32 $0x90B0  }
0x10f: {  	[hbm4b:s26+s14] =	stream.linear.scatter [tilespmem:s28], [sflag:$0x3], $0x80, $0x38;
	[tilespmem:$0xB800] =	vst v63  }
0x110: {  	s23 =	sadd.s32 $0x70, s8;
	s24 =	simm.s32 $0x9138  }
0x111: {  	[hbm4b:s23+s14] =	stream.linear.scatter [tilespmem:s24], [sflag:$0x3], $0x80, $0x38;
	[tilespmem:$0xB800] =	vst v63  }
0x112: {  	s8 =	rddreg [dreg:$0xb];
	s25 =	simm.s32 $0x91C0  }
0x113: {  	[hbm4b:s8+s14] =	stream.linear.scatter [tilespmem:s25], [sflag:$0x3], $0x80, $0x38;
	[tilespmem:$0xB800] =	vst v63  }
0x114: {  	s26 =	sadd.s32 $0x10, s8;
	s28 =	simm.s32 $0x9248  }
0x115: {  	[hbm4b:s26+s14] =	stream.linear.scatter [tilespmem:s28], [sflag:$0x3], $0x80, $0x38;
	[tilespmem:$0xB800] =	vst v63  }
0x116: {  	s24 =	sadd.s32 $0x20, s8;
	s25 =	simm.s32 $0x92D0  }
0x117: {  	[hbm4b:s24+s14] =	stream.linear.scatter [tilespmem:s25], [sflag:$0x3], $0x80, $0x38;
	[tilespmem:$0xB800] =	vst v63  }
0x118: {  	s26 =	sadd.s32 $0x30, s8;
	s28 =	simm.s32 $0x9358  }
0x119: {  	[hbm4b:s26+s14] =	stream.linear.scatter [tilespmem:s28], [sflag:$0x3], $0x80, $0x38;
	[tilespmem:$0xB800] =	vst v63  }
0x11a: {  	s23 =	simm.s32 $0x3;
	s24 =	sadd.s32 $0x40, s8;
	s25 =	simm.s32 $0x93E0  }
0x11b: {  	[hbm4b:s24+s14] =	stream.linear.scatter [tilespmem:s25], [sflag:$0x3], $0x80, $0x38;
	[tilespmem:$0xB800] =	vst v63  }
0x11c: {  	v9 =	vmov s14;
	s26 =	sadd.s32 $0x50, s8;
	s28 =	simm.s32 $0x9468;
	s24 =	sadd.s32 $0x60, s8  }
0x11d: {  	v9 =	vshrl.u32 v9, $0x3;
	[hbm4b:s26+s14] =	stream.linear.scatter [tilespmem:s28], [sflag:$0x3], $0x80, $0x38;
	[tilespmem:$0xB800] =	vst v63  }
0x11e: {  	v9 =	vshll.u32 v9, v1;
	s25 =	simm.s32 $0x94F0;
	s26 =	sadd.s32 $0x70, s8;
	s28 =	simm.s32 $0x9578  }
0x11f: {  	v9 =	vbroadcast v9, $0x0;
	[hbm4b:s24+s14] =	stream.linear.scatter [tilespmem:s25], [sflag:$0x3], $0x80, $0x38;
	[tilespmem:$0xB800] =	vst v63  }
0x120: {  	s8 =	simm.s32 $0x1;
	s24 =	simm.s32 $0x4;
	s25 =	simm.s32 $0x7  }
0x121: {  	v9 =	vadd.s32 v0, v9;
	v12 =	vmov s23;
	[hbm4b:s26+s14] =	stream.linear.scatter [tilespmem:s28], [sflag:$0x3], $0x80, $0x38;
	[tilespmem:$0xB800] =	vst v63  }
0x122: {  	s23 =	simm.s32 $0x3400;
	v10 =	vmov s8;
	v13 =	vmov s24;
	v14 =	vmov s25;
	s24 =	simm.s32 $0x100  }
0x123: {  	v12 =	vshrl.u32 v12, $0x3;
	v10 =	vshrl.u32 v10, $0x3;
	v14 =	vshrl.u32 v14, $0x3;
	[tilespmem:s23], [sflag:$0x1] =	stream.indirect.gather [hbm4b:s4+s30], $0x40, s24, s30, $0xb8;
	[tilespmem:$0xB800] =	vst v63  }
0x124: {  	v12 =	vshll.u32 v12, v1;
	v10 =	vshll.u32 v10, v1;
	s14 =	simm.s32 $0x2;
	v14 =	vshll.u32 v14, v1;
	_ =	swait.ge [sflag:s15], $0x2000  }
0x125: {  	s26 =	simm.s32 $0x5;
	v13 =	vshrl.u32 v13, $0x3;
	v11 =	vmov s14;
	v14 =	vbroadcast v14, $0x0;
	[sflag:s15] =	ssyncset.done $0x0  }
0x126: {  	v10 =	vbroadcast v10, $0x0;
	v15 =	vmov s26;
	s14 =	simm.s32 $0x5500;
	v11 =	vshrl.u32 v11, $0x3;
	[sflag:s15] =	ssyncadd.s32 $0xFFFFE000  }
0x127: {  	s28 =	simm.s32 $0x6;
	v13 =	vshll.u32 v13, v1;
	v11 =	vshll.u32 v11, v1;
	v18 =	vadd.s32 v8, v14;
	v17 =	vld [tilespmem:s14+$0xC0]  }
0x128: {  	v16 =	vmov s28;
	v13 =	vbroadcast v13, $0x0;
	v11 =	vbroadcast v11, $0x0;
	v19 =	vld [tilespmem:s14+$0xFFFFFF00]  }
0x129: {  	v15 =	vshrl.u32 v15, $0x3;
	v14 =	vadd.s32 v2, v10;
	v10 =	vbroadcast v12, $0x0;
	v20 =	vld [tilespmem:s14+$0xFFFFFF40]  }
0x12a: {  	v16 =	vshrl.u32 v16, $0x3;
	v15 =	vshll.u32 v15, v1;
	v21 =	vld [tilespmem:s14+$0xFFFFFF80];
	v12 =	vadd.s32 v3, v11  }
0x12b: {  	v22 =	vld [tilespmem:s14+$0xFFFFFFC0];
	v11 =	vadd.s32 v4, v10;
	v10 =	vadd.s32 v5, v13;
	v13 =	vbroadcast v15, $0x0  }
0x12c: {  	v23 =	vld [tilespmem:s14+$0x0];
	v15 =	vshll.u32 v16, v1;
	[tilespmem:v18+s18+$0x0] =	vst.idx.msk $0xffff, v17  }
0x12d: {  	v16 =	vbroadcast v15, $0x0;
	v15 =	vadd.s32 v6, v13;
	[tilespmem:v9+s18+$0x0] =	vst.idx.msk $0xffff, v19;
	v19 =	vld [tilespmem:s14+$0x40]  }
0x12e: {  	[tilespmem:v14+s18+$0x0] =	vst.idx.msk $0xffff, v20;
	v17 =	vld [tilespmem:s14+$0xD0]  }
0x12f: {  	v13 =	vadd.s32 v7, v16;
	[tilespmem:v12+s18+$0x0] =	vst.idx.msk $0xffff, v21;
	v16 =	vld [tilespmem:s14+$0xFFFFFF50]  }
0x130: {  	v20 =	vld [tilespmem:s14+$0x80];
	[tilespmem:v11+s18+$0x0] =	vst.idx.msk $0xffff, v22  }
0x131: {  	[tilespmem:v10+s18+$0x0] =	vst.idx.msk $0xffff, v23;
	v21 =	vld [tilespmem:s14+$0xFFFFFF90]  }
0x132: {  	v22 =	vld [tilespmem:s14+$0xFFFFFFD0];
	[tilespmem:v15+s18+$0x0] =	vst.idx.msk $0xffff, v19  }
0x133: {  	v19 =	vld [tilespmem:s14+$0x10];
	[tilespmem:v18+s19+$0x0] =	vst.idx.msk $0xffff, v17  }
0x134: {  	[tilespmem:v14+s19+$0x0] =	vst.idx.msk $0xffff, v16;
	v16 =	vld [tilespmem:s14+$0x50]  }
0x135: {  	[tilespmem:v13+s18+$0x0] =	vst.idx.msk $0xffff, v20;
	v17 =	vld [tilespmem:s14+$0xE0]  }
0x136: {  	[tilespmem:v12+s19+$0x0] =	vst.idx.msk $0xffff, v21;
	v20 =	vld [tilespmem:s14+$0x90]  }
0x137: {  	v21 =	vld [tilespmem:s14+$0xFFFFFF10];
	[tilespmem:v11+s19+$0x0] =	vst.idx.msk $0xffff, v22  }
0x138: {  	v22 =	vld [tilespmem:s14+$0xFFFFFF60];
	[tilespmem:v10+s19+$0x0] =	vst.idx.msk $0xffff, v19  }
0x139: {  	v23 =	vld [tilespmem:s14+$0xFFFFFFA0];
	[tilespmem:v15+s19+$0x0] =	vst.idx.msk $0xffff, v16  }
0x13a: {  	v25 =	vld [tilespmem:s14+$0xFFFFFFE0];
	[tilespmem:v18+s21+$0x0] =	vst.idx.msk $0xffff, v17  }
0x13b: {  	[tilespmem:v13+s19+$0x0] =	vst.idx.msk $0xffff, v20;
	v19 =	vld [tilespmem:s14+$0xF0]  }
0x13c: {  	[tilespmem:v9+s19+$0x0] =	vst.idx.msk $0xffff, v21;
	v26 =	vld [tilespmem:s14+$0x20]  }
0x13d: {  	[tilespmem:v14+s21+$0x0] =	vst.idx.msk $0xffff, v22;
	v20 =	vld [tilespmem:s14+$0x60]  }
0x13e: {  	v17 =	vld [tilespmem:s14+$0xA0];
	[tilespmem:v12+s21+$0x0] =	vst.idx.msk $0xffff, v23  }
0x13f: {  	s25 =	simm.s32 $0x9;
	s23 =	simm.s32 $0x8;
	v16 =	vld [tilespmem:s14+$0xFFFFFF20];
	[tilespmem:v11+s21+$0x0] =	vst.idx.msk $0xffff, v25  }
0x140: {  	s26 =	simm.s32 $0xA;
	s28 =	simm.s32 $0xB;
	v24 =	vmov s23;
	v21 =	vmov s25;
	[tilespmem:v18+s22+$0x0] =	vst.idx.msk $0xffff, v19;
	v18 =	vld [tilespmem:s14+$0xFFFFFF70]  }
0x141: {  	s8 =	simm.s32 $0xC;
	s24 =	simm.s32 $0x10;
	s25 =	simm.s32 $0xF;
	v22 =	vmov s26;
	v23 =	vmov s28;
	[tilespmem:v10+s21+$0x0] =	vst.idx.msk $0xffff, v26;
	v19 =	vld [tilespmem:s14+$0xFFFFFFB0]  }
.LBB2_4:
0x142: {  	p0 =	slt.u32 s24, $0x78;
	v24 =	vshrl.u32 v24, $0x3;
	v25 =	vmov s8;
	s2 =	sadd.s32 $0x5, s23;
	s8 =	sadd.s32 $0x6, s23;
	v26 =	vmov s25;
	v27 =	vld [tilespmem:s14+$0xFFFFFFF0];
	[tilespmem:v15+s21+$0x0] =	vst.idx.msk $0xffff, v20  }
0x143: {  	s23 =	smov.u32 s24;
	v20 =	vmov s2;
	v28 =	vmov s8;
	v26 =	vshrl.u32 v26, $0x3;
	v29 =	vld [tilespmem:s14+$0x30];
	[tilespmem:v13+s21+$0x0] =	vst.idx.msk $0xffff, v17  }
0x144: {  	v21 =	vshrl.u32 v21, $0x3;
	v17 =	vshll.u32 v24, v1;
	v24 =	vshll.u32 v26, v1;
	[tilespmem:v9+s21+$0x0] =	vst.idx.msk $0xffff, v16;
	v16 =	vld [tilespmem:s14+$0x70]  }
0x145: {  	v22 =	vshrl.u32 v22, $0x3;
	v23 =	vshrl.u32 v23, $0x3;
	v24 =	vbroadcast v24, $0x0;
	[tilespmem:v14+s22+$0x0] =	vst.idx.msk $0xffff, v18;
	v18 =	vld [tilespmem:s14+$0xB0]  }
0x146: {  	v14 =	vbroadcast v17, $0x0;
	v17 =	vshll.u32 v21, v1;
	v21 =	vshrl.u32 v25, $0x3;
	v25 =	vld [tilespmem:s14+$0xFFFFFF30];
	[tilespmem:v12+s22+$0x0] =	vst.idx.msk $0xffff, v19;
	s14 =	sadd.s32 $0x200, s14  }
0x147: {  	v12 =	vbroadcast v17, $0x0;
	v17 =	vshll.u32 v22, v1;
	v19 =	vld [tilespmem:s14+$0xC0];
	v22 =	vadd.s32 v8, v24;
	[tilespmem:v11+s22+$0x0] =	vst.idx.msk $0xffff, v27  }
0x148: {  	v26 =	vadd.s32 v0, v14;
	v11 =	vbroadcast v17, $0x0;
	v17 =	vshll.u32 v23, v1;
	v24 =	vld [tilespmem:s14+$0xFFFFFF00];
	[tilespmem:v10+s22+$0x0] =	vst.idx.msk $0xffff, v29  }
0x149: {  	v14 =	vadd.s32 v2, v12;
	v10 =	vbroadcast v17, $0x0;
	v17 =	vshll.u32 v21, v1;
	v23 =	vld [tilespmem:s14+$0xFFFFFF40];
	[tilespmem:v15+s22+$0x0] =	vst.idx.msk $0xffff, v16  }
0x14a: {  	v12 =	vadd.s32 v3, v11;
	v15 =	vbroadcast v17, $0x0;
	v17 =	vshrl.u32 v20, $0x3;
	v16 =	vld [tilespmem:s14+$0xFFFFFF80];
	[tilespmem:v13+s22+$0x0] =	vst.idx.msk $0xffff, v18  }
0x14b: {  	v11 =	vadd.s32 v4, v10;
	v13 =	vshll.u32 v17, v1;
	v17 =	vshrl.u32 v28, $0x3;
	v18 =	vld [tilespmem:s14+$0xFFFFFFC0];
	[tilespmem:v9+s22+$0x0] =	vst.idx.msk $0xffff, v25  }
0x14c: {  	v10 =	vadd.s32 v5, v15;
	v13 =	vbroadcast v13, $0x0;
	v15 =	vshll.u32 v17, v1;
	v20 =	vld [tilespmem:s14+$0x0];
	[tilespmem:v22+s18+$0x0] =	vst.idx.msk $0xffff, v19  }
0x14d: {  	v9 =	vmov v26;
	v17 =	vbroadcast v15, $0x0;
	[tilespmem:v26+s18+$0x0] =	vst.idx.msk $0xffff, v24;
	v19 =	vld [tilespmem:s14+$0xD0]  }
0x14e: {  	v15 =	vadd.s32 v6, v13;
	[tilespmem:v14+s18+$0x0] =	vst.idx.msk $0xffff, v23;
	v21 =	vld [tilespmem:s14+$0x40]  }
0x14f: {  	v13 =	vadd.s32 v7, v17;
	[tilespmem:v12+s18+$0x0] =	vst.idx.msk $0xffff, v16;
	v16 =	vld [tilespmem:s14+$0x80]  }
0x150: {  	v17 =	vld [tilespmem:s14+$0xFFFFFF50];
	[tilespmem:v11+s18+$0x0] =	vst.idx.msk $0xffff, v18  }
0x151: {  	v18 =	vld [tilespmem:s14+$0xFFFFFF90];
	[tilespmem:v10+s18+$0x0] =	vst.idx.msk $0xffff, v20  }
0x152: {  	v20 =	vld [tilespmem:s14+$0xFFFFFFD0];
	[tilespmem:v22+s19+$0x0] =	vst.idx.msk $0xffff, v19  }
0x153: {  	[tilespmem:v15+s18+$0x0] =	vst.idx.msk $0xffff, v21;
	v19 =	vld [tilespmem:s14+$0xE0]  }
0x154: {  	v21 =	vld [tilespmem:s14+$0x10];
	[tilespmem:v13+s18+$0x0] =	vst.idx.msk $0xffff, v16  }
0x155: {  	[tilespmem:v14+s19+$0x0] =	vst.idx.msk $0xffff, v17;
	v16 =	vld [tilespmem:s14+$0x50]  }
0x156: {  	[tilespmem:v12+s19+$0x0] =	vst.idx.msk $0xffff, v18;
	v17 =	vld [tilespmem:s14+$0x90]  }
0x157: {  	v18 =	vld [tilespmem:s14+$0xFFFFFF10];
	[tilespmem:v11+s19+$0x0] =	vst.idx.msk $0xffff, v20  }
0x158: {  	v20 =	vld [tilespmem:s14+$0xFFFFFF60];
	[tilespmem:v22+s21+$0x0] =	vst.idx.msk $0xffff, v19  }
0x159: {  	[tilespmem:v10+s19+$0x0] =	vst.idx.msk $0xffff, v21;
	v19 =	vld [tilespmem:s14+$0xF0]  }
0x15a: {  	v21 =	vld [tilespmem:s14+$0xFFFFFFA0];
	[tilespmem:v15+s19+$0x0] =	vst.idx.msk $0xffff, v16  }
0x15b: {  	v23 =	vld [tilespmem:s14+$0xFFFFFFE0];
	[tilespmem:v13+s19+$0x0] =	vst.idx.msk $0xffff, v17  }
0x15c: {  	[tilespmem:v26+s19+$0x0] =	vst.idx.msk $0xffff, v18;
	v25 =	vld [tilespmem:s14+$0x20]  }
.Ltmp1:
0x15d: {  	[tilespmem:v14+s21+$0x0] =	vst.idx.msk $0xffff, v20;
	v20 =	vld [tilespmem:s14+$0x60];
	(pc) =	sbr.rel @p0 .LBB2_4-.Ltmp1, $4  }
0x15e: {  	v17 =	vld [tilespmem:s14+$0xA0];
	[tilespmem:v22+s22+$0x0] =	vst.idx.msk $0xffff, v19  }
0x15f: {  	s2 =	sadd.s32 $0x1, s24;
	v16 =	vld [tilespmem:s14+$0xFFFFFF20];
	[tilespmem:v12+s21+$0x0] =	vst.idx.msk $0xffff, v21  }
0x160: {  	s8 =	sadd.s32 $0x3, s24;
	v24 =	vmov s24;
	v21 =	vmov s2;
	s2 =	sadd.s32 $0x2, s24;
	v18 =	vld [tilespmem:s14+$0xFFFFFF70];
	[tilespmem:v11+s21+$0x0] =	vst.idx.msk $0xffff, v23  }
0x161: {  	s25 =	sadd.s32 $0x7, s23;
	s24 =	sadd.s32 $0x8, s24;
	v22 =	vmov s2;
	v23 =	vmov s8;
	s8 =	sadd.s32 $0x4, s23;
	v19 =	vld [tilespmem:s14+$0xFFFFFFB0];
	[tilespmem:v10+s21+$0x0] =	vst.idx.msk $0xffff, v25  }
0x162: {  	_ =	sdelay $0x3  }
0x163: {  	v25 =	vmov s8;
	v26 =	vmov s25;
	v28 =	vld [tilespmem:s14+$0xFFFFFFF0];
	[tilespmem:v15+s21+$0x0] =	vst.idx.msk $0xffff, v20;
	v24 =	vshrl.u32 v24, $0x3  }
0x164: {  	s2 =	sadd.s32 $0x5, s23;
	v29 =	vld [tilespmem:s14+$0x30];
	v21 =	vshrl.u32 v21, $0x3;
	v22 =	vshrl.u32 v22, $0x3;
	v26 =	vshrl.u32 v26, $0x3;
	[tilespmem:v13+s21+$0x0] =	vst.idx.msk $0xffff, v17  }
0x165: {  	v23 =	vshrl.u32 v23, $0x3;
	v27 =	vmov s2;
	v32 =	vld [tilespmem:s14+$0x70];
	v31 =	vshll.u32 v26, v1;
	[tilespmem:v9+s21+$0x0] =	vst.idx.msk $0xffff, v16  }
0x166: {  	v30 =	vshll.u32 v24, v1;
	v34 =	vshll.u32 v21, v1;
	v33 =	vld [tilespmem:s14+$0xB0];
	v24 =	vbroadcast v31, $0x0;
	[tilespmem:v14+s22+$0x0] =	vst.idx.msk $0xffff, v18  }
0x167: {  	s8 =	sadd.s32 $0x200, s14;
	v35 =	vshrl.u32 v25, $0x3;
	v38 =	vshll.u32 v22, v1;
	v37 =	vbroadcast v34, $0x0;
	v36 =	vld [tilespmem:s14+$0xFFFFFF30];
	[tilespmem:v12+s22+$0x0] =	vst.idx.msk $0xffff, v19  }
0x168: {  	v39 =	vld [tilespmem:s8+$0xC0];
	v23 =	vshll.u32 v23, v1;
	v17 =	vbroadcast v30, $0x0;
	v40 =	vadd.s32 v8, v24;
	[tilespmem:v11+s22+$0x0] =	vst.idx.msk $0xffff, v28  }
0x169: {  	v23 =	vbroadcast v23, $0x0;
	v18 =	vbroadcast v38, $0x0;
	v12 =	vadd.s32 v2, v37;
	[tilespmem:v10+s22+$0x0] =	vst.idx.msk $0xffff, v29;
	v10 =	vld [tilespmem:s8+$0xFFFFFF40]  }
0x16a: {  	v21 =	vshll.u32 v35, v1;
	v44 =	vshrl.u32 v27, $0x3;
	v17 =	vadd.s32 v0, v17;
	v11 =	vld [tilespmem:s8+$0xFFFFFF00];
	[tilespmem:v15+s22+$0x0] =	vst.idx.msk $0xffff, v32  }
0x16b: {  	v41 =	vld [tilespmem:s8+$0xFFFFFF80];
	v43 =	vbroadcast v21, $0x0;
	v21 =	vshll.u32 v44, v1;
	v42 =	vadd.s32 v3, v18;
	[tilespmem:v13+s22+$0x0] =	vst.idx.msk $0xffff, v33  }
0x16c: {  	s28 =	sadd.s32 $0x6, s23;
	v45 =	vld [tilespmem:s8+$0xFFFFFFC0];
	v46 =	vadd.s32 v4, v23;
	v21 =	vbroadcast v21, $0x0;
	[tilespmem:v9+s22+$0x0] =	vst.idx.msk $0xffff, v36  }
0x16d: {  	v63 =	vmov s28;
	v18 =	vadd.s32 v5, v43;
	v9 =	vld [tilespmem:s8+$0x0];
	[tilespmem:v40+s18+$0x0] =	vst.idx.msk $0xffff, v39  }
0x16e: {  	v20 =	vshrl.u32 v63, $0x3;
	v47 =	vadd.s32 v6, v21;
	[tilespmem:v12+s18+$0x0] =	vst.idx.msk $0xffff, v10;
	v10 =	vld [tilespmem:s8+$0x40]  }
0x16f: {  	v20 =	vshll.u32 v20, v1;
	[tilespmem:v17+s18+$0x0] =	vst.idx.msk $0xffff, v11;
	v19 =	vld [tilespmem:s8+$0xD0]  }
0x170: {  	v11 =	vbroadcast v20, $0x0;
	[tilespmem:v42+s18+$0x0] =	vst.idx.msk $0xffff, v41;
	v49 =	vld [tilespmem:s8+$0xFFFFFF50]  }
0x171: {  	[tilespmem:v46+s18+$0x0] =	vst.idx.msk $0xffff, v45;
	v50 =	vld [tilespmem:s8+$0xFFFFFF90]  }
0x172: {  	v48 =	vld [tilespmem:s8+$0x80];
	v11 =	vadd.s32 v7, v11;
	[tilespmem:v18+s18+$0x0] =	vst.idx.msk $0xffff, v9  }
0x173: {  	v54 =	vld [tilespmem:s8+$0xFFFFFF10];
	[tilespmem:v47+s18+$0x0] =	vst.idx.msk $0xffff, v10  }
0x174: {  	v9 =	vld [tilespmem:s8+$0xFFFFFFD0];
	[tilespmem:v40+s19+$0x0] =	vst.idx.msk $0xffff, v19  }
0x175: {  	v51 =	vld [tilespmem:s8+$0x10];
	[tilespmem:v12+s19+$0x0] =	vst.idx.msk $0xffff, v49  }
0x176: {  	[tilespmem:v42+s19+$0x0] =	vst.idx.msk $0xffff, v50;
	v10 =	vld [tilespmem:s8+$0xE0]  }
0x177: {  	v52 =	vld [tilespmem:s8+$0x50];
	[tilespmem:v11+s18+$0x0] =	vst.idx.msk $0xffff, v48  }
0x178: {  	[tilespmem:v17+s19+$0x0] =	vst.idx.msk $0xffff, v54;
	v53 =	vld [tilespmem:s8+$0x90]  }
0x179: {  	[tilespmem:v46+s19+$0x0] =	vst.idx.msk $0xffff, v9;
	v9 =	vld [tilespmem:s8+$0xFFFFFF60]  }
0x17a: {  	v55 =	vld [tilespmem:s8+$0xFFFFFFA0];
	[tilespmem:v18+s19+$0x0] =	vst.idx.msk $0xffff, v51  }
0x17b: {  	v56 =	vld [tilespmem:s8+$0xFFFFFFE0];
	[tilespmem:v40+s21+$0x0] =	vst.idx.msk $0xffff, v10  }
0x17c: {  	[tilespmem:v47+s19+$0x0] =	vst.idx.msk $0xffff, v52;
	v10 =	vld [tilespmem:s8+$0xF0]  }
0x17d: {  	v57 =	vld [tilespmem:s8+$0x20];
	[tilespmem:v11+s19+$0x0] =	vst.idx.msk $0xffff, v53  }
0x17e: {  	[tilespmem:v12+s21+$0x0] =	vst.idx.msk $0xffff, v9;
	v9 =	vld [tilespmem:s8+$0x60]  }
0x17f: {  	[tilespmem:v42+s21+$0x0] =	vst.idx.msk $0xffff, v55;
	v58 =	vld [tilespmem:s8+$0xA0]  }
0x180: {  	v60 =	vld [tilespmem:s8+$0xFFFFFFB0];
	[tilespmem:v46+s21+$0x0] =	vst.idx.msk $0xffff, v56  }
0x181: {  	[tilespmem:v40+s22+$0x0] =	vst.idx.msk $0xffff, v10;
	v10 =	vld [tilespmem:s8+$0xFFFFFF20]  }
0x182: {  	v59 =	vld [tilespmem:s8+$0xFFFFFF70];
	[tilespmem:v18+s21+$0x0] =	vst.idx.msk $0xffff, v57  }
0x183: {  	v61 =	vld [tilespmem:s8+$0xFFFFFFF0];
	[tilespmem:v47+s21+$0x0] =	vst.idx.msk $0xffff, v9  }
0x184: {  	v9 =	vld [tilespmem:s8+$0x30];
	[tilespmem:v11+s21+$0x0] =	vst.idx.msk $0xffff, v58  }
0x185: {  	[tilespmem:v42+s22+$0x0] =	vst.idx.msk $0xffff, v60;
	v62 =	vld [tilespmem:s8+$0xB0]  }
0x186: {  	[tilespmem:v17+s21+$0x0] =	vst.idx.msk $0xffff, v10;
	v10 =	vld [tilespmem:s8+$0x70]  }
0x187: {  	[tilespmem:v12+s22+$0x0] =	vst.idx.msk $0xffff, v59;
	v63 =	vld [tilespmem:s8+$0xFFFFFF30]  }
0x188: {  	[tilespmem:v46+s22+$0x0] =	vst.idx.msk $0xffff, v61  }
0x189: {  	[tilespmem:v18+s22+$0x0] =	vst.idx.msk $0xffff, v9  }
0x18a: {  	[tilespmem:v11+s22+$0x0] =	vst.idx.msk $0xffff, v62  }
0x18b: {  	[tilespmem:v47+s22+$0x0] =	vst.idx.msk $0xffff, v10  }
0x18c: {  	[tilespmem:v17+s22+$0x0] =	vst.idx.msk $0xffff, v63  }
0x18d: {  	s8 =	rddreg [dreg:$0xc]  }
0x18e: {  	[hbm4b:s8+s3] =	stream.linear.scatter [tilespmem:s18], [sflag:$0x4], $0x80, $0x38;
	[tilespmem:$0xB800] =	vst v63  }
0x18f: {  	s23 =	simm.s32 $0x9688;
	s14 =	sadd.s32 $0x10, s8  }
0x190: {  	[hbm4b:s14+s3] =	stream.linear.scatter [tilespmem:s23], [sflag:$0x4], $0x80, $0x38;
	[tilespmem:$0xB800] =	vst v63  }
0x191: {  	s25 =	simm.s32 $0x9710;
	s24 =	sadd.s32 $0x20, s8  }
0x192: {  	[hbm4b:s24+s3] =	stream.linear.scatter [tilespmem:s25], [sflag:$0x4], $0x80, $0x38;
	[tilespmem:$0xB800] =	vst v63  }
0x193: {  	s28 =	simm.s32 $0x9798;
	s26 =	sadd.s32 $0x30, s8  }
0x194: {  	[hbm4b:s26+s3] =	stream.linear.scatter [tilespmem:s28], [sflag:$0x4], $0x80, $0x38;
	[tilespmem:$0xB800] =	vst v63  }
0x195: {  	s14 =	sadd.s32 $0x40, s8;
	s23 =	simm.s32 $0x9820  }
0x196: {  	[hbm4b:s14+s3] =	stream.linear.scatter [tilespmem:s23], [sflag:$0x4], $0x80, $0x38;
	[tilespmem:$0xB800] =	vst v63  }
0x197: {  	s24 =	sadd.s32 $0x50, s8;
	s25 =	simm.s32 $0x98A8  }
0x198: {  	[hbm4b:s24+s3] =	stream.linear.scatter [tilespmem:s25], [sflag:$0x4], $0x80, $0x38;
	[tilespmem:$0xB800] =	vst v63  }
0x199: {  	s26 =	sadd.s32 $0x60, s8;
	s28 =	simm.s32 $0x9930  }
0x19a: {  	[hbm4b:s26+s3] =	stream.linear.scatter [tilespmem:s28], [sflag:$0x4], $0x80, $0x38;
	[tilespmem:$0xB800] =	vst v63  }
0x19b: {  	s23 =	sadd.s32 $0x70, s8;
	s24 =	simm.s32 $0x99B8  }
0x19c: {  	[hbm4b:s23+s3] =	stream.linear.scatter [tilespmem:s24], [sflag:$0x4], $0x80, $0x38;
	[tilespmem:$0xB800] =	vst v63  }
0x19d: {  	s8 =	rddreg [dreg:$0xd];
	s25 =	simm.s32 $0x9A40  }
0x19e: {  	[hbm4b:s8+s3] =	stream.linear.scatter [tilespmem:s25], [sflag:$0x4], $0x80, $0x38;
	[tilespmem:$0xB800] =	vst v63  }
0x19f: {  	s26 =	sadd.s32 $0x10, s8;
	s28 =	simm.s32 $0x9AC8  }
0x1a0: {  	[hbm4b:s26+s3] =	stream.linear.scatter [tilespmem:s28], [sflag:$0x4], $0x80, $0x38;
	[tilespmem:$0xB800] =	vst v63  }
0x1a1: {  	s14 =	sadd.s32 $0x20, s8;
	s23 =	simm.s32 $0x9B50  }
0x1a2: {  	[hbm4b:s14+s3] =	stream.linear.scatter [tilespmem:s23], [sflag:$0x4], $0x80, $0x38;
	[tilespmem:$0xB800] =	vst v63  }
0x1a3: {  	s24 =	sadd.s32 $0x30, s8;
	s25 =	simm.s32 $0x9BD8  }
0x1a4: {  	[hbm4b:s24+s3] =	stream.linear.scatter [tilespmem:s25], [sflag:$0x4], $0x80, $0x38;
	[tilespmem:$0xB800] =	vst v63  }
0x1a5: {  	s26 =	sadd.s32 $0x40, s8;
	s28 =	simm.s32 $0x9C60  }
0x1a6: {  	[hbm4b:s26+s3] =	stream.linear.scatter [tilespmem:s28], [sflag:$0x4], $0x80, $0x38;
	[tilespmem:$0xB800] =	vst v63  }
0x1a7: {  	s14 =	sadd.s32 $0x50, s8;
	s23 =	simm.s32 $0x9CE8  }
0x1a8: {  	[hbm4b:s14+s3] =	stream.linear.scatter [tilespmem:s23], [sflag:$0x4], $0x80, $0x38;
	[tilespmem:$0xB800] =	vst v63  }
0x1a9: {  	s24 =	sadd.s32 $0x60, s8;
	s25 =	simm.s32 $0x9D70  }
0x1aa: {  	[hbm4b:s24+s3] =	stream.linear.scatter [tilespmem:s25], [sflag:$0x4], $0x80, $0x38;
	[tilespmem:$0xB800] =	vst v63  }
0x1ab: {  	s26 =	sadd.s32 $0x70, s8;
	s28 =	simm.s32 $0x9DF8  }
0x1ac: {  	[hbm4b:s26+s3] =	stream.linear.scatter [tilespmem:s28], [sflag:$0x4], $0x80, $0x38;
	[tilespmem:$0xB800] =	vst v63  }
0x1ad: {  	s8 =	rddreg [dreg:$0xe]  }
0x1ae: {  	[hbm4b:s8+s3] =	stream.linear.scatter [tilespmem:s19], [sflag:$0x4], $0x80, $0x38;
	[tilespmem:$0xB800] =	vst v63  }
0x1af: {  	s14 =	sadd.s32 $0x10, s8;
	s23 =	simm.s32 $0x9F08  }
0x1b0: {  	[hbm4b:s14+s3] =	stream.linear.scatter [tilespmem:s23], [sflag:$0x4], $0x80, $0x38;
	[tilespmem:$0xB800] =	vst v63  }
0x1b1: {  	s24 =	sadd.s32 $0x20, s8;
	s25 =	simm.s32 $0x9F90  }
0x1b2: {  	[hbm4b:s24+s3] =	stream.linear.scatter [tilespmem:s25], [sflag:$0x4], $0x80, $0x38;
	[tilespmem:$0xB800] =	vst v63  }
0x1b3: {  	s26 =	sadd.s32 $0x30, s8;
	s28 =	simm.s32 $0xA018  }
0x1b4: {  	[hbm4b:s26+s3] =	stream.linear.scatter [tilespmem:s28], [sflag:$0x4], $0x80, $0x38;
	[tilespmem:$0xB800] =	vst v63  }
0x1b5: {  	s14 =	sadd.s32 $0x40, s8;
	s23 =	simm.s32 $0xA0A0  }
0x1b6: {  	[hbm4b:s14+s3] =	stream.linear.scatter [tilespmem:s23], [sflag:$0x4], $0x80, $0x38;
	[tilespmem:$0xB800] =	vst v63  }
0x1b7: {  	s24 =	sadd.s32 $0x50, s8;
	s25 =	simm.s32 $0xA128  }
0x1b8: {  	[hbm4b:s24+s3] =	stream.linear.scatter [tilespmem:s25], [sflag:$0x4], $0x80, $0x38;
	[tilespmem:$0xB800] =	vst v63  }
0x1b9: {  	s26 =	sadd.s32 $0x60, s8;
	s28 =	simm.s32 $0xA1B0  }
0x1ba: {  	[hbm4b:s26+s3] =	stream.linear.scatter [tilespmem:s28], [sflag:$0x4], $0x80, $0x38;
	[tilespmem:$0xB800] =	vst v63  }
0x1bb: {  	s23 =	sadd.s32 $0x70, s8;
	s24 =	simm.s32 $0xA238  }
0x1bc: {  	[hbm4b:s23+s3] =	stream.linear.scatter [tilespmem:s24], [sflag:$0x4], $0x80, $0x38;
	[tilespmem:$0xB800] =	vst v63  }
0x1bd: {  	s8 =	rddreg [dreg:$0xf];
	s25 =	simm.s32 $0xA2C0  }
0x1be: {  	[hbm4b:s8+s3] =	stream.linear.scatter [tilespmem:s25], [sflag:$0x4], $0x80, $0x38;
	[tilespmem:$0xB800] =	vst v63  }
0x1bf: {  	s26 =	sadd.s32 $0x10, s8;
	s28 =	simm.s32 $0xA348  }
0x1c0: {  	[hbm4b:s26+s3] =	stream.linear.scatter [tilespmem:s28], [sflag:$0x4], $0x80, $0x38;
	[tilespmem:$0xB800] =	vst v63  }
0x1c1: {  	s14 =	sadd.s32 $0x20, s8;
	s23 =	simm.s32 $0xA3D0  }
0x1c2: {  	[hbm4b:s14+s3] =	stream.linear.scatter [tilespmem:s23], [sflag:$0x4], $0x80, $0x38;
	[tilespmem:$0xB800] =	vst v63  }
0x1c3: {  	s24 =	sadd.s32 $0x30, s8;
	s25 =	simm.s32 $0xA458  }
0x1c4: {  	[hbm4b:s24+s3] =	stream.linear.scatter [tilespmem:s25], [sflag:$0x4], $0x80, $0x38;
	[tilespmem:$0xB800] =	vst v63  }
0x1c5: {  	s26 =	sadd.s32 $0x40, s8;
	s28 =	simm.s32 $0xA4E0  }
0x1c6: {  	[hbm4b:s26+s3] =	stream.linear.scatter [tilespmem:s28], [sflag:$0x4], $0x80, $0x38;
	[tilespmem:$0xB800] =	vst v63  }
0x1c7: {  	s14 =	sadd.s32 $0x50, s8;
	s23 =	simm.s32 $0xA568  }
0x1c8: {  	[hbm4b:s14+s3] =	stream.linear.scatter [tilespmem:s23], [sflag:$0x4], $0x80, $0x38;
	[tilespmem:$0xB800] =	vst v63  }
0x1c9: {  	s24 =	sadd.s32 $0x60, s8;
	s25 =	simm.s32 $0xA5F0  }
0x1ca: {  	[hbm4b:s24+s3] =	stream.linear.scatter [tilespmem:s25], [sflag:$0x4], $0x80, $0x38;
	[tilespmem:$0xB800] =	vst v63  }
0x1cb: {  	s26 =	sadd.s32 $0x70, s8;
	s28 =	simm.s32 $0xA678  }
0x1cc: {  	[hbm4b:s26+s3] =	stream.linear.scatter [tilespmem:s28], [sflag:$0x4], $0x80, $0x38;
	[tilespmem:$0xB800] =	vst v63  }
0x1cd: {  	s8 =	rddreg [dreg:$0x10]  }
0x1ce: {  	[hbm4b:s8+s3] =	stream.linear.scatter [tilespmem:s21], [sflag:$0x4], $0x80, $0x38;
	[tilespmem:$0xB800] =	vst v63  }
0x1cf: {  	s14 =	sadd.s32 $0x10, s8;
	s23 =	simm.s32 $0xA788  }
0x1d0: {  	[hbm4b:s14+s3] =	stream.linear.scatter [tilespmem:s23], [sflag:$0x4], $0x80, $0x38;
	[tilespmem:$0xB800] =	vst v63  }
0x1d1: {  	s24 =	sadd.s32 $0x20, s8;
	s25 =	simm.s32 $0xA810  }
0x1d2: {  	[hbm4b:s24+s3] =	stream.linear.scatter [tilespmem:s25], [sflag:$0x4], $0x80, $0x38;
	[tilespmem:$0xB800] =	vst v63  }
0x1d3: {  	s26 =	sadd.s32 $0x30, s8;
	s28 =	simm.s32 $0xA898  }
0x1d4: {  	[hbm4b:s26+s3] =	stream.linear.scatter [tilespmem:s28], [sflag:$0x4], $0x80, $0x38;
	[tilespmem:$0xB800] =	vst v63  }
0x1d5: {  	s14 =	sadd.s32 $0x40, s8;
	s23 =	simm.s32 $0xA920  }
0x1d6: {  	[hbm4b:s14+s3] =	stream.linear.scatter [tilespmem:s23], [sflag:$0x4], $0x80, $0x38;
	[tilespmem:$0xB800] =	vst v63  }
0x1d7: {  	s24 =	sadd.s32 $0x50, s8;
	s25 =	simm.s32 $0xA9A8  }
0x1d8: {  	[hbm4b:s24+s3] =	stream.linear.scatter [tilespmem:s25], [sflag:$0x4], $0x80, $0x38;
	[tilespmem:$0xB800] =	vst v63  }
0x1d9: {  	s26 =	sadd.s32 $0x60, s8;
	s28 =	simm.s32 $0xAA30  }
0x1da: {  	[hbm4b:s26+s3] =	stream.linear.scatter [tilespmem:s28], [sflag:$0x4], $0x80, $0x38;
	[tilespmem:$0xB800] =	vst v63  }
0x1db: {  	s23 =	sadd.s32 $0x70, s8;
	s24 =	simm.s32 $0xAAB8  }
0x1dc: {  	[hbm4b:s23+s3] =	stream.linear.scatter [tilespmem:s24], [sflag:$0x4], $0x80, $0x38;
	[tilespmem:$0xB800] =	vst v63  }
0x1dd: {  	s8 =	rddreg [dreg:$0x11];
	s25 =	simm.s32 $0xAB40  }
0x1de: {  	[hbm4b:s8+s3] =	stream.linear.scatter [tilespmem:s25], [sflag:$0x4], $0x80, $0x38;
	[tilespmem:$0xB800] =	vst v63  }
0x1df: {  	s26 =	sadd.s32 $0x10, s8;
	s28 =	simm.s32 $0xABC8  }
0x1e0: {  	[hbm4b:s26+s3] =	stream.linear.scatter [tilespmem:s28], [sflag:$0x4], $0x80, $0x38;
	[tilespmem:$0xB800] =	vst v63  }
0x1e1: {  	s14 =	sadd.s32 $0x20, s8;
	s23 =	simm.s32 $0xAC50  }
0x1e2: {  	[hbm4b:s14+s3] =	stream.linear.scatter [tilespmem:s23], [sflag:$0x4], $0x80, $0x38;
	[tilespmem:$0xB800] =	vst v63  }
0x1e3: {  	s24 =	sadd.s32 $0x30, s8;
	s25 =	simm.s32 $0xACD8  }
0x1e4: {  	[hbm4b:s24+s3] =	stream.linear.scatter [tilespmem:s25], [sflag:$0x4], $0x80, $0x38;
	[tilespmem:$0xB800] =	vst v63  }
0x1e5: {  	s26 =	sadd.s32 $0x40, s8;
	s28 =	simm.s32 $0xAD60  }
0x1e6: {  	[hbm4b:s26+s3] =	stream.linear.scatter [tilespmem:s28], [sflag:$0x4], $0x80, $0x38;
	[tilespmem:$0xB800] =	vst v63  }
0x1e7: {  	s14 =	sadd.s32 $0x50, s8;
	s23 =	simm.s32 $0xADE8  }
0x1e8: {  	[hbm4b:s14+s3] =	stream.linear.scatter [tilespmem:s23], [sflag:$0x4], $0x80, $0x38;
	[tilespmem:$0xB800] =	vst v63  }
0x1e9: {  	s24 =	sadd.s32 $0x60, s8;
	s25 =	simm.s32 $0xAE70  }
0x1ea: {  	[hbm4b:s24+s3] =	stream.linear.scatter [tilespmem:s25], [sflag:$0x4], $0x80, $0x38;
	[tilespmem:$0xB800] =	vst v63  }
0x1eb: {  	s26 =	sadd.s32 $0x70, s8;
	s28 =	simm.s32 $0xAEF8  }
0x1ec: {  	[hbm4b:s26+s3] =	stream.linear.scatter [tilespmem:s28], [sflag:$0x4], $0x80, $0x38;
	[tilespmem:$0xB800] =	vst v63  }
0x1ed: {  	s8 =	rddreg [dreg:$0x12]  }
0x1ee: {  	[hbm4b:s8+s3] =	stream.linear.scatter [tilespmem:s22], [sflag:$0x4], $0x80, $0x38;
	[tilespmem:$0xB800] =	vst v63  }
0x1ef: {  	s14 =	sadd.s32 $0x10, s8;
	s23 =	simm.s32 $0xB008  }
0x1f0: {  	[hbm4b:s14+s3] =	stream.linear.scatter [tilespmem:s23], [sflag:$0x4], $0x80, $0x38;
	[tilespmem:$0xB800] =	vst v63  }
0x1f1: {  	s24 =	sadd.s32 $0x20, s8;
	s25 =	simm.s32 $0xB090  }
0x1f2: {  	[hbm4b:s24+s3] =	stream.linear.scatter [tilespmem:s25], [sflag:$0x4], $0x80, $0x38;
	[tilespmem:$0xB800] =	vst v63  }
0x1f3: {  	s26 =	sadd.s32 $0x30, s8;
	s28 =	simm.s32 $0xB118  }
0x1f4: {  	[hbm4b:s26+s3] =	stream.linear.scatter [tilespmem:s28], [sflag:$0x4], $0x80, $0x38;
	[tilespmem:$0xB800] =	vst v63  }
0x1f5: {  	s14 =	sadd.s32 $0x40, s8;
	s23 =	simm.s32 $0xB1A0  }
0x1f6: {  	[hbm4b:s14+s3] =	stream.linear.scatter [tilespmem:s23], [sflag:$0x4], $0x80, $0x38;
	[tilespmem:$0xB800] =	vst v63  }
0x1f7: {  	s24 =	sadd.s32 $0x50, s8;
	s25 =	simm.s32 $0xB228  }
0x1f8: {  	[hbm4b:s24+s3] =	stream.linear.scatter [tilespmem:s25], [sflag:$0x4], $0x80, $0x38;
	[tilespmem:$0xB800] =	vst v63  }
0x1f9: {  	s26 =	sadd.s32 $0x60, s8;
	s28 =	simm.s32 $0xB2B0  }
0x1fa: {  	[hbm4b:s26+s3] =	stream.linear.scatter [tilespmem:s28], [sflag:$0x4], $0x80, $0x38;
	[tilespmem:$0xB800] =	vst v63  }
0x1fb: {  	s8 =	sadd.s32 $0x70, s8;
	s14 =	simm.s32 $0xB338  }
0x1fc: {  	[hbm4b:s8+s3] =	stream.linear.scatter [tilespmem:s14], [sflag:$0x4], $0x80, $0x38;
	[tilespmem:$0xB800] =	vst v63  }
0x1fd: {  	s23 =	simm.s32 $0xB3C0;
	s8 =	rddreg [dreg:$0x13]  }
0x1fe: {  	[hbm4b:s8+s3] =	stream.linear.scatter [tilespmem:s23], [sflag:$0x4], $0x80, $0x38;
	[tilespmem:$0xB800] =	vst v63  }
0x1ff: {  	s25 =	simm.s32 $0xB448;
	s24 =	sadd.s32 $0x10, s8  }
0x200: {  	[hbm4b:s24+s3] =	stream.linear.scatter [tilespmem:s25], [sflag:$0x4], $0x80, $0x38;
	[tilespmem:$0xB800] =	vst v63  }
0x201: {  	s28 =	simm.s32 $0xB4D0;
	s26 =	sadd.s32 $0x20, s8  }
0x202: {  	[hbm4b:s26+s3] =	stream.linear.scatter [tilespmem:s28], [sflag:$0x4], $0x80, $0x38;
	[tilespmem:$0xB800] =	vst v63  }
0x203: {  	s14 =	sadd.s32 $0x30, s8;
	s23 =	simm.s32 $0xB558  }
0x204: {  	[hbm4b:s14+s3] =	stream.linear.scatter [tilespmem:s23], [sflag:$0x4], $0x80, $0x38;
	[tilespmem:$0xB800] =	vst v63  }
0x205: {  	s24 =	sadd.s32 $0x40, s8;
	s25 =	simm.s32 $0xB5E0  }
0x206: {  	[hbm4b:s24+s3] =	stream.linear.scatter [tilespmem:s25], [sflag:$0x4], $0x80, $0x38;
	[tilespmem:$0xB800] =	vst v63  }
0x207: {  	s26 =	sadd.s32 $0x50, s8;
	s28 =	simm.s32 $0xB668  }
0x208: {  	[hbm4b:s26+s3] =	stream.linear.scatter [tilespmem:s28], [sflag:$0x4], $0x80, $0x38;
	[tilespmem:$0xB800] =	vst v63  }
0x209: {  	s14 =	sadd.s32 $0x60, s8;
	s23 =	simm.s32 $0xB6F0  }
0x20a: {  	[hbm4b:s14+s3] =	stream.linear.scatter [tilespmem:s23], [sflag:$0x4], $0x80, $0x38;
	[tilespmem:$0xB800] =	vst v63  }
0x20b: {  	s24 =	sadd.s32 $0x70, s8;
	s25 =	simm.s32 $0xB778  }
0x20c: {  	[hbm4b:s24+s3] =	stream.linear.scatter [tilespmem:s25], [sflag:$0x4], $0x80, $0x38;
	[tilespmem:$0xB800] =	vst v63  }
0x20d: {  	s26 =	simm.s32 $0x5400;
	s28 =	simm.s32 $0x180;
	s14 =	simm.s32 $0x1  }
0x20e: {  	[tilespmem:s26], [sflag:$0x2] =	stream.indirect.gather [hbm4b:s4+s30], $0x40, s28, s30, $0xb8;
	[tilespmem:$0xB800] =	vst v63  }
.LBB2_6:
0x20f: {  	_ =	swait.ge [sflag:s9], $0x400  }
0x210: {  	[sflag:s9] =	ssyncset.done $0x0  }
0x211: {  	[sflag:s9] =	ssyncadd.s32 $0xFFFFFC00  }
0x212: {  	_ =	swait.ge [sflag:s9], $0x400  }
0x213: {  	[sflag:s9] =	ssyncset.done $0x0  }
0x214: {  	[sflag:s9] =	ssyncadd.s32 $0xFFFFFC00  }
0x215: {  	_ =	swait.ge [sflag:s9], $0x400  }
0x216: {  	[sflag:s9] =	ssyncset.done $0x0  }
0x217: {  	[sflag:s9] =	ssyncadd.s32 $0xFFFFFC00  }
0x218: {  	_ =	swait.ge [sflag:s9], $0x400  }
0x219: {  	[sflag:s9] =	ssyncset.done $0x0  }
0x21a: {  	[sflag:s9] =	ssyncadd.s32 $0xFFFFFC00  }
0x21b: {  	_ =	swait.ge [sflag:s9], $0x400  }
0x21c: {  	[sflag:s9] =	ssyncset.done $0x0  }
0x21d: {  	[sflag:s9] =	ssyncadd.s32 $0xFFFFFC00  }
0x21e: {  	_ =	swait.ge [sflag:s9], $0x400  }
0x21f: {  	[sflag:s9] =	ssyncset.done $0x0  }
0x220: {  	[sflag:s9] =	ssyncadd.s32 $0xFFFFFC00  }
0x221: {  	s2 =	simm.s32 $0x0;
	s8 =	simm.s32 $0x1;
	_ =	swait.ge [sflag:s9], $0x400  }
0x222: {  	s26 =	simm.s32 $0x2;
	s23 =	simm.s32 $0x3;
	[sflag:s9] =	ssyncset.done $0x0  }
0x223: {  	s24 =	simm.s32 $0x5;
	s25 =	simm.s32 $0x6;
	v9 =	vmov s2;
	v10 =	vmov s8;
	v11 =	vmov s26;
	[sflag:s9] =	ssyncadd.s32 $0xFFFFFC00  }
0x224: {  	v12 =	vmov s23;
	s8 =	simm.s32 $0x4;
	s23 =	simm.s32 $0x7;
	v15 =	vmov s24;
	v16 =	vmov s25;
	_ =	swait.ge [sflag:s9], $0x400  }
0x225: {  	v9 =	vshrl.u32 v9, $0x3;
	v13 =	vmov s8;
	v14 =	vmov s23;
	[sflag:s9] =	ssyncset.done $0x0  }
0x226: {  	s26 =	simm.s32 $0x1;
	v10 =	vshrl.u32 v10, $0x3;
	v11 =	vshrl.u32 v11, $0x3;
	v14 =	vshrl.u32 v14, $0x3;
	[sflag:s9] =	ssyncadd.s32 $0xFFFFFC00  }
0x227: {  	v12 =	vshrl.u32 v12, $0x3;
	v15 =	vshrl.u32 v15, $0x3;
	v14 =	vshll.u32 v14, v1;
	_ =	swait.ge [sflag:s26], $0x2000  }
0x228: {  	v9 =	vshll.u32 v9, v1;
	v10 =	vshll.u32 v10, v1;
	v14 =	vbroadcast v14, $0x0;
	[sflag:s26] =	ssyncset.done $0x0  }
0x229: {  	s23 =	simm.s32 $0x3500;
	v13 =	vshrl.u32 v13, $0x3;
	v11 =	vshll.u32 v11, v1;
	v9 =	vbroadcast v9, $0x0;
	[sflag:s26] =	ssyncadd.s32 $0xFFFFE000  }
0x22a: {  	v12 =	vshll.u32 v12, v1;
	v10 =	vbroadcast v10, $0x0;
	v18 =	vadd.s32 v8, v14;
	v17 =	vld [tilespmem:s23+$0xC0]  }
0x22b: {  	v11 =	vbroadcast v11, $0x0;
	v13 =	vshll.u32 v13, v1;
	v9 =	vadd.s32 v0, v9;
	v19 =	vld [tilespmem:s23+$0xFFFFFF00]  }
0x22c: {  	v13 =	vbroadcast v13, $0x0;
	v14 =	vadd.s32 v2, v10;
	v10 =	vbroadcast v12, $0x0;
	v20 =	vld [tilespmem:s23+$0xFFFFFF40]  }
0x22d: {  	v16 =	vshrl.u32 v16, $0x3;
	v15 =	vshll.u32 v15, v1;
	v12 =	vadd.s32 v3, v11;
	v21 =	vld [tilespmem:s23+$0xFFFFFF80]  }
0x22e: {  	v11 =	vadd.s32 v4, v10;
	v10 =	vadd.s32 v5, v13;
	v13 =	vbroadcast v15, $0x0;
	v22 =	vld [tilespmem:s23+$0xFFFFFFC0]  }
0x22f: {  	v15 =	vshll.u32 v16, v1;
	v23 =	vld [tilespmem:s23+$0x0];
	[tilespmem:v18+s31+$0x0] =	vst.idx.msk $0xffff, v17  }
0x230: {  	v16 =	vbroadcast v15, $0x0;
	v15 =	vadd.s32 v6, v13;
	[tilespmem:v9+s31+$0x0] =	vst.idx.msk $0xffff, v19;
	v19 =	vld [tilespmem:s23+$0x40]  }
0x231: {  	[tilespmem:v14+s31+$0x0] =	vst.idx.msk $0xffff, v20;
	v17 =	vld [tilespmem:s23+$0xD0]  }
0x232: {  	v13 =	vadd.s32 v7, v16;
	[tilespmem:v12+s31+$0x0] =	vst.idx.msk $0xffff, v21;
	v16 =	vld [tilespmem:s23+$0xFFFFFF50]  }
0x233: {  	v20 =	vld [tilespmem:s23+$0x80];
	[tilespmem:v11+s31+$0x0] =	vst.idx.msk $0xffff, v22  }
0x234: {  	[tilespmem:v10+s31+$0x0] =	vst.idx.msk $0xffff, v23;
	v21 =	vld [tilespmem:s23+$0xFFFFFF90]  }
0x235: {  	v22 =	vld [tilespmem:s23+$0xFFFFFFD0];
	[tilespmem:v15+s31+$0x0] =	vst.idx.msk $0xffff, v19  }
0x236: {  	v19 =	vld [tilespmem:s23+$0x10];
	[tilespmem:v18+s1+$0x0] =	vst.idx.msk $0xffff, v17  }
0x237: {  	[tilespmem:v14+s1+$0x0] =	vst.idx.msk $0xffff, v16;
	v16 =	vld [tilespmem:s23+$0x50]  }
0x238: {  	[tilespmem:v13+s31+$0x0] =	vst.idx.msk $0xffff, v20;
	v17 =	vld [tilespmem:s23+$0xE0]  }
0x239: {  	[tilespmem:v12+s1+$0x0] =	vst.idx.msk $0xffff, v21;
	v20 =	vld [tilespmem:s23+$0x90]  }
0x23a: {  	v21 =	vld [tilespmem:s23+$0xFFFFFF10];
	[tilespmem:v11+s1+$0x0] =	vst.idx.msk $0xffff, v22  }
0x23b: {  	v22 =	vld [tilespmem:s23+$0xFFFFFF60];
	[tilespmem:v10+s1+$0x0] =	vst.idx.msk $0xffff, v19  }
0x23c: {  	v23 =	vld [tilespmem:s23+$0xFFFFFFA0];
	[tilespmem:v15+s1+$0x0] =	vst.idx.msk $0xffff, v16  }
0x23d: {  	v25 =	vld [tilespmem:s23+$0xFFFFFFE0];
	[tilespmem:v18+s0+$0x0] =	vst.idx.msk $0xffff, v17  }
0x23e: {  	[tilespmem:v13+s1+$0x0] =	vst.idx.msk $0xffff, v20;
	v19 =	vld [tilespmem:s23+$0xF0]  }
0x23f: {  	[tilespmem:v9+s1+$0x0] =	vst.idx.msk $0xffff, v21;
	v26 =	vld [tilespmem:s23+$0x20]  }
0x240: {  	[tilespmem:v14+s0+$0x0] =	vst.idx.msk $0xffff, v22;
	v20 =	vld [tilespmem:s23+$0x60]  }
0x241: {  	v17 =	vld [tilespmem:s23+$0xA0];
	[tilespmem:v12+s0+$0x0] =	vst.idx.msk $0xffff, v23  }
0x242: {  	s24 =	simm.s32 $0x8;
	s8 =	simm.s32 $0x9;
	v16 =	vld [tilespmem:s23+$0xFFFFFF20];
	[tilespmem:v11+s0+$0x0] =	vst.idx.msk $0xffff, v25  }
0x243: {  	s25 =	simm.s32 $0xA;
	v24 =	vmov s24;
	s26 =	simm.s32 $0xB;
	v21 =	vmov s8;
	[tilespmem:v18+s7+$0x0] =	vst.idx.msk $0xffff, v19;
	v18 =	vld [tilespmem:s23+$0xFFFFFF70]  }
0x244: {  	s28 =	simm.s32 $0xF;
	s8 =	simm.s32 $0xC;
	v22 =	vmov s25;
	v23 =	vmov s26;
	s25 =	simm.s32 $0x10;
	[tilespmem:v10+s0+$0x0] =	vst.idx.msk $0xffff, v26;
	v19 =	vld [tilespmem:s23+$0xFFFFFFB0]  }
.LBB2_7:
0x245: {  	p0 =	slt.u32 s25, $0x78;
	v24 =	vshrl.u32 v24, $0x3;
	v25 =	vmov s8;
	s2 =	sadd.s32 $0x5, s24;
	s8 =	sadd.s32 $0x6, s24;
	v26 =	vmov s28;
	v27 =	vld [tilespmem:s23+$0xFFFFFFF0];
	[tilespmem:v15+s0+$0x0] =	vst.idx.msk $0xffff, v20  }
0x246: {  	s24 =	smov.u32 s25;
	v20 =	vmov s2;
	v28 =	vmov s8;
	v26 =	vshrl.u32 v26, $0x3;
	v29 =	vld [tilespmem:s23+$0x30];
	[tilespmem:v13+s0+$0x0] =	vst.idx.msk $0xffff, v17  }
0x247: {  	v21 =	vshrl.u32 v21, $0x3;
	v17 =	vshll.u32 v24, v1;
	v24 =	vshll.u32 v26, v1;
	[tilespmem:v9+s0+$0x0] =	vst.idx.msk $0xffff, v16;
	v16 =	vld [tilespmem:s23+$0x70]  }
0x248: {  	v22 =	vshrl.u32 v22, $0x3;
	v23 =	vshrl.u32 v23, $0x3;
	v24 =	vbroadcast v24, $0x0;
	[tilespmem:v14+s7+$0x0] =	vst.idx.msk $0xffff, v18;
	v18 =	vld [tilespmem:s23+$0xB0]  }
0x249: {  	v14 =	vbroadcast v17, $0x0;
	v17 =	vshll.u32 v21, v1;
	v21 =	vshrl.u32 v25, $0x3;
	v25 =	vld [tilespmem:s23+$0xFFFFFF30];
	[tilespmem:v12+s7+$0x0] =	vst.idx.msk $0xffff, v19;
	s23 =	sadd.s32 $0x200, s23  }
0x24a: {  	v12 =	vbroadcast v17, $0x0;
	v17 =	vshll.u32 v22, v1;
	v19 =	vld [tilespmem:s23+$0xC0];
	v22 =	vadd.s32 v8, v24;
	[tilespmem:v11+s7+$0x0] =	vst.idx.msk $0xffff, v27  }
0x24b: {  	v26 =	vadd.s32 v0, v14;
	v11 =	vbroadcast v17, $0x0;
	v17 =	vshll.u32 v23, v1;
	v24 =	vld [tilespmem:s23+$0xFFFFFF00];
	[tilespmem:v10+s7+$0x0] =	vst.idx.msk $0xffff, v29  }
0x24c: {  	v14 =	vadd.s32 v2, v12;
	v10 =	vbroadcast v17, $0x0;
	v17 =	vshll.u32 v21, v1;
	v23 =	vld [tilespmem:s23+$0xFFFFFF40];
	[tilespmem:v15+s7+$0x0] =	vst.idx.msk $0xffff, v16  }
0x24d: {  	v12 =	vadd.s32 v3, v11;
	v15 =	vbroadcast v17, $0x0;
	v17 =	vshrl.u32 v20, $0x3;
	v16 =	vld [tilespmem:s23+$0xFFFFFF80];
	[tilespmem:v13+s7+$0x0] =	vst.idx.msk $0xffff, v18  }
0x24e: {  	v11 =	vadd.s32 v4, v10;
	v13 =	vshll.u32 v17, v1;
	v17 =	vshrl.u32 v28, $0x3;
	v18 =	vld [tilespmem:s23+$0xFFFFFFC0];
	[tilespmem:v9+s7+$0x0] =	vst.idx.msk $0xffff, v25  }
0x24f: {  	v10 =	vadd.s32 v5, v15;
	v13 =	vbroadcast v13, $0x0;
	v15 =	vshll.u32 v17, v1;
	v20 =	vld [tilespmem:s23+$0x0];
	[tilespmem:v22+s31+$0x0] =	vst.idx.msk $0xffff, v19  }
0x250: {  	v9 =	vmov v26;
	v17 =	vbroadcast v15, $0x0;
	[tilespmem:v26+s31+$0x0] =	vst.idx.msk $0xffff, v24;
	v19 =	vld [tilespmem:s23+$0xD0]  }
0x251: {  	v15 =	vadd.s32 v6, v13;
	[tilespmem:v14+s31+$0x0] =	vst.idx.msk $0xffff, v23;
	v21 =	vld [tilespmem:s23+$0x40]  }
0x252: {  	v13 =	vadd.s32 v7, v17;
	[tilespmem:v12+s31+$0x0] =	vst.idx.msk $0xffff, v16;
	v16 =	vld [tilespmem:s23+$0x80]  }
0x253: {  	v17 =	vld [tilespmem:s23+$0xFFFFFF50];
	[tilespmem:v11+s31+$0x0] =	vst.idx.msk $0xffff, v18  }
0x254: {  	v18 =	vld [tilespmem:s23+$0xFFFFFF90];
	[tilespmem:v10+s31+$0x0] =	vst.idx.msk $0xffff, v20  }
0x255: {  	v20 =	vld [tilespmem:s23+$0xFFFFFFD0];
	[tilespmem:v22+s1+$0x0] =	vst.idx.msk $0xffff, v19  }
0x256: {  	[tilespmem:v15+s31+$0x0] =	vst.idx.msk $0xffff, v21;
	v19 =	vld [tilespmem:s23+$0xE0]  }
0x257: {  	v21 =	vld [tilespmem:s23+$0x10];
	[tilespmem:v13+s31+$0x0] =	vst.idx.msk $0xffff, v16  }
0x258: {  	[tilespmem:v14+s1+$0x0] =	vst.idx.msk $0xffff, v17;
	v16 =	vld [tilespmem:s23+$0x50]  }
0x259: {  	[tilespmem:v12+s1+$0x0] =	vst.idx.msk $0xffff, v18;
	v17 =	vld [tilespmem:s23+$0x90]  }
0x25a: {  	v18 =	vld [tilespmem:s23+$0xFFFFFF10];
	[tilespmem:v11+s1+$0x0] =	vst.idx.msk $0xffff, v20  }
0x25b: {  	v20 =	vld [tilespmem:s23+$0xFFFFFF60];
	[tilespmem:v22+s0+$0x0] =	vst.idx.msk $0xffff, v19  }
0x25c: {  	[tilespmem:v10+s1+$0x0] =	vst.idx.msk $0xffff, v21;
	v19 =	vld [tilespmem:s23+$0xF0]  }
0x25d: {  	v21 =	vld [tilespmem:s23+$0xFFFFFFA0];
	[tilespmem:v15+s1+$0x0] =	vst.idx.msk $0xffff, v16  }
0x25e: {  	v23 =	vld [tilespmem:s23+$0xFFFFFFE0];
	[tilespmem:v13+s1+$0x0] =	vst.idx.msk $0xffff, v17  }
0x25f: {  	[tilespmem:v26+s1+$0x0] =	vst.idx.msk $0xffff, v18;
	v25 =	vld [tilespmem:s23+$0x20]  }
.Ltmp2:
0x260: {  	[tilespmem:v14+s0+$0x0] =	vst.idx.msk $0xffff, v20;
	v20 =	vld [tilespmem:s23+$0x60];
	(pc) =	sbr.rel @p0 .LBB2_7-.Ltmp2, $4  }
0x261: {  	v17 =	vld [tilespmem:s23+$0xA0];
	[tilespmem:v22+s7+$0x0] =	vst.idx.msk $0xffff, v19  }
0x262: {  	s2 =	sadd.s32 $0x1, s25;
	v16 =	vld [tilespmem:s23+$0xFFFFFF20];
	[tilespmem:v12+s0+$0x0] =	vst.idx.msk $0xffff, v21  }
0x263: {  	s8 =	sadd.s32 $0x3, s25;
	v24 =	vmov s25;
	v21 =	vmov s2;
	s2 =	sadd.s32 $0x2, s25;
	v18 =	vld [tilespmem:s23+$0xFFFFFF70];
	[tilespmem:v11+s0+$0x0] =	vst.idx.msk $0xffff, v23  }
0x264: {  	s28 =	sadd.s32 $0x7, s24;
	s25 =	sadd.s32 $0x8, s25;
	v22 =	vmov s2;
	v23 =	vmov s8;
	s8 =	sadd.s32 $0x4, s24;
	v19 =	vld [tilespmem:s23+$0xFFFFFFB0];
	[tilespmem:v10+s0+$0x0] =	vst.idx.msk $0xffff, v25  }
0x265: {  	_ =	sdelay $0x3  }
0x266: {  	v24 =	vshrl.u32 v24, $0x3;
	v25 =	vmov s8;
	v26 =	vmov s28;
	v27 =	vld [tilespmem:s23+$0xFFFFFFF0];
	[tilespmem:v15+s0+$0x0] =	vst.idx.msk $0xffff, v20  }
0x267: {  	v29 =	vld [tilespmem:s23+$0x30];
	v21 =	vshrl.u32 v21, $0x3;
	v22 =	vshrl.u32 v22, $0x3;
	v26 =	vshrl.u32 v26, $0x3;
	[tilespmem:v13+s0+$0x0] =	vst.idx.msk $0xffff, v17  }
0x268: {  	s2 =	sadd.s32 $0x5, s24;
	s26 =	sadd.s32 $0x6, s24;
	v23 =	vshrl.u32 v23, $0x3;
	v17 =	vshll.u32 v24, v1;
	v24 =	vshll.u32 v26, v1;
	[tilespmem:v9+s0+$0x0] =	vst.idx.msk $0xffff, v16;
	v16 =	vld [tilespmem:s23+$0x70]  }
0x269: {  	v20 =	vmov s2;
	v28 =	vmov s26;
	v24 =	vbroadcast v24, $0x0;
	[tilespmem:v14+s7+$0x0] =	vst.idx.msk $0xffff, v18;
	v14 =	vld [tilespmem:s23+$0xB0]  }
0x26a: {  	s24 =	sadd.s32 $0x200, s23;
	v17 =	vbroadcast v17, $0x0;
	v18 =	vshll.u32 v21, v1;
	v21 =	vshrl.u32 v25, $0x3;
	v25 =	vld [tilespmem:s23+$0xFFFFFF30];
	[tilespmem:v12+s7+$0x0] =	vst.idx.msk $0xffff, v19  }
0x26b: {  	v12 =	vbroadcast v18, $0x0;
	v18 =	vshll.u32 v22, v1;
	v19 =	vld [tilespmem:s24+$0xC0];
	v22 =	vadd.s32 v8, v24;
	[tilespmem:v11+s7+$0x0] =	vst.idx.msk $0xffff, v27  }
0x26c: {  	v23 =	vshll.u32 v23, v1;
	v17 =	vadd.s32 v0, v17;
	v11 =	vld [tilespmem:s24+$0xFFFFFF00];
	v18 =	vbroadcast v18, $0x0;
	[tilespmem:v10+s7+$0x0] =	vst.idx.msk $0xffff, v29  }
0x26d: {  	v23 =	vbroadcast v23, $0x0;
	v21 =	vshll.u32 v21, v1;
	v10 =	vld [tilespmem:s24+$0xFFFFFF40];
	v12 =	vadd.s32 v2, v12;
	[tilespmem:v15+s7+$0x0] =	vst.idx.msk $0xffff, v16  }
0x26e: {  	v20 =	vshrl.u32 v20, $0x3;
	v15 =	vld [tilespmem:s24+$0xFFFFFF80];
	v16 =	vadd.s32 v3, v18;
	v18 =	vbroadcast v21, $0x0;
	[tilespmem:v13+s7+$0x0] =	vst.idx.msk $0xffff, v14  }
0x26f: {  	v20 =	vshll.u32 v20, v1;
	v21 =	vshrl.u32 v28, $0x3;
	v13 =	vld [tilespmem:s24+$0xFFFFFFC0];
	v14 =	vadd.s32 v4, v23;
	[tilespmem:v9+s7+$0x0] =	vst.idx.msk $0xffff, v25  }
0x270: {  	v20 =	vbroadcast v20, $0x0;
	v9 =	vld [tilespmem:s24+$0x0];
	v21 =	vshll.u32 v21, v1;
	v18 =	vadd.s32 v5, v18;
	[tilespmem:v22+s31+$0x0] =	vst.idx.msk $0xffff, v19  }
0x271: {  	[tilespmem:v17+s31+$0x0] =	vst.idx.msk $0xffff, v11;
	v11 =	vbroadcast v21, $0x0;
	v19 =	vld [tilespmem:s24+$0xD0]  }
0x272: {  	v20 =	vadd.s32 v6, v20;
	[tilespmem:v12+s31+$0x0] =	vst.idx.msk $0xffff, v10;
	v10 =	vld [tilespmem:s24+$0x40]  }
0x273: {  	[tilespmem:v16+s31+$0x0] =	vst.idx.msk $0xffff, v15;
	v15 =	vld [tilespmem:s24+$0x80];
	v11 =	vadd.s32 v7, v11  }
0x274: {  	v21 =	vld [tilespmem:s24+$0xFFFFFF50];
	[tilespmem:v14+s31+$0x0] =	vst.idx.msk $0xffff, v13  }
0x275: {  	v13 =	vld [tilespmem:s24+$0xFFFFFF90];
	[tilespmem:v18+s31+$0x0] =	vst.idx.msk $0xffff, v9  }
0x276: {  	v9 =	vld [tilespmem:s24+$0xFFFFFFD0];
	[tilespmem:v22+s1+$0x0] =	vst.idx.msk $0xffff, v19  }
0x277: {  	[tilespmem:v20+s31+$0x0] =	vst.idx.msk $0xffff, v10;
	v19 =	vld [tilespmem:s24+$0x10]  }
0x278: {  	v10 =	vld [tilespmem:s24+$0xE0];
	[tilespmem:v11+s31+$0x0] =	vst.idx.msk $0xffff, v15  }
0x279: {  	[tilespmem:v12+s1+$0x0] =	vst.idx.msk $0xffff, v21;
	v15 =	vld [tilespmem:s24+$0x50]  }
0x27a: {  	v21 =	vld [tilespmem:s24+$0xFFFFFF10];
	[tilespmem:v16+s1+$0x0] =	vst.idx.msk $0xffff, v13  }
0x27b: {  	v13 =	vld [tilespmem:s24+$0x90];
	[tilespmem:v14+s1+$0x0] =	vst.idx.msk $0xffff, v9  }
0x27c: {  	v9 =	vld [tilespmem:s24+$0xFFFFFF60];
	[tilespmem:v18+s1+$0x0] =	vst.idx.msk $0xffff, v19  }
0x27d: {  	v19 =	vld [tilespmem:s24+$0xFFFFFFA0];
	[tilespmem:v22+s0+$0x0] =	vst.idx.msk $0xffff, v10  }
0x27e: {  	[tilespmem:v20+s1+$0x0] =	vst.idx.msk $0xffff, v15;
	v15 =	vld [tilespmem:s24+$0xFFFFFFE0]  }
0x27f: {  	[tilespmem:v17+s1+$0x0] =	vst.idx.msk $0xffff, v21;
	v10 =	vld [tilespmem:s24+$0xF0]  }
0x280: {  	[tilespmem:v11+s1+$0x0] =	vst.idx.msk $0xffff, v13;
	v13 =	vld [tilespmem:s24+$0x20]  }
0x281: {  	[tilespmem:v12+s0+$0x0] =	vst.idx.msk $0xffff, v9;
	v9 =	vld [tilespmem:s24+$0x60]  }
0x282: {  	v21 =	vld [tilespmem:s24+$0xA0];
	[tilespmem:v16+s0+$0x0] =	vst.idx.msk $0xffff, v19  }
0x283: {  	v19 =	vld [tilespmem:s24+$0xFFFFFF70];
	[tilespmem:v14+s0+$0x0] =	vst.idx.msk $0xffff, v15  }
0x284: {  	[tilespmem:v22+s7+$0x0] =	vst.idx.msk $0xffff, v10;
	v10 =	vld [tilespmem:s24+$0xFFFFFF20]  }
0x285: {  	v15 =	vld [tilespmem:s24+$0xFFFFFFB0];
	[tilespmem:v18+s0+$0x0] =	vst.idx.msk $0xffff, v13  }
0x286: {  	v13 =	vld [tilespmem:s24+$0xFFFFFFF0];
	[tilespmem:v20+s0+$0x0] =	vst.idx.msk $0xffff, v9  }
0x287: {  	v9 =	vld [tilespmem:s24+$0x30];
	[tilespmem:v11+s0+$0x0] =	vst.idx.msk $0xffff, v21  }
0x288: {  	[tilespmem:v12+s7+$0x0] =	vst.idx.msk $0xffff, v19;
	v12 =	vld [tilespmem:s24+$0xB0]  }
0x289: {  	[tilespmem:v17+s0+$0x0] =	vst.idx.msk $0xffff, v10;
	v10 =	vld [tilespmem:s24+$0x70]  }
0x28a: {  	s23 =	sshll.u32 s14, $0x1;
	[tilespmem:v16+s7+$0x0] =	vst.idx.msk $0xffff, v15;
	v19 =	vld [tilespmem:s24+$0xFFFFFF30]  }
0x28b: {  	s25 =	sadd.s32 s5, s23;
	[tilespmem:v14+s7+$0x0] =	vst.idx.msk $0xffff, v13  }
0x28c: {  	s26 =	sshll.u32 s25, $0xA;
	s2 =	sshll.u32 s25, $0x7;
	[tilespmem:v18+s7+$0x0] =	vst.idx.msk $0xffff, v9  }
0x28d: {  	s8 =	sand.u32 $0x1FFE0000, s26;
	s2 =	sand.u32 $0x3F00, s2;
	[tilespmem:v11+s7+$0x0] =	vst.idx.msk $0xffff, v12  }
0x28e: {  	s24 =	sor.u32 s2, s8;
	[tilespmem:v20+s7+$0x0] =	vst.idx.msk $0xffff, v10  }
0x28f: {  	s25 =	simm.s32 $0x0;
	s2 =	sadd.s32 s29, s24;
	[tilespmem:v17+s7+$0x0] =	vst.idx.msk $0xffff, v19  }
0x290: {  	[hbm4b:s2+s25] =	stream.linear.scatter [tilespmem:s31], [sflag:$0x3], $0x80, $0x38;
	[tilespmem:$0xB800] =	vst v63  }
0x291: {  	s28 =	simm.s32 $0x7488;
	s8 =	sadd.s32 $0x10, s2  }
0x292: {  	[hbm4b:s8+s25] =	stream.linear.scatter [tilespmem:s28], [sflag:$0x3], $0x80, $0x38;
	[tilespmem:$0xB800] =	vst v63  }
0x293: {  	s8 =	sadd.s32 $0x20, s2;
	s28 =	simm.s32 $0x7510  }
0x294: {  	[hbm4b:s8+s25] =	stream.linear.scatter [tilespmem:s28], [sflag:$0x3], $0x80, $0x38;
	[tilespmem:$0xB800] =	vst v63  }
0x295: {  	s8 =	sadd.s32 $0x30, s2;
	s28 =	simm.s32 $0x7598  }
0x296: {  	[hbm4b:s8+s25] =	stream.linear.scatter [tilespmem:s28], [sflag:$0x3], $0x80, $0x38;
	[tilespmem:$0xB800] =	vst v63  }
0x297: {  	s8 =	sadd.s32 $0x40, s2;
	s28 =	simm.s32 $0x7620  }
0x298: {  	[hbm4b:s8+s25] =	stream.linear.scatter [tilespmem:s28], [sflag:$0x3], $0x80, $0x38;
	[tilespmem:$0xB800] =	vst v63  }
0x299: {  	s8 =	sadd.s32 $0x50, s2;
	s28 =	simm.s32 $0x76A8  }
0x29a: {  	[hbm4b:s8+s25] =	stream.linear.scatter [tilespmem:s28], [sflag:$0x3], $0x80, $0x38;
	[tilespmem:$0xB800] =	vst v63  }
0x29b: {  	s8 =	sadd.s32 $0x60, s2;
	s28 =	simm.s32 $0x7730  }
0x29c: {  	[hbm4b:s8+s25] =	stream.linear.scatter [tilespmem:s28], [sflag:$0x3], $0x80, $0x38;
	[tilespmem:$0xB800] =	vst v63  }
0x29d: {  	s2 =	sadd.s32 $0x70, s2;
	s8 =	simm.s32 $0x77B8  }
0x29e: {  	[hbm4b:s2+s25] =	stream.linear.scatter [tilespmem:s8], [sflag:$0x3], $0x80, $0x38;
	[tilespmem:$0xB800] =	vst v63  }
0x29f: {  	s2 =	sadd.s32 s24, s6;
	s8 =	simm.s32 $0x7840  }
0x2a0: {  	[hbm4b:s2+s25] =	stream.linear.scatter [tilespmem:s8], [sflag:$0x3], $0x80, $0x38;
	[tilespmem:$0xB800] =	vst v63  }
0x2a1: {  	s28 =	simm.s32 $0x78C8;
	s8 =	sadd.s32 $0x10, s2  }
0x2a2: {  	[hbm4b:s8+s25] =	stream.linear.scatter [tilespmem:s28], [sflag:$0x3], $0x80, $0x38;
	[tilespmem:$0xB800] =	vst v63  }
0x2a3: {  	s8 =	sadd.s32 $0x20, s2;
	s28 =	simm.s32 $0x7950  }
0x2a4: {  	[hbm4b:s8+s25] =	stream.linear.scatter [tilespmem:s28], [sflag:$0x3], $0x80, $0x38;
	[tilespmem:$0xB800] =	vst v63  }
0x2a5: {  	s8 =	sadd.s32 $0x30, s2;
	s28 =	simm.s32 $0x79D8  }
0x2a6: {  	[hbm4b:s8+s25] =	stream.linear.scatter [tilespmem:s28], [sflag:$0x3], $0x80, $0x38;
	[tilespmem:$0xB800] =	vst v63  }
0x2a7: {  	s8 =	sadd.s32 $0x40, s2;
	s28 =	simm.s32 $0x7A60  }
0x2a8: {  	[hbm4b:s8+s25] =	stream.linear.scatter [tilespmem:s28], [sflag:$0x3], $0x80, $0x38;
	[tilespmem:$0xB800] =	vst v63  }
0x2a9: {  	s8 =	sadd.s32 $0x50, s2;
	s28 =	simm.s32 $0x7AE8  }
0x2aa: {  	[hbm4b:s8+s25] =	stream.linear.scatter [tilespmem:s28], [sflag:$0x3], $0x80, $0x38;
	[tilespmem:$0xB800] =	vst v63  }
0x2ab: {  	s8 =	sadd.s32 $0x60, s2;
	s28 =	simm.s32 $0x7B70  }
0x2ac: {  	[hbm4b:s8+s25] =	stream.linear.scatter [tilespmem:s28], [sflag:$0x3], $0x80, $0x38;
	[tilespmem:$0xB800] =	vst v63  }
0x2ad: {  	s2 =	sadd.s32 $0x70, s2;
	s8 =	simm.s32 $0x7BF8  }
0x2ae: {  	[hbm4b:s2+s25] =	stream.linear.scatter [tilespmem:s8], [sflag:$0x3], $0x80, $0x38;
	[tilespmem:$0xB800] =	vst v63  }
0x2af: {  	s2 =	sadd.s32 s24, s10  }
0x2b0: {  	[hbm4b:s2+s25] =	stream.linear.scatter [tilespmem:s1], [sflag:$0x3], $0x80, $0x38;
	[tilespmem:$0xB800] =	vst v63  }
0x2b1: {  	s28 =	simm.s32 $0x7D08;
	s8 =	sadd.s32 $0x10, s2  }
0x2b2: {  	[hbm4b:s8+s25] =	stream.linear.scatter [tilespmem:s28], [sflag:$0x3], $0x80, $0x38;
	[tilespmem:$0xB800] =	vst v63  }
0x2b3: {  	s8 =	sadd.s32 $0x20, s2;
	s28 =	simm.s32 $0x7D90  }
0x2b4: {  	[hbm4b:s8+s25] =	stream.linear.scatter [tilespmem:s28], [sflag:$0x3], $0x80, $0x38;
	[tilespmem:$0xB800] =	vst v63  }
0x2b5: {  	s8 =	sadd.s32 $0x30, s2;
	s28 =	simm.s32 $0x7E18  }
0x2b6: {  	[hbm4b:s8+s25] =	stream.linear.scatter [tilespmem:s28], [sflag:$0x3], $0x80, $0x38;
	[tilespmem:$0xB800] =	vst v63  }
0x2b7: {  	s8 =	sadd.s32 $0x40, s2;
	s28 =	simm.s32 $0x7EA0  }
0x2b8: {  	[hbm4b:s8+s25] =	stream.linear.scatter [tilespmem:s28], [sflag:$0x3], $0x80, $0x38;
	[tilespmem:$0xB800] =	vst v63  }
0x2b9: {  	s8 =	sadd.s32 $0x50, s2;
	s28 =	simm.s32 $0x7F28  }
0x2ba: {  	[hbm4b:s8+s25] =	stream.linear.scatter [tilespmem:s28], [sflag:$0x3], $0x80, $0x38;
	[tilespmem:$0xB800] =	vst v63  }
0x2bb: {  	s8 =	sadd.s32 $0x60, s2;
	s28 =	simm.s32 $0x7FB0  }
0x2bc: {  	[hbm4b:s8+s25] =	stream.linear.scatter [tilespmem:s28], [sflag:$0x3], $0x80, $0x38;
	[tilespmem:$0xB800] =	vst v63  }
0x2bd: {  	s2 =	sadd.s32 $0x70, s2;
	s8 =	simm.s32 $0x8038  }
0x2be: {  	[hbm4b:s2+s25] =	stream.linear.scatter [tilespmem:s8], [sflag:$0x3], $0x80, $0x38;
	[tilespmem:$0xB800] =	vst v63  }
0x2bf: {  	s2 =	sadd.s32 s24, s11;
	s8 =	simm.s32 $0x80C0  }
0x2c0: {  	[hbm4b:s2+s25] =	stream.linear.scatter [tilespmem:s8], [sflag:$0x3], $0x80, $0x38;
	[tilespmem:$0xB800] =	vst v63  }
0x2c1: {  	s28 =	simm.s32 $0x8148;
	s8 =	sadd.s32 $0x10, s2  }
0x2c2: {  	[hbm4b:s8+s25] =	stream.linear.scatter [tilespmem:s28], [sflag:$0x3], $0x80, $0x38;
	[tilespmem:$0xB800] =	vst v63  }
0x2c3: {  	s8 =	sadd.s32 $0x20, s2;
	s28 =	simm.s32 $0x81D0  }
0x2c4: {  	[hbm4b:s8+s25] =	stream.linear.scatter [tilespmem:s28], [sflag:$0x3], $0x80, $0x38;
	[tilespmem:$0xB800] =	vst v63  }
0x2c5: {  	s8 =	sadd.s32 $0x30, s2;
	s28 =	simm.s32 $0x8258  }
0x2c6: {  	[hbm4b:s8+s25] =	stream.linear.scatter [tilespmem:s28], [sflag:$0x3], $0x80, $0x38;
	[tilespmem:$0xB800] =	vst v63  }
0x2c7: {  	s8 =	sadd.s32 $0x40, s2;
	s28 =	simm.s32 $0x82E0  }
0x2c8: {  	[hbm4b:s8+s25] =	stream.linear.scatter [tilespmem:s28], [sflag:$0x3], $0x80, $0x38;
	[tilespmem:$0xB800] =	vst v63  }
0x2c9: {  	s8 =	sadd.s32 $0x50, s2;
	s28 =	simm.s32 $0x8368  }
0x2ca: {  	[hbm4b:s8+s25] =	stream.linear.scatter [tilespmem:s28], [sflag:$0x3], $0x80, $0x38;
	[tilespmem:$0xB800] =	vst v63  }
0x2cb: {  	s8 =	sadd.s32 $0x60, s2;
	s28 =	simm.s32 $0x83F0  }
0x2cc: {  	[hbm4b:s8+s25] =	stream.linear.scatter [tilespmem:s28], [sflag:$0x3], $0x80, $0x38;
	[tilespmem:$0xB800] =	vst v63  }
0x2cd: {  	s2 =	sadd.s32 $0x70, s2;
	s8 =	simm.s32 $0x8478  }
0x2ce: {  	[hbm4b:s2+s25] =	stream.linear.scatter [tilespmem:s8], [sflag:$0x3], $0x80, $0x38;
	[tilespmem:$0xB800] =	vst v63  }
0x2cf: {  	s2 =	sadd.s32 s24, s12  }
0x2d0: {  	[hbm4b:s2+s25] =	stream.linear.scatter [tilespmem:s0], [sflag:$0x3], $0x80, $0x38;
	[tilespmem:$0xB800] =	vst v63  }
0x2d1: {  	s28 =	simm.s32 $0x8588;
	s8 =	sadd.s32 $0x10, s2  }
0x2d2: {  	[hbm4b:s8+s25] =	stream.linear.scatter [tilespmem:s28], [sflag:$0x3], $0x80, $0x38;
	[tilespmem:$0xB800] =	vst v63  }
0x2d3: {  	s8 =	sadd.s32 $0x20, s2;
	s28 =	simm.s32 $0x8610  }
0x2d4: {  	[hbm4b:s8+s25] =	stream.linear.scatter [tilespmem:s28], [sflag:$0x3], $0x80, $0x38;
	[tilespmem:$0xB800] =	vst v63  }
0x2d5: {  	s8 =	sadd.s32 $0x30, s2;
	s28 =	simm.s32 $0x8698  }
0x2d6: {  	[hbm4b:s8+s25] =	stream.linear.scatter [tilespmem:s28], [sflag:$0x3], $0x80, $0x38;
	[tilespmem:$0xB800] =	vst v63  }
0x2d7: {  	s8 =	sadd.s32 $0x40, s2;
	s28 =	simm.s32 $0x8720  }
0x2d8: {  	[hbm4b:s8+s25] =	stream.linear.scatter [tilespmem:s28], [sflag:$0x3], $0x80, $0x38;
	[tilespmem:$0xB800] =	vst v63  }
0x2d9: {  	s8 =	sadd.s32 $0x50, s2;
	s28 =	simm.s32 $0x87A8  }
0x2da: {  	[hbm4b:s8+s25] =	stream.linear.scatter [tilespmem:s28], [sflag:$0x3], $0x80, $0x38;
	[tilespmem:$0xB800] =	vst v63  }
0x2db: {  	s8 =	sadd.s32 $0x60, s2;
	s28 =	simm.s32 $0x8830  }
0x2dc: {  	[hbm4b:s8+s25] =	stream.linear.scatter [tilespmem:s28], [sflag:$0x3], $0x80, $0x38;
	[tilespmem:$0xB800] =	vst v63  }
0x2dd: {  	s2 =	sadd.s32 $0x70, s2;
	s8 =	simm.s32 $0x88B8  }
0x2de: {  	[hbm4b:s2+s25] =	stream.linear.scatter [tilespmem:s8], [sflag:$0x3], $0x80, $0x38;
	[tilespmem:$0xB800] =	vst v63  }
0x2df: {  	s2 =	sadd.s32 s24, s16;
	s8 =	simm.s32 $0x8940  }
0x2e0: {  	[hbm4b:s2+s25] =	stream.linear.scatter [tilespmem:s8], [sflag:$0x3], $0x80, $0x38;
	[tilespmem:$0xB800] =	vst v63  }
0x2e1: {  	s28 =	simm.s32 $0x89C8;
	s8 =	sadd.s32 $0x10, s2  }
0x2e2: {  	[hbm4b:s8+s25] =	stream.linear.scatter [tilespmem:s28], [sflag:$0x3], $0x80, $0x38;
	[tilespmem:$0xB800] =	vst v63  }
0x2e3: {  	s8 =	sadd.s32 $0x20, s2;
	s28 =	simm.s32 $0x8A50  }
0x2e4: {  	[hbm4b:s8+s25] =	stream.linear.scatter [tilespmem:s28], [sflag:$0x3], $0x80, $0x38;
	[tilespmem:$0xB800] =	vst v63  }
0x2e5: {  	s8 =	sadd.s32 $0x30, s2;
	s28 =	simm.s32 $0x8AD8  }
0x2e6: {  	[hbm4b:s8+s25] =	stream.linear.scatter [tilespmem:s28], [sflag:$0x3], $0x80, $0x38;
	[tilespmem:$0xB800] =	vst v63  }
0x2e7: {  	s8 =	sadd.s32 $0x40, s2;
	s28 =	simm.s32 $0x8B60  }
0x2e8: {  	[hbm4b:s8+s25] =	stream.linear.scatter [tilespmem:s28], [sflag:$0x3], $0x80, $0x38;
	[tilespmem:$0xB800] =	vst v63  }
0x2e9: {  	s8 =	sadd.s32 $0x50, s2;
	s28 =	simm.s32 $0x8BE8  }
0x2ea: {  	[hbm4b:s8+s25] =	stream.linear.scatter [tilespmem:s28], [sflag:$0x3], $0x80, $0x38;
	[tilespmem:$0xB800] =	vst v63  }
0x2eb: {  	s8 =	sadd.s32 $0x60, s2;
	s28 =	simm.s32 $0x8C70  }
0x2ec: {  	[hbm4b:s8+s25] =	stream.linear.scatter [tilespmem:s28], [sflag:$0x3], $0x80, $0x38;
	[tilespmem:$0xB800] =	vst v63  }
0x2ed: {  	s2 =	sadd.s32 $0x70, s2;
	s8 =	simm.s32 $0x8CF8  }
0x2ee: {  	[hbm4b:s2+s25] =	stream.linear.scatter [tilespmem:s8], [sflag:$0x3], $0x80, $0x38;
	[tilespmem:$0xB800] =	vst v63  }
0x2ef: {  	s2 =	sadd.s32 s24, s17  }
0x2f0: {  	[hbm4b:s2+s25] =	stream.linear.scatter [tilespmem:s7], [sflag:$0x3], $0x80, $0x38;
	[tilespmem:$0xB800] =	vst v63  }
0x2f1: {  	s28 =	simm.s32 $0x8E08;
	s8 =	sadd.s32 $0x10, s2  }
0x2f2: {  	[hbm4b:s8+s25] =	stream.linear.scatter [tilespmem:s28], [sflag:$0x3], $0x80, $0x38;
	[tilespmem:$0xB800] =	vst v63  }
0x2f3: {  	s8 =	sadd.s32 $0x20, s2;
	s28 =	simm.s32 $0x8E90  }
0x2f4: {  	[hbm4b:s8+s25] =	stream.linear.scatter [tilespmem:s28], [sflag:$0x3], $0x80, $0x38;
	[tilespmem:$0xB800] =	vst v63  }
0x2f5: {  	s8 =	sadd.s32 $0x30, s2;
	s28 =	simm.s32 $0x8F18  }
0x2f6: {  	[hbm4b:s8+s25] =	stream.linear.scatter [tilespmem:s28], [sflag:$0x3], $0x80, $0x38;
	[tilespmem:$0xB800] =	vst v63  }
0x2f7: {  	s8 =	sadd.s32 $0x40, s2;
	s28 =	simm.s32 $0x8FA0  }
0x2f8: {  	[hbm4b:s8+s25] =	stream.linear.scatter [tilespmem:s28], [sflag:$0x3], $0x80, $0x38;
	[tilespmem:$0xB800] =	vst v63  }
0x2f9: {  	s8 =	sadd.s32 $0x50, s2;
	s28 =	simm.s32 $0x9028  }
0x2fa: {  	[hbm4b:s8+s25] =	stream.linear.scatter [tilespmem:s28], [sflag:$0x3], $0x80, $0x38;
	[tilespmem:$0xB800] =	vst v63  }
0x2fb: {  	s8 =	sadd.s32 $0x60, s2;
	s28 =	simm.s32 $0x90B0  }
0x2fc: {  	[hbm4b:s8+s25] =	stream.linear.scatter [tilespmem:s28], [sflag:$0x3], $0x80, $0x38;
	[tilespmem:$0xB800] =	vst v63  }
0x2fd: {  	s2 =	sadd.s32 $0x70, s2;
	s8 =	simm.s32 $0x9138  }
0x2fe: {  	[hbm4b:s2+s25] =	stream.linear.scatter [tilespmem:s8], [sflag:$0x3], $0x80, $0x38;
	[tilespmem:$0xB800] =	vst v63  }
0x2ff: {  	s2 =	sadd.s32 s24, s20;
	s24 =	simm.s32 $0x91C0  }
0x300: {  	[hbm4b:s2+s25] =	stream.linear.scatter [tilespmem:s24], [sflag:$0x3], $0x80, $0x38;
	[tilespmem:$0xB800] =	vst v63  }
0x301: {  	s8 =	sadd.s32 $0x10, s2;
	s24 =	simm.s32 $0x9248  }
0x302: {  	[hbm4b:s8+s25] =	stream.linear.scatter [tilespmem:s24], [sflag:$0x3], $0x80, $0x38;
	[tilespmem:$0xB800] =	vst v63  }
0x303: {  	s8 =	sadd.s32 $0x20, s2;
	s24 =	simm.s32 $0x92D0  }
0x304: {  	[hbm4b:s8+s25] =	stream.linear.scatter [tilespmem:s24], [sflag:$0x3], $0x80, $0x38;
	[tilespmem:$0xB800] =	vst v63  }
0x305: {  	s8 =	sadd.s32 $0x30, s2;
	s24 =	simm.s32 $0x9358  }
0x306: {  	[hbm4b:s8+s25] =	stream.linear.scatter [tilespmem:s24], [sflag:$0x3], $0x80, $0x38;
	[tilespmem:$0xB800] =	vst v63  }
0x307: {  	s8 =	sadd.s32 $0x40, s2;
	s24 =	simm.s32 $0x93E0  }
0x308: {  	[hbm4b:s8+s25] =	stream.linear.scatter [tilespmem:s24], [sflag:$0x3], $0x80, $0x38;
	[tilespmem:$0xB800] =	vst v63  }
0x309: {  	s8 =	sadd.s32 $0x50, s2;
	s24 =	simm.s32 $0x9468  }
0x30a: {  	[hbm4b:s8+s25] =	stream.linear.scatter [tilespmem:s24], [sflag:$0x3], $0x80, $0x38;
	[tilespmem:$0xB800] =	vst v63  }
0x30b: {  	s8 =	sadd.s32 $0x60, s2;
	s24 =	simm.s32 $0x94F0  }
0x30c: {  	[hbm4b:s8+s25] =	stream.linear.scatter [tilespmem:s24], [sflag:$0x3], $0x80, $0x38;
	[tilespmem:$0xB800] =	vst v63  }
0x30d: {  	s2 =	sadd.s32 $0x70, s2;
	s24 =	simm.s32 $0x9578  }
0x30e: {  	[hbm4b:s2+s25] =	stream.linear.scatter [tilespmem:s24], [sflag:$0x3], $0x80, $0x38;
	[tilespmem:$0xB800] =	vst v63  }
0x30f: {  	s24 =	sshll.u32 s14, $0x8  }
0x310: {  	s24 =	sand.u32 $0x3FFFFF00, s24  }
0x311: {  	s8 =	simm.s32 $0x3400;
	s2 =	sadd.s32 $0x100, s24  }
0x312: {  	[tilespmem:s8], [sflag:$0x1] =	stream.indirect.gather [hbm4b:s4+s30], $0x40, s2, s30, $0xb8;
	[tilespmem:$0xB800] =	vst v63  }
0x313: {  	_ =	swait.ge [sflag:s13], $0x400  }
0x314: {  	[sflag:s13] =	ssyncset.done $0x0  }
0x315: {  	[sflag:s13] =	ssyncadd.s32 $0xFFFFFC00  }
0x316: {  	_ =	swait.ge [sflag:s13], $0x400  }
0x317: {  	[sflag:s13] =	ssyncset.done $0x0  }
0x318: {  	[sflag:s13] =	ssyncadd.s32 $0xFFFFFC00  }
0x319: {  	_ =	swait.ge [sflag:s13], $0x400  }
0x31a: {  	[sflag:s13] =	ssyncset.done $0x0  }
0x31b: {  	[sflag:s13] =	ssyncadd.s32 $0xFFFFFC00  }
0x31c: {  	_ =	swait.ge [sflag:s13], $0x400  }
0x31d: {  	[sflag:s13] =	ssyncset.done $0x0  }
0x31e: {  	[sflag:s13] =	ssyncadd.s32 $0xFFFFFC00  }
0x31f: {  	_ =	swait.ge [sflag:s13], $0x400  }
0x320: {  	[sflag:s13] =	ssyncset.done $0x0  }
0x321: {  	[sflag:s13] =	ssyncadd.s32 $0xFFFFFC00  }
0x322: {  	_ =	swait.ge [sflag:s13], $0x400  }
0x323: {  	[sflag:s13] =	ssyncset.done $0x0  }
0x324: {  	v9 =	vmov s25;
	[sflag:s13] =	ssyncadd.s32 $0xFFFFFC00  }
0x325: {  	v9 =	vshrl.u32 v9, $0x3;
	_ =	swait.ge [sflag:s13], $0x400  }
0x326: {  	v9 =	vshll.u32 v9, v1;
	[sflag:s13] =	ssyncset.done $0x0  }
0x327: {  	v9 =	vbroadcast v9, $0x0;
	s25 =	simm.s32 $0x3;
	s8 =	simm.s32 $0x2;
	[sflag:s13] =	ssyncadd.s32 $0xFFFFFC00  }
0x328: {  	v12 =	vmov s25;
	s25 =	simm.s32 $0x4;
	v11 =	vmov s8;
	s8 =	simm.s32 $0x7;
	_ =	swait.ge [sflag:s13], $0x400  }
0x329: {  	v9 =	vadd.s32 v0, v9;
	v13 =	vmov s25;
	s25 =	simm.s32 $0x6;
	v14 =	vmov s8;
	[sflag:s13] =	ssyncset.done $0x0  }
0x32a: {  	v12 =	vshrl.u32 v12, $0x3;
	s2 =	simm.s32 $0x1;
	v16 =	vmov s25;
	v14 =	vshrl.u32 v14, $0x3;
	[sflag:s13] =	ssyncadd.s32 $0xFFFFFC00  }
0x32b: {  	v13 =	vshrl.u32 v13, $0x3;
	v10 =	vmov s2;
	v14 =	vshll.u32 v14, v1;
	_ =	swait.ge [sflag:s15], $0x2000  }
0x32c: {  	v12 =	vshll.u32 v12, v1;
	v10 =	vshrl.u32 v10, $0x3;
	v14 =	vbroadcast v14, $0x0;
	[sflag:s15] =	ssyncset.done $0x0  }
0x32d: {  	s25 =	simm.s32 $0x5500;
	v13 =	vshll.u32 v13, v1;
	v11 =	vshrl.u32 v11, $0x3;
	v10 =	vshll.u32 v10, v1;
	[sflag:s15] =	ssyncadd.s32 $0xFFFFE000  }
0x32e: {  	s2 =	simm.s32 $0x5;
	v11 =	vshll.u32 v11, v1;
	v10 =	vbroadcast v10, $0x0;
	v18 =	vadd.s32 v8, v14;
	v17 =	vld [tilespmem:s25+$0xC0]  }
0x32f: {  	v15 =	vmov s2;
	v13 =	vbroadcast v13, $0x0;
	v11 =	vbroadcast v11, $0x0;
	v19 =	vld [tilespmem:s25+$0xFFFFFF00]  }
0x330: {  	v15 =	vshrl.u32 v15, $0x3;
	v14 =	vadd.s32 v2, v10;
	v10 =	vbroadcast v12, $0x0;
	v20 =	vld [tilespmem:s25+$0xFFFFFF40]  }
0x331: {  	v16 =	vshrl.u32 v16, $0x3;
	v15 =	vshll.u32 v15, v1;
	v12 =	vadd.s32 v3, v11;
	v21 =	vld [tilespmem:s25+$0xFFFFFF80]  }
0x332: {  	v11 =	vadd.s32 v4, v10;
	v10 =	vadd.s32 v5, v13;
	v13 =	vbroadcast v15, $0x0;
	v22 =	vld [tilespmem:s25+$0xFFFFFFC0]  }
0x333: {  	v15 =	vshll.u32 v16, v1;
	v23 =	vld [tilespmem:s25+$0x0];
	[tilespmem:v18+s18+$0x0] =	vst.idx.msk $0xffff, v17  }
0x334: {  	v16 =	vbroadcast v15, $0x0;
	v15 =	vadd.s32 v6, v13;
	[tilespmem:v9+s18+$0x0] =	vst.idx.msk $0xffff, v19;
	v19 =	vld [tilespmem:s25+$0x40]  }
0x335: {  	[tilespmem:v14+s18+$0x0] =	vst.idx.msk $0xffff, v20;
	v17 =	vld [tilespmem:s25+$0xD0]  }
0x336: {  	v13 =	vadd.s32 v7, v16;
	[tilespmem:v12+s18+$0x0] =	vst.idx.msk $0xffff, v21;
	v16 =	vld [tilespmem:s25+$0xFFFFFF50]  }
0x337: {  	v20 =	vld [tilespmem:s25+$0x80];
	[tilespmem:v11+s18+$0x0] =	vst.idx.msk $0xffff, v22  }
0x338: {  	[tilespmem:v10+s18+$0x0] =	vst.idx.msk $0xffff, v23;
	v21 =	vld [tilespmem:s25+$0xFFFFFF90]  }
0x339: {  	v22 =	vld [tilespmem:s25+$0xFFFFFFD0];
	[tilespmem:v15+s18+$0x0] =	vst.idx.msk $0xffff, v19  }
0x33a: {  	v19 =	vld [tilespmem:s25+$0x10];
	[tilespmem:v18+s19+$0x0] =	vst.idx.msk $0xffff, v17  }
0x33b: {  	[tilespmem:v14+s19+$0x0] =	vst.idx.msk $0xffff, v16;
	v16 =	vld [tilespmem:s25+$0x50]  }
0x33c: {  	[tilespmem:v13+s18+$0x0] =	vst.idx.msk $0xffff, v20;
	v17 =	vld [tilespmem:s25+$0xE0]  }
0x33d: {  	[tilespmem:v12+s19+$0x0] =	vst.idx.msk $0xffff, v21;
	v20 =	vld [tilespmem:s25+$0x90]  }
0x33e: {  	v21 =	vld [tilespmem:s25+$0xFFFFFF10];
	[tilespmem:v11+s19+$0x0] =	vst.idx.msk $0xffff, v22  }
0x33f: {  	v22 =	vld [tilespmem:s25+$0xFFFFFF60];
	[tilespmem:v10+s19+$0x0] =	vst.idx.msk $0xffff, v19  }
0x340: {  	v23 =	vld [tilespmem:s25+$0xFFFFFFA0];
	[tilespmem:v15+s19+$0x0] =	vst.idx.msk $0xffff, v16  }
0x341: {  	v25 =	vld [tilespmem:s25+$0xFFFFFFE0];
	[tilespmem:v18+s21+$0x0] =	vst.idx.msk $0xffff, v17  }
0x342: {  	[tilespmem:v13+s19+$0x0] =	vst.idx.msk $0xffff, v20;
	v19 =	vld [tilespmem:s25+$0xF0]  }
0x343: {  	[tilespmem:v9+s19+$0x0] =	vst.idx.msk $0xffff, v21;
	v26 =	vld [tilespmem:s25+$0x20]  }
0x344: {  	[tilespmem:v14+s21+$0x0] =	vst.idx.msk $0xffff, v22;
	v20 =	vld [tilespmem:s25+$0x60]  }
0x345: {  	v17 =	vld [tilespmem:s25+$0xA0];
	[tilespmem:v12+s21+$0x0] =	vst.idx.msk $0xffff, v23  }
0x346: {  	s28 =	simm.s32 $0x8;
	s8 =	simm.s32 $0x9;
	v16 =	vld [tilespmem:s25+$0xFFFFFF20];
	[tilespmem:v11+s21+$0x0] =	vst.idx.msk $0xffff, v25  }
0x347: {  	s26 =	smov.u32 s29;
	v24 =	vmov s28;
	s2 =	simm.s32 $0xA;
	v21 =	vmov s8;
	s8 =	simm.s32 $0xB;
	[tilespmem:v18+s22+$0x0] =	vst.idx.msk $0xffff, v19;
	v18 =	vld [tilespmem:s25+$0xFFFFFF70]  }
0x348: {  	s29 =	simm.s32 $0x10;
	v22 =	vmov s2;
	v23 =	vmov s8;
	s2 =	simm.s32 $0xC;
	s8 =	simm.s32 $0xF;
	[tilespmem:v10+s21+$0x0] =	vst.idx.msk $0xffff, v26;
	v19 =	vld [tilespmem:s25+$0xFFFFFFB0]  }
.LBB2_9:
0x349: {  	p0 =	slt.u32 s29, $0x78;
	v24 =	vshrl.u32 v24, $0x3;
	v25 =	vmov s2;
	s2 =	sadd.s32 $0x5, s28;
	s28 =	sadd.s32 $0x6, s28;
	v26 =	vmov s8;
	v27 =	vld [tilespmem:s25+$0xFFFFFFF0];
	[tilespmem:v15+s21+$0x0] =	vst.idx.msk $0xffff, v20  }
0x34a: {  	v20 =	vmov s2;
	v28 =	vmov s28;
	v26 =	vshrl.u32 v26, $0x3;
	v29 =	vld [tilespmem:s25+$0x30];
	[tilespmem:v13+s21+$0x0] =	vst.idx.msk $0xffff, v17;
	s28 =	smov.u32 s29  }
0x34b: {  	v21 =	vshrl.u32 v21, $0x3;
	v17 =	vshll.u32 v24, v1;
	v24 =	vshll.u32 v26, v1;
	[tilespmem:v9+s21+$0x0] =	vst.idx.msk $0xffff, v16;
	v16 =	vld [tilespmem:s25+$0x70]  }
0x34c: {  	v22 =	vshrl.u32 v22, $0x3;
	v23 =	vshrl.u32 v23, $0x3;
	v24 =	vbroadcast v24, $0x0;
	[tilespmem:v14+s22+$0x0] =	vst.idx.msk $0xffff, v18;
	v18 =	vld [tilespmem:s25+$0xB0]  }
0x34d: {  	v14 =	vbroadcast v17, $0x0;
	v17 =	vshll.u32 v21, v1;
	v21 =	vshrl.u32 v25, $0x3;
	v25 =	vld [tilespmem:s25+$0xFFFFFF30];
	[tilespmem:v12+s22+$0x0] =	vst.idx.msk $0xffff, v19;
	s25 =	sadd.s32 $0x200, s25  }
0x34e: {  	v12 =	vbroadcast v17, $0x0;
	v17 =	vshll.u32 v22, v1;
	v19 =	vld [tilespmem:s25+$0xC0];
	v22 =	vadd.s32 v8, v24;
	[tilespmem:v11+s22+$0x0] =	vst.idx.msk $0xffff, v27  }
0x34f: {  	v26 =	vadd.s32 v0, v14;
	v11 =	vbroadcast v17, $0x0;
	v17 =	vshll.u32 v23, v1;
	v24 =	vld [tilespmem:s25+$0xFFFFFF00];
	[tilespmem:v10+s22+$0x0] =	vst.idx.msk $0xffff, v29  }
0x350: {  	v14 =	vadd.s32 v2, v12;
	v10 =	vbroadcast v17, $0x0;
	v17 =	vshll.u32 v21, v1;
	v23 =	vld [tilespmem:s25+$0xFFFFFF40];
	[tilespmem:v15+s22+$0x0] =	vst.idx.msk $0xffff, v16  }
0x351: {  	v12 =	vadd.s32 v3, v11;
	v15 =	vbroadcast v17, $0x0;
	v17 =	vshrl.u32 v20, $0x3;
	v16 =	vld [tilespmem:s25+$0xFFFFFF80];
	[tilespmem:v13+s22+$0x0] =	vst.idx.msk $0xffff, v18  }
0x352: {  	v11 =	vadd.s32 v4, v10;
	v13 =	vshll.u32 v17, v1;
	v17 =	vshrl.u32 v28, $0x3;
	v18 =	vld [tilespmem:s25+$0xFFFFFFC0];
	[tilespmem:v9+s22+$0x0] =	vst.idx.msk $0xffff, v25  }
0x353: {  	v10 =	vadd.s32 v5, v15;
	v13 =	vbroadcast v13, $0x0;
	v15 =	vshll.u32 v17, v1;
	v20 =	vld [tilespmem:s25+$0x0];
	[tilespmem:v22+s18+$0x0] =	vst.idx.msk $0xffff, v19  }
0x354: {  	v9 =	vmov v26;
	v17 =	vbroadcast v15, $0x0;
	[tilespmem:v26+s18+$0x0] =	vst.idx.msk $0xffff, v24;
	v19 =	vld [tilespmem:s25+$0xD0]  }
0x355: {  	v15 =	vadd.s32 v6, v13;
	[tilespmem:v14+s18+$0x0] =	vst.idx.msk $0xffff, v23;
	v21 =	vld [tilespmem:s25+$0x40]  }
0x356: {  	v13 =	vadd.s32 v7, v17;
	[tilespmem:v12+s18+$0x0] =	vst.idx.msk $0xffff, v16;
	v16 =	vld [tilespmem:s25+$0x80]  }
0x357: {  	v17 =	vld [tilespmem:s25+$0xFFFFFF50];
	[tilespmem:v11+s18+$0x0] =	vst.idx.msk $0xffff, v18  }
0x358: {  	v18 =	vld [tilespmem:s25+$0xFFFFFF90];
	[tilespmem:v10+s18+$0x0] =	vst.idx.msk $0xffff, v20  }
0x359: {  	v20 =	vld [tilespmem:s25+$0xFFFFFFD0];
	[tilespmem:v22+s19+$0x0] =	vst.idx.msk $0xffff, v19  }
0x35a: {  	[tilespmem:v15+s18+$0x0] =	vst.idx.msk $0xffff, v21;
	v19 =	vld [tilespmem:s25+$0xE0]  }
0x35b: {  	v21 =	vld [tilespmem:s25+$0x10];
	[tilespmem:v13+s18+$0x0] =	vst.idx.msk $0xffff, v16  }
0x35c: {  	[tilespmem:v14+s19+$0x0] =	vst.idx.msk $0xffff, v17;
	v16 =	vld [tilespmem:s25+$0x50]  }
0x35d: {  	[tilespmem:v12+s19+$0x0] =	vst.idx.msk $0xffff, v18;
	v17 =	vld [tilespmem:s25+$0x90]  }
0x35e: {  	v18 =	vld [tilespmem:s25+$0xFFFFFF10];
	[tilespmem:v11+s19+$0x0] =	vst.idx.msk $0xffff, v20  }
0x35f: {  	v20 =	vld [tilespmem:s25+$0xFFFFFF60];
	[tilespmem:v22+s21+$0x0] =	vst.idx.msk $0xffff, v19  }
0x360: {  	[tilespmem:v10+s19+$0x0] =	vst.idx.msk $0xffff, v21;
	v19 =	vld [tilespmem:s25+$0xF0]  }
0x361: {  	v21 =	vld [tilespmem:s25+$0xFFFFFFA0];
	[tilespmem:v15+s19+$0x0] =	vst.idx.msk $0xffff, v16  }
0x362: {  	v23 =	vld [tilespmem:s25+$0xFFFFFFE0];
	[tilespmem:v13+s19+$0x0] =	vst.idx.msk $0xffff, v17  }
0x363: {  	[tilespmem:v26+s19+$0x0] =	vst.idx.msk $0xffff, v18;
	v25 =	vld [tilespmem:s25+$0x20]  }
.Ltmp3:
0x364: {  	[tilespmem:v14+s21+$0x0] =	vst.idx.msk $0xffff, v20;
	v20 =	vld [tilespmem:s25+$0x60];
	(pc) =	sbr.rel @p0 .LBB2_9-.Ltmp3, $4  }
0x365: {  	v17 =	vld [tilespmem:s25+$0xA0];
	[tilespmem:v22+s22+$0x0] =	vst.idx.msk $0xffff, v19  }
0x366: {  	s2 =	sadd.s32 $0x1, s29;
	v16 =	vld [tilespmem:s25+$0xFFFFFF20];
	[tilespmem:v12+s21+$0x0] =	vst.idx.msk $0xffff, v21  }
0x367: {  	s8 =	sadd.s32 $0x3, s29;
	v24 =	vmov s29;
	v21 =	vmov s2;
	s2 =	sadd.s32 $0x2, s29;
	v18 =	vld [tilespmem:s25+$0xFFFFFF70];
	[tilespmem:v11+s21+$0x0] =	vst.idx.msk $0xffff, v23  }
0x368: {  	s29 =	sadd.s32 $0x8, s29;
	v22 =	vmov s2;
	v23 =	vmov s8;
	s2 =	sadd.s32 $0x4, s28;
	s8 =	sadd.s32 $0x7, s28;
	v19 =	vld [tilespmem:s25+$0xFFFFFFB0];
	[tilespmem:v10+s21+$0x0] =	vst.idx.msk $0xffff, v25  }
0x369: {  	_ =	sdelay $0x3  }
0x36a: {  	v25 =	vmov s2;
	v26 =	vmov s8;
	v28 =	vld [tilespmem:s25+$0xFFFFFFF0];
	[tilespmem:v15+s21+$0x0] =	vst.idx.msk $0xffff, v20;
	v61 =	vshrl.u32 v24, $0x3  }
0x36b: {  	s2 =	sadd.s32 $0x5, s28;
	v29 =	vld [tilespmem:s25+$0x30];
	v30 =	vshrl.u32 v21, $0x3;
	v22 =	vshrl.u32 v22, $0x3;
	v26 =	vshrl.u32 v26, $0x3;
	[tilespmem:v13+s21+$0x0] =	vst.idx.msk $0xffff, v17  }
0x36c: {  	v23 =	vshrl.u32 v23, $0x3;
	v27 =	vmov s2;
	v32 =	vld [tilespmem:s25+$0x70];
	v31 =	vshll.u32 v26, v1;
	[tilespmem:v9+s21+$0x0] =	vst.idx.msk $0xffff, v16  }
0x36d: {  	v63 =	vshll.u32 v61, v1;
	v34 =	vshll.u32 v30, v1;
	v33 =	vld [tilespmem:s25+$0xB0];
	v21 =	vbroadcast v31, $0x0;
	[tilespmem:v14+s22+$0x0] =	vst.idx.msk $0xffff, v18  }
0x36e: {  	s8 =	sadd.s32 $0x200, s25;
	v35 =	vshrl.u32 v25, $0x3;
	v38 =	vshll.u32 v22, v1;
	v37 =	vbroadcast v34, $0x0;
	v36 =	vld [tilespmem:s25+$0xFFFFFF30];
	[tilespmem:v12+s22+$0x0] =	vst.idx.msk $0xffff, v19  }
0x36f: {  	v39 =	vld [tilespmem:s8+$0xC0];
	v40 =	vshll.u32 v23, v1;
	v17 =	vbroadcast v63, $0x0;
	v21 =	vadd.s32 v8, v21;
	[tilespmem:v11+s22+$0x0] =	vst.idx.msk $0xffff, v28  }
0x370: {  	v22 =	vbroadcast v40, $0x0;
	v18 =	vbroadcast v38, $0x0;
	v12 =	vadd.s32 v2, v37;
	[tilespmem:v10+s22+$0x0] =	vst.idx.msk $0xffff, v29;
	v10 =	vld [tilespmem:s8+$0xFFFFFF40]  }
0x371: {  	v20 =	vshll.u32 v35, v1;
	v44 =	vshrl.u32 v27, $0x3;
	v17 =	vadd.s32 v0, v17;
	v11 =	vld [tilespmem:s8+$0xFFFFFF00];
	[tilespmem:v15+s22+$0x0] =	vst.idx.msk $0xffff, v32  }
0x372: {  	v41 =	vld [tilespmem:s8+$0xFFFFFF80];
	v43 =	vbroadcast v20, $0x0;
	v20 =	vshll.u32 v44, v1;
	v42 =	vadd.s32 v3, v18;
	[tilespmem:v13+s22+$0x0] =	vst.idx.msk $0xffff, v33  }
0x373: {  	s28 =	sadd.s32 $0x6, s28;
	v45 =	vld [tilespmem:s8+$0xFFFFFFC0];
	v46 =	vadd.s32 v4, v22;
	v20 =	vbroadcast v20, $0x0;
	[tilespmem:v9+s22+$0x0] =	vst.idx.msk $0xffff, v36  }
0x374: {  	v62 =	vmov s28;
	v18 =	vadd.s32 v5, v43;
	v9 =	vld [tilespmem:s8+$0x0];
	[tilespmem:v21+s18+$0x0] =	vst.idx.msk $0xffff, v39  }
0x375: {  	v47 =	vshrl.u32 v62, $0x3;
	v20 =	vadd.s32 v6, v20;
	[tilespmem:v12+s18+$0x0] =	vst.idx.msk $0xffff, v10;
	v10 =	vld [tilespmem:s8+$0x40]  }
0x376: {  	v22 =	vshll.u32 v47, v1;
	[tilespmem:v17+s18+$0x0] =	vst.idx.msk $0xffff, v11;
	v19 =	vld [tilespmem:s8+$0xD0]  }
0x377: {  	v11 =	vbroadcast v22, $0x0;
	[tilespmem:v42+s18+$0x0] =	vst.idx.msk $0xffff, v41;
	v49 =	vld [tilespmem:s8+$0xFFFFFF50]  }
0x378: {  	[tilespmem:v46+s18+$0x0] =	vst.idx.msk $0xffff, v45;
	v50 =	vld [tilespmem:s8+$0xFFFFFF90]  }
0x379: {  	v48 =	vld [tilespmem:s8+$0x80];
	v11 =	vadd.s32 v7, v11;
	[tilespmem:v18+s18+$0x0] =	vst.idx.msk $0xffff, v9  }
0x37a: {  	v54 =	vld [tilespmem:s8+$0xFFFFFF10];
	[tilespmem:v20+s18+$0x0] =	vst.idx.msk $0xffff, v10  }
0x37b: {  	v9 =	vld [tilespmem:s8+$0xFFFFFFD0];
	[tilespmem:v21+s19+$0x0] =	vst.idx.msk $0xffff, v19  }
0x37c: {  	v51 =	vld [tilespmem:s8+$0x10];
	[tilespmem:v12+s19+$0x0] =	vst.idx.msk $0xffff, v49  }
0x37d: {  	[tilespmem:v42+s19+$0x0] =	vst.idx.msk $0xffff, v50;
	v10 =	vld [tilespmem:s8+$0xE0]  }
0x37e: {  	v52 =	vld [tilespmem:s8+$0x50];
	[tilespmem:v11+s18+$0x0] =	vst.idx.msk $0xffff, v48  }
0x37f: {  	[tilespmem:v17+s19+$0x0] =	vst.idx.msk $0xffff, v54;
	v53 =	vld [tilespmem:s8+$0x90]  }
0x380: {  	[tilespmem:v46+s19+$0x0] =	vst.idx.msk $0xffff, v9;
	v9 =	vld [tilespmem:s8+$0xFFFFFF60]  }
0x381: {  	v55 =	vld [tilespmem:s8+$0xFFFFFFA0];
	[tilespmem:v18+s19+$0x0] =	vst.idx.msk $0xffff, v51  }
0x382: {  	v56 =	vld [tilespmem:s8+$0xFFFFFFE0];
	[tilespmem:v21+s21+$0x0] =	vst.idx.msk $0xffff, v10  }
0x383: {  	[tilespmem:v20+s19+$0x0] =	vst.idx.msk $0xffff, v52;
	v10 =	vld [tilespmem:s8+$0xF0]  }
0x384: {  	v57 =	vld [tilespmem:s8+$0x20];
	[tilespmem:v11+s19+$0x0] =	vst.idx.msk $0xffff, v53  }
0x385: {  	[tilespmem:v12+s21+$0x0] =	vst.idx.msk $0xffff, v9;
	v9 =	vld [tilespmem:s8+$0x60]  }
0x386: {  	[tilespmem:v42+s21+$0x0] =	vst.idx.msk $0xffff, v55;
	v58 =	vld [tilespmem:s8+$0xA0]  }
0x387: {  	v60 =	vld [tilespmem:s8+$0xFFFFFFB0];
	[tilespmem:v46+s21+$0x0] =	vst.idx.msk $0xffff, v56  }
0x388: {  	[tilespmem:v21+s22+$0x0] =	vst.idx.msk $0xffff, v10;
	v10 =	vld [tilespmem:s8+$0xFFFFFF20]  }
0x389: {  	v59 =	vld [tilespmem:s8+$0xFFFFFF70];
	[tilespmem:v18+s21+$0x0] =	vst.idx.msk $0xffff, v57  }
0x38a: {  	v61 =	vld [tilespmem:s8+$0xFFFFFFF0];
	[tilespmem:v20+s21+$0x0] =	vst.idx.msk $0xffff, v9  }
0x38b: {  	v9 =	vld [tilespmem:s8+$0x30];
	[tilespmem:v11+s21+$0x0] =	vst.idx.msk $0xffff, v58  }
0x38c: {  	[tilespmem:v42+s22+$0x0] =	vst.idx.msk $0xffff, v60;
	v62 =	vld [tilespmem:s8+$0xB0]  }
0x38d: {  	[tilespmem:v17+s21+$0x0] =	vst.idx.msk $0xffff, v10;
	v10 =	vld [tilespmem:s8+$0x70]  }
0x38e: {  	s23 =	sadd.s32 s23, s5;
	[tilespmem:v12+s22+$0x0] =	vst.idx.msk $0xffff, v59;
	v63 =	vld [tilespmem:s8+$0xFFFFFF30]  }
0x38f: {  	s2 =	sadd.s32 $0x1, s23;
	[tilespmem:v46+s22+$0x0] =	vst.idx.msk $0xffff, v61  }
0x390: {  	s25 =	sshll.u32 s2, $0xA;
	s2 =	sshll.u32 s2, $0x7;
	[tilespmem:v18+s22+$0x0] =	vst.idx.msk $0xffff, v9  }
0x391: {  	s2 =	sand.u32 $0x3F80, s2;
	s8 =	sand.u32 $0x1FFE0000, s25;
	[tilespmem:v11+s22+$0x0] =	vst.idx.msk $0xffff, v62  }
0x392: {  	s23 =	sor.u32 s2, s8;
	[tilespmem:v20+s22+$0x0] =	vst.idx.msk $0xffff, v10  }
0x393: {  	s2 =	sadd.s32 s26, s23;
	[tilespmem:v17+s22+$0x0] =	vst.idx.msk $0xffff, v63  }
0x394: {  	[hbm4b:s2+s3] =	stream.linear.scatter [tilespmem:s18], [sflag:$0x4], $0x80, $0x38;
	[tilespmem:$0xB800] =	vst v63  }
0x395: {  	s29 =	smov.u32 s26;
	s28 =	simm.s32 $0x9688;
	s26 =	sadd.s32 $0x10, s2  }
0x396: {  	[hbm4b:s26+s3] =	stream.linear.scatter [tilespmem:s28], [sflag:$0x4], $0x80, $0x38;
	[tilespmem:$0xB800] =	vst v63  }
0x397: {  	s26 =	sadd.s32 $0x20, s2;
	s28 =	simm.s32 $0x9710  }
0x398: {  	[hbm4b:s26+s3] =	stream.linear.scatter [tilespmem:s28], [sflag:$0x4], $0x80, $0x38;
	[tilespmem:$0xB800] =	vst v63  }
0x399: {  	s26 =	sadd.s32 $0x30, s2;
	s28 =	simm.s32 $0x9798  }
0x39a: {  	[hbm4b:s26+s3] =	stream.linear.scatter [tilespmem:s28], [sflag:$0x4], $0x80, $0x38;
	[tilespmem:$0xB800] =	vst v63  }
0x39b: {  	s26 =	sadd.s32 $0x40, s2;
	s28 =	simm.s32 $0x9820  }
0x39c: {  	[hbm4b:s26+s3] =	stream.linear.scatter [tilespmem:s28], [sflag:$0x4], $0x80, $0x38;
	[tilespmem:$0xB800] =	vst v63  }
0x39d: {  	s26 =	sadd.s32 $0x50, s2;
	s28 =	simm.s32 $0x98A8  }
0x39e: {  	[hbm4b:s26+s3] =	stream.linear.scatter [tilespmem:s28], [sflag:$0x4], $0x80, $0x38;
	[tilespmem:$0xB800] =	vst v63  }
0x39f: {  	s25 =	sadd.s32 $0x60, s2;
	s26 =	simm.s32 $0x9930  }
0x3a0: {  	[hbm4b:s25+s3] =	stream.linear.scatter [tilespmem:s26], [sflag:$0x4], $0x80, $0x38;
	[tilespmem:$0xB800] =	vst v63  }
0x3a1: {  	s2 =	sadd.s32 $0x70, s2;
	s28 =	simm.s32 $0x99B8  }
0x3a2: {  	[hbm4b:s2+s3] =	stream.linear.scatter [tilespmem:s28], [sflag:$0x4], $0x80, $0x38;
	[tilespmem:$0xB800] =	vst v63  }
0x3a3: {  	s25 =	simm.s32 $0x9A40;
	s2 =	sadd.s32 s23, s6  }
0x3a4: {  	[hbm4b:s2+s3] =	stream.linear.scatter [tilespmem:s25], [sflag:$0x4], $0x80, $0x38;
	[tilespmem:$0xB800] =	vst v63  }
0x3a5: {  	s28 =	simm.s32 $0x9AC8;
	s26 =	sadd.s32 $0x10, s2  }
0x3a6: {  	[hbm4b:s26+s3] =	stream.linear.scatter [tilespmem:s28], [sflag:$0x4], $0x80, $0x38;
	[tilespmem:$0xB800] =	vst v63  }
0x3a7: {  	s26 =	sadd.s32 $0x20, s2;
	s28 =	simm.s32 $0x9B50  }
0x3a8: {  	[hbm4b:s26+s3] =	stream.linear.scatter [tilespmem:s28], [sflag:$0x4], $0x80, $0x38;
	[tilespmem:$0xB800] =	vst v63  }
0x3a9: {  	s26 =	sadd.s32 $0x30, s2;
	s28 =	simm.s32 $0x9BD8  }
0x3aa: {  	[hbm4b:s26+s3] =	stream.linear.scatter [tilespmem:s28], [sflag:$0x4], $0x80, $0x38;
	[tilespmem:$0xB800] =	vst v63  }
0x3ab: {  	s26 =	sadd.s32 $0x40, s2;
	s28 =	simm.s32 $0x9C60  }
0x3ac: {  	[hbm4b:s26+s3] =	stream.linear.scatter [tilespmem:s28], [sflag:$0x4], $0x80, $0x38;
	[tilespmem:$0xB800] =	vst v63  }
0x3ad: {  	s26 =	sadd.s32 $0x50, s2;
	s28 =	simm.s32 $0x9CE8  }
0x3ae: {  	[hbm4b:s26+s3] =	stream.linear.scatter [tilespmem:s28], [sflag:$0x4], $0x80, $0x38;
	[tilespmem:$0xB800] =	vst v63  }
0x3af: {  	s26 =	sadd.s32 $0x60, s2;
	s28 =	simm.s32 $0x9D70  }
0x3b0: {  	[hbm4b:s26+s3] =	stream.linear.scatter [tilespmem:s28], [sflag:$0x4], $0x80, $0x38;
	[tilespmem:$0xB800] =	vst v63  }
0x3b1: {  	s25 =	simm.s32 $0x9DF8;
	s2 =	sadd.s32 $0x70, s2  }
0x3b2: {  	[hbm4b:s2+s3] =	stream.linear.scatter [tilespmem:s25], [sflag:$0x4], $0x80, $0x38;
	[tilespmem:$0xB800] =	vst v63  }
0x3b3: {  	s2 =	sadd.s32 s23, s10  }
0x3b4: {  	[hbm4b:s2+s3] =	stream.linear.scatter [tilespmem:s19], [sflag:$0x4], $0x80, $0x38;
	[tilespmem:$0xB800] =	vst v63  }
0x3b5: {  	s28 =	simm.s32 $0x9F08;
	s26 =	sadd.s32 $0x10, s2  }
0x3b6: {  	[hbm4b:s26+s3] =	stream.linear.scatter [tilespmem:s28], [sflag:$0x4], $0x80, $0x38;
	[tilespmem:$0xB800] =	vst v63  }
0x3b7: {  	s26 =	sadd.s32 $0x20, s2;
	s28 =	simm.s32 $0x9F90  }
0x3b8: {  	[hbm4b:s26+s3] =	stream.linear.scatter [tilespmem:s28], [sflag:$0x4], $0x80, $0x38;
	[tilespmem:$0xB800] =	vst v63  }
0x3b9: {  	s26 =	sadd.s32 $0x30, s2;
	s28 =	simm.s32 $0xA018  }
0x3ba: {  	[hbm4b:s26+s3] =	stream.linear.scatter [tilespmem:s28], [sflag:$0x4], $0x80, $0x38;
	[tilespmem:$0xB800] =	vst v63  }
0x3bb: {  	s26 =	sadd.s32 $0x40, s2;
	s28 =	simm.s32 $0xA0A0  }
0x3bc: {  	[hbm4b:s26+s3] =	stream.linear.scatter [tilespmem:s28], [sflag:$0x4], $0x80, $0x38;
	[tilespmem:$0xB800] =	vst v63  }
0x3bd: {  	s26 =	sadd.s32 $0x50, s2;
	s28 =	simm.s32 $0xA128  }
0x3be: {  	[hbm4b:s26+s3] =	stream.linear.scatter [tilespmem:s28], [sflag:$0x4], $0x80, $0x38;
	[tilespmem:$0xB800] =	vst v63  }
0x3bf: {  	s25 =	sadd.s32 $0x60, s2;
	s26 =	simm.s32 $0xA1B0  }
0x3c0: {  	[hbm4b:s25+s3] =	stream.linear.scatter [tilespmem:s26], [sflag:$0x4], $0x80, $0x38;
	[tilespmem:$0xB800] =	vst v63  }
0x3c1: {  	s2 =	sadd.s32 $0x70, s2;
	s28 =	simm.s32 $0xA238  }
0x3c2: {  	[hbm4b:s2+s3] =	stream.linear.scatter [tilespmem:s28], [sflag:$0x4], $0x80, $0x38;
	[tilespmem:$0xB800] =	vst v63  }
0x3c3: {  	s25 =	simm.s32 $0xA2C0;
	s2 =	sadd.s32 s23, s11  }
0x3c4: {  	[hbm4b:s2+s3] =	stream.linear.scatter [tilespmem:s25], [sflag:$0x4], $0x80, $0x38;
	[tilespmem:$0xB800] =	vst v63  }
0x3c5: {  	s28 =	simm.s32 $0xA348;
	s26 =	sadd.s32 $0x10, s2  }
0x3c6: {  	[hbm4b:s26+s3] =	stream.linear.scatter [tilespmem:s28], [sflag:$0x4], $0x80, $0x38;
	[tilespmem:$0xB800] =	vst v63  }
0x3c7: {  	s26 =	sadd.s32 $0x20, s2;
	s28 =	simm.s32 $0xA3D0  }
0x3c8: {  	[hbm4b:s26+s3] =	stream.linear.scatter [tilespmem:s28], [sflag:$0x4], $0x80, $0x38;
	[tilespmem:$0xB800] =	vst v63  }
0x3c9: {  	s26 =	sadd.s32 $0x30, s2;
	s28 =	simm.s32 $0xA458  }
0x3ca: {  	[hbm4b:s26+s3] =	stream.linear.scatter [tilespmem:s28], [sflag:$0x4], $0x80, $0x38;
	[tilespmem:$0xB800] =	vst v63  }
0x3cb: {  	s26 =	sadd.s32 $0x40, s2;
	s28 =	simm.s32 $0xA4E0  }
0x3cc: {  	[hbm4b:s26+s3] =	stream.linear.scatter [tilespmem:s28], [sflag:$0x4], $0x80, $0x38;
	[tilespmem:$0xB800] =	vst v63  }
0x3cd: {  	s26 =	sadd.s32 $0x50, s2;
	s28 =	simm.s32 $0xA568  }
0x3ce: {  	[hbm4b:s26+s3] =	stream.linear.scatter [tilespmem:s28], [sflag:$0x4], $0x80, $0x38;
	[tilespmem:$0xB800] =	vst v63  }
0x3cf: {  	s26 =	sadd.s32 $0x60, s2;
	s28 =	simm.s32 $0xA5F0  }
0x3d0: {  	[hbm4b:s26+s3] =	stream.linear.scatter [tilespmem:s28], [sflag:$0x4], $0x80, $0x38;
	[tilespmem:$0xB800] =	vst v63  }
0x3d1: {  	s25 =	simm.s32 $0xA678;
	s2 =	sadd.s32 $0x70, s2  }
0x3d2: {  	[hbm4b:s2+s3] =	stream.linear.scatter [tilespmem:s25], [sflag:$0x4], $0x80, $0x38;
	[tilespmem:$0xB800] =	vst v63  }
0x3d3: {  	s2 =	sadd.s32 s23, s12  }
0x3d4: {  	[hbm4b:s2+s3] =	stream.linear.scatter [tilespmem:s21], [sflag:$0x4], $0x80, $0x38;
	[tilespmem:$0xB800] =	vst v63  }
0x3d5: {  	s28 =	simm.s32 $0xA788;
	s26 =	sadd.s32 $0x10, s2  }
0x3d6: {  	[hbm4b:s26+s3] =	stream.linear.scatter [tilespmem:s28], [sflag:$0x4], $0x80, $0x38;
	[tilespmem:$0xB800] =	vst v63  }
0x3d7: {  	s26 =	sadd.s32 $0x20, s2;
	s28 =	simm.s32 $0xA810  }
0x3d8: {  	[hbm4b:s26+s3] =	stream.linear.scatter [tilespmem:s28], [sflag:$0x4], $0x80, $0x38;
	[tilespmem:$0xB800] =	vst v63  }
0x3d9: {  	s26 =	sadd.s32 $0x30, s2;
	s28 =	simm.s32 $0xA898  }
0x3da: {  	[hbm4b:s26+s3] =	stream.linear.scatter [tilespmem:s28], [sflag:$0x4], $0x80, $0x38;
	[tilespmem:$0xB800] =	vst v63  }
0x3db: {  	s26 =	sadd.s32 $0x40, s2;
	s28 =	simm.s32 $0xA920  }
0x3dc: {  	[hbm4b:s26+s3] =	stream.linear.scatter [tilespmem:s28], [sflag:$0x4], $0x80, $0x38;
	[tilespmem:$0xB800] =	vst v63  }
0x3dd: {  	s26 =	sadd.s32 $0x50, s2;
	s28 =	simm.s32 $0xA9A8  }
0x3de: {  	[hbm4b:s26+s3] =	stream.linear.scatter [tilespmem:s28], [sflag:$0x4], $0x80, $0x38;
	[tilespmem:$0xB800] =	vst v63  }
0x3df: {  	s25 =	sadd.s32 $0x60, s2;
	s26 =	simm.s32 $0xAA30  }
0x3e0: {  	[hbm4b:s25+s3] =	stream.linear.scatter [tilespmem:s26], [sflag:$0x4], $0x80, $0x38;
	[tilespmem:$0xB800] =	vst v63  }
0x3e1: {  	s2 =	sadd.s32 $0x70, s2;
	s28 =	simm.s32 $0xAAB8  }
0x3e2: {  	[hbm4b:s2+s3] =	stream.linear.scatter [tilespmem:s28], [sflag:$0x4], $0x80, $0x38;
	[tilespmem:$0xB800] =	vst v63  }
0x3e3: {  	s25 =	simm.s32 $0xAB40;
	s2 =	sadd.s32 s23, s16  }
0x3e4: {  	[hbm4b:s2+s3] =	stream.linear.scatter [tilespmem:s25], [sflag:$0x4], $0x80, $0x38;
	[tilespmem:$0xB800] =	vst v63  }
0x3e5: {  	s28 =	simm.s32 $0xABC8;
	s26 =	sadd.s32 $0x10, s2  }
0x3e6: {  	[hbm4b:s26+s3] =	stream.linear.scatter [tilespmem:s28], [sflag:$0x4], $0x80, $0x38;
	[tilespmem:$0xB800] =	vst v63  }
0x3e7: {  	s26 =	sadd.s32 $0x20, s2;
	s28 =	simm.s32 $0xAC50  }
0x3e8: {  	[hbm4b:s26+s3] =	stream.linear.scatter [tilespmem:s28], [sflag:$0x4], $0x80, $0x38;
	[tilespmem:$0xB800] =	vst v63  }
0x3e9: {  	s26 =	sadd.s32 $0x30, s2;
	s28 =	simm.s32 $0xACD8  }
0x3ea: {  	[hbm4b:s26+s3] =	stream.linear.scatter [tilespmem:s28], [sflag:$0x4], $0x80, $0x38;
	[tilespmem:$0xB800] =	vst v63  }
0x3eb: {  	s26 =	sadd.s32 $0x40, s2;
	s28 =	simm.s32 $0xAD60  }
0x3ec: {  	[hbm4b:s26+s3] =	stream.linear.scatter [tilespmem:s28], [sflag:$0x4], $0x80, $0x38;
	[tilespmem:$0xB800] =	vst v63  }
0x3ed: {  	s26 =	sadd.s32 $0x50, s2;
	s28 =	simm.s32 $0xADE8  }
0x3ee: {  	[hbm4b:s26+s3] =	stream.linear.scatter [tilespmem:s28], [sflag:$0x4], $0x80, $0x38;
	[tilespmem:$0xB800] =	vst v63  }
0x3ef: {  	s26 =	sadd.s32 $0x60, s2;
	s28 =	simm.s32 $0xAE70  }
0x3f0: {  	[hbm4b:s26+s3] =	stream.linear.scatter [tilespmem:s28], [sflag:$0x4], $0x80, $0x38;
	[tilespmem:$0xB800] =	vst v63  }
0x3f1: {  	s25 =	simm.s32 $0xAEF8;
	s2 =	sadd.s32 $0x70, s2  }
0x3f2: {  	[hbm4b:s2+s3] =	stream.linear.scatter [tilespmem:s25], [sflag:$0x4], $0x80, $0x38;
	[tilespmem:$0xB800] =	vst v63  }
0x3f3: {  	s2 =	sadd.s32 s23, s17  }
0x3f4: {  	[hbm4b:s2+s3] =	stream.linear.scatter [tilespmem:s22], [sflag:$0x4], $0x80, $0x38;
	[tilespmem:$0xB800] =	vst v63  }
0x3f5: {  	s28 =	simm.s32 $0xB008;
	s26 =	sadd.s32 $0x10, s2  }
0x3f6: {  	[hbm4b:s26+s3] =	stream.linear.scatter [tilespmem:s28], [sflag:$0x4], $0x80, $0x38;
	[tilespmem:$0xB800] =	vst v63  }
0x3f7: {  	s26 =	sadd.s32 $0x20, s2;
	s28 =	simm.s32 $0xB090  }
0x3f8: {  	[hbm4b:s26+s3] =	stream.linear.scatter [tilespmem:s28], [sflag:$0x4], $0x80, $0x38;
	[tilespmem:$0xB800] =	vst v63  }
0x3f9: {  	s26 =	sadd.s32 $0x30, s2;
	s28 =	simm.s32 $0xB118  }
0x3fa: {  	[hbm4b:s26+s3] =	stream.linear.scatter [tilespmem:s28], [sflag:$0x4], $0x80, $0x38;
	[tilespmem:$0xB800] =	vst v63  }
0x3fb: {  	s26 =	sadd.s32 $0x40, s2;
	s28 =	simm.s32 $0xB1A0  }
0x3fc: {  	[hbm4b:s26+s3] =	stream.linear.scatter [tilespmem:s28], [sflag:$0x4], $0x80, $0x38;
	[tilespmem:$0xB800] =	vst v63  }
0x3fd: {  	s26 =	sadd.s32 $0x50, s2;
	s28 =	simm.s32 $0xB228  }
0x3fe: {  	[hbm4b:s26+s3] =	stream.linear.scatter [tilespmem:s28], [sflag:$0x4], $0x80, $0x38;
	[tilespmem:$0xB800] =	vst v63  }
0x3ff: {  	s26 =	sadd.s32 $0x60, s2;
	s28 =	simm.s32 $0xB2B0  }
0x400: {  	[hbm4b:s26+s3] =	stream.linear.scatter [tilespmem:s28], [sflag:$0x4], $0x80, $0x38;
	[tilespmem:$0xB800] =	vst v63  }
0x401: {  	s2 =	sadd.s32 $0x70, s2;
	s26 =	simm.s32 $0xB338  }
0x402: {  	[hbm4b:s2+s3] =	stream.linear.scatter [tilespmem:s26], [sflag:$0x4], $0x80, $0x38;
	[tilespmem:$0xB800] =	vst v63  }
0x403: {  	s28 =	simm.s32 $0xB3C0;
	s2 =	sadd.s32 s23, s20  }
0x404: {  	[hbm4b:s2+s3] =	stream.linear.scatter [tilespmem:s28], [sflag:$0x4], $0x80, $0x38;
	[tilespmem:$0xB800] =	vst v63  }
0x405: {  	s25 =	simm.s32 $0xB448;
	s23 =	sadd.s32 $0x10, s2  }
0x406: {  	[hbm4b:s23+s3] =	stream.linear.scatter [tilespmem:s25], [sflag:$0x4], $0x80, $0x38;
	[tilespmem:$0xB800] =	vst v63  }
0x407: {  	s26 =	sadd.s32 $0x20, s2;
	s28 =	simm.s32 $0xB4D0  }
0x408: {  	[hbm4b:s26+s3] =	stream.linear.scatter [tilespmem:s28], [sflag:$0x4], $0x80, $0x38;
	[tilespmem:$0xB800] =	vst v63  }
0x409: {  	s23 =	sadd.s32 $0x30, s2;
	s25 =	simm.s32 $0xB558  }
0x40a: {  	[hbm4b:s23+s3] =	stream.linear.scatter [tilespmem:s25], [sflag:$0x4], $0x80, $0x38;
	[tilespmem:$0xB800] =	vst v63  }
0x40b: {  	s26 =	sadd.s32 $0x40, s2;
	s28 =	simm.s32 $0xB5E0  }
0x40c: {  	[hbm4b:s26+s3] =	stream.linear.scatter [tilespmem:s28], [sflag:$0x4], $0x80, $0x38;
	[tilespmem:$0xB800] =	vst v63  }
0x40d: {  	s14 =	sadd.s32 $0x1, s14;
	s23 =	sadd.s32 $0x50, s2;
	s25 =	simm.s32 $0xB668  }
0x40e: {  	[hbm4b:s23+s3] =	stream.linear.scatter [tilespmem:s25], [sflag:$0x4], $0x80, $0x38;
	[tilespmem:$0xB800] =	vst v63  }
0x40f: {  	p0 =	sne.s32 s14, $0x33;
	s26 =	sadd.s32 $0x60, s2;
	s28 =	simm.s32 $0xB6F0  }
0x410: {  	[hbm4b:s26+s3] =	stream.linear.scatter [tilespmem:s28], [sflag:$0x4], $0x80, $0x38;
	[tilespmem:$0xB800] =	vst v63  }
.Ltmp4:
0x411: {  	_ = 	snop;
	(pc) =	sbr.rel @p0 .LBB2_6-.Ltmp4, $4  }
0x412: {  	s2 =	sadd.s32 $0x70, s2;
	s25 =	simm.s32 $0xB778  }
0x413: {  	[hbm4b:s2+s3] =	stream.linear.scatter [tilespmem:s25], [sflag:$0x4], $0x80, $0x38;
	[tilespmem:$0xB800] =	vst v63  }
0x414: {  	s26 =	sadd.s32 $0x180, s24;
	s28 =	simm.s32 $0x5400  }
0x415: {  	[tilespmem:s28], [sflag:$0x2] =	stream.indirect.gather [hbm4b:s4+s30], $0x40, s26, s30, $0xb8;
	[tilespmem:$0xB800] =	vst v63  }
0x416: {  	_ =	swait.ge [sflag:s9], $0x400  }
0x417: {  	[sflag:s9] =	ssyncset.done $0x0  }
0x418: {  	[sflag:s9] =	ssyncadd.s32 $0xFFFFFC00  }
0x419: {  	_ =	swait.ge [sflag:s9], $0x400  }
0x41a: {  	[sflag:s9] =	ssyncset.done $0x0  }
0x41b: {  	[sflag:s9] =	ssyncadd.s32 $0xFFFFFC00  }
0x41c: {  	_ =	swait.ge [sflag:s9], $0x400  }
0x41d: {  	[sflag:s9] =	ssyncset.done $0x0  }
0x41e: {  	[sflag:s9] =	ssyncadd.s32 $0xFFFFFC00  }
0x41f: {  	_ =	swait.ge [sflag:s9], $0x400  }
0x420: {  	[sflag:s9] =	ssyncset.done $0x0  }
0x421: {  	[sflag:s9] =	ssyncadd.s32 $0xFFFFFC00  }
0x422: {  	_ =	swait.ge [sflag:s9], $0x400  }
0x423: {  	[sflag:s9] =	ssyncset.done $0x0  }
0x424: {  	[sflag:s9] =	ssyncadd.s32 $0xFFFFFC00  }
0x425: {  	_ =	swait.ge [sflag:s9], $0x400  }
0x426: {  	[sflag:s9] =	ssyncset.done $0x0  }
0x427: {  	[sflag:s9] =	ssyncadd.s32 $0xFFFFFC00  }
0x428: {  	s2 =	simm.s32 $0x0;
	s8 =	simm.s32 $0x1;
	_ =	swait.ge [sflag:s9], $0x400  }
0x429: {  	s25 =	simm.s32 $0x2;
	s14 =	simm.s32 $0x3;
	[sflag:s9] =	ssyncset.done $0x0  }
0x42a: {  	s26 =	simm.s32 $0x4;
	s28 =	simm.s32 $0x7;
	v9 =	vmov s2;
	v10 =	vmov s8;
	v11 =	vmov s25;
	[sflag:s9] =	ssyncadd.s32 $0xFFFFFC00  }
0x42b: {  	s23 =	simm.s32 $0x6;
	v12 =	vmov s14;
	v13 =	vmov s26;
	s14 =	simm.s32 $0x5;
	v14 =	vmov s28;
	_ =	swait.ge [sflag:s9], $0x400  }
0x42c: {  	v16 =	vmov s23;
	v9 =	vshrl.u32 v9, $0x3;
	v15 =	vmov s14;
	[sflag:s9] =	ssyncset.done $0x0  }
0x42d: {  	s24 =	simm.s32 $0x1;
	v14 =	vshrl.u32 v14, $0x3;
	v10 =	vshrl.u32 v10, $0x3;
	v11 =	vshrl.u32 v11, $0x3;
	[sflag:s9] =	ssyncadd.s32 $0xFFFFFC00  }
0x42e: {  	v12 =	vshrl.u32 v12, $0x3;
	v13 =	vshrl.u32 v13, $0x3;
	v14 =	vshll.u32 v14, v1;
	_ =	swait.ge [sflag:s24], $0x2000  }
0x42f: {  	v9 =	vshll.u32 v9, v1;
	v10 =	vshll.u32 v10, v1;
	v14 =	vbroadcast v14, $0x0;
	[sflag:s24] =	ssyncset.done $0x0  }
0x430: {  	s14 =	simm.s32 $0x3500;
	v11 =	vshll.u32 v11, v1;
	v12 =	vshll.u32 v12, v1;
	v9 =	vbroadcast v9, $0x0;
	[sflag:s24] =	ssyncadd.s32 $0xFFFFE000  }
0x431: {  	v13 =	vshll.u32 v13, v1;
	v10 =	vbroadcast v10, $0x0;
	v18 =	vadd.s32 v8, v14;
	v17 =	vld [tilespmem:s14+$0xC0]  }
0x432: {  	v15 =	vshrl.u32 v15, $0x3;
	v11 =	vbroadcast v11, $0x0;
	v9 =	vadd.s32 v0, v9;
	v19 =	vld [tilespmem:s14+$0xFFFFFF00]  }
0x433: {  	v13 =	vbroadcast v13, $0x0;
	v14 =	vadd.s32 v2, v10;
	v10 =	vbroadcast v12, $0x0;
	v20 =	vld [tilespmem:s14+$0xFFFFFF40]  }
0x434: {  	v16 =	vshrl.u32 v16, $0x3;
	v15 =	vshll.u32 v15, v1;
	v12 =	vadd.s32 v3, v11;
	v21 =	vld [tilespmem:s14+$0xFFFFFF80]  }
0x435: {  	v11 =	vadd.s32 v4, v10;
	v10 =	vadd.s32 v5, v13;
	v13 =	vbroadcast v15, $0x0;
	v22 =	vld [tilespmem:s14+$0xFFFFFFC0]  }
0x436: {  	v15 =	vshll.u32 v16, v1;
	v23 =	vld [tilespmem:s14+$0x0];
	[tilespmem:v18+s31+$0x0] =	vst.idx.msk $0xffff, v17  }
0x437: {  	v16 =	vbroadcast v15, $0x0;
	v15 =	vadd.s32 v6, v13;
	[tilespmem:v9+s31+$0x0] =	vst.idx.msk $0xffff, v19;
	v19 =	vld [tilespmem:s14+$0x40]  }
0x438: {  	[tilespmem:v14+s31+$0x0] =	vst.idx.msk $0xffff, v20;
	v17 =	vld [tilespmem:s14+$0xD0]  }
0x439: {  	v13 =	vadd.s32 v7, v16;
	[tilespmem:v12+s31+$0x0] =	vst.idx.msk $0xffff, v21;
	v16 =	vld [tilespmem:s14+$0xFFFFFF50]  }
0x43a: {  	v20 =	vld [tilespmem:s14+$0x80];
	[tilespmem:v11+s31+$0x0] =	vst.idx.msk $0xffff, v22  }
0x43b: {  	[tilespmem:v10+s31+$0x0] =	vst.idx.msk $0xffff, v23;
	v21 =	vld [tilespmem:s14+$0xFFFFFF90]  }
0x43c: {  	v22 =	vld [tilespmem:s14+$0xFFFFFFD0];
	[tilespmem:v15+s31+$0x0] =	vst.idx.msk $0xffff, v19  }
0x43d: {  	v19 =	vld [tilespmem:s14+$0x10];
	[tilespmem:v18+s1+$0x0] =	vst.idx.msk $0xffff, v17  }
0x43e: {  	[tilespmem:v14+s1+$0x0] =	vst.idx.msk $0xffff, v16;
	v16 =	vld [tilespmem:s14+$0x50]  }
0x43f: {  	[tilespmem:v13+s31+$0x0] =	vst.idx.msk $0xffff, v20;
	v17 =	vld [tilespmem:s14+$0xE0]  }
0x440: {  	[tilespmem:v12+s1+$0x0] =	vst.idx.msk $0xffff, v21;
	v20 =	vld [tilespmem:s14+$0x90]  }
0x441: {  	v21 =	vld [tilespmem:s14+$0xFFFFFF10];
	[tilespmem:v11+s1+$0x0] =	vst.idx.msk $0xffff, v22  }
0x442: {  	v22 =	vld [tilespmem:s14+$0xFFFFFF60];
	[tilespmem:v10+s1+$0x0] =	vst.idx.msk $0xffff, v19  }
0x443: {  	v23 =	vld [tilespmem:s14+$0xFFFFFFA0];
	[tilespmem:v15+s1+$0x0] =	vst.idx.msk $0xffff, v16  }
0x444: {  	v25 =	vld [tilespmem:s14+$0xFFFFFFE0];
	[tilespmem:v18+s0+$0x0] =	vst.idx.msk $0xffff, v17  }
0x445: {  	[tilespmem:v13+s1+$0x0] =	vst.idx.msk $0xffff, v20;
	v19 =	vld [tilespmem:s14+$0xF0]  }
0x446: {  	[tilespmem:v9+s1+$0x0] =	vst.idx.msk $0xffff, v21;
	v26 =	vld [tilespmem:s14+$0x20]  }
0x447: {  	[tilespmem:v14+s0+$0x0] =	vst.idx.msk $0xffff, v22;
	v20 =	vld [tilespmem:s14+$0x60]  }
0x448: {  	v17 =	vld [tilespmem:s14+$0xA0];
	[tilespmem:v12+s0+$0x0] =	vst.idx.msk $0xffff, v23  }
0x449: {  	s23 =	simm.s32 $0x8;
	s25 =	simm.s32 $0x9;
	v16 =	vld [tilespmem:s14+$0xFFFFFF20];
	[tilespmem:v11+s0+$0x0] =	vst.idx.msk $0xffff, v25  }
0x44a: {  	s26 =	simm.s32 $0xA;
	s28 =	simm.s32 $0xB;
	v24 =	vmov s23;
	v21 =	vmov s25;
	[tilespmem:v18+s7+$0x0] =	vst.idx.msk $0xffff, v19;
	v18 =	vld [tilespmem:s14+$0xFFFFFF70]  }
0x44b: {  	s8 =	simm.s32 $0xC;
	s24 =	simm.s32 $0x10;
	s25 =	simm.s32 $0xF;
	v22 =	vmov s26;
	v23 =	vmov s28;
	[tilespmem:v10+s0+$0x0] =	vst.idx.msk $0xffff, v26;
	v19 =	vld [tilespmem:s14+$0xFFFFFFB0]  }
.LBB2_12:
0x44c: {  	p0 =	slt.u32 s24, $0x78;
	v24 =	vshrl.u32 v24, $0x3;
	v25 =	vmov s8;
	s2 =	sadd.s32 $0x5, s23;
	s8 =	sadd.s32 $0x6, s23;
	v26 =	vmov s25;
	v27 =	vld [tilespmem:s14+$0xFFFFFFF0];
	[tilespmem:v15+s0+$0x0] =	vst.idx.msk $0xffff, v20  }
0x44d: {  	s23 =	smov.u32 s24;
	v20 =	vmov s2;
	v28 =	vmov s8;
	v26 =	vshrl.u32 v26, $0x3;
	v29 =	vld [tilespmem:s14+$0x30];
	[tilespmem:v13+s0+$0x0] =	vst.idx.msk $0xffff, v17  }
0x44e: {  	v21 =	vshrl.u32 v21, $0x3;
	v17 =	vshll.u32 v24, v1;
	v24 =	vshll.u32 v26, v1;
	[tilespmem:v9+s0+$0x0] =	vst.idx.msk $0xffff, v16;
	v16 =	vld [tilespmem:s14+$0x70]  }
0x44f: {  	v22 =	vshrl.u32 v22, $0x3;
	v23 =	vshrl.u32 v23, $0x3;
	v24 =	vbroadcast v24, $0x0;
	[tilespmem:v14+s7+$0x0] =	vst.idx.msk $0xffff, v18;
	v18 =	vld [tilespmem:s14+$0xB0]  }
0x450: {  	v14 =	vbroadcast v17, $0x0;
	v17 =	vshll.u32 v21, v1;
	v21 =	vshrl.u32 v25, $0x3;
	v25 =	vld [tilespmem:s14+$0xFFFFFF30];
	[tilespmem:v12+s7+$0x0] =	vst.idx.msk $0xffff, v19;
	s14 =	sadd.s32 $0x200, s14  }
0x451: {  	v12 =	vbroadcast v17, $0x0;
	v17 =	vshll.u32 v22, v1;
	v19 =	vld [tilespmem:s14+$0xC0];
	v22 =	vadd.s32 v8, v24;
	[tilespmem:v11+s7+$0x0] =	vst.idx.msk $0xffff, v27  }
0x452: {  	v26 =	vadd.s32 v0, v14;
	v11 =	vbroadcast v17, $0x0;
	v17 =	vshll.u32 v23, v1;
	v24 =	vld [tilespmem:s14+$0xFFFFFF00];
	[tilespmem:v10+s7+$0x0] =	vst.idx.msk $0xffff, v29  }
0x453: {  	v14 =	vadd.s32 v2, v12;
	v10 =	vbroadcast v17, $0x0;
	v17 =	vshll.u32 v21, v1;
	v23 =	vld [tilespmem:s14+$0xFFFFFF40];
	[tilespmem:v15+s7+$0x0] =	vst.idx.msk $0xffff, v16  }
0x454: {  	v12 =	vadd.s32 v3, v11;
	v15 =	vbroadcast v17, $0x0;
	v17 =	vshrl.u32 v20, $0x3;
	v16 =	vld [tilespmem:s14+$0xFFFFFF80];
	[tilespmem:v13+s7+$0x0] =	vst.idx.msk $0xffff, v18  }
0x455: {  	v11 =	vadd.s32 v4, v10;
	v13 =	vshll.u32 v17, v1;
	v17 =	vshrl.u32 v28, $0x3;
	v18 =	vld [tilespmem:s14+$0xFFFFFFC0];
	[tilespmem:v9+s7+$0x0] =	vst.idx.msk $0xffff, v25  }
0x456: {  	v10 =	vadd.s32 v5, v15;
	v13 =	vbroadcast v13, $0x0;
	v15 =	vshll.u32 v17, v1;
	v20 =	vld [tilespmem:s14+$0x0];
	[tilespmem:v22+s31+$0x0] =	vst.idx.msk $0xffff, v19  }
0x457: {  	v9 =	vmov v26;
	v17 =	vbroadcast v15, $0x0;
	[tilespmem:v26+s31+$0x0] =	vst.idx.msk $0xffff, v24;
	v19 =	vld [tilespmem:s14+$0xD0]  }
0x458: {  	v15 =	vadd.s32 v6, v13;
	[tilespmem:v14+s31+$0x0] =	vst.idx.msk $0xffff, v23;
	v21 =	vld [tilespmem:s14+$0x40]  }
0x459: {  	v13 =	vadd.s32 v7, v17;
	[tilespmem:v12+s31+$0x0] =	vst.idx.msk $0xffff, v16;
	v16 =	vld [tilespmem:s14+$0x80]  }
0x45a: {  	v17 =	vld [tilespmem:s14+$0xFFFFFF50];
	[tilespmem:v11+s31+$0x0] =	vst.idx.msk $0xffff, v18  }
0x45b: {  	v18 =	vld [tilespmem:s14+$0xFFFFFF90];
	[tilespmem:v10+s31+$0x0] =	vst.idx.msk $0xffff, v20  }
0x45c: {  	v20 =	vld [tilespmem:s14+$0xFFFFFFD0];
	[tilespmem:v22+s1+$0x0] =	vst.idx.msk $0xffff, v19  }
0x45d: {  	[tilespmem:v15+s31+$0x0] =	vst.idx.msk $0xffff, v21;
	v19 =	vld [tilespmem:s14+$0xE0]  }
0x45e: {  	v21 =	vld [tilespmem:s14+$0x10];
	[tilespmem:v13+s31+$0x0] =	vst.idx.msk $0xffff, v16  }
0x45f: {  	[tilespmem:v14+s1+$0x0] =	vst.idx.msk $0xffff, v17;
	v16 =	vld [tilespmem:s14+$0x50]  }
0x460: {  	[tilespmem:v12+s1+$0x0] =	vst.idx.msk $0xffff, v18;
	v17 =	vld [tilespmem:s14+$0x90]  }
0x461: {  	v18 =	vld [tilespmem:s14+$0xFFFFFF10];
	[tilespmem:v11+s1+$0x0] =	vst.idx.msk $0xffff, v20  }
0x462: {  	v20 =	vld [tilespmem:s14+$0xFFFFFF60];
	[tilespmem:v22+s0+$0x0] =	vst.idx.msk $0xffff, v19  }
0x463: {  	[tilespmem:v10+s1+$0x0] =	vst.idx.msk $0xffff, v21;
	v19 =	vld [tilespmem:s14+$0xF0]  }
0x464: {  	v21 =	vld [tilespmem:s14+$0xFFFFFFA0];
	[tilespmem:v15+s1+$0x0] =	vst.idx.msk $0xffff, v16  }
0x465: {  	v23 =	vld [tilespmem:s14+$0xFFFFFFE0];
	[tilespmem:v13+s1+$0x0] =	vst.idx.msk $0xffff, v17  }
0x466: {  	[tilespmem:v26+s1+$0x0] =	vst.idx.msk $0xffff, v18;
	v25 =	vld [tilespmem:s14+$0x20]  }
.Ltmp5:
0x467: {  	[tilespmem:v14+s0+$0x0] =	vst.idx.msk $0xffff, v20;
	v20 =	vld [tilespmem:s14+$0x60];
	(pc) =	sbr.rel @p0 .LBB2_12-.Ltmp5, $4  }
0x468: {  	v17 =	vld [tilespmem:s14+$0xA0];
	[tilespmem:v22+s7+$0x0] =	vst.idx.msk $0xffff, v19  }
0x469: {  	s2 =	sadd.s32 $0x1, s24;
	v16 =	vld [tilespmem:s14+$0xFFFFFF20];
	[tilespmem:v12+s0+$0x0] =	vst.idx.msk $0xffff, v21  }
0x46a: {  	s8 =	sadd.s32 $0x3, s24;
	v24 =	vmov s24;
	v21 =	vmov s2;
	s2 =	sadd.s32 $0x2, s24;
	v18 =	vld [tilespmem:s14+$0xFFFFFF70];
	[tilespmem:v11+s0+$0x0] =	vst.idx.msk $0xffff, v23  }
0x46b: {  	s25 =	sadd.s32 $0x7, s23;
	s24 =	sadd.s32 $0x8, s24;
	v22 =	vmov s2;
	v23 =	vmov s8;
	s8 =	sadd.s32 $0x4, s23;
	v19 =	vld [tilespmem:s14+$0xFFFFFFB0];
	[tilespmem:v10+s0+$0x0] =	vst.idx.msk $0xffff, v25  }
0x46c: {  	_ =	sdelay $0x3  }
0x46d: {  	v24 =	vshrl.u32 v24, $0x3;
	v25 =	vmov s8;
	v26 =	vmov s25;
	v27 =	vld [tilespmem:s14+$0xFFFFFFF0];
	[tilespmem:v15+s0+$0x0] =	vst.idx.msk $0xffff, v20  }
0x46e: {  	v29 =	vld [tilespmem:s14+$0x30];
	v21 =	vshrl.u32 v21, $0x3;
	v22 =	vshrl.u32 v22, $0x3;
	v26 =	vshrl.u32 v26, $0x3;
	[tilespmem:v13+s0+$0x0] =	vst.idx.msk $0xffff, v17  }
0x46f: {  	s2 =	sadd.s32 $0x5, s23;
	s24 =	sadd.s32 $0x6, s23;
	v23 =	vshrl.u32 v23, $0x3;
	v17 =	vshll.u32 v24, v1;
	v24 =	vshll.u32 v26, v1;
	[tilespmem:v9+s0+$0x0] =	vst.idx.msk $0xffff, v16;
	v16 =	vld [tilespmem:s14+$0x70]  }
0x470: {  	v20 =	vmov s2;
	v28 =	vmov s24;
	v24 =	vbroadcast v24, $0x0;
	[tilespmem:v14+s7+$0x0] =	vst.idx.msk $0xffff, v18;
	v14 =	vld [tilespmem:s14+$0xB0]  }
0x471: {  	s25 =	sadd.s32 $0x200, s14;
	v17 =	vbroadcast v17, $0x0;
	v18 =	vshll.u32 v21, v1;
	v21 =	vshrl.u32 v25, $0x3;
	v25 =	vld [tilespmem:s14+$0xFFFFFF30];
	[tilespmem:v12+s7+$0x0] =	vst.idx.msk $0xffff, v19  }
0x472: {  	v12 =	vbroadcast v18, $0x0;
	v18 =	vshll.u32 v22, v1;
	v19 =	vld [tilespmem:s25+$0xC0];
	v22 =	vadd.s32 v8, v24;
	[tilespmem:v11+s7+$0x0] =	vst.idx.msk $0xffff, v27  }
0x473: {  	v23 =	vshll.u32 v23, v1;
	v17 =	vadd.s32 v0, v17;
	v11 =	vld [tilespmem:s25+$0xFFFFFF00];
	v18 =	vbroadcast v18, $0x0;
	[tilespmem:v10+s7+$0x0] =	vst.idx.msk $0xffff, v29  }
0x474: {  	v23 =	vbroadcast v23, $0x0;
	v21 =	vshll.u32 v21, v1;
	v10 =	vld [tilespmem:s25+$0xFFFFFF40];
	v12 =	vadd.s32 v2, v12;
	[tilespmem:v15+s7+$0x0] =	vst.idx.msk $0xffff, v16  }
0x475: {  	v20 =	vshrl.u32 v20, $0x3;
	v15 =	vld [tilespmem:s25+$0xFFFFFF80];
	v16 =	vadd.s32 v3, v18;
	v18 =	vbroadcast v21, $0x0;
	[tilespmem:v13+s7+$0x0] =	vst.idx.msk $0xffff, v14  }
0x476: {  	v20 =	vshll.u32 v20, v1;
	v21 =	vshrl.u32 v28, $0x3;
	v13 =	vld [tilespmem:s25+$0xFFFFFFC0];
	v14 =	vadd.s32 v4, v23;
	[tilespmem:v9+s7+$0x0] =	vst.idx.msk $0xffff, v25  }
0x477: {  	v20 =	vbroadcast v20, $0x0;
	v9 =	vld [tilespmem:s25+$0x0];
	v21 =	vshll.u32 v21, v1;
	v18 =	vadd.s32 v5, v18;
	[tilespmem:v22+s31+$0x0] =	vst.idx.msk $0xffff, v19  }
0x478: {  	[tilespmem:v17+s31+$0x0] =	vst.idx.msk $0xffff, v11;
	v11 =	vbroadcast v21, $0x0;
	v19 =	vld [tilespmem:s25+$0xD0]  }
0x479: {  	v20 =	vadd.s32 v6, v20;
	[tilespmem:v12+s31+$0x0] =	vst.idx.msk $0xffff, v10;
	v10 =	vld [tilespmem:s25+$0x40]  }
0x47a: {  	[tilespmem:v16+s31+$0x0] =	vst.idx.msk $0xffff, v15;
	v15 =	vld [tilespmem:s25+$0x80];
	v11 =	vadd.s32 v7, v11  }
0x47b: {  	v21 =	vld [tilespmem:s25+$0xFFFFFF50];
	[tilespmem:v14+s31+$0x0] =	vst.idx.msk $0xffff, v13  }
0x47c: {  	v13 =	vld [tilespmem:s25+$0xFFFFFF90];
	[tilespmem:v18+s31+$0x0] =	vst.idx.msk $0xffff, v9  }
0x47d: {  	v9 =	vld [tilespmem:s25+$0xFFFFFFD0];
	[tilespmem:v22+s1+$0x0] =	vst.idx.msk $0xffff, v19  }
0x47e: {  	[tilespmem:v20+s31+$0x0] =	vst.idx.msk $0xffff, v10;
	v19 =	vld [tilespmem:s25+$0x10]  }
0x47f: {  	v10 =	vld [tilespmem:s25+$0xE0];
	[tilespmem:v11+s31+$0x0] =	vst.idx.msk $0xffff, v15  }
0x480: {  	[tilespmem:v12+s1+$0x0] =	vst.idx.msk $0xffff, v21;
	v15 =	vld [tilespmem:s25+$0x50]  }
0x481: {  	v21 =	vld [tilespmem:s25+$0xFFFFFF10];
	[tilespmem:v16+s1+$0x0] =	vst.idx.msk $0xffff, v13  }
0x482: {  	v13 =	vld [tilespmem:s25+$0x90];
	[tilespmem:v14+s1+$0x0] =	vst.idx.msk $0xffff, v9  }
0x483: {  	v9 =	vld [tilespmem:s25+$0xFFFFFF60];
	[tilespmem:v18+s1+$0x0] =	vst.idx.msk $0xffff, v19  }
0x484: {  	v19 =	vld [tilespmem:s25+$0xFFFFFFA0];
	[tilespmem:v22+s0+$0x0] =	vst.idx.msk $0xffff, v10  }
0x485: {  	[tilespmem:v20+s1+$0x0] =	vst.idx.msk $0xffff, v15;
	v15 =	vld [tilespmem:s25+$0xFFFFFFE0]  }
0x486: {  	[tilespmem:v17+s1+$0x0] =	vst.idx.msk $0xffff, v21;
	v10 =	vld [tilespmem:s25+$0xF0]  }
0x487: {  	[tilespmem:v11+s1+$0x0] =	vst.idx.msk $0xffff, v13;
	v13 =	vld [tilespmem:s25+$0x20]  }
0x488: {  	[tilespmem:v12+s0+$0x0] =	vst.idx.msk $0xffff, v9;
	v9 =	vld [tilespmem:s25+$0x60]  }
0x489: {  	v21 =	vld [tilespmem:s25+$0xA0];
	[tilespmem:v16+s0+$0x0] =	vst.idx.msk $0xffff, v19  }
0x48a: {  	v19 =	vld [tilespmem:s25+$0xFFFFFF70];
	[tilespmem:v14+s0+$0x0] =	vst.idx.msk $0xffff, v15  }
0x48b: {  	[tilespmem:v22+s7+$0x0] =	vst.idx.msk $0xffff, v10;
	v10 =	vld [tilespmem:s25+$0xFFFFFF20]  }
0x48c: {  	v15 =	vld [tilespmem:s25+$0xFFFFFFB0];
	[tilespmem:v18+s0+$0x0] =	vst.idx.msk $0xffff, v13  }
0x48d: {  	v13 =	vld [tilespmem:s25+$0xFFFFFFF0];
	[tilespmem:v20+s0+$0x0] =	vst.idx.msk $0xffff, v9  }
0x48e: {  	v9 =	vld [tilespmem:s25+$0x30];
	[tilespmem:v11+s0+$0x0] =	vst.idx.msk $0xffff, v21  }
0x48f: {  	[tilespmem:v12+s7+$0x0] =	vst.idx.msk $0xffff, v19;
	v12 =	vld [tilespmem:s25+$0xB0]  }
0x490: {  	[tilespmem:v17+s0+$0x0] =	vst.idx.msk $0xffff, v10;
	v10 =	vld [tilespmem:s25+$0x70]  }
0x491: {  	[tilespmem:v16+s7+$0x0] =	vst.idx.msk $0xffff, v15;
	v19 =	vld [tilespmem:s25+$0xFFFFFF30]  }
0x492: {  	[tilespmem:v14+s7+$0x0] =	vst.idx.msk $0xffff, v13  }
0x493: {  	[tilespmem:v18+s7+$0x0] =	vst.idx.msk $0xffff, v9  }
0x494: {  	[tilespmem:v11+s7+$0x0] =	vst.idx.msk $0xffff, v12  }
0x495: {  	[tilespmem:v20+s7+$0x0] =	vst.idx.msk $0xffff, v10  }
0x496: {  	[tilespmem:v17+s7+$0x0] =	vst.idx.msk $0xffff, v19  }
0x497: {  	s14 =	simm.s32 $0x0;
	s8 =	rddreg [dreg:$0x14]  }
0x498: {  	[hbm4b:s8+s14] =	stream.linear.scatter [tilespmem:s31], [sflag:$0x3], $0x80, $0x38;
	[tilespmem:$0xB800] =	vst v63  }
0x499: {  	s28 =	simm.s32 $0x7488;
	s26 =	sadd.s32 $0x10, s8  }
0x49a: {  	[hbm4b:s26+s14] =	stream.linear.scatter [tilespmem:s28], [sflag:$0x3], $0x80, $0x38;
	[tilespmem:$0xB800] =	vst v63  }
0x49b: {  	s25 =	simm.s32 $0x7510;
	s24 =	sadd.s32 $0x20, s8  }
0x49c: {  	[hbm4b:s24+s14] =	stream.linear.scatter [tilespmem:s25], [sflag:$0x3], $0x80, $0x38;
	[tilespmem:$0xB800] =	vst v63  }
0x49d: {  	s26 =	sadd.s32 $0x30, s8;
	s28 =	simm.s32 $0x7598  }
0x49e: {  	[hbm4b:s26+s14] =	stream.linear.scatter [tilespmem:s28], [sflag:$0x3], $0x80, $0x38;
	[tilespmem:$0xB800] =	vst v63  }
0x49f: {  	s24 =	sadd.s32 $0x40, s8;
	s25 =	simm.s32 $0x7620  }
0x4a0: {  	[hbm4b:s24+s14] =	stream.linear.scatter [tilespmem:s25], [sflag:$0x3], $0x80, $0x38;
	[tilespmem:$0xB800] =	vst v63  }
0x4a1: {  	s26 =	sadd.s32 $0x50, s8;
	s28 =	simm.s32 $0x76A8  }
0x4a2: {  	[hbm4b:s26+s14] =	stream.linear.scatter [tilespmem:s28], [sflag:$0x3], $0x80, $0x38;
	[tilespmem:$0xB800] =	vst v63  }
0x4a3: {  	s24 =	sadd.s32 $0x60, s8;
	s25 =	simm.s32 $0x7730  }
0x4a4: {  	[hbm4b:s24+s14] =	stream.linear.scatter [tilespmem:s25], [sflag:$0x3], $0x80, $0x38;
	[tilespmem:$0xB800] =	vst v63  }
0x4a5: {  	s26 =	sadd.s32 $0x70, s8;
	s28 =	simm.s32 $0x77B8  }
0x4a6: {  	[hbm4b:s26+s14] =	stream.linear.scatter [tilespmem:s28], [sflag:$0x3], $0x80, $0x38;
	[tilespmem:$0xB800] =	vst v63  }
0x4a7: {  	s23 =	simm.s32 $0x7840;
	s8 =	rddreg [dreg:$0x15]  }
0x4a8: {  	[hbm4b:s8+s14] =	stream.linear.scatter [tilespmem:s23], [sflag:$0x3], $0x80, $0x38;
	[tilespmem:$0xB800] =	vst v63  }
0x4a9: {  	s24 =	sadd.s32 $0x10, s8;
	s25 =	simm.s32 $0x78C8  }
0x4aa: {  	[hbm4b:s24+s14] =	stream.linear.scatter [tilespmem:s25], [sflag:$0x3], $0x80, $0x38;
	[tilespmem:$0xB800] =	vst v63  }
0x4ab: {  	s26 =	sadd.s32 $0x20, s8;
	s28 =	simm.s32 $0x7950  }
0x4ac: {  	[hbm4b:s26+s14] =	stream.linear.scatter [tilespmem:s28], [sflag:$0x3], $0x80, $0x38;
	[tilespmem:$0xB800] =	vst v63  }
0x4ad: {  	s24 =	sadd.s32 $0x30, s8;
	s25 =	simm.s32 $0x79D8  }
0x4ae: {  	[hbm4b:s24+s14] =	stream.linear.scatter [tilespmem:s25], [sflag:$0x3], $0x80, $0x38;
	[tilespmem:$0xB800] =	vst v63  }
0x4af: {  	s26 =	sadd.s32 $0x40, s8;
	s28 =	simm.s32 $0x7A60  }
0x4b0: {  	[hbm4b:s26+s14] =	stream.linear.scatter [tilespmem:s28], [sflag:$0x3], $0x80, $0x38;
	[tilespmem:$0xB800] =	vst v63  }
0x4b1: {  	s24 =	sadd.s32 $0x50, s8;
	s25 =	simm.s32 $0x7AE8  }
0x4b2: {  	[hbm4b:s24+s14] =	stream.linear.scatter [tilespmem:s25], [sflag:$0x3], $0x80, $0x38;
	[tilespmem:$0xB800] =	vst v63  }
0x4b3: {  	s26 =	sadd.s32 $0x60, s8;
	s28 =	simm.s32 $0x7B70  }
0x4b4: {  	[hbm4b:s26+s14] =	stream.linear.scatter [tilespmem:s28], [sflag:$0x3], $0x80, $0x38;
	[tilespmem:$0xB800] =	vst v63  }
0x4b5: {  	s24 =	sadd.s32 $0x70, s8;
	s25 =	simm.s32 $0x7BF8  }
0x4b6: {  	[hbm4b:s24+s14] =	stream.linear.scatter [tilespmem:s25], [sflag:$0x3], $0x80, $0x38;
	[tilespmem:$0xB800] =	vst v63  }
0x4b7: {  	s8 =	rddreg [dreg:$0x16]  }
0x4b8: {  	[hbm4b:s8+s14] =	stream.linear.scatter [tilespmem:s1], [sflag:$0x3], $0x80, $0x38;
	[tilespmem:$0xB800] =	vst v63  }
0x4b9: {  	s26 =	sadd.s32 $0x10, s8;
	s28 =	simm.s32 $0x7D08  }
0x4ba: {  	[hbm4b:s26+s14] =	stream.linear.scatter [tilespmem:s28], [sflag:$0x3], $0x80, $0x38;
	[tilespmem:$0xB800] =	vst v63  }
0x4bb: {  	s24 =	sadd.s32 $0x20, s8;
	s25 =	simm.s32 $0x7D90  }
0x4bc: {  	[hbm4b:s24+s14] =	stream.linear.scatter [tilespmem:s25], [sflag:$0x3], $0x80, $0x38;
	[tilespmem:$0xB800] =	vst v63  }
0x4bd: {  	s26 =	sadd.s32 $0x30, s8;
	s28 =	simm.s32 $0x7E18  }
0x4be: {  	[hbm4b:s26+s14] =	stream.linear.scatter [tilespmem:s28], [sflag:$0x3], $0x80, $0x38;
	[tilespmem:$0xB800] =	vst v63  }
0x4bf: {  	s24 =	sadd.s32 $0x40, s8;
	s25 =	simm.s32 $0x7EA0  }
0x4c0: {  	[hbm4b:s24+s14] =	stream.linear.scatter [tilespmem:s25], [sflag:$0x3], $0x80, $0x38;
	[tilespmem:$0xB800] =	vst v63  }
0x4c1: {  	s26 =	sadd.s32 $0x50, s8;
	s28 =	simm.s32 $0x7F28  }
0x4c2: {  	[hbm4b:s26+s14] =	stream.linear.scatter [tilespmem:s28], [sflag:$0x3], $0x80, $0x38;
	[tilespmem:$0xB800] =	vst v63  }
0x4c3: {  	s24 =	sadd.s32 $0x60, s8;
	s25 =	simm.s32 $0x7FB0  }
0x4c4: {  	[hbm4b:s24+s14] =	stream.linear.scatter [tilespmem:s25], [sflag:$0x3], $0x80, $0x38;
	[tilespmem:$0xB800] =	vst v63  }
0x4c5: {  	s26 =	sadd.s32 $0x70, s8;
	s28 =	simm.s32 $0x8038  }
0x4c6: {  	[hbm4b:s26+s14] =	stream.linear.scatter [tilespmem:s28], [sflag:$0x3], $0x80, $0x38;
	[tilespmem:$0xB800] =	vst v63  }
0x4c7: {  	s23 =	simm.s32 $0x80C0;
	s8 =	rddreg [dreg:$0x17]  }
0x4c8: {  	[hbm4b:s8+s14] =	stream.linear.scatter [tilespmem:s23], [sflag:$0x3], $0x80, $0x38;
	[tilespmem:$0xB800] =	vst v63  }
0x4c9: {  	s24 =	sadd.s32 $0x10, s8;
	s25 =	simm.s32 $0x8148  }
0x4ca: {  	[hbm4b:s24+s14] =	stream.linear.scatter [tilespmem:s25], [sflag:$0x3], $0x80, $0x38;
	[tilespmem:$0xB800] =	vst v63  }
0x4cb: {  	s26 =	sadd.s32 $0x20, s8;
	s28 =	simm.s32 $0x81D0  }
0x4cc: {  	[hbm4b:s26+s14] =	stream.linear.scatter [tilespmem:s28], [sflag:$0x3], $0x80, $0x38;
	[tilespmem:$0xB800] =	vst v63  }
0x4cd: {  	s24 =	sadd.s32 $0x30, s8;
	s25 =	simm.s32 $0x8258  }
0x4ce: {  	[hbm4b:s24+s14] =	stream.linear.scatter [tilespmem:s25], [sflag:$0x3], $0x80, $0x38;
	[tilespmem:$0xB800] =	vst v63  }
0x4cf: {  	s26 =	sadd.s32 $0x40, s8;
	s28 =	simm.s32 $0x82E0  }
0x4d0: {  	[hbm4b:s26+s14] =	stream.linear.scatter [tilespmem:s28], [sflag:$0x3], $0x80, $0x38;
	[tilespmem:$0xB800] =	vst v63  }
0x4d1: {  	s24 =	sadd.s32 $0x50, s8;
	s25 =	simm.s32 $0x8368  }
0x4d2: {  	[hbm4b:s24+s14] =	stream.linear.scatter [tilespmem:s25], [sflag:$0x3], $0x80, $0x38;
	[tilespmem:$0xB800] =	vst v63  }
0x4d3: {  	s26 =	sadd.s32 $0x60, s8;
	s28 =	simm.s32 $0x83F0  }
0x4d4: {  	[hbm4b:s26+s14] =	stream.linear.scatter [tilespmem:s28], [sflag:$0x3], $0x80, $0x38;
	[tilespmem:$0xB800] =	vst v63  }
0x4d5: {  	s24 =	sadd.s32 $0x70, s8;
	s25 =	simm.s32 $0x8478  }
0x4d6: {  	[hbm4b:s24+s14] =	stream.linear.scatter [tilespmem:s25], [sflag:$0x3], $0x80, $0x38;
	[tilespmem:$0xB800] =	vst v63  }
0x4d7: {  	s8 =	rddreg [dreg:$0x18]  }
0x4d8: {  	[hbm4b:s8+s14] =	stream.linear.scatter [tilespmem:s0], [sflag:$0x3], $0x80, $0x38;
	[tilespmem:$0xB800] =	vst v63  }
0x4d9: {  	s26 =	sadd.s32 $0x10, s8;
	s28 =	simm.s32 $0x8588  }
0x4da: {  	[hbm4b:s26+s14] =	stream.linear.scatter [tilespmem:s28], [sflag:$0x3], $0x80, $0x38;
	[tilespmem:$0xB800] =	vst v63  }
0x4db: {  	s24 =	sadd.s32 $0x20, s8;
	s25 =	simm.s32 $0x8610  }
0x4dc: {  	[hbm4b:s24+s14] =	stream.linear.scatter [tilespmem:s25], [sflag:$0x3], $0x80, $0x38;
	[tilespmem:$0xB800] =	vst v63  }
0x4dd: {  	s26 =	sadd.s32 $0x30, s8;
	s28 =	simm.s32 $0x8698  }
0x4de: {  	[hbm4b:s26+s14] =	stream.linear.scatter [tilespmem:s28], [sflag:$0x3], $0x80, $0x38;
	[tilespmem:$0xB800] =	vst v63  }
0x4df: {  	s24 =	sadd.s32 $0x40, s8;
	s25 =	simm.s32 $0x8720  }
0x4e0: {  	[hbm4b:s24+s14] =	stream.linear.scatter [tilespmem:s25], [sflag:$0x3], $0x80, $0x38;
	[tilespmem:$0xB800] =	vst v63  }
0x4e1: {  	s26 =	sadd.s32 $0x50, s8;
	s28 =	simm.s32 $0x87A8  }
0x4e2: {  	[hbm4b:s26+s14] =	stream.linear.scatter [tilespmem:s28], [sflag:$0x3], $0x80, $0x38;
	[tilespmem:$0xB800] =	vst v63  }
0x4e3: {  	s24 =	sadd.s32 $0x60, s8;
	s25 =	simm.s32 $0x8830  }
0x4e4: {  	[hbm4b:s24+s14] =	stream.linear.scatter [tilespmem:s25], [sflag:$0x3], $0x80, $0x38;
	[tilespmem:$0xB800] =	vst v63  }
0x4e5: {  	s26 =	sadd.s32 $0x70, s8;
	s28 =	simm.s32 $0x88B8  }
0x4e6: {  	[hbm4b:s26+s14] =	stream.linear.scatter [tilespmem:s28], [sflag:$0x3], $0x80, $0x38;
	[tilespmem:$0xB800] =	vst v63  }
0x4e7: {  	s23 =	simm.s32 $0x8940;
	s8 =	rddreg [dreg:$0x19]  }
0x4e8: {  	[hbm4b:s8+s14] =	stream.linear.scatter [tilespmem:s23], [sflag:$0x3], $0x80, $0x38;
	[tilespmem:$0xB800] =	vst v63  }
0x4e9: {  	s24 =	sadd.s32 $0x10, s8;
	s25 =	simm.s32 $0x89C8  }
0x4ea: {  	[hbm4b:s24+s14] =	stream.linear.scatter [tilespmem:s25], [sflag:$0x3], $0x80, $0x38;
	[tilespmem:$0xB800] =	vst v63  }
0x4eb: {  	s26 =	sadd.s32 $0x20, s8;
	s28 =	simm.s32 $0x8A50  }
0x4ec: {  	[hbm4b:s26+s14] =	stream.linear.scatter [tilespmem:s28], [sflag:$0x3], $0x80, $0x38;
	[tilespmem:$0xB800] =	vst v63  }
0x4ed: {  	s24 =	sadd.s32 $0x30, s8;
	s25 =	simm.s32 $0x8AD8  }
0x4ee: {  	[hbm4b:s24+s14] =	stream.linear.scatter [tilespmem:s25], [sflag:$0x3], $0x80, $0x38;
	[tilespmem:$0xB800] =	vst v63  }
0x4ef: {  	s26 =	sadd.s32 $0x40, s8;
	s28 =	simm.s32 $0x8B60  }
0x4f0: {  	[hbm4b:s26+s14] =	stream.linear.scatter [tilespmem:s28], [sflag:$0x3], $0x80, $0x38;
	[tilespmem:$0xB800] =	vst v63  }
0x4f1: {  	s24 =	sadd.s32 $0x50, s8;
	s25 =	simm.s32 $0x8BE8  }
0x4f2: {  	[hbm4b:s24+s14] =	stream.linear.scatter [tilespmem:s25], [sflag:$0x3], $0x80, $0x38;
	[tilespmem:$0xB800] =	vst v63  }
0x4f3: {  	s26 =	sadd.s32 $0x60, s8;
	s28 =	simm.s32 $0x8C70  }
0x4f4: {  	[hbm4b:s26+s14] =	stream.linear.scatter [tilespmem:s28], [sflag:$0x3], $0x80, $0x38;
	[tilespmem:$0xB800] =	vst v63  }
0x4f5: {  	s24 =	sadd.s32 $0x70, s8;
	s25 =	simm.s32 $0x8CF8  }
0x4f6: {  	[hbm4b:s24+s14] =	stream.linear.scatter [tilespmem:s25], [sflag:$0x3], $0x80, $0x38;
	[tilespmem:$0xB800] =	vst v63  }
0x4f7: {  	s8 =	rddreg [dreg:$0x1a]  }
0x4f8: {  	[hbm4b:s8+s14] =	stream.linear.scatter [tilespmem:s7], [sflag:$0x3], $0x80, $0x38;
	[tilespmem:$0xB800] =	vst v63  }
0x4f9: {  	s26 =	sadd.s32 $0x10, s8;
	s28 =	simm.s32 $0x8E08  }
0x4fa: {  	[hbm4b:s26+s14] =	stream.linear.scatter [tilespmem:s28], [sflag:$0x3], $0x80, $0x38;
	[tilespmem:$0xB800] =	vst v63  }
0x4fb: {  	s24 =	sadd.s32 $0x20, s8;
	s25 =	simm.s32 $0x8E90  }
0x4fc: {  	[hbm4b:s24+s14] =	stream.linear.scatter [tilespmem:s25], [sflag:$0x3], $0x80, $0x38;
	[tilespmem:$0xB800] =	vst v63  }
0x4fd: {  	s26 =	sadd.s32 $0x30, s8;
	s28 =	simm.s32 $0x8F18  }
0x4fe: {  	[hbm4b:s26+s14] =	stream.linear.scatter [tilespmem:s28], [sflag:$0x3], $0x80, $0x38;
	[tilespmem:$0xB800] =	vst v63  }
0x4ff: {  	s24 =	sadd.s32 $0x40, s8;
	s25 =	simm.s32 $0x8FA0  }
0x500: {  	[hbm4b:s24+s14] =	stream.linear.scatter [tilespmem:s25], [sflag:$0x3], $0x80, $0x38;
	[tilespmem:$0xB800] =	vst v63  }
0x501: {  	s26 =	sadd.s32 $0x50, s8;
	s28 =	simm.s32 $0x9028  }
0x502: {  	[hbm4b:s26+s14] =	stream.linear.scatter [tilespmem:s28], [sflag:$0x3], $0x80, $0x38;
	[tilespmem:$0xB800] =	vst v63  }
0x503: {  	s24 =	sadd.s32 $0x60, s8;
	s25 =	simm.s32 $0x90B0  }
0x504: {  	[hbm4b:s24+s14] =	stream.linear.scatter [tilespmem:s25], [sflag:$0x3], $0x80, $0x38;
	[tilespmem:$0xB800] =	vst v63  }
0x505: {  	s26 =	sadd.s32 $0x70, s8;
	s28 =	simm.s32 $0x9138  }
0x506: {  	[hbm4b:s26+s14] =	stream.linear.scatter [tilespmem:s28], [sflag:$0x3], $0x80, $0x38;
	[tilespmem:$0xB800] =	vst v63  }
0x507: {  	s23 =	simm.s32 $0x91C0;
	s8 =	rddreg [dreg:$0x1b]  }
0x508: {  	[hbm4b:s8+s14] =	stream.linear.scatter [tilespmem:s23], [sflag:$0x3], $0x80, $0x38;
	[tilespmem:$0xB800] =	vst v63  }
0x509: {  	s24 =	sadd.s32 $0x10, s8;
	s25 =	simm.s32 $0x9248  }
0x50a: {  	[hbm4b:s24+s14] =	stream.linear.scatter [tilespmem:s25], [sflag:$0x3], $0x80, $0x38;
	[tilespmem:$0xB800] =	vst v63  }
0x50b: {  	s26 =	sadd.s32 $0x20, s8;
	s28 =	simm.s32 $0x92D0  }
0x50c: {  	[hbm4b:s26+s14] =	stream.linear.scatter [tilespmem:s28], [sflag:$0x3], $0x80, $0x38;
	[tilespmem:$0xB800] =	vst v63  }
0x50d: {  	s24 =	sadd.s32 $0x30, s8;
	s25 =	simm.s32 $0x9358  }
0x50e: {  	[hbm4b:s24+s14] =	stream.linear.scatter [tilespmem:s25], [sflag:$0x3], $0x80, $0x38;
	[tilespmem:$0xB800] =	vst v63  }
0x50f: {  	s26 =	sadd.s32 $0x40, s8;
	s28 =	simm.s32 $0x93E0  }
0x510: {  	[hbm4b:s26+s14] =	stream.linear.scatter [tilespmem:s28], [sflag:$0x3], $0x80, $0x38;
	[tilespmem:$0xB800] =	vst v63  }
0x511: {  	s24 =	sadd.s32 $0x50, s8;
	s25 =	simm.s32 $0x9468  }
0x512: {  	[hbm4b:s24+s14] =	stream.linear.scatter [tilespmem:s25], [sflag:$0x3], $0x80, $0x38;
	[tilespmem:$0xB800] =	vst v63  }
0x513: {  	s26 =	sadd.s32 $0x60, s8;
	s28 =	simm.s32 $0x94F0  }
0x514: {  	[hbm4b:s26+s14] =	stream.linear.scatter [tilespmem:s28], [sflag:$0x3], $0x80, $0x38;
	[tilespmem:$0xB800] =	vst v63  }
0x515: {  	s23 =	sadd.s32 $0x70, s8;
	s24 =	simm.s32 $0x9578  }
0x516: {  	[hbm4b:s23+s14] =	stream.linear.scatter [tilespmem:s24], [sflag:$0x3], $0x80, $0x38;
	[tilespmem:$0xB800] =	vst v63  }
0x517: {  	_ =	swait.ge [sflag:s13], $0x400  }
0x518: {  	[sflag:s13] =	ssyncset.done $0x0  }
0x519: {  	[sflag:s13] =	ssyncadd.s32 $0xFFFFFC00  }
0x51a: {  	_ =	swait.ge [sflag:s13], $0x400  }
0x51b: {  	[sflag:s13] =	ssyncset.done $0x0  }
0x51c: {  	[sflag:s13] =	ssyncadd.s32 $0xFFFFFC00  }
0x51d: {  	_ =	swait.ge [sflag:s13], $0x400  }
0x51e: {  	[sflag:s13] =	ssyncset.done $0x0  }
0x51f: {  	[sflag:s13] =	ssyncadd.s32 $0xFFFFFC00  }
0x520: {  	_ =	swait.ge [sflag:s13], $0x400  }
0x521: {  	[sflag:s13] =	ssyncset.done $0x0  }
0x522: {  	[sflag:s13] =	ssyncadd.s32 $0xFFFFFC00  }
0x523: {  	_ =	swait.ge [sflag:s13], $0x400  }
0x524: {  	[sflag:s13] =	ssyncset.done $0x0  }
0x525: {  	[sflag:s13] =	ssyncadd.s32 $0xFFFFFC00  }
0x526: {  	_ =	swait.ge [sflag:s13], $0x400  }
0x527: {  	v9 =	vmov s14;
	[sflag:s13] =	ssyncset.done $0x0  }
0x528: {  	v9 =	vshrl.u32 v9, $0x3;
	[sflag:s13] =	ssyncadd.s32 $0xFFFFFC00  }
0x529: {  	v9 =	vshll.u32 v9, v1;
	_ =	swait.ge [sflag:s13], $0x400  }
0x52a: {  	v9 =	vbroadcast v9, $0x0;
	[sflag:s13] =	ssyncset.done $0x0  }
0x52b: {  	s8 =	simm.s32 $0x4;
	[sflag:s13] =	ssyncadd.s32 $0xFFFFFC00  }
0x52c: {  	v9 =	vadd.s32 v0, v9;
	v13 =	vmov s8;
	s25 =	simm.s32 $0x1;
	s14 =	simm.s32 $0x7;
	_ =	swait.ge [sflag:s13], $0x400  }
0x52d: {  	v13 =	vshrl.u32 v13, $0x3;
	v10 =	vmov s25;
	v14 =	vmov s14;
	[sflag:s13] =	ssyncset.done $0x0  }
0x52e: {  	v13 =	vshll.u32 v13, v1;
	s26 =	simm.s32 $0x2;
	v10 =	vshrl.u32 v10, $0x3;
	v14 =	vshrl.u32 v14, $0x3;
	[sflag:s13] =	ssyncadd.s32 $0xFFFFFC00  }
0x52f: {  	s28 =	simm.s32 $0x3;
	v13 =	vbroadcast v13, $0x0;
	v11 =	vmov s26;
	v14 =	vshll.u32 v14, v1;
	_ =	swait.ge [sflag:s15], $0x2000  }
0x530: {  	v12 =	vmov s28;
	v10 =	vshll.u32 v10, v1;
	v14 =	vbroadcast v14, $0x0;
	[sflag:s15] =	ssyncset.done $0x0  }
0x531: {  	s23 =	simm.s32 $0x5;
	v11 =	vshrl.u32 v11, $0x3;
	v12 =	vshrl.u32 v12, $0x3;
	v10 =	vbroadcast v10, $0x0;
	s14 =	simm.s32 $0x5500;
	[sflag:s15] =	ssyncadd.s32 $0xFFFFE000  }
0x532: {  	s24 =	simm.s32 $0x6;
	v15 =	vmov s23;
	v11 =	vshll.u32 v11, v1;
	v18 =	vadd.s32 v8, v14;
	v17 =	vld [tilespmem:s14+$0xC0]  }
0x533: {  	v16 =	vmov s24;
	v12 =	vshll.u32 v12, v1;
	v11 =	vbroadcast v11, $0x0;
	v19 =	vld [tilespmem:s14+$0xFFFFFF00]  }
0x534: {  	v15 =	vshrl.u32 v15, $0x3;
	v14 =	vadd.s32 v2, v10;
	v10 =	vbroadcast v12, $0x0;
	v20 =	vld [tilespmem:s14+$0xFFFFFF40]  }
0x535: {  	v16 =	vshrl.u32 v16, $0x3;
	v15 =	vshll.u32 v15, v1;
	v12 =	vadd.s32 v3, v11;
	v21 =	vld [tilespmem:s14+$0xFFFFFF80]  }
0x536: {  	v11 =	vadd.s32 v4, v10;
	v10 =	vadd.s32 v5, v13;
	v13 =	vbroadcast v15, $0x0;
	v22 =	vld [tilespmem:s14+$0xFFFFFFC0]  }
0x537: {  	v15 =	vshll.u32 v16, v1;
	v23 =	vld [tilespmem:s14+$0x0];
	[tilespmem:v18+s18+$0x0] =	vst.idx.msk $0xffff, v17  }
0x538: {  	v16 =	vbroadcast v15, $0x0;
	v15 =	vadd.s32 v6, v13;
	[tilespmem:v9+s18+$0x0] =	vst.idx.msk $0xffff, v19;
	v19 =	vld [tilespmem:s14+$0x40]  }
0x539: {  	[tilespmem:v14+s18+$0x0] =	vst.idx.msk $0xffff, v20;
	v17 =	vld [tilespmem:s14+$0xD0]  }
0x53a: {  	v13 =	vadd.s32 v7, v16;
	[tilespmem:v12+s18+$0x0] =	vst.idx.msk $0xffff, v21;
	v16 =	vld [tilespmem:s14+$0xFFFFFF50]  }
0x53b: {  	v20 =	vld [tilespmem:s14+$0x80];
	[tilespmem:v11+s18+$0x0] =	vst.idx.msk $0xffff, v22  }
0x53c: {  	[tilespmem:v10+s18+$0x0] =	vst.idx.msk $0xffff, v23;
	v21 =	vld [tilespmem:s14+$0xFFFFFF90]  }
0x53d: {  	v22 =	vld [tilespmem:s14+$0xFFFFFFD0];
	[tilespmem:v15+s18+$0x0] =	vst.idx.msk $0xffff, v19  }
0x53e: {  	v19 =	vld [tilespmem:s14+$0x10];
	[tilespmem:v18+s19+$0x0] =	vst.idx.msk $0xffff, v17  }
0x53f: {  	[tilespmem:v14+s19+$0x0] =	vst.idx.msk $0xffff, v16;
	v16 =	vld [tilespmem:s14+$0x50]  }
0x540: {  	[tilespmem:v13+s18+$0x0] =	vst.idx.msk $0xffff, v20;
	v17 =	vld [tilespmem:s14+$0xE0]  }
0x541: {  	[tilespmem:v12+s19+$0x0] =	vst.idx.msk $0xffff, v21;
	v20 =	vld [tilespmem:s14+$0x90]  }
0x542: {  	v21 =	vld [tilespmem:s14+$0xFFFFFF10];
	[tilespmem:v11+s19+$0x0] =	vst.idx.msk $0xffff, v22  }
0x543: {  	v22 =	vld [tilespmem:s14+$0xFFFFFF60];
	[tilespmem:v10+s19+$0x0] =	vst.idx.msk $0xffff, v19  }
0x544: {  	v23 =	vld [tilespmem:s14+$0xFFFFFFA0];
	[tilespmem:v15+s19+$0x0] =	vst.idx.msk $0xffff, v16  }
0x545: {  	v25 =	vld [tilespmem:s14+$0xFFFFFFE0];
	[tilespmem:v18+s21+$0x0] =	vst.idx.msk $0xffff, v17  }
0x546: {  	[tilespmem:v13+s19+$0x0] =	vst.idx.msk $0xffff, v20;
	v19 =	vld [tilespmem:s14+$0xF0]  }
0x547: {  	[tilespmem:v9+s19+$0x0] =	vst.idx.msk $0xffff, v21;
	v26 =	vld [tilespmem:s14+$0x20]  }
0x548: {  	[tilespmem:v14+s21+$0x0] =	vst.idx.msk $0xffff, v22;
	v20 =	vld [tilespmem:s14+$0x60]  }
0x549: {  	v17 =	vld [tilespmem:s14+$0xA0];
	[tilespmem:v12+s21+$0x0] =	vst.idx.msk $0xffff, v23  }
0x54a: {  	s25 =	simm.s32 $0x9;
	s23 =	simm.s32 $0x8;
	v16 =	vld [tilespmem:s14+$0xFFFFFF20];
	[tilespmem:v11+s21+$0x0] =	vst.idx.msk $0xffff, v25  }
0x54b: {  	s26 =	simm.s32 $0xA;
	s28 =	simm.s32 $0xB;
	v24 =	vmov s23;
	v21 =	vmov s25;
	[tilespmem:v18+s22+$0x0] =	vst.idx.msk $0xffff, v19;
	v18 =	vld [tilespmem:s14+$0xFFFFFF70]  }
0x54c: {  	s2 =	simm.s32 $0xC;
	s8 =	simm.s32 $0xF;
	s24 =	simm.s32 $0x10;
	v22 =	vmov s26;
	v23 =	vmov s28;
	[tilespmem:v10+s21+$0x0] =	vst.idx.msk $0xffff, v26;
	v19 =	vld [tilespmem:s14+$0xFFFFFFB0]  }
.LBB2_14:
0x54d: {  	p0 =	slt.u32 s24, $0x78;
	v24 =	vshrl.u32 v24, $0x3;
	v25 =	vmov s2;
	s2 =	sadd.s32 $0x5, s23;
	s23 =	sadd.s32 $0x6, s23;
	v26 =	vmov s8;
	v27 =	vld [tilespmem:s14+$0xFFFFFFF0];
	[tilespmem:v15+s21+$0x0] =	vst.idx.msk $0xffff, v20  }
0x54e: {  	v20 =	vmov s2;
	v28 =	vmov s23;
	v26 =	vshrl.u32 v26, $0x3;
	v29 =	vld [tilespmem:s14+$0x30];
	[tilespmem:v13+s21+$0x0] =	vst.idx.msk $0xffff, v17;
	s23 =	smov.u32 s24  }
0x54f: {  	v21 =	vshrl.u32 v21, $0x3;
	v17 =	vshll.u32 v24, v1;
	v24 =	vshll.u32 v26, v1;
	[tilespmem:v9+s21+$0x0] =	vst.idx.msk $0xffff, v16;
	v16 =	vld [tilespmem:s14+$0x70]  }
0x550: {  	v22 =	vshrl.u32 v22, $0x3;
	v23 =	vshrl.u32 v23, $0x3;
	v24 =	vbroadcast v24, $0x0;
	[tilespmem:v14+s22+$0x0] =	vst.idx.msk $0xffff, v18;
	v18 =	vld [tilespmem:s14+$0xB0]  }
0x551: {  	v14 =	vbroadcast v17, $0x0;
	v17 =	vshll.u32 v21, v1;
	v21 =	vshrl.u32 v25, $0x3;
	v25 =	vld [tilespmem:s14+$0xFFFFFF30];
	[tilespmem:v12+s22+$0x0] =	vst.idx.msk $0xffff, v19;
	s14 =	sadd.s32 $0x200, s14  }
0x552: {  	v12 =	vbroadcast v17, $0x0;
	v17 =	vshll.u32 v22, v1;
	v19 =	vld [tilespmem:s14+$0xC0];
	v22 =	vadd.s32 v8, v24;
	[tilespmem:v11+s22+$0x0] =	vst.idx.msk $0xffff, v27  }
0x553: {  	v26 =	vadd.s32 v0, v14;
	v11 =	vbroadcast v17, $0x0;
	v17 =	vshll.u32 v23, v1;
	v24 =	vld [tilespmem:s14+$0xFFFFFF00];
	[tilespmem:v10+s22+$0x0] =	vst.idx.msk $0xffff, v29  }
0x554: {  	v14 =	vadd.s32 v2, v12;
	v10 =	vbroadcast v17, $0x0;
	v17 =	vshll.u32 v21, v1;
	v23 =	vld [tilespmem:s14+$0xFFFFFF40];
	[tilespmem:v15+s22+$0x0] =	vst.idx.msk $0xffff, v16  }
0x555: {  	v12 =	vadd.s32 v3, v11;
	v15 =	vbroadcast v17, $0x0;
	v17 =	vshrl.u32 v20, $0x3;
	v16 =	vld [tilespmem:s14+$0xFFFFFF80];
	[tilespmem:v13+s22+$0x0] =	vst.idx.msk $0xffff, v18  }
0x556: {  	v11 =	vadd.s32 v4, v10;
	v13 =	vshll.u32 v17, v1;
	v17 =	vshrl.u32 v28, $0x3;
	v18 =	vld [tilespmem:s14+$0xFFFFFFC0];
	[tilespmem:v9+s22+$0x0] =	vst.idx.msk $0xffff, v25  }
0x557: {  	v10 =	vadd.s32 v5, v15;
	v13 =	vbroadcast v13, $0x0;
	v15 =	vshll.u32 v17, v1;
	v20 =	vld [tilespmem:s14+$0x0];
	[tilespmem:v22+s18+$0x0] =	vst.idx.msk $0xffff, v19  }
0x558: {  	v9 =	vmov v26;
	v17 =	vbroadcast v15, $0x0;
	[tilespmem:v26+s18+$0x0] =	vst.idx.msk $0xffff, v24;
	v19 =	vld [tilespmem:s14+$0xD0]  }
0x559: {  	v15 =	vadd.s32 v6, v13;
	[tilespmem:v14+s18+$0x0] =	vst.idx.msk $0xffff, v23;
	v21 =	vld [tilespmem:s14+$0x40]  }
0x55a: {  	v13 =	vadd.s32 v7, v17;
	[tilespmem:v12+s18+$0x0] =	vst.idx.msk $0xffff, v16;
	v16 =	vld [tilespmem:s14+$0x80]  }
0x55b: {  	v17 =	vld [tilespmem:s14+$0xFFFFFF50];
	[tilespmem:v11+s18+$0x0] =	vst.idx.msk $0xffff, v18  }
0x55c: {  	v18 =	vld [tilespmem:s14+$0xFFFFFF90];
	[tilespmem:v10+s18+$0x0] =	vst.idx.msk $0xffff, v20  }
0x55d: {  	v20 =	vld [tilespmem:s14+$0xFFFFFFD0];
	[tilespmem:v22+s19+$0x0] =	vst.idx.msk $0xffff, v19  }
0x55e: {  	[tilespmem:v15+s18+$0x0] =	vst.idx.msk $0xffff, v21;
	v19 =	vld [tilespmem:s14+$0xE0]  }
0x55f: {  	v21 =	vld [tilespmem:s14+$0x10];
	[tilespmem:v13+s18+$0x0] =	vst.idx.msk $0xffff, v16  }
0x560: {  	[tilespmem:v14+s19+$0x0] =	vst.idx.msk $0xffff, v17;
	v16 =	vld [tilespmem:s14+$0x50]  }
0x561: {  	[tilespmem:v12+s19+$0x0] =	vst.idx.msk $0xffff, v18;
	v17 =	vld [tilespmem:s14+$0x90]  }
0x562: {  	v18 =	vld [tilespmem:s14+$0xFFFFFF10];
	[tilespmem:v11+s19+$0x0] =	vst.idx.msk $0xffff, v20  }
0x563: {  	v20 =	vld [tilespmem:s14+$0xFFFFFF60];
	[tilespmem:v22+s21+$0x0] =	vst.idx.msk $0xffff, v19  }
0x564: {  	[tilespmem:v10+s19+$0x0] =	vst.idx.msk $0xffff, v21;
	v19 =	vld [tilespmem:s14+$0xF0]  }
0x565: {  	v21 =	vld [tilespmem:s14+$0xFFFFFFA0];
	[tilespmem:v15+s19+$0x0] =	vst.idx.msk $0xffff, v16  }
0x566: {  	v23 =	vld [tilespmem:s14+$0xFFFFFFE0];
	[tilespmem:v13+s19+$0x0] =	vst.idx.msk $0xffff, v17  }
0x567: {  	[tilespmem:v26+s19+$0x0] =	vst.idx.msk $0xffff, v18;
	v25 =	vld [tilespmem:s14+$0x20]  }
.Ltmp6:
0x568: {  	[tilespmem:v14+s21+$0x0] =	vst.idx.msk $0xffff, v20;
	v20 =	vld [tilespmem:s14+$0x60];
	(pc) =	sbr.rel @p0 .LBB2_14-.Ltmp6, $4  }
0x569: {  	v17 =	vld [tilespmem:s14+$0xA0];
	[tilespmem:v22+s22+$0x0] =	vst.idx.msk $0xffff, v19  }
0x56a: {  	s2 =	sadd.s32 $0x1, s24;
	v16 =	vld [tilespmem:s14+$0xFFFFFF20];
	[tilespmem:v12+s21+$0x0] =	vst.idx.msk $0xffff, v21  }
0x56b: {  	s8 =	sadd.s32 $0x3, s24;
	v24 =	vmov s24;
	v21 =	vmov s2;
	s2 =	sadd.s32 $0x2, s24;
	v18 =	vld [tilespmem:s14+$0xFFFFFF70];
	[tilespmem:v11+s21+$0x0] =	vst.idx.msk $0xffff, v23  }
0x56c: {  	s24 =	sadd.s32 $0x8, s24;
	v22 =	vmov s2;
	v23 =	vmov s8;
	s2 =	sadd.s32 $0x4, s23;
	s8 =	sadd.s32 $0x7, s23;
	v19 =	vld [tilespmem:s14+$0xFFFFFFB0];
	[tilespmem:v10+s21+$0x0] =	vst.idx.msk $0xffff, v25  }
0x56d: {  	_ =	sdelay $0x3  }
0x56e: {  	v25 =	vmov s2;
	v26 =	vmov s8;
	v28 =	vld [tilespmem:s14+$0xFFFFFFF0];
	[tilespmem:v15+s21+$0x0] =	vst.idx.msk $0xffff, v20;
	v24 =	vshrl.u32 v24, $0x3  }
0x56f: {  	s26 =	sadd.s32 $0x5, s23;
	v29 =	vld [tilespmem:s14+$0x30];
	v21 =	vshrl.u32 v21, $0x3;
	v22 =	vshrl.u32 v22, $0x3;
	v26 =	vshrl.u32 v26, $0x3;
	[tilespmem:v13+s21+$0x0] =	vst.idx.msk $0xffff, v17  }
0x570: {  	v23 =	vshrl.u32 v23, $0x3;
	v27 =	vmov s26;
	v32 =	vld [tilespmem:s14+$0x70];
	v31 =	vshll.u32 v26, v1;
	[tilespmem:v9+s21+$0x0] =	vst.idx.msk $0xffff, v16  }
0x571: {  	v30 =	vshll.u32 v24, v1;
	v34 =	vshll.u32 v21, v1;
	v33 =	vld [tilespmem:s14+$0xB0];
	v24 =	vbroadcast v31, $0x0;
	[tilespmem:v14+s22+$0x0] =	vst.idx.msk $0xffff, v18  }
0x572: {  	s8 =	sadd.s32 $0x200, s14;
	v35 =	vshrl.u32 v25, $0x3;
	v38 =	vshll.u32 v22, v1;
	v37 =	vbroadcast v34, $0x0;
	v36 =	vld [tilespmem:s14+$0xFFFFFF30];
	[tilespmem:v12+s22+$0x0] =	vst.idx.msk $0xffff, v19  }
0x573: {  	v39 =	vld [tilespmem:s8+$0xC0];
	v23 =	vshll.u32 v23, v1;
	v17 =	vbroadcast v30, $0x0;
	v40 =	vadd.s32 v8, v24;
	[tilespmem:v11+s22+$0x0] =	vst.idx.msk $0xffff, v28  }
0x574: {  	v23 =	vbroadcast v23, $0x0;
	v18 =	vbroadcast v38, $0x0;
	v12 =	vadd.s32 v2, v37;
	[tilespmem:v10+s22+$0x0] =	vst.idx.msk $0xffff, v29;
	v10 =	vld [tilespmem:s8+$0xFFFFFF40]  }
0x575: {  	v21 =	vshll.u32 v35, v1;
	v44 =	vshrl.u32 v27, $0x3;
	v17 =	vadd.s32 v0, v17;
	v11 =	vld [tilespmem:s8+$0xFFFFFF00];
	[tilespmem:v15+s22+$0x0] =	vst.idx.msk $0xffff, v32  }
0x576: {  	v41 =	vld [tilespmem:s8+$0xFFFFFF80];
	v43 =	vbroadcast v21, $0x0;
	v21 =	vshll.u32 v44, v1;
	v42 =	vadd.s32 v3, v18;
	[tilespmem:v13+s22+$0x0] =	vst.idx.msk $0xffff, v33  }
0x577: {  	s28 =	sadd.s32 $0x6, s23;
	v45 =	vld [tilespmem:s8+$0xFFFFFFC0];
	v46 =	vadd.s32 v4, v23;
	v21 =	vbroadcast v21, $0x0;
	[tilespmem:v9+s22+$0x0] =	vst.idx.msk $0xffff, v36  }
0x578: {  	v63 =	vmov s28;
	v18 =	vadd.s32 v5, v43;
	v9 =	vld [tilespmem:s8+$0x0];
	[tilespmem:v40+s18+$0x0] =	vst.idx.msk $0xffff, v39  }
0x579: {  	v20 =	vshrl.u32 v63, $0x3;
	v47 =	vadd.s32 v6, v21;
	[tilespmem:v12+s18+$0x0] =	vst.idx.msk $0xffff, v10;
	v10 =	vld [tilespmem:s8+$0x40]  }
0x57a: {  	v20 =	vshll.u32 v20, v1;
	[tilespmem:v17+s18+$0x0] =	vst.idx.msk $0xffff, v11;
	v19 =	vld [tilespmem:s8+$0xD0]  }
0x57b: {  	v11 =	vbroadcast v20, $0x0;
	[tilespmem:v42+s18+$0x0] =	vst.idx.msk $0xffff, v41;
	v49 =	vld [tilespmem:s8+$0xFFFFFF50]  }
0x57c: {  	[tilespmem:v46+s18+$0x0] =	vst.idx.msk $0xffff, v45;
	v50 =	vld [tilespmem:s8+$0xFFFFFF90]  }
0x57d: {  	v48 =	vld [tilespmem:s8+$0x80];
	v11 =	vadd.s32 v7, v11;
	[tilespmem:v18+s18+$0x0] =	vst.idx.msk $0xffff, v9  }
0x57e: {  	v54 =	vld [tilespmem:s8+$0xFFFFFF10];
	[tilespmem:v47+s18+$0x0] =	vst.idx.msk $0xffff, v10  }
0x57f: {  	v9 =	vld [tilespmem:s8+$0xFFFFFFD0];
	[tilespmem:v40+s19+$0x0] =	vst.idx.msk $0xffff, v19  }
0x580: {  	v51 =	vld [tilespmem:s8+$0x10];
	[tilespmem:v12+s19+$0x0] =	vst.idx.msk $0xffff, v49  }
0x581: {  	[tilespmem:v42+s19+$0x0] =	vst.idx.msk $0xffff, v50;
	v10 =	vld [tilespmem:s8+$0xE0]  }
0x582: {  	v52 =	vld [tilespmem:s8+$0x50];
	[tilespmem:v11+s18+$0x0] =	vst.idx.msk $0xffff, v48  }
0x583: {  	[tilespmem:v17+s19+$0x0] =	vst.idx.msk $0xffff, v54;
	v53 =	vld [tilespmem:s8+$0x90]  }
0x584: {  	[tilespmem:v46+s19+$0x0] =	vst.idx.msk $0xffff, v9;
	v9 =	vld [tilespmem:s8+$0xFFFFFF60]  }
0x585: {  	v55 =	vld [tilespmem:s8+$0xFFFFFFA0];
	[tilespmem:v18+s19+$0x0] =	vst.idx.msk $0xffff, v51  }
0x586: {  	v56 =	vld [tilespmem:s8+$0xFFFFFFE0];
	[tilespmem:v40+s21+$0x0] =	vst.idx.msk $0xffff, v10  }
0x587: {  	[tilespmem:v47+s19+$0x0] =	vst.idx.msk $0xffff, v52;
	v10 =	vld [tilespmem:s8+$0xF0]  }
0x588: {  	v57 =	vld [tilespmem:s8+$0x20];
	[tilespmem:v11+s19+$0x0] =	vst.idx.msk $0xffff, v53  }
0x589: {  	[tilespmem:v12+s21+$0x0] =	vst.idx.msk $0xffff, v9;
	v9 =	vld [tilespmem:s8+$0x60]  }
0x58a: {  	[tilespmem:v42+s21+$0x0] =	vst.idx.msk $0xffff, v55;
	v58 =	vld [tilespmem:s8+$0xA0]  }
0x58b: {  	v60 =	vld [tilespmem:s8+$0xFFFFFFB0];
	[tilespmem:v46+s21+$0x0] =	vst.idx.msk $0xffff, v56  }
0x58c: {  	[tilespmem:v40+s22+$0x0] =	vst.idx.msk $0xffff, v10;
	v10 =	vld [tilespmem:s8+$0xFFFFFF20]  }
0x58d: {  	v59 =	vld [tilespmem:s8+$0xFFFFFF70];
	[tilespmem:v18+s21+$0x0] =	vst.idx.msk $0xffff, v57  }
0x58e: {  	v61 =	vld [tilespmem:s8+$0xFFFFFFF0];
	[tilespmem:v47+s21+$0x0] =	vst.idx.msk $0xffff, v9  }
0x58f: {  	v9 =	vld [tilespmem:s8+$0x30];
	[tilespmem:v11+s21+$0x0] =	vst.idx.msk $0xffff, v58  }
0x590: {  	[tilespmem:v42+s22+$0x0] =	vst.idx.msk $0xffff, v60;
	v62 =	vld [tilespmem:s8+$0xB0]  }
0x591: {  	[tilespmem:v17+s21+$0x0] =	vst.idx.msk $0xffff, v10;
	v10 =	vld [tilespmem:s8+$0x70]  }
0x592: {  	[tilespmem:v12+s22+$0x0] =	vst.idx.msk $0xffff, v59;
	v63 =	vld [tilespmem:s8+$0xFFFFFF30]  }
0x593: {  	[tilespmem:v46+s22+$0x0] =	vst.idx.msk $0xffff, v61  }
0x594: {  	[tilespmem:v18+s22+$0x0] =	vst.idx.msk $0xffff, v9  }
0x595: {  	[tilespmem:v11+s22+$0x0] =	vst.idx.msk $0xffff, v62  }
0x596: {  	[tilespmem:v47+s22+$0x0] =	vst.idx.msk $0xffff, v10  }
0x597: {  	[tilespmem:v17+s22+$0x0] =	vst.idx.msk $0xffff, v63  }
0x598: {  	s8 =	rddreg [dreg:$0x1c]  }
0x599: {  	[hbm4b:s8+s3] =	stream.linear.scatter [tilespmem:s18], [sflag:$0x4], $0x80, $0x38;
	[tilespmem:$0xB800] =	vst v63  }
0x59a: {  	s23 =	simm.s32 $0x9688;
	s14 =	sadd.s32 $0x10, s8  }
0x59b: {  	[hbm4b:s14+s3] =	stream.linear.scatter [tilespmem:s23], [sflag:$0x4], $0x80, $0x38;
	[tilespmem:$0xB800] =	vst v63  }
0x59c: {  	s25 =	simm.s32 $0x9710;
	s24 =	sadd.s32 $0x20, s8  }
0x59d: {  	[hbm4b:s24+s3] =	stream.linear.scatter [tilespmem:s25], [sflag:$0x4], $0x80, $0x38;
	[tilespmem:$0xB800] =	vst v63  }
0x59e: {  	s28 =	simm.s32 $0x9798;
	s26 =	sadd.s32 $0x30, s8  }
0x59f: {  	[hbm4b:s26+s3] =	stream.linear.scatter [tilespmem:s28], [sflag:$0x4], $0x80, $0x38;
	[tilespmem:$0xB800] =	vst v63  }
0x5a0: {  	s14 =	sadd.s32 $0x40, s8;
	s23 =	simm.s32 $0x9820  }
0x5a1: {  	[hbm4b:s14+s3] =	stream.linear.scatter [tilespmem:s23], [sflag:$0x4], $0x80, $0x38;
	[tilespmem:$0xB800] =	vst v63  }
0x5a2: {  	s24 =	sadd.s32 $0x50, s8;
	s25 =	simm.s32 $0x98A8  }
0x5a3: {  	[hbm4b:s24+s3] =	stream.linear.scatter [tilespmem:s25], [sflag:$0x4], $0x80, $0x38;
	[tilespmem:$0xB800] =	vst v63  }
0x5a4: {  	s26 =	sadd.s32 $0x60, s8;
	s28 =	simm.s32 $0x9930  }
0x5a5: {  	[hbm4b:s26+s3] =	stream.linear.scatter [tilespmem:s28], [sflag:$0x4], $0x80, $0x38;
	[tilespmem:$0xB800] =	vst v63  }
0x5a6: {  	s23 =	sadd.s32 $0x70, s8;
	s24 =	simm.s32 $0x99B8  }
0x5a7: {  	[hbm4b:s23+s3] =	stream.linear.scatter [tilespmem:s24], [sflag:$0x4], $0x80, $0x38;
	[tilespmem:$0xB800] =	vst v63  }
0x5a8: {  	s8 =	rddreg [dreg:$0x1d];
	s25 =	simm.s32 $0x9A40  }
0x5a9: {  	[hbm4b:s8+s3] =	stream.linear.scatter [tilespmem:s25], [sflag:$0x4], $0x80, $0x38;
	[tilespmem:$0xB800] =	vst v63  }
0x5aa: {  	s26 =	sadd.s32 $0x10, s8;
	s28 =	simm.s32 $0x9AC8  }
0x5ab: {  	[hbm4b:s26+s3] =	stream.linear.scatter [tilespmem:s28], [sflag:$0x4], $0x80, $0x38;
	[tilespmem:$0xB800] =	vst v63  }
0x5ac: {  	s14 =	sadd.s32 $0x20, s8;
	s23 =	simm.s32 $0x9B50  }
0x5ad: {  	[hbm4b:s14+s3] =	stream.linear.scatter [tilespmem:s23], [sflag:$0x4], $0x80, $0x38;
	[tilespmem:$0xB800] =	vst v63  }
0x5ae: {  	s24 =	sadd.s32 $0x30, s8;
	s25 =	simm.s32 $0x9BD8  }
0x5af: {  	[hbm4b:s24+s3] =	stream.linear.scatter [tilespmem:s25], [sflag:$0x4], $0x80, $0x38;
	[tilespmem:$0xB800] =	vst v63  }
0x5b0: {  	s26 =	sadd.s32 $0x40, s8;
	s28 =	simm.s32 $0x9C60  }
0x5b1: {  	[hbm4b:s26+s3] =	stream.linear.scatter [tilespmem:s28], [sflag:$0x4], $0x80, $0x38;
	[tilespmem:$0xB800] =	vst v63  }
0x5b2: {  	s14 =	sadd.s32 $0x50, s8;
	s23 =	simm.s32 $0x9CE8  }
0x5b3: {  	[hbm4b:s14+s3] =	stream.linear.scatter [tilespmem:s23], [sflag:$0x4], $0x80, $0x38;
	[tilespmem:$0xB800] =	vst v63  }
0x5b4: {  	s24 =	sadd.s32 $0x60, s8;
	s25 =	simm.s32 $0x9D70  }
0x5b5: {  	[hbm4b:s24+s3] =	stream.linear.scatter [tilespmem:s25], [sflag:$0x4], $0x80, $0x38;
	[tilespmem:$0xB800] =	vst v63  }
0x5b6: {  	s26 =	sadd.s32 $0x70, s8;
	s28 =	simm.s32 $0x9DF8  }
0x5b7: {  	[hbm4b:s26+s3] =	stream.linear.scatter [tilespmem:s28], [sflag:$0x4], $0x80, $0x38;
	[tilespmem:$0xB800] =	vst v63  }
0x5b8: {  	s8 =	rddreg [dreg:$0x1e]  }
0x5b9: {  	[hbm4b:s8+s3] =	stream.linear.scatter [tilespmem:s19], [sflag:$0x4], $0x80, $0x38;
	[tilespmem:$0xB800] =	vst v63  }
0x5ba: {  	s14 =	sadd.s32 $0x10, s8;
	s23 =	simm.s32 $0x9F08  }
0x5bb: {  	[hbm4b:s14+s3] =	stream.linear.scatter [tilespmem:s23], [sflag:$0x4], $0x80, $0x38;
	[tilespmem:$0xB800] =	vst v63  }
0x5bc: {  	s24 =	sadd.s32 $0x20, s8;
	s25 =	simm.s32 $0x9F90  }
0x5bd: {  	[hbm4b:s24+s3] =	stream.linear.scatter [tilespmem:s25], [sflag:$0x4], $0x80, $0x38;
	[tilespmem:$0xB800] =	vst v63  }
0x5be: {  	s26 =	sadd.s32 $0x30, s8;
	s28 =	simm.s32 $0xA018  }
0x5bf: {  	[hbm4b:s26+s3] =	stream.linear.scatter [tilespmem:s28], [sflag:$0x4], $0x80, $0x38;
	[tilespmem:$0xB800] =	vst v63  }
0x5c0: {  	s14 =	sadd.s32 $0x40, s8;
	s23 =	simm.s32 $0xA0A0  }
0x5c1: {  	[hbm4b:s14+s3] =	stream.linear.scatter [tilespmem:s23], [sflag:$0x4], $0x80, $0x38;
	[tilespmem:$0xB800] =	vst v63  }
0x5c2: {  	s24 =	sadd.s32 $0x50, s8;
	s25 =	simm.s32 $0xA128  }
0x5c3: {  	[hbm4b:s24+s3] =	stream.linear.scatter [tilespmem:s25], [sflag:$0x4], $0x80, $0x38;
	[tilespmem:$0xB800] =	vst v63  }
0x5c4: {  	s26 =	sadd.s32 $0x60, s8;
	s28 =	simm.s32 $0xA1B0  }
0x5c5: {  	[hbm4b:s26+s3] =	stream.linear.scatter [tilespmem:s28], [sflag:$0x4], $0x80, $0x38;
	[tilespmem:$0xB800] =	vst v63  }
0x5c6: {  	s23 =	sadd.s32 $0x70, s8;
	s24 =	simm.s32 $0xA238  }
0x5c7: {  	[hbm4b:s23+s3] =	stream.linear.scatter [tilespmem:s24], [sflag:$0x4], $0x80, $0x38;
	[tilespmem:$0xB800] =	vst v63  }
0x5c8: {  	s8 =	rddreg [dreg:$0x1f];
	s25 =	simm.s32 $0xA2C0  }
0x5c9: {  	[hbm4b:s8+s3] =	stream.linear.scatter [tilespmem:s25], [sflag:$0x4], $0x80, $0x38;
	[tilespmem:$0xB800] =	vst v63  }
0x5ca: {  	s26 =	sadd.s32 $0x10, s8;
	s28 =	simm.s32 $0xA348  }
0x5cb: {  	[hbm4b:s26+s3] =	stream.linear.scatter [tilespmem:s28], [sflag:$0x4], $0x80, $0x38;
	[tilespmem:$0xB800] =	vst v63  }
0x5cc: {  	s14 =	sadd.s32 $0x20, s8;
	s23 =	simm.s32 $0xA3D0  }
0x5cd: {  	[hbm4b:s14+s3] =	stream.linear.scatter [tilespmem:s23], [sflag:$0x4], $0x80, $0x38;
	[tilespmem:$0xB800] =	vst v63  }
0x5ce: {  	s24 =	sadd.s32 $0x30, s8;
	s25 =	simm.s32 $0xA458  }
0x5cf: {  	[hbm4b:s24+s3] =	stream.linear.scatter [tilespmem:s25], [sflag:$0x4], $0x80, $0x38;
	[tilespmem:$0xB800] =	vst v63  }
0x5d0: {  	s26 =	sadd.s32 $0x40, s8;
	s28 =	simm.s32 $0xA4E0  }
0x5d1: {  	[hbm4b:s26+s3] =	stream.linear.scatter [tilespmem:s28], [sflag:$0x4], $0x80, $0x38;
	[tilespmem:$0xB800] =	vst v63  }
0x5d2: {  	s14 =	sadd.s32 $0x50, s8;
	s23 =	simm.s32 $0xA568  }
0x5d3: {  	[hbm4b:s14+s3] =	stream.linear.scatter [tilespmem:s23], [sflag:$0x4], $0x80, $0x38;
	[tilespmem:$0xB800] =	vst v63  }
0x5d4: {  	s24 =	sadd.s32 $0x60, s8;
	s25 =	simm.s32 $0xA5F0  }
0x5d5: {  	[hbm4b:s24+s3] =	stream.linear.scatter [tilespmem:s25], [sflag:$0x4], $0x80, $0x38;
	[tilespmem:$0xB800] =	vst v63  }
0x5d6: {  	s26 =	sadd.s32 $0x70, s8;
	s28 =	simm.s32 $0xA678;
	s8 =	sld [smem:$0x7F9]  }
0x5d7: {  	[hbm4b:s26+s3] =	stream.linear.scatter [tilespmem:s28], [sflag:$0x4], $0x80, $0x38;
	[tilespmem:$0xB800] =	vst v63  }
0x5d8: {  	_ = 	snop  }
0x5d9: {  	[hbm4b:s8+s3] =	stream.linear.scatter [tilespmem:s21], [sflag:$0x4], $0x80, $0x38;
	[tilespmem:$0xB800] =	vst v63  }
0x5da: {  	s23 =	simm.s32 $0xA788;
	s14 =	sadd.s32 $0x10, s8  }
0x5db: {  	[hbm4b:s14+s3] =	stream.linear.scatter [tilespmem:s23], [sflag:$0x4], $0x80, $0x38;
	[tilespmem:$0xB800] =	vst v63  }
0x5dc: {  	s24 =	sadd.s32 $0x20, s8;
	s25 =	simm.s32 $0xA810  }
0x5dd: {  	[hbm4b:s24+s3] =	stream.linear.scatter [tilespmem:s25], [sflag:$0x4], $0x80, $0x38;
	[tilespmem:$0xB800] =	vst v63  }
0x5de: {  	s26 =	sadd.s32 $0x30, s8;
	s28 =	simm.s32 $0xA898  }
0x5df: {  	[hbm4b:s26+s3] =	stream.linear.scatter [tilespmem:s28], [sflag:$0x4], $0x80, $0x38;
	[tilespmem:$0xB800] =	vst v63  }
0x5e0: {  	s14 =	sadd.s32 $0x40, s8;
	s23 =	simm.s32 $0xA920  }
0x5e1: {  	[hbm4b:s14+s3] =	stream.linear.scatter [tilespmem:s23], [sflag:$0x4], $0x80, $0x38;
	[tilespmem:$0xB800] =	vst v63  }
0x5e2: {  	s24 =	sadd.s32 $0x50, s8;
	s25 =	simm.s32 $0xA9A8  }
0x5e3: {  	[hbm4b:s24+s3] =	stream.linear.scatter [tilespmem:s25], [sflag:$0x4], $0x80, $0x38;
	[tilespmem:$0xB800] =	vst v63  }
0x5e4: {  	s26 =	sadd.s32 $0x60, s8;
	s28 =	simm.s32 $0xAA30  }
0x5e5: {  	[hbm4b:s26+s3] =	stream.linear.scatter [tilespmem:s28], [sflag:$0x4], $0x80, $0x38;
	[tilespmem:$0xB800] =	vst v63  }
0x5e6: {  	s23 =	sadd.s32 $0x70, s8;
	s8 =	sld [smem:$0x7FA];
	s24 =	simm.s32 $0xAAB8  }
0x5e7: {  	[hbm4b:s23+s3] =	stream.linear.scatter [tilespmem:s24], [sflag:$0x4], $0x80, $0x38;
	[tilespmem:$0xB800] =	vst v63  }
0x5e8: {  	s25 =	simm.s32 $0xAB40  }
0x5e9: {  	[hbm4b:s8+s3] =	stream.linear.scatter [tilespmem:s25], [sflag:$0x4], $0x80, $0x38;
	[tilespmem:$0xB800] =	vst v63  }
0x5ea: {  	s26 =	sadd.s32 $0x10, s8;
	s28 =	simm.s32 $0xABC8  }
0x5eb: {  	[hbm4b:s26+s3] =	stream.linear.scatter [tilespmem:s28], [sflag:$0x4], $0x80, $0x38;
	[tilespmem:$0xB800] =	vst v63  }
0x5ec: {  	s14 =	sadd.s32 $0x20, s8;
	s23 =	simm.s32 $0xAC50  }
0x5ed: {  	[hbm4b:s14+s3] =	stream.linear.scatter [tilespmem:s23], [sflag:$0x4], $0x80, $0x38;
	[tilespmem:$0xB800] =	vst v63  }
0x5ee: {  	s24 =	sadd.s32 $0x30, s8;
	s25 =	simm.s32 $0xACD8  }
0x5ef: {  	[hbm4b:s24+s3] =	stream.linear.scatter [tilespmem:s25], [sflag:$0x4], $0x80, $0x38;
	[tilespmem:$0xB800] =	vst v63  }
0x5f0: {  	s26 =	sadd.s32 $0x40, s8;
	s28 =	simm.s32 $0xAD60  }
0x5f1: {  	[hbm4b:s26+s3] =	stream.linear.scatter [tilespmem:s28], [sflag:$0x4], $0x80, $0x38;
	[tilespmem:$0xB800] =	vst v63  }
0x5f2: {  	s14 =	sadd.s32 $0x50, s8;
	s23 =	simm.s32 $0xADE8  }
0x5f3: {  	[hbm4b:s14+s3] =	stream.linear.scatter [tilespmem:s23], [sflag:$0x4], $0x80, $0x38;
	[tilespmem:$0xB800] =	vst v63  }
0x5f4: {  	s24 =	sadd.s32 $0x60, s8;
	s25 =	simm.s32 $0xAE70  }
0x5f5: {  	[hbm4b:s24+s3] =	stream.linear.scatter [tilespmem:s25], [sflag:$0x4], $0x80, $0x38;
	[tilespmem:$0xB800] =	vst v63  }
0x5f6: {  	s26 =	sadd.s32 $0x70, s8;
	s28 =	simm.s32 $0xAEF8;
	s8 =	sld [smem:$0x7FB]  }
0x5f7: {  	[hbm4b:s26+s3] =	stream.linear.scatter [tilespmem:s28], [sflag:$0x4], $0x80, $0x38;
	[tilespmem:$0xB800] =	vst v63  }
0x5f8: {  	_ = 	snop  }
0x5f9: {  	[hbm4b:s8+s3] =	stream.linear.scatter [tilespmem:s22], [sflag:$0x4], $0x80, $0x38;
	[tilespmem:$0xB800] =	vst v63  }
0x5fa: {  	s23 =	simm.s32 $0xB008;
	s14 =	sadd.s32 $0x10, s8  }
0x5fb: {  	[hbm4b:s14+s3] =	stream.linear.scatter [tilespmem:s23], [sflag:$0x4], $0x80, $0x38;
	[tilespmem:$0xB800] =	vst v63  }
0x5fc: {  	s24 =	sadd.s32 $0x20, s8;
	s25 =	simm.s32 $0xB090  }
0x5fd: {  	[hbm4b:s24+s3] =	stream.linear.scatter [tilespmem:s25], [sflag:$0x4], $0x80, $0x38;
	[tilespmem:$0xB800] =	vst v63  }
0x5fe: {  	s26 =	sadd.s32 $0x30, s8;
	s28 =	simm.s32 $0xB118  }
0x5ff: {  	[hbm4b:s26+s3] =	stream.linear.scatter [tilespmem:s28], [sflag:$0x4], $0x80, $0x38;
	[tilespmem:$0xB800] =	vst v63  }
0x600: {  	s14 =	sadd.s32 $0x40, s8;
	s23 =	simm.s32 $0xB1A0  }
0x601: {  	[hbm4b:s14+s3] =	stream.linear.scatter [tilespmem:s23], [sflag:$0x4], $0x80, $0x38;
	[tilespmem:$0xB800] =	vst v63  }
0x602: {  	s24 =	sadd.s32 $0x50, s8;
	s25 =	simm.s32 $0xB228  }
0x603: {  	[hbm4b:s24+s3] =	stream.linear.scatter [tilespmem:s25], [sflag:$0x4], $0x80, $0x38;
	[tilespmem:$0xB800] =	vst v63  }
0x604: {  	s26 =	sadd.s32 $0x60, s8;
	s28 =	simm.s32 $0xB2B0  }
0x605: {  	[hbm4b:s26+s3] =	stream.linear.scatter [tilespmem:s28], [sflag:$0x4], $0x80, $0x38;
	[tilespmem:$0xB800] =	vst v63  }
0x606: {  	s8 =	sadd.s32 $0x70, s8;
	s14 =	simm.s32 $0xB338  }
0x607: {  	[hbm4b:s8+s3] =	stream.linear.scatter [tilespmem:s14], [sflag:$0x4], $0x80, $0x38;
	[tilespmem:$0xB800] =	vst v63  }
0x608: {  	s8 =	sld [smem:$0x7FC];
	_ =	sdelay $0x1  }
0x609: {  	s23 =	simm.s32 $0xB3C0  }
0x60a: {  	[hbm4b:s8+s3] =	stream.linear.scatter [tilespmem:s23], [sflag:$0x4], $0x80, $0x38;
	[tilespmem:$0xB800] =	vst v63  }
0x60b: {  	s25 =	simm.s32 $0xB448;
	s24 =	sadd.s32 $0x10, s8  }
0x60c: {  	[hbm4b:s24+s3] =	stream.linear.scatter [tilespmem:s25], [sflag:$0x4], $0x80, $0x38;
	[tilespmem:$0xB800] =	vst v63  }
0x60d: {  	s28 =	simm.s32 $0xB4D0;
	s26 =	sadd.s32 $0x20, s8  }
0x60e: {  	[hbm4b:s26+s3] =	stream.linear.scatter [tilespmem:s28], [sflag:$0x4], $0x80, $0x38;
	[tilespmem:$0xB800] =	vst v63  }
0x60f: {  	s14 =	sadd.s32 $0x30, s8;
	s23 =	simm.s32 $0xB558  }
0x610: {  	[hbm4b:s14+s3] =	stream.linear.scatter [tilespmem:s23], [sflag:$0x4], $0x80, $0x38;
	[tilespmem:$0xB800] =	vst v63  }
0x611: {  	s24 =	sadd.s32 $0x40, s8;
	s25 =	simm.s32 $0xB5E0  }
0x612: {  	[hbm4b:s24+s3] =	stream.linear.scatter [tilespmem:s25], [sflag:$0x4], $0x80, $0x38;
	[tilespmem:$0xB800] =	vst v63  }
0x613: {  	s26 =	sadd.s32 $0x50, s8;
	s28 =	simm.s32 $0xB668  }
0x614: {  	[hbm4b:s26+s3] =	stream.linear.scatter [tilespmem:s28], [sflag:$0x4], $0x80, $0x38;
	[tilespmem:$0xB800] =	vst v63  }
0x615: {  	s14 =	sadd.s32 $0x60, s8;
	s23 =	simm.s32 $0xB6F0  }
0x616: {  	[hbm4b:s14+s3] =	stream.linear.scatter [tilespmem:s23], [sflag:$0x4], $0x80, $0x38;
	[tilespmem:$0xB800] =	vst v63  }
0x617: {  	s24 =	sadd.s32 $0x70, s8;
	s25 =	simm.s32 $0xB778  }
0x618: {  	[hbm4b:s24+s3] =	stream.linear.scatter [tilespmem:s25], [sflag:$0x4], $0x80, $0x38;
	[tilespmem:$0xB800] =	vst v63  }
0x619: {  	_ =	swait.ge [sflag:s9], $0x400  }
0x61a: {  	[sflag:s9] =	ssyncset.done $0x0  }
0x61b: {  	[sflag:s9] =	ssyncadd.s32 $0xFFFFFC00  }
0x61c: {  	_ =	swait.ge [sflag:s9], $0x400  }
0x61d: {  	[sflag:s9] =	ssyncset.done $0x0  }
0x61e: {  	[sflag:s9] =	ssyncadd.s32 $0xFFFFFC00  }
0x61f: {  	_ =	swait.ge [sflag:s9], $0x400  }
0x620: {  	[sflag:s9] =	ssyncset.done $0x0  }
0x621: {  	[sflag:s9] =	ssyncadd.s32 $0xFFFFFC00  }
0x622: {  	_ =	swait.ge [sflag:s9], $0x400  }
0x623: {  	[sflag:s9] =	ssyncset.done $0x0  }
0x624: {  	[sflag:s9] =	ssyncadd.s32 $0xFFFFFC00  }
0x625: {  	_ =	swait.ge [sflag:s9], $0x400  }
0x626: {  	[sflag:s9] =	ssyncset.done $0x0  }
0x627: {  	[sflag:s9] =	ssyncadd.s32 $0xFFFFFC00  }
0x628: {  	_ =	swait.ge [sflag:s9], $0x400  }
0x629: {  	[sflag:s9] =	ssyncset.done $0x0  }
0x62a: {  	[sflag:s9] =	ssyncadd.s32 $0xFFFFFC00  }
0x62b: {  	_ =	swait.ge [sflag:s9], $0x400  }
0x62c: {  	[sflag:s9] =	ssyncset.done $0x0  }
0x62d: {  	[sflag:s9] =	ssyncadd.s32 $0xFFFFFC00  }
0x62e: {  	_ =	swait.ge [sflag:s9], $0x400  }
0x62f: {  	[sflag:s9] =	ssyncset.done $0x0  }
0x630: {  	[sflag:s9] =	ssyncadd.s32 $0xFFFFFC00  }
0x631: {  	_ =	swait.ge [sflag:s13], $0x400  }
0x632: {  	[sflag:s13] =	ssyncset.done $0x0  }
0x633: {  	[sflag:s13] =	ssyncadd.s32 $0xFFFFFC00  }
0x634: {  	_ =	swait.ge [sflag:s13], $0x400  }
0x635: {  	[sflag:s13] =	ssyncset.done $0x0  }
0x636: {  	[sflag:s13] =	ssyncadd.s32 $0xFFFFFC00  }
0x637: {  	_ =	swait.ge [sflag:s13], $0x400  }
0x638: {  	[sflag:s13] =	ssyncset.done $0x0  }
0x639: {  	[sflag:s13] =	ssyncadd.s32 $0xFFFFFC00  }
0x63a: {  	_ =	swait.ge [sflag:s13], $0x400  }
0x63b: {  	[sflag:s13] =	ssyncset.done $0x0  }
0x63c: {  	[sflag:s13] =	ssyncadd.s32 $0xFFFFFC00  }
0x63d: {  	_ =	swait.ge [sflag:s13], $0x400  }
0x63e: {  	[sflag:s13] =	ssyncset.done $0x0  }
0x63f: {  	[sflag:s13] =	ssyncadd.s32 $0xFFFFFC00  }
0x640: {  	_ =	swait.ge [sflag:s13], $0x400  }
0x641: {  	[sflag:s13] =	ssyncset.done $0x0  }
0x642: {  	[sflag:s13] =	ssyncadd.s32 $0xFFFFFC00  }
0x643: {  	_ =	swait.ge [sflag:s13], $0x400  }
0x644: {  	[sflag:s13] =	ssyncset.done $0x0  }
0x645: {  	[sflag:s13] =	ssyncadd.s32 $0xFFFFFC00  }
0x646: {  	_ =	swait.ge [sflag:s13], $0x400  }
0x647: {  	s26 =	sld [smem:$0x7F8]  }
0x648: {  	s28 =	sld [smem:$0x7FD];
	_ =	sdelay $0x1  }
0x649: {  	s8 =	sadd.s32 $0x1, s26  }
0x64a: {  	p0 =	sne.s32 s8, s28  }
.Ltmp7:
0x64b: {  	_ = 	snop;
	(pc) =	sbr.rel @p0 .LBB2_1-.Ltmp7, $3  }
0x64c: {  	_ =	sdelay $0x1  }
0x64d: {  	[sflag:s13] =	ssyncset.done $0x0  }
0x64e: {  	[sflag:s13] =	ssyncadd.s32 $0xFFFFFC00  }
0x64f: {  	_ =	sfence.sel $0x180000  }
0x650: {  	[bflag:$0x0] =	sbarrier.arrive $0xFFFF  }
0x651: {  	_ =	strace $0x90000047  }
0x652: {  	s0 =	stileid.u32;
	[bflag:$0x2] =	sbarrier.arrive $0xFFFF  }
0x653: {  	p0 =	sne.s32 s0, $0x0;
	s0 =	rddreg [dreg:$0x2]  }
0x654: {  	s0 =	sadd.s32 @!p0 $0x100000, s0  }
0x655: {  	[sflag:s0] =	ssyncadd.tile.s32 @!p0 $0x1;
	_ =	shalt  }
.Lfunc_end2:
_tile_overlayer_lowered:
.L_overlay_start_2:
0x656: {  	(tag) =	ssettag $0x2  }
0x657: {  	s0 =	rddreg [dreg:$0x0];
	s2 =	stileid.u32  }
0x658: {  	s1 =	rddreg [dreg:$0x1];
	p0 =	sne.s32 s2, $0x0  }
0x659: {  	s3 =	rddreg [dreg:$0x2];
	[bflag:$0x3] =	sbarrier.arrive $0xFFFF;
	s2 =	simm.s32 @!p0 $0x1C05  }
0x65a: {  	[timem:s3], [sflag:s2] =	dma.local @!p0 [hbm:s0], s1  }
0x65b: {  	s0 =	simm.s32 @!p0 $0x5  }
0x65c: {  	_ =	swait.ge @!p0 [sflag:s0], s1  }
0x65d: {  	s1 =	ssub.s32 @!p0 $0x0, s1;
	[sflag:s0] =	ssyncset.done @!p0 $0x0  }
0x65e: {  	[sflag:s0] =	ssyncadd.s32 @!p0 s1  }
0x65f: {  	[bflag:$0x3] =	sbarrier.arrive $0xFFFF  }
0x660: {  	_ =	shalt  }

</sc_bundles>
